<compile_context>
chip_gen: v7x
topology: tpu7x:2x2x1
jax: 0.10.2.dev20260603
libtpu: 0.0.44.dev20260713+nightly
codegen_flags: <defaults>
</compile_context>

<pallas_src>
import functools

import jax
import jax.numpy as jnp
import numpy as np
from jax import lax
from jax.experimental import pallas as pl
from jax.experimental.pallas import tpu as pltpu
from jax.experimental.pallas import tpu_sc as plsc

N = 10000
E = 320000
D = 128
DE = 16
H = 16
C = 8

NC = 2
NS = 16
NW = NC * NS
EPW = E // NW
B = 32
CHUNKS = EPW // B
TB = EPW - CHUNKS * B
RPT = N // NS
AW = D + H

_INV_SQRT_C = 1.0 / float(np.sqrt(C))


def _leaky(v):
    return jnp.maximum(v, 0.01 * v)


_GD = lax.GatherDimensionNumbers(offset_dims=(), collapsed_slice_dims=(0,),
                                 start_index_map=(0,))


def _vtake(x, idx):
    return lax.gather(x, idx[:, None], _GD, (1,),
                      mode=lax.GatherScatterMode.PROMISE_IN_BOUNDS)


def _tc_nodes_pre(x, Wq, bq, Wk, bk, Wv, bv, Wskip, bskip):
    NB = 2000

    def body(x_ref, wq, bq_, wk, bk_, wv, bv_, ws, bs_, q_ref, k_ref, v_ref, s_ref):
        xb = x_ref[...]
        q_ref[...] = jnp.dot(xb, wq[...], preferred_element_type=jnp.float32) + bq_[...]
        k_ref[...] = jnp.dot(xb, wk[...], preferred_element_type=jnp.float32) + bk_[...]
        v_ref[...] = jnp.dot(xb, wv[...], preferred_element_type=jnp.float32) + bv_[...]
        s_ref[...] = jnp.dot(xb, ws[...], preferred_element_type=jnp.float32) + bs_[...]

    wspec = pl.BlockSpec((D, D), lambda i: (0, 0))
    bspec = pl.BlockSpec((D,), lambda i: (0,))
    nspec = pl.BlockSpec((NB, D), lambda i: (i, 0))
    return pl.pallas_call(
        body,
        grid=(N // NB,),
        in_specs=[
            nspec,
            wspec, bspec, wspec, bspec, wspec, bspec, wspec, bspec,
        ],
        out_specs=[nspec, nspec, nspec, nspec],
        out_shape=[
            jax.ShapeDtypeStruct((N, D), jnp.float32),
            jax.ShapeDtypeStruct((N, D), jnp.float32),
            jax.ShapeDtypeStruct((N, D), jnp.float32),
            jax.ShapeDtypeStruct((N, D), jnp.float32),
        ],
    )(x, Wq, bq, Wk, bk, Wv, bv, Wskip, bskip)


def _tc_edges_pre(edge_attr, We, W1c, b1):
    EB = 4000

    def body(ea_ref, we, w1c, b1_, eaw_ref, ec_ref):
        eb = ea_ref[...]
        eaw_ref[...] = jnp.dot(eb, we[...], preferred_element_type=jnp.float32)
        ec_ref[...] = jnp.dot(eb, w1c[...], preferred_element_type=jnp.float32) + b1_[...]

    return pl.pallas_call(
        body,
        grid=(E // EB,),
        in_specs=[
            pl.BlockSpec((EB, DE), lambda i: (i, 0)),
            pl.BlockSpec((DE, D), lambda i: (0, 0)),
            pl.BlockSpec((DE, DE), lambda i: (0, 0)),
            pl.BlockSpec((DE,), lambda i: (0,)),
        ],
        out_specs=[
            pl.BlockSpec((EB, D), lambda i: (i, 0)),
            pl.BlockSpec((EB, DE), lambda i: (i, 0)),
        ],
        out_shape=[
            jax.ShapeDtypeStruct((E, D), jnp.float32),
            jax.ShapeDtypeStruct((E, DE), jnp.float32),
        ],
    )(edge_attr, We, W1c, b1)


def _sc_attention(ei, q, k, v, ea):
    mesh = plsc.VectorSubcoreMesh(core_axis_name="c", subcore_axis_name="s")

    @functools.partial(
        pl.kernel,
        out_type=[
            jax.ShapeDtypeStruct((NC, N, D), jnp.float32),
            jax.ShapeDtypeStruct((NC, N, H), jnp.float32),
        ],
        mesh=mesh,
        compiler_params=pltpu.CompilerParams(
            use_tc_tiling_on_sc=False, needs_layout_passes=False),
        scratch_types=[
            pltpu.VMEM_SHARED((N, D), jnp.float32),
            pltpu.VMEM_SHARED((N, H), jnp.float32),
            pltpu.VMEM((2, B), jnp.int32),
            pltpu.VMEM((2, B), jnp.int32),
            pltpu.VMEM((B,), jnp.int32),
            pltpu.VMEM((B,), jnp.int32),
            pltpu.VMEM((B, D), jnp.float32),
            pltpu.VMEM((B, D), jnp.float32),
            pltpu.VMEM((B, D), jnp.float32),
            pltpu.VMEM((B, D), jnp.float32),
            pltpu.VMEM((B, D), jnp.float32),
            pltpu.VMEM((B, D), jnp.float32),
            pltpu.VMEM((B, H), jnp.float32),
            pltpu.VMEM((B, H), jnp.float32),
            pltpu.VMEM((B, D), jnp.float32),
            pltpu.SemaphoreType.DMA,
            pltpu.SemaphoreType.DMA,
            pltpu.SemaphoreType.DMA,
            pltpu.SemaphoreType.DMA,
            pltpu.SemaphoreType.DMA,
            pltpu.SemaphoreType.DMA,
        ],
    )
    def sc1(ei_hbm, q_hbm, k_hbm, v_hbm, ea_hbm, outn_hbm, outd_hbm,
            accN, accD, eib0, eib1, didx0, didx1,
            q0, q1, k0, k1, v0, v1, ax0, ax1, earows,
            sem_q, sem_k, sem_v, sem_ea, sem_sc0, sem_sc1):
        c = lax.axis_index("c")
        s = lax.axis_index("s")
        wid = s * NC + c

        zero16 = jnp.zeros((16,), jnp.float32)

        def zb(i, carry):
            for j in range(D // 16):
                k0[i, pl.ds(16 * j, 16)] = zero16
            ax0[i, pl.ds(0, 16)] = zero16
            return carry

        lax.fori_loop(0, B, zb, 0)
        nfull = RPT // B
        for kblk in range(nfull):
            r0 = s * RPT + kblk * B
            pltpu.sync_copy(k0, accN.at[pl.ds(r0, B)])
            pltpu.sync_copy(ax0, accD.at[pl.ds(r0, B)])
        rem = RPT - nfull * B
        if rem:
            r0 = s * RPT + nfull * B
            pltpu.sync_copy(k0.at[pl.ds(0, rem)], accN.at[pl.ds(r0, rem)])
            pltpu.sync_copy(ax0.at[pl.ds(0, rem)], accD.at[pl.ds(r0, rem)])
        plsc.subcore_barrier()

        iota = lax.iota(jnp.int32, 16)
        sumidx = [iota * 8 + cc for cc in range(8)]
        bsel = jnp.where(iota >= 8, 1, 0).astype(jnp.int32)

        slots = [(eib0, didx0, q0, k0, v0, ax0, sem_sc0),
                 (eib1, didx1, q1, k1, v1, ax1, sem_sc1)]

        def base_of(ch):
            return wid * EPW + ch * B

        def issue_g(eib_x, q_slot, k_slot, v_slot):
            pltpu.async_copy(q_hbm.at[eib_x.at[1]], q_slot, sem_q)
            pltpu.async_copy(k_hbm.at[eib_x.at[0]], k_slot, sem_k)
            pltpu.async_copy(v_hbm.at[eib_x.at[0]], v_slot, sem_v)

        def wait_g(eib_x, q_slot, k_slot, v_slot):
            pltpu.make_async_copy(q_hbm.at[eib_x.at[1]], q_slot, sem_q).wait()
            pltpu.make_async_copy(k_hbm.at[eib_x.at[0]], k_slot, sem_k).wait()
            pltpu.make_async_copy(v_hbm.at[eib_x.at[0]], v_slot, sem_v).wait()

        def issue_ea(base):
            pltpu.async_copy(ea_hbm.at[pl.ds(base, B)], earows, sem_ea)

        def wait_ea(base):
            pltpu.make_async_copy(ea_hbm.at[pl.ds(base, B)], earows, sem_ea).wait()

        def issue_sc(k_slot, ax_slot, didx_x, sem):
            pltpu.async_copy(k_slot, accN.at[didx_x], sem, add=True)
            pltpu.async_copy(ax_slot, accD.at[didx_x], sem, add=True)

        def drain_sc(k_slot, ax_slot, didx_x, sem):
            pltpu.make_async_copy(k_slot, accN.at[didx_x], sem).wait()
            pltpu.make_async_copy(ax_slot, accD.at[didx_x], sem).wait()

        def compute_chunk(qr, kr, vr, axr):
            @plsc.parallel_loop(0, B, unroll=4)
            def edge(e):
                erow = jnp.full((16,), e, dtype=jnp.int32)
                eav = []
                vv = []
                for j in range(8):
                    ea_j = earows[e, pl.ds(16 * j, 16)]
                    eav.append(ea_j)
                    vv.append(vr[e, pl.ds(16 * j, 16)])
                    kj = kr[e, pl.ds(16 * j, 16)] + ea_j
                    kr[e, pl.ds(16 * j, 16)] = qr[e, pl.ds(16 * j, 16)] * kj
                al = plsc.load_gather(kr, [erow, sumidx[0]])
                for cc in range(1, 8):
                    al = al + plsc.load_gather(kr, [erow, sumidx[cc]])
                aexp = jnp.exp(al * _INV_SQRT_C)
                axr[e, pl.ds(0, 16)] = aexp
                for j in range(8):
                    bc = _vtake(aexp, bsel + 2 * j)
                    kr[e, pl.ds(16 * j, 16)] = (vv[j] + eav[j]) * bc

        def body(ch, b, first, last):
            eib_b, didx_b, qb, kb, vb, axb, scb = slots[b]
            eib_n, didx_n, qn, kn, vn, axn, scn = slots[1 - b]
            wait_ea(base_of(ch))
            wait_g(eib_b, qb, kb, vb)
            compute_chunk(qb, kb, vb, axb)
            issue_sc(kb, axb, didx_b, scb)
            if not first:
                drain_sc(kn, axn, didx_n, scn)
            if not last:
                nb = base_of(ch + 1)
                pltpu.sync_copy(ei_hbm.at[:, pl.ds(nb, B)], eib_n)
                pltpu.sync_copy(ei_hbm.at[1, pl.ds(nb, B)], didx_n)
                issue_g(eib_n, qn, kn, vn)
                issue_ea(nb)

        base0 = base_of(0)
        pltpu.sync_copy(ei_hbm.at[:, pl.ds(base0, B)], eib0)
        pltpu.sync_copy(ei_hbm.at[1, pl.ds(base0, B)], didx0)
        issue_g(eib0, q0, k0, v0)
        issue_ea(base0)
        body(0, 0, first=True, last=False)

        def pair(p, carry):
            ch = 1 + 2 * p
            body(ch, 1, first=False, last=False)
            body(ch + 1, 0, first=False, last=False)
            return carry

        lax.fori_loop(0, (CHUNKS - 2) // 2, pair, 0)
        body(CHUNKS - 1, 1, first=False, last=True)
        drain_sc(k1, ax1, didx1, sem_sc1)

        base_t = wid * EPW + EPW - B
        pltpu.sync_copy(ei_hbm.at[:, pl.ds(base_t, B)], eib0)
        pltpu.sync_copy(ei_hbm.at[1, pl.ds(base_t, B)], didx0)
        issue_g(eib0, q0, k0, v0)
        issue_ea(base_t)
        wait_ea(base_t)
        wait_g(eib0, q0, k0, v0)
        compute_chunk(q0, k0, v0, ax0)
        zero16f = jnp.zeros((16,), jnp.float32)

        def ztail(e, carry):
            for j in range(D // 16):
                k0[e, pl.ds(16 * j, 16)] = zero16f
            ax0[e, pl.ds(0, 16)] = zero16f
            return carry

        lax.fori_loop(0, B - TB, ztail, 0)
        pltpu.sync_copy(k0, accN.at[didx0], add=True)
        pltpu.sync_copy(ax0, accD.at[didx0], add=True)
        plsc.subcore_barrier()
        pltpu.sync_copy(accN.at[pl.ds(s * RPT, RPT)],
                        outn_hbm.at[c, pl.ds(s * RPT, RPT)])
        pltpu.sync_copy(accD.at[pl.ds(s * RPT, RPT)],
                        outd_hbm.at[c, pl.ds(s * RPT, RPT)])

    return sc1(ei, q, k, v, ea)


def _tc_nodes_post(accn, accd, skip, W1a, W1b, K):
    NB = 2000

    def body(an_ref, ad_ref, s_ref, w1a, w1b, k_ref, xn_ref, a_ref, b_ref):
        an = an_ref[...]
        ad = ad_ref[...]
        num = an[0] + an[1]
        den = ad[0] + ad[1]
        inv = 1.0 / (den + 1e-16)
        ratio = num * jnp.dot(inv, k_ref[...], preferred_element_type=jnp.float32)
        out = ratio + s_ref[...]
        xn = _leaky(out)
        xn_ref[...] = xn
        a_ref[...] = jnp.dot(xn, w1a[...], preferred_element_type=jnp.float32)
        b_ref[...] = jnp.dot(xn, w1b[...], preferred_element_type=jnp.float32)

    return pl.pallas_call(
        body,
        grid=(N // NB,),
        in_specs=[
            pl.BlockSpec((NC, NB, D), lambda i: (0, i, 0)),
            pl.BlockSpec((NC, NB, H), lambda i: (0, i, 0)),
            pl.BlockSpec((NB, D), lambda i: (i, 0)),
            pl.BlockSpec((D, DE), lambda i: (0, 0)),
            pl.BlockSpec((D, DE), lambda i: (0, 0)),
            pl.BlockSpec((H, D), lambda i: (0, 0)),
        ],
        out_specs=[
            pl.BlockSpec((NB, D), lambda i: (i, 0)),
            pl.BlockSpec((NB, DE), lambda i: (i, 0)),
            pl.BlockSpec((NB, DE), lambda i: (i, 0)),
        ],
        out_shape=[
            jax.ShapeDtypeStruct((N, D), jnp.float32),
            jax.ShapeDtypeStruct((N, DE), jnp.float32),
            jax.ShapeDtypeStruct((N, DE), jnp.float32),
        ],
    )(accn, accd, skip, W1a, W1b, K)


B2 = 80
CHUNKS2 = EPW // B2


def _sc_edge_mlp(src, dst, Ap, Bp, ec):
    mesh = plsc.VectorSubcoreMesh(core_axis_name="c", subcore_axis_name="s")

    @functools.partial(
        pl.kernel,
        out_type=jax.ShapeDtypeStruct((E, DE), jnp.float32),
        mesh=mesh,
        compiler_params=pltpu.CompilerParams(
            use_tc_tiling_on_sc=False, needs_layout_passes=False),
        scratch_types=[
            pltpu.VMEM((B2,), jnp.int32),
            pltpu.VMEM((B2,), jnp.int32),
            pltpu.VMEM((B2, DE), jnp.float32),
            pltpu.VMEM((B2, DE), jnp.float32),
            pltpu.VMEM((B2, DE), jnp.float32),
            pltpu.VMEM((B2, DE), jnp.float32),
            pltpu.SemaphoreType.DMA,
            pltpu.SemaphoreType.DMA,
        ],
    )
    def sc2(src_hbm, dst_hbm, a_hbm, b_hbm, ec_hbm, hl_hbm,
            sidx, didx, arows, brows, ecrows, hlrows, sem_a, sem_b):
        c = lax.axis_index("c")
        s = lax.axis_index("s")
        wid = s * NC + c

        def chunk(ch, carry):
            base = wid * EPW + ch * B2
            pltpu.sync_copy(src_hbm.at[pl.ds(base, B2)], sidx)
            pltpu.sync_copy(dst_hbm.at[pl.ds(base, B2)], didx)
            cp_a = pltpu.async_copy(a_hbm.at[sidx], arows, sem_a)
            cp_b = pltpu.async_copy(b_hbm.at[didx], brows, sem_b)
            pltpu.sync_copy(ec_hbm.at[pl.ds(base, B2)], ecrows)
            cp_a.wait()
            cp_b.wait()

            @plsc.parallel_loop(0, B2, unroll=8)
            def edge(e):
                h = (arows[e, pl.ds(0, 16)] + brows[e, pl.ds(0, 16)]
                     + ecrows[e, pl.ds(0, 16)])
                hlrows[e, pl.ds(0, 16)] = jnp.maximum(h, 0.01 * h)
            pltpu.sync_copy(hlrows, hl_hbm.at[pl.ds(base, B2)])
            return carry

        lax.fori_loop(0, CHUNKS2, chunk, 0)

    return sc2(src, dst, Ap, Bp, ec)


def _tc_edges_post(hl, edge_attr, W2, b2):
    EB = 4000

    def body(hl_ref, ea_ref, w2, b2_, out_ref):
        h2 = jnp.dot(hl_ref[...], w2[...], preferred_element_type=jnp.float32) + b2_[...]
        out_ref[...] = _leaky(ea_ref[...] + h2)

    return pl.pallas_call(
        body,
        grid=(E // EB,),
        in_specs=[
            pl.BlockSpec((EB, DE), lambda i: (i, 0)),
            pl.BlockSpec((EB, DE), lambda i: (i, 0)),
            pl.BlockSpec((DE, DE), lambda i: (0, 0)),
            pl.BlockSpec((DE,), lambda i: (0,)),
        ],
        out_specs=pl.BlockSpec((EB, DE), lambda i: (i, 0)),
        out_shape=jax.ShapeDtypeStruct((E, DE), jnp.float32),
    )(hl, edge_attr, W2, b2)


def kernel(x, edge_index, edge_attr, batch, Wq, bq, Wk, bk, Wv, bv, We,
           Wskip, bskip, W1, b1, W2, b2):
    ei = edge_index.astype(jnp.int32)
    src = ei[0]
    dst = ei[1]

    q, k, v, skip = _tc_nodes_pre(x, Wq, bq, Wk, bk, Wv, bv, Wskip, bskip)
    ea, ec = _tc_edges_pre(edge_attr, We, W1[2 * D:], b1)
    accn, accd = _sc_attention(ei, q, k, v, ea)

    K = jnp.asarray(np.kron(np.eye(H), np.ones((1, C))), dtype=jnp.float32)
    x_new, Ap, Bp = _tc_nodes_post(accn, accd, skip, W1[:D], W1[D:2 * D], K)

    hl = _sc_edge_mlp(src, dst, Ap, Bp, ec)
    edge_new = _tc_edges_post(hl, edge_attr, W2, b2)
    return (x_new, edge_new)

# --- scband reference (transcript-rebuilt; emitter-appended) ---
"""Pipeline reference for scband-gcnblock-73667279061347 (READ-ONLY COPY).

The authoritative reference and input builder live on the scoring server;
editing this copy changes nothing except your own understanding.
"""

import jax, jax.numpy as jnp
import numpy as np

N = 10000
E = 320000
D = 128   # node_hidden_size
DE = 16   # edge_hidden_size
H = D // 8   # 16 heads
C = D // H   # 8 per-head channels


def _p(key, i, shape, scale=0.05):
    return jax.random.normal(jax.random.fold_in(key, i), shape, dtype=jnp.float32) * scale


def setup_inputs(seed: int = 0) -> dict:
    key = jax.random.key(seed)
    x = jax.random.normal(jax.random.fold_in(key, 0), (N, D), dtype=jnp.float32)
    edge_index = jax.random.randint(jax.random.fold_in(key, 1), (2, E), 0, N, dtype=jnp.int64)
    edge_attr = jax.random.normal(jax.random.fold_in(key, 2), (E, DE), dtype=jnp.float32)
    batch = jnp.sort(jax.random.randint(jax.random.fold_in(key, 3), (N,), 0, 8, dtype=jnp.int64))
    # TransformerConv params (in=D, heads=H, out_channels=C, edge_dim=DE, concat=True, root_weight=True)
    params = dict(
        Wq=_p(key, 10, (D, H * C)), bq=jnp.zeros((H * C,), jnp.float32),
        Wk=_p(key, 11, (D, H * C)), bk=jnp.zeros((H * C,), jnp.float32),
        Wv=_p(key, 12, (D, H * C)), bv=jnp.zeros((H * C,), jnp.float32),
        We=_p(key, 13, (DE, H * C)),  # lin_edge, no bias
        Wskip=_p(key, 14, (D, H * C)), bskip=jnp.zeros((H * C,), jnp.float32),
        # EdgeResidualLayer MLP: Linear(2D+DE -> DE), LeakyReLU, Linear(DE -> DE)
        W1=_p(key, 15, (2 * D + DE, DE)), b1=jnp.zeros((DE,), jnp.float32),
        W2=_p(key, 16, (DE, DE)), b2=jnp.zeros((DE,), jnp.float32),
    )
    out = {"x": x, "edge_index": edge_index, "edge_attr": edge_attr, "batch": batch}
    out.update(params)
    return out


def _leaky(v, alpha=0.01):
    return jnp.where(v > 0, v, alpha * v)


def reference(x, edge_index, edge_attr, batch, Wq, bq, Wk, bk, Wv, bv, We, Wskip, bskip, W1, b1, W2, b2):
    n = x.shape[0]
    e = edge_attr.shape[0]
    src = edge_index[0]
    dst = edge_index[1]

    # ---- TransformerConv (node update) ----
    q = (x @ Wq + bq).reshape(n, H, C)
    k = (x @ Wk + bk).reshape(n, H, C)
    v = (x @ Wv + bv).reshape(n, H, C)
    ea = (edge_attr @ We).reshape(e, H, C)

    k_j = k[src] + ea                                  # [E, H, C]
    alpha = jnp.sum(q[dst] * k_j, axis=-1) / jnp.sqrt(float(C))  # [E, H]
    amax = jax.ops.segment_max(alpha, dst, num_segments=n)
    amax = jnp.where(jnp.isfinite(amax), amax, 0.0)
    amax = jax.lax.stop_gradient(amax)
    aexp = jnp.exp(alpha - amax[dst])
    denom = jax.ops.segment_sum(aexp, dst, num_segments=n)
    alpha = aexp / (denom[dst] + 1e-16)

    msg = (v[src] + ea) * alpha[..., None]             # [E, H, C]
    out = jax.ops.segment_sum(msg, dst, num_segments=n).reshape(n, H * C)
    out = out + (x @ Wskip + bskip)                    # root weight skip
    x_new = _leaky(out, 0.01)

    # ---- EdgeResidualLayer (edge update) ----
    cat = jnp.concatenate([x_new[src], x_new[dst], edge_attr], axis=-1)
    h = cat @ W1 + b1
    h = _leaky(h, 0.01)
    h = h @ W2 + b2
    edge_new = _leaky(edge_attr + h, 0.01)

    return (x_new, edge_new)

if __name__ == "__main__":
    import jax
    _d = setup_inputs()
    print(jax.jit(kernel)(*tuple(_d.values())))

</pallas_src>

<mosaic_0001>
#map = affine_map<(d0, d1) -> (0)>
#map1 = affine_map<(d0, d1) -> (0, 0)>
module attributes {stable_mosaic.version = 14 : i64} {
  func.func @sc2(%arg0: i32, %arg1: i32, %arg2: memref<320000xi32, #tpu.memory_space<hbm>>, %arg3: memref<320000xi32, #tpu.memory_space<hbm>>, %arg4: memref<10000x16xf32, #tpu.memory_space<hbm>>, %arg5: memref<10000x16xf32, #tpu.memory_space<hbm>>, %arg6: memref<320000x16xf32, #tpu.memory_space<hbm>>, %arg7: memref<320000x16xf32, #tpu.memory_space<hbm>>, %arg8: memref<80xi32, #tpu.memory_space<vmem>>, %arg9: memref<80xi32, #tpu.memory_space<vmem>>, %arg10: memref<80x16xf32, #tpu.memory_space<vmem>>, %arg11: memref<80x16xf32, #tpu.memory_space<vmem>>, %arg12: memref<80x16xf32, #tpu.memory_space<vmem>>, %arg13: memref<80x16xf32, #tpu.memory_space<vmem>>, %arg14: memref<!tpu.dma_semaphore, #tpu.memory_space<semaphore_mem>>, %arg15: memref<!tpu.dma_semaphore, #tpu.memory_space<semaphore_mem>>) attributes {dimension_semantics = [#tpu.dimension_semantics<core_parallel>, #tpu.dimension_semantics<subcore_parallel>], iteration_bounds = array<i64: 2, 16>, scalar_prefetch = 0 : i64, scratch_operands = 8 : i64, tpu.core_type = #tpu.core_type<sc_vector_subcore>, window_params = [{transform_indices = #map}, {transform_indices = #map}, {transform_indices = #map1}, {transform_indices = #map1}, {transform_indices = #map1}, {transform_indices = #map1}]} {
    %mul3A = arith.constant 2 : i32
    %mul3A_0 = arith.muli %arg1, %mul3A : i32
    %add3A = arith.addi %mul3A_0, %arg0 : i32
    %scan3A = arith.constant 0 : i32
    %scan3A_1 = arith.constant 0 : i32
    %scan3A_2 = arith.constant 125 : i32
    %scan3A_3 = arith.addi %scan3A_1, %scan3A_2 : i32
    %scan3A_4 = arith.constant 1 : i32
    scf.for %scan3A_6 = %scan3A_1 to %scan3A_3 step %scan3A_4  : i32 {
      %mul3A_7 = arith.constant 10000 : i32
      %mul3A_8 = arith.muli %add3A, %mul3A_7 : i32
      %mul3A_9 = arith.constant 80 : i32
      %mul3A_10 = arith.muli %scan3A_6, %mul3A_9 : i32
      %add3A_11 = arith.addi %mul3A_8, %mul3A_10 : i32
      "tpu.region"() ({
        %run_scoped3A = tpu.sem_alloc : memref<!tpu.dma_semaphore, #tpu.memory_space<semaphore_mem>>
        %dma_start3A_24 = tpu.memref_slice %arg2[%add3A_11] : memref<320000xi32, #tpu.memory_space<hbm>> -> memref<80xi32, #tpu.memory_space<hbm>>
        %dma_start3A_25 = tpu.memref_slice %arg2[%add3A_11] : memref<320000xi32, #tpu.memory_space<hbm>> -> memref<80xi32, #tpu.memory_space<hbm>>
        tpu.enqueue_dma source(%dma_start3A_25 : memref<80xi32, #tpu.memory_space<hbm>>) target(%arg8 : memref<80xi32, #tpu.memory_space<vmem>>) target_semaphore(%run_scoped3A : memref<!tpu.dma_semaphore, #tpu.memory_space<semaphore_mem>>)
        %dma_wait3A_26 = tpu.memref_slice %arg2[%add3A_11] : memref<320000xi32, #tpu.memory_space<hbm>> -> memref<80xi32, #tpu.memory_space<hbm>>
        %dma_wait3A_27 = tpu.memref_slice %arg2[%add3A_11] : memref<320000xi32, #tpu.memory_space<hbm>> -> memref<80xi32, #tpu.memory_space<hbm>>
        tpu.wait_dma2 semaphore(%run_scoped3A : memref<!tpu.dma_semaphore, #tpu.memory_space<semaphore_mem>>) src(%dma_wait3A_27 : memref<80xi32, #tpu.memory_space<hbm>>) dst(%arg8 : memref<80xi32, #tpu.memory_space<vmem>>)
        tpu.yield
      }) : () -> ()
      "tpu.region"() ({
        %run_scoped3A = tpu.sem_alloc : memref<!tpu.dma_semaphore, #tpu.memory_space<semaphore_mem>>
        %dma_start3A_24 = tpu.memref_slice %arg3[%add3A_11] : memref<320000xi32, #tpu.memory_space<hbm>> -> memref<80xi32, #tpu.memory_space<hbm>>
        %dma_start3A_25 = tpu.memref_slice %arg3[%add3A_11] : memref<320000xi32, #tpu.memory_space<hbm>> -> memref<80xi32, #tpu.memory_space<hbm>>
        tpu.enqueue_dma source(%dma_start3A_25 : memref<80xi32, #tpu.memory_space<hbm>>) target(%arg9 : memref<80xi32, #tpu.memory_space<vmem>>) target_semaphore(%run_scoped3A : memref<!tpu.dma_semaphore, #tpu.memory_space<semaphore_mem>>)
        %dma_wait3A_26 = tpu.memref_slice %arg3[%add3A_11] : memref<320000xi32, #tpu.memory_space<hbm>> -> memref<80xi32, #tpu.memory_space<hbm>>
        %dma_wait3A_27 = tpu.memref_slice %arg3[%add3A_11] : memref<320000xi32, #tpu.memory_space<hbm>> -> memref<80xi32, #tpu.memory_space<hbm>>
        tpu.wait_dma2 semaphore(%run_scoped3A : memref<!tpu.dma_semaphore, #tpu.memory_space<semaphore_mem>>) src(%dma_wait3A_27 : memref<80xi32, #tpu.memory_space<hbm>>) dst(%arg9 : memref<80xi32, #tpu.memory_space<vmem>>)
        tpu.yield
      }) : () -> ()
      %dma_start3A = arith.constant 0 : i32
      %dma_start3A_12 = arith.constant 0 : i32
      %dma_start3A_13 = tpu.memref_slice %arg4[%dma_start3A, %dma_start3A_12] : memref<10000x16xf32, #tpu.memory_space<hbm>> -> memref<10000x16xf32, #tpu.memory_space<hbm>>
      tpu.enqueue_indirect_dma source(%dma_start3A_13 : memref<10000x16xf32, #tpu.memory_space<hbm>>) target(%arg10 : memref<80x16xf32, #tpu.memory_space<vmem>>) offsets(%arg8 : memref<80xi32, #tpu.memory_space<vmem>>) semaphore(%arg14 : memref<!tpu.dma_semaphore, #tpu.memory_space<semaphore_mem>>)
      %dma_start3A_14 = arith.constant 0 : i32
      %dma_start3A_15 = arith.constant 0 : i32
      %dma_start3A_16 = tpu.memref_slice %arg5[%dma_start3A_14, %dma_start3A_15] : memref<10000x16xf32, #tpu.memory_space<hbm>> -> memref<10000x16xf32, #tpu.memory_space<hbm>>
      tpu.enqueue_indirect_dma source(%dma_start3A_16 : memref<10000x16xf32, #tpu.memory_space<hbm>>) target(%arg11 : memref<80x16xf32, #tpu.memory_space<vmem>>) offsets(%arg9 : memref<80xi32, #tpu.memory_space<vmem>>) semaphore(%arg15 : memref<!tpu.dma_semaphore, #tpu.memory_space<semaphore_mem>>)
      "tpu.region"() ({
        %run_scoped3A = tpu.sem_alloc : memref<!tpu.dma_semaphore, #tpu.memory_space<semaphore_mem>>
        %dma_start3A_24 = arith.constant 0 : i32
        %dma_start3A_25 = tpu.memref_slice %arg6[%add3A_11, %dma_start3A_24] : memref<320000x16xf32, #tpu.memory_space<hbm>> -> memref<80x16xf32, #tpu.memory_space<hbm>>
        %dma_start3A_26 = arith.constant 0 : i32
        %dma_start3A_27 = tpu.memref_slice %arg6[%add3A_11, %dma_start3A_26] : memref<320000x16xf32, #tpu.memory_space<hbm>> -> memref<80x16xf32, #tpu.memory_space<hbm>>
        tpu.enqueue_dma source(%dma_start3A_27 : memref<80x16xf32, #tpu.memory_space<hbm>>) target(%arg12 : memref<80x16xf32, #tpu.memory_space<vmem>>) target_semaphore(%run_scoped3A : memref<!tpu.dma_semaphore, #tpu.memory_space<semaphore_mem>>)
        %dma_wait3A_28 = arith.constant 0 : i32
        %dma_wait3A_29 = tpu.memref_slice %arg6[%add3A_11, %dma_wait3A_28] : memref<320000x16xf32, #tpu.memory_space<hbm>> -> memref<80x16xf32, #tpu.memory_space<hbm>>
        %dma_wait3A_30 = arith.constant 0 : i32
        %dma_wait3A_31 = tpu.memref_slice %arg6[%add3A_11, %dma_wait3A_30] : memref<320000x16xf32, #tpu.memory_space<hbm>> -> memref<80x16xf32, #tpu.memory_space<hbm>>
        tpu.wait_dma2 semaphore(%run_scoped3A : memref<!tpu.dma_semaphore, #tpu.memory_space<semaphore_mem>>) src(%dma_wait3A_31 : memref<80x16xf32, #tpu.memory_space<hbm>>) dst(%arg12 : memref<80x16xf32, #tpu.memory_space<vmem>>)
        tpu.yield
      }) : () -> ()
      %dma_wait3A = arith.constant 0 : i32
      %dma_wait3A_17 = arith.constant 0 : i32
      %dma_wait3A_18 = tpu.memref_slice %arg4[%dma_wait3A, %dma_wait3A_17] : memref<10000x16xf32, #tpu.memory_space<hbm>> -> memref<10000x16xf32, #tpu.memory_space<hbm>>
      tpu.wait_indirect_dma semaphore(%arg14 : memref<!tpu.dma_semaphore, #tpu.memory_space<semaphore_mem>>) src(%dma_wait3A_18 : memref<10000x16xf32, #tpu.memory_space<hbm>>) dst(%arg10 : memref<80x16xf32, #tpu.memory_space<vmem>>)
      %dma_wait3A_19 = arith.constant 0 : i32
      %dma_wait3A_20 = arith.constant 0 : i32
      %dma_wait3A_21 = tpu.memref_slice %arg5[%dma_wait3A_19, %dma_wait3A_20] : memref<10000x16xf32, #tpu.memory_space<hbm>> -> memref<10000x16xf32, #tpu.memory_space<hbm>>
      tpu.wait_indirect_dma semaphore(%arg15 : memref<!tpu.dma_semaphore, #tpu.memory_space<semaphore_mem>>) src(%dma_wait3A_21 : memref<10000x16xf32, #tpu.memory_space<hbm>>) dst(%arg11 : memref<80x16xf32, #tpu.memory_space<vmem>>)
      %parallel_loop3A = arith.constant 0 : i32
      %parallel_loop3A_22 = arith.constant 80 : i32
      %parallel_loop3A_23 = arith.constant 1 : i32
      scf.for %parallel_loop3A_24 = %parallel_loop3A to %parallel_loop3A_22 step %parallel_loop3A_23  : i32 {
        %parallel_loop3A_25 = arith.index_cast %parallel_loop3A_24 : i32 to index
        %parallel_loop3A_26 = arith.constant 0 : index
        %parallel_loop3A_27 = tpu.vector_load %arg10[%parallel_loop3A_25, %parallel_loop3A_26] {strides = array<i32>} : memref<80x16xf32, #tpu.memory_space<vmem>>, vector<16xf32>,
        %parallel_loop3A_28 = arith.index_cast %parallel_loop3A_24 : i32 to index
        %parallel_loop3A_29 = arith.constant 0 : index
        %parallel_loop3A_30 = tpu.vector_load %arg11[%parallel_loop3A_28, %parallel_loop3A_29] {strides = array<i32>} : memref<80x16xf32, #tpu.memory_space<vmem>>, vector<16xf32>,
        %parallel_loop3A_31 = arith.addf %parallel_loop3A_27, %parallel_loop3A_30 : vector<16xf32>
        %parallel_loop3A_32 = arith.index_cast %parallel_loop3A_24 : i32 to index
        %parallel_loop3A_33 = arith.constant 0 : index
        %parallel_loop3A_34 = tpu.vector_load %arg12[%parallel_loop3A_32, %parallel_loop3A_33] {strides = array<i32>} : memref<80x16xf32, #tpu.memory_space<vmem>>, vector<16xf32>,
        %parallel_loop3A_35 = arith.addf %parallel_loop3A_31, %parallel_loop3A_34 : vector<16xf32>
        %parallel_loop3A_36 = arith.constant 0.00999999977 : f32
        %parallel_loop3A_37 = vector.broadcast %parallel_loop3A_36 : f32 to vector<16xf32>
        %parallel_loop3A_38 = arith.mulf %parallel_loop3A_37, %parallel_loop3A_35 : vector<16xf32>
        %parallel_loop3A_39 = arith.maximumf %parallel_loop3A_35, %parallel_loop3A_38 : vector<16xf32>
        %parallel_loop3A_40 = arith.index_cast %parallel_loop3A_24 : i32 to index
        %parallel_loop3A_41 = arith.constant 0 : index
        %parallel_loop3A_42 = tpu.vector_load %arg13[%parallel_loop3A_40, %parallel_loop3A_41] {strides = array<i32>} : memref<80x16xf32, #tpu.memory_space<vmem>>, vector<16xf32>,
        tpu.vector_store %arg13[%parallel_loop3A_40, %parallel_loop3A_41], %parallel_loop3A_39 {strides = array<i32>} : memref<80x16xf32, #tpu.memory_space<vmem>>, vector<16xf32>,
      } {sc.loop_unroll_factor = 8 : i64, sc.parallel_access}
      "tpu.region"() ({
        %run_scoped3A = tpu.sem_alloc : memref<!tpu.dma_semaphore, #tpu.memory_space<semaphore_mem>>
        %dma_start3A_24 = arith.constant 0 : i32
        %dma_start3A_25 = tpu.memref_slice %arg7[%add3A_11, %dma_start3A_24] : memref<320000x16xf32, #tpu.memory_space<hbm>> -> memref<80x16xf32, #tpu.memory_space<hbm>>
        %dma_start3A_26 = arith.constant 0 : i32
        %dma_start3A_27 = tpu.memref_slice %arg7[%add3A_11, %dma_start3A_26] : memref<320000x16xf32, #tpu.memory_space<hbm>> -> memref<80x16xf32, #tpu.memory_space<hbm>>
        tpu.enqueue_dma source(%arg13 : memref<80x16xf32, #tpu.memory_space<vmem>>) target(%dma_start3A_27 : memref<80x16xf32, #tpu.memory_space<hbm>>) target_semaphore(%run_scoped3A : memref<!tpu.dma_semaphore, #tpu.memory_space<semaphore_mem>>)
        %dma_wait3A_28 = arith.constant 0 : i32
        %dma_wait3A_29 = tpu.memref_slice %arg7[%add3A_11, %dma_wait3A_28] : memref<320000x16xf32, #tpu.memory_space<hbm>> -> memref<80x16xf32, #tpu.memory_space<hbm>>
        %dma_wait3A_30 = arith.constant 0 : i32
        %dma_wait3A_31 = tpu.memref_slice %arg7[%add3A_11, %dma_wait3A_30] : memref<320000x16xf32, #tpu.memory_space<hbm>> -> memref<80x16xf32, #tpu.memory_space<hbm>>
        tpu.wait_dma2 semaphore(%run_scoped3A : memref<!tpu.dma_semaphore, #tpu.memory_space<semaphore_mem>>) src(%arg13 : memref<80x16xf32, #tpu.memory_space<vmem>>) dst(%dma_wait3A_31 : memref<80x16xf32, #tpu.memory_space<hbm>>)
        tpu.yield
      }) : () -> ()
    }
    %scan3A_5 = arith.constant 125 : i32
    return
  }
}

#map = affine_map<(d0, d1) -> (0, 0)>
#map1 = affine_map<(d0, d1) -> (0, 0, 0)>
module attributes {stable_mosaic.version = 14 : i64} {
  func.func @sc1(%arg0: i32, %arg1: i32, %arg2: memref<2x320000xi32, #tpu.memory_space<hbm>>, %arg3: memref<10000x128xf32, #tpu.memory_space<hbm>>, %arg4: memref<10000x128xf32, #tpu.memory_space<hbm>>, %arg5: memref<10000x128xf32, #tpu.memory_space<hbm>>, %arg6: memref<320000x128xf32, #tpu.memory_space<hbm>>, %arg7: memref<2x10000x128xf32, #tpu.memory_space<hbm>>, %arg8: memref<2x10000x16xf32, #tpu.memory_space<hbm>>, %arg9: memref<10000x128xf32, #tpu.memory_space<vmem_shared>>, %arg10: memref<10000x16xf32, #tpu.memory_space<vmem_shared>>, %arg11: memref<2x32xi32, #tpu.memory_space<vmem>>, %arg12: memref<2x32xi32, #tpu.memory_space<vmem>>, %arg13: memref<32xi32, #tpu.memory_space<vmem>>, %arg14: memref<32xi32, #tpu.memory_space<vmem>>, %arg15: memref<32x128xf32, #tpu.memory_space<vmem>>, %arg16: memref<32x128xf32, #tpu.memory_space<vmem>>, %arg17: memref<32x128xf32, #tpu.memory_space<vmem>>, %arg18: memref<32x128xf32, #tpu.memory_space<vmem>>, %arg19: memref<32x128xf32, #tpu.memory_space<vmem>>, %arg20: memref<32x128xf32, #tpu.memory_space<vmem>>, %arg21: memref<32x16xf32, #tpu.memory_space<vmem>>, %arg22: memref<32x16xf32, #tpu.memory_space<vmem>>, %arg23: memref<32x128xf32, #tpu.memory_space<vmem>>, %arg24: memref<!tpu.dma_semaphore, #tpu.memory_space<semaphore_mem>>, %arg25: memref<!tpu.dma_semaphore, #tpu.memory_space<semaphore_mem>>, %arg26: memref<!tpu.dma_semaphore, #tpu.memory_space<semaphore_mem>>, %arg27: memref<!tpu.dma_semaphore, #tpu.memory_space<semaphore_mem>>, %arg28: memref<!tpu.dma_semaphore, #tpu.memory_space<semaphore_mem>>, %arg29: memref<!tpu.dma_semaphore, #tpu.memory_space<semaphore_mem>>) attributes {dimension_semantics = [#tpu.dimension_semantics<core_parallel>, #tpu.dimension_semantics<subcore_parallel>], iteration_bounds = array<i64: 2, 16>, scalar_prefetch = 0 : i64, scratch_operands = 21 : i64, tpu.core_type = #tpu.core_type<sc_vector_subcore>, window_params = [{transform_indices = #map}, {transform_indices = #map}, {transform_indices = #map}, {transform_indices = #map}, {transform_indices = #map}, {transform_indices = #map1}, {transform_indices = #map1}]} {
    %mul3A = arith.constant 2 : i32
    %mul3A_0 = arith.muli %arg1, %mul3A : i32
    %add3A = arith.addi %mul3A_0, %arg0 : i32
    %broadcast_in_dim3A = arith.constant 0.000000e+00 : f32
    %broadcast_in_dim3A_1 = vector.broadcast %broadcast_in_dim3A : f32 to vector<16xf32>
    %scan3A = arith.constant 0 : i32
    %scan3A_2 = arith.constant 0 : i32
    %scan3A_3 = arith.constant 32 : i32
    %scan3A_4 = arith.addi %scan3A_2, %scan3A_3 : i32
    %scan3A_5 = arith.constant 1 : i32
    scf.for %scan3A_366 = %scan3A_2 to %scan3A_4 step %scan3A_5  : i32 {
      %swap3A = arith.index_cast %scan3A_366 : i32 to index
      %swap3A_367 = arith.constant 0 : index
      %swap3A_368 = tpu.vector_load %arg17[%swap3A, %swap3A_367] {strides = array<i32>} : memref<32x128xf32, #tpu.memory_space<vmem>>, vector<16xf32>,
      tpu.vector_store %arg17[%swap3A, %swap3A_367], %broadcast_in_dim3A_1 {strides = array<i32>} : memref<32x128xf32, #tpu.memory_space<vmem>>, vector<16xf32>,
      %swap3A_369 = arith.index_cast %scan3A_366 : i32 to index
      %swap3A_370 = arith.constant 16 : index
      %swap3A_371 = tpu.vector_load %arg17[%swap3A_369, %swap3A_370] {strides = array<i32>} : memref<32x128xf32, #tpu.memory_space<vmem>>, vector<16xf32>,
      tpu.vector_store %arg17[%swap3A_369, %swap3A_370], %broadcast_in_dim3A_1 {strides = array<i32>} : memref<32x128xf32, #tpu.memory_space<vmem>>, vector<16xf32>,
      %swap3A_372 = arith.index_cast %scan3A_366 : i32 to index
      %swap3A_373 = arith.constant 32 : index
      %swap3A_374 = tpu.vector_load %arg17[%swap3A_372, %swap3A_373] {strides = array<i32>} : memref<32x128xf32, #tpu.memory_space<vmem>>, vector<16xf32>,
      tpu.vector_store %arg17[%swap3A_372, %swap3A_373], %broadcast_in_dim3A_1 {strides = array<i32>} : memref<32x128xf32, #tpu.memory_space<vmem>>, vector<16xf32>,
      %swap3A_375 = arith.index_cast %scan3A_366 : i32 to index
      %swap3A_376 = arith.constant 48 : index
      %swap3A_377 = tpu.vector_load %arg17[%swap3A_375, %swap3A_376] {strides = array<i32>} : memref<32x128xf32, #tpu.memory_space<vmem>>, vector<16xf32>,
      tpu.vector_store %arg17[%swap3A_375, %swap3A_376], %broadcast_in_dim3A_1 {strides = array<i32>} : memref<32x128xf32, #tpu.memory_space<vmem>>, vector<16xf32>,
      %swap3A_378 = arith.index_cast %scan3A_366 : i32 to index
      %swap3A_379 = arith.constant 64 : index
      %swap3A_380 = tpu.vector_load %arg17[%swap3A_378, %swap3A_379] {strides = array<i32>} : memref<32x128xf32, #tpu.memory_space<vmem>>, vector<16xf32>,
      tpu.vector_store %arg17[%swap3A_378, %swap3A_379], %broadcast_in_dim3A_1 {strides = array<i32>} : memref<32x128xf32, #tpu.memory_space<vmem>>, vector<16xf32>,
      %swap3A_381 = arith.index_cast %scan3A_366 : i32 to index
      %swap3A_382 = arith.constant 80 : index
      %swap3A_383 = tpu.vector_load %arg17[%swap3A_381, %swap3A_382] {strides = array<i32>} : memref<32x128xf32, #tpu.memory_space<vmem>>, vector<16xf32>,
      tpu.vector_store %arg17[%swap3A_381, %swap3A_382], %broadcast_in_dim3A_1 {strides = array<i32>} : memref<32x128xf32, #tpu.memory_space<vmem>>, vector<16xf32>,
      %swap3A_384 = arith.index_cast %scan3A_366 : i32 to index
      %swap3A_385 = arith.constant 96 : index
      %swap3A_386 = tpu.vector_load %arg17[%swap3A_384, %swap3A_385] {strides = array<i32>} : memref<32x128xf32, #tpu.memory_space<vmem>>, vector<16xf32>,
      tpu.vector_store %arg17[%swap3A_384, %swap3A_385], %broadcast_in_dim3A_1 {strides = array<i32>} : memref<32x128xf32, #tpu.memory_space<vmem>>, vector<16xf32>,
      %swap3A_387 = arith.index_cast %scan3A_366 : i32 to index
      %swap3A_388 = arith.constant 112 : index
      %swap3A_389 = tpu.vector_load %arg17[%swap3A_387, %swap3A_388] {strides = array<i32>} : memref<32x128xf32, #tpu.memory_space<vmem>>, vector<16xf32>,
      tpu.vector_store %arg17[%swap3A_387, %swap3A_388], %broadcast_in_dim3A_1 {strides = array<i32>} : memref<32x128xf32, #tpu.memory_space<vmem>>, vector<16xf32>,
      %swap3A_390 = arith.index_cast %scan3A_366 : i32 to index
      %swap3A_391 = arith.constant 0 : index
      %swap3A_392 = tpu.vector_load %arg21[%swap3A_390, %swap3A_391] {strides = array<i32>} : memref<32x16xf32, #tpu.memory_space<vmem>>, vector<16xf32>,
      tpu.vector_store %arg21[%swap3A_390, %swap3A_391], %broadcast_in_dim3A_1 {strides = array<i32>} : memref<32x16xf32, #tpu.memory_space<vmem>>, vector<16xf32>,
    }
    %scan3A_6 = arith.constant 32 : i32
    %mul3A_7 = arith.constant 625 : i32
    %mul3A_8 = arith.muli %arg1, %mul3A_7 : i32
    %add3A_9 = arith.constant 0 : i32
    %add3A_10 = arith.addi %mul3A_8, %add3A_9 : i32
    "tpu.region"() ({
      %run_scoped3A_366 = tpu.sem_alloc : memref<!tpu.dma_semaphore, #tpu.memory_space<semaphore_mem>>
      %dma_start3A_367 = arith.constant 0 : i32
      %dma_start3A_368 = tpu.memref_slice %arg9[%add3A_10, %dma_start3A_367] : memref<10000x128xf32, #tpu.memory_space<vmem_shared>> -> memref<32x128xf32, #tpu.memory_space<vmem_shared>>
      %dma_start3A_369 = arith.constant 0 : i32
      %dma_start3A_370 = tpu.memref_slice %arg9[%add3A_10, %dma_start3A_369] : memref<10000x128xf32, #tpu.memory_space<vmem_shared>> -> memref<32x128xf32, #tpu.memory_space<vmem_shared>>
      tpu.enqueue_dma source(%arg17 : memref<32x128xf32, #tpu.memory_space<vmem>>) target(%dma_start3A_370 : memref<32x128xf32, #tpu.memory_space<vmem_shared>>) target_semaphore(%run_scoped3A_366 : memref<!tpu.dma_semaphore, #tpu.memory_space<semaphore_mem>>)
      %dma_wait3A_371 = arith.constant 0 : i32
      %dma_wait3A_372 = tpu.memref_slice %arg9[%add3A_10, %dma_wait3A_371] : memref<10000x128xf32, #tpu.memory_space<vmem_shared>> -> memref<32x128xf32, #tpu.memory_space<vmem_shared>>
      %dma_wait3A_373 = arith.constant 0 : i32
      %dma_wait3A_374 = tpu.memref_slice %arg9[%add3A_10, %dma_wait3A_373] : memref<10000x128xf32, #tpu.memory_space<vmem_shared>> -> memref<32x128xf32, #tpu.memory_space<vmem_shared>>
      tpu.wait_dma2 semaphore(%run_scoped3A_366 : memref<!tpu.dma_semaphore, #tpu.memory_space<semaphore_mem>>) src(%arg17 : memref<32x128xf32, #tpu.memory_space<vmem>>) dst(%dma_wait3A_374 : memref<32x128xf32, #tpu.memory_space<vmem_shared>>)
      tpu.yield
    }) : () -> ()
    "tpu.region"() ({
      %run_scoped3A_366 = tpu.sem_alloc : memref<!tpu.dma_semaphore, #tpu.memory_space<semaphore_mem>>
      %dma_start3A_367 = arith.constant 0 : i32
      %dma_start3A_368 = tpu.memref_slice %arg10[%add3A_10, %dma_start3A_367] : memref<10000x16xf32, #tpu.memory_space<vmem_shared>> -> memref<32x16xf32, #tpu.memory_space<vmem_shared>>
      %dma_start3A_369 = arith.constant 0 : i32
      %dma_start3A_370 = tpu.memref_slice %arg10[%add3A_10, %dma_start3A_369] : memref<10000x16xf32, #tpu.memory_space<vmem_shared>> -> memref<32x16xf32, #tpu.memory_space<vmem_shared>>
      tpu.enqueue_dma source(%arg21 : memref<32x16xf32, #tpu.memory_space<vmem>>) target(%dma_start3A_370 : memref<32x16xf32, #tpu.memory_space<vmem_shared>>) target_semaphore(%run_scoped3A_366 : memref<!tpu.dma_semaphore, #tpu.memory_space<semaphore_mem>>)
      %dma_wait3A_371 = arith.constant 0 : i32
      %dma_wait3A_372 = tpu.memref_slice %arg10[%add3A_10, %dma_wait3A_371] : memref<10000x16xf32, #tpu.memory_space<vmem_shared>> -> memref<32x16xf32, #tpu.memory_space<vmem_shared>>
      %dma_wait3A_373 = arith.constant 0 : i32
      %dma_wait3A_374 = tpu.memref_slice %arg10[%add3A_10, %dma_wait3A_373] : memref<10000x16xf32, #tpu.memory_space<vmem_shared>> -> memref<32x16xf32, #tpu.memory_space<vmem_shared>>
      tpu.wait_dma2 semaphore(%run_scoped3A_366 : memref<!tpu.dma_semaphore, #tpu.memory_space<semaphore_mem>>) src(%arg21 : memref<32x16xf32, #tpu.memory_space<vmem>>) dst(%dma_wait3A_374 : memref<32x16xf32, #tpu.memory_space<vmem_shared>>)
      tpu.yield
    }) : () -> ()
    %mul3A_11 = arith.constant 625 : i32
    %mul3A_12 = arith.muli %arg1, %mul3A_11 : i32
    %add3A_13 = arith.constant 32 : i32
    %add3A_14 = arith.addi %mul3A_12, %add3A_13 : i32
    "tpu.region"() ({
      %run_scoped3A_366 = tpu.sem_alloc : memref<!tpu.dma_semaphore, #tpu.memory_space<semaphore_mem>>
      %dma_start3A_367 = arith.constant 0 : i32
      %dma_start3A_368 = tpu.memref_slice %arg9[%add3A_14, %dma_start3A_367] : memref<10000x128xf32, #tpu.memory_space<vmem_shared>> -> memref<32x128xf32, #tpu.memory_space<vmem_shared>>
      %dma_start3A_369 = arith.constant 0 : i32
      %dma_start3A_370 = tpu.memref_slice %arg9[%add3A_14, %dma_start3A_369] : memref<10000x128xf32, #tpu.memory_space<vmem_shared>> -> memref<32x128xf32, #tpu.memory_space<vmem_shared>>
      tpu.enqueue_dma source(%arg17 : memref<32x128xf32, #tpu.memory_space<vmem>>) target(%dma_start3A_370 : memref<32x128xf32, #tpu.memory_space<vmem_shared>>) target_semaphore(%run_scoped3A_366 : memref<!tpu.dma_semaphore, #tpu.memory_space<semaphore_mem>>)
      %dma_wait3A_371 = arith.constant 0 : i32
      %dma_wait3A_372 = tpu.memref_slice %arg9[%add3A_14, %dma_wait3A_371] : memref<10000x128xf32, #tpu.memory_space<vmem_shared>> -> memref<32x128xf32, #tpu.memory_space<vmem_shared>>
      %dma_wait3A_373 = arith.constant 0 : i32
      %dma_wait3A_374 = tpu.memref_slice %arg9[%add3A_14, %dma_wait3A_373] : memref<10000x128xf32, #tpu.memory_space<vmem_shared>> -> memref<32x128xf32, #tpu.memory_space<vmem_shared>>
      tpu.wait_dma2 semaphore(%run_scoped3A_366 : memref<!tpu.dma_semaphore, #tpu.memory_space<semaphore_mem>>) src(%arg17 : memref<32x128xf32, #tpu.memory_space<vmem>>) dst(%dma_wait3A_374 : memref<32x128xf32, #tpu.memory_space<vmem_shared>>)
      tpu.yield
    }) : () -> ()
    "tpu.region"() ({
      %run_scoped3A_366 = tpu.sem_alloc : memref<!tpu.dma_semaphore, #tpu.memory_space<semaphore_mem>>
      %dma_start3A_367 = arith.constant 0 : i32
      %dma_start3A_368 = tpu.memref_slice %arg10[%add3A_14, %dma_start3A_367] : memref<10000x16xf32, #tpu.memory_space<vmem_shared>> -> memref<32x16xf32, #tpu.memory_space<vmem_shared>>
      %dma_start3A_369 = arith.constant 0 : i32
      %dma_start3A_370 = tpu.memref_slice %arg10[%add3A_14, %dma_start3A_369] : memref<10000x16xf32, #tpu.memory_space<vmem_shared>> -> memref<32x16xf32, #tpu.memory_space<vmem_shared>>
      tpu.enqueue_dma source(%arg21 : memref<32x16xf32, #tpu.memory_space<vmem>>) target(%dma_start3A_370 : memref<32x16xf32, #tpu.memory_space<vmem_shared>>) target_semaphore(%run_scoped3A_366 : memref<!tpu.dma_semaphore, #tpu.memory_space<semaphore_mem>>)
      %dma_wait3A_371 = arith.constant 0 : i32
      %dma_wait3A_372 = tpu.memref_slice %arg10[%add3A_14, %dma_wait3A_371] : memref<10000x16xf32, #tpu.memory_space<vmem_shared>> -> memref<32x16xf32, #tpu.memory_space<vmem_shared>>
      %dma_wait3A_373 = arith.constant 0 : i32
      %dma_wait3A_374 = tpu.memref_slice %arg10[%add3A_14, %dma_wait3A_373] : memref<10000x16xf32, #tpu.memory_space<vmem_shared>> -> memref<32x16xf32, #tpu.memory_space<vmem_shared>>
      tpu.wait_dma2 semaphore(%run_scoped3A_366 : memref<!tpu.dma_semaphore, #tpu.memory_space<semaphore_mem>>) src(%arg21 : memref<32x16xf32, #tpu.memory_space<vmem>>) dst(%dma_wait3A_374 : memref<32x16xf32, #tpu.memory_space<vmem_shared>>)
      tpu.yield
    }) : () -> ()
    %mul3A_15 = arith.constant 625 : i32
    %mul3A_16 = arith.muli %arg1, %mul3A_15 : i32
    %add3A_17 = arith.constant 64 : i32
    %add3A_18 = arith.addi %mul3A_16, %add3A_17 : i32
    "tpu.region"() ({
      %run_scoped3A_366 = tpu.sem_alloc : memref<!tpu.dma_semaphore, #tpu.memory_space<semaphore_mem>>
      %dma_start3A_367 = arith.constant 0 : i32
      %dma_start3A_368 = tpu.memref_slice %arg9[%add3A_18, %dma_start3A_367] : memref<10000x128xf32, #tpu.memory_space<vmem_shared>> -> memref<32x128xf32, #tpu.memory_space<vmem_shared>>
      %dma_start3A_369 = arith.constant 0 : i32
      %dma_start3A_370 = tpu.memref_slice %arg9[%add3A_18, %dma_start3A_369] : memref<10000x128xf32, #tpu.memory_space<vmem_shared>> -> memref<32x128xf32, #tpu.memory_space<vmem_shared>>
      tpu.enqueue_dma source(%arg17 : memref<32x128xf32, #tpu.memory_space<vmem>>) target(%dma_start3A_370 : memref<32x128xf32, #tpu.memory_space<vmem_shared>>) target_semaphore(%run_scoped3A_366 : memref<!tpu.dma_semaphore, #tpu.memory_space<semaphore_mem>>)
      %dma_wait3A_371 = arith.constant 0 : i32
      %dma_wait3A_372 = tpu.memref_slice %arg9[%add3A_18, %dma_wait3A_371] : memref<10000x128xf32, #tpu.memory_space<vmem_shared>> -> memref<32x128xf32, #tpu.memory_space<vmem_shared>>
      %dma_wait3A_373 = arith.constant 0 : i32
      %dma_wait3A_374 = tpu.memref_slice %arg9[%add3A_18, %dma_wait3A_373] : memref<10000x128xf32, #tpu.memory_space<vmem_shared>> -> memref<32x128xf32, #tpu.memory_space<vmem_shared>>
      tpu.wait_dma2 semaphore(%run_scoped3A_366 : memref<!tpu.dma_semaphore, #tpu.memory_space<semaphore_mem>>) src(%arg17 : memref<32x128xf32, #tpu.memory_space<vmem>>) dst(%dma_wait3A_374 : memref<32x128xf32, #tpu.memory_space<vmem_shared>>)
      tpu.yield
    }) : () -> ()
    "tpu.region"() ({
      %run_scoped3A_366 = tpu.sem_alloc : memref<!tpu.dma_semaphore, #tpu.memory_space<semaphore_mem>>
      %dma_start3A_367 = arith.constant 0 : i32
      %dma_start3A_368 = tpu.memref_slice %arg10[%add3A_18, %dma_start3A_367] : memref<10000x16xf32, #tpu.memory_space<vmem_shared>> -> memref<32x16xf32, #tpu.memory_space<vmem_shared>>
      %dma_start3A_369 = arith.constant 0 : i32
      %dma_start3A_370 = tpu.memref_slice %arg10[%add3A_18, %dma_start3A_369] : memref<10000x16xf32, #tpu.memory_space<vmem_shared>> -> memref<32x16xf32, #tpu.memory_space<vmem_shared>>
      tpu.enqueue_dma source(%arg21 : memref<32x16xf32, #tpu.memory_space<vmem>>) target(%dma_start3A_370 : memref<32x16xf32, #tpu.memory_space<vmem_shared>>) target_semaphore(%run_scoped3A_366 : memref<!tpu.dma_semaphore, #tpu.memory_space<semaphore_mem>>)
      %dma_wait3A_371 = arith.constant 0 : i32
      %dma_wait3A_372 = tpu.memref_slice %arg10[%add3A_18, %dma_wait3A_371] : memref<10000x16xf32, #tpu.memory_space<vmem_shared>> -> memref<32x16xf32, #tpu.memory_space<vmem_shared>>
      %dma_wait3A_373 = arith.constant 0 : i32
      %dma_wait3A_374 = tpu.memref_slice %arg10[%add3A_18, %dma_wait3A_373] : memref<10000x16xf32, #tpu.memory_space<vmem_shared>> -> memref<32x16xf32, #tpu.memory_space<vmem_shared>>
      tpu.wait_dma2 semaphore(%run_scoped3A_366 : memref<!tpu.dma_semaphore, #tpu.memory_space<semaphore_mem>>) src(%arg21 : memref<32x16xf32, #tpu.memory_space<vmem>>) dst(%dma_wait3A_374 : memref<32x16xf32, #tpu.memory_space<vmem_shared>>)
      tpu.yield
    }) : () -> ()
    %mul3A_19 = arith.constant 625 : i32
    %mul3A_20 = arith.muli %arg1, %mul3A_19 : i32
    %add3A_21 = arith.constant 96 : i32
    %add3A_22 = arith.addi %mul3A_20, %add3A_21 : i32
    "tpu.region"() ({
      %run_scoped3A_366 = tpu.sem_alloc : memref<!tpu.dma_semaphore, #tpu.memory_space<semaphore_mem>>
      %dma_start3A_367 = arith.constant 0 : i32
      %dma_start3A_368 = tpu.memref_slice %arg9[%add3A_22, %dma_start3A_367] : memref<10000x128xf32, #tpu.memory_space<vmem_shared>> -> memref<32x128xf32, #tpu.memory_space<vmem_shared>>
      %dma_start3A_369 = arith.constant 0 : i32
      %dma_start3A_370 = tpu.memref_slice %arg9[%add3A_22, %dma_start3A_369] : memref<10000x128xf32, #tpu.memory_space<vmem_shared>> -> memref<32x128xf32, #tpu.memory_space<vmem_shared>>
      tpu.enqueue_dma source(%arg17 : memref<32x128xf32, #tpu.memory_space<vmem>>) target(%dma_start3A_370 : memref<32x128xf32, #tpu.memory_space<vmem_shared>>) target_semaphore(%run_scoped3A_366 : memref<!tpu.dma_semaphore, #tpu.memory_space<semaphore_mem>>)
      %dma_wait3A_371 = arith.constant 0 : i32
      %dma_wait3A_372 = tpu.memref_slice %arg9[%add3A_22, %dma_wait3A_371] : memref<10000x128xf32, #tpu.memory_space<vmem_shared>> -> memref<32x128xf32, #tpu.memory_space<vmem_shared>>
      %dma_wait3A_373 = arith.constant 0 : i32
      %dma_wait3A_374 = tpu.memref_slice %arg9[%add3A_22, %dma_wait3A_373] : memref<10000x128xf32, #tpu.memory_space<vmem_shared>> -> memref<32x128xf32, #tpu.memory_space<vmem_shared>>
      tpu.wait_dma2 semaphore(%run_scoped3A_366 : memref<!tpu.dma_semaphore, #tpu.memory_space<semaphore_mem>>) src(%arg17 : memref<32x128xf32, #tpu.memory_space<vmem>>) dst(%dma_wait3A_374 : memref<32x128xf32, #tpu.memory_space<vmem_shared>>)
      tpu.yield
    }) : () -> ()
    "tpu.region"() ({
      %run_scoped3A_366 = tpu.sem_alloc : memref<!tpu.dma_semaphore, #tpu.memory_space<semaphore_mem>>
      %dma_start3A_367 = arith.constant 0 : i32
      %dma_start3A_368 = tpu.memref_slice %arg10[%add3A_22, %dma_start3A_367] : memref<10000x16xf32, #tpu.memory_space<vmem_shared>> -> memref<32x16xf32, #tpu.memory_space<vmem_shared>>
      %dma_start3A_369 = arith.constant 0 : i32
      %dma_start3A_370 = tpu.memref_slice %arg10[%add3A_22, %dma_start3A_369] : memref<10000x16xf32, #tpu.memory_space<vmem_shared>> -> memref<32x16xf32, #tpu.memory_space<vmem_shared>>
      tpu.enqueue_dma source(%arg21 : memref<32x16xf32, #tpu.memory_space<vmem>>) target(%dma_start3A_370 : memref<32x16xf32, #tpu.memory_space<vmem_shared>>) target_semaphore(%run_scoped3A_366 : memref<!tpu.dma_semaphore, #tpu.memory_space<semaphore_mem>>)
      %dma_wait3A_371 = arith.constant 0 : i32
      %dma_wait3A_372 = tpu.memref_slice %arg10[%add3A_22, %dma_wait3A_371] : memref<10000x16xf32, #tpu.memory_space<vmem_shared>> -> memref<32x16xf32, #tpu.memory_space<vmem_shared>>
      %dma_wait3A_373 = arith.constant 0 : i32
      %dma_wait3A_374 = tpu.memref_slice %arg10[%add3A_22, %dma_wait3A_373] : memref<10000x16xf32, #tpu.memory_space<vmem_shared>> -> memref<32x16xf32, #tpu.memory_space<vmem_shared>>
      tpu.wait_dma2 semaphore(%run_scoped3A_366 : memref<!tpu.dma_semaphore, #tpu.memory_space<semaphore_mem>>) src(%arg21 : memref<32x16xf32, #tpu.memory_space<vmem>>) dst(%dma_wait3A_374 : memref<32x16xf32, #tpu.memory_space<vmem_shared>>)
      tpu.yield
    }) : () -> ()
    %mul3A_23 = arith.constant 625 : i32
    %mul3A_24 = arith.muli %arg1, %mul3A_23 : i32
    %add3A_25 = arith.constant 128 : i32
    %add3A_26 = arith.addi %mul3A_24, %add3A_25 : i32
    "tpu.region"() ({
      %run_scoped3A_366 = tpu.sem_alloc : memref<!tpu.dma_semaphore, #tpu.memory_space<semaphore_mem>>
      %dma_start3A_367 = arith.constant 0 : i32
      %dma_start3A_368 = tpu.memref_slice %arg9[%add3A_26, %dma_start3A_367] : memref<10000x128xf32, #tpu.memory_space<vmem_shared>> -> memref<32x128xf32, #tpu.memory_space<vmem_shared>>
      %dma_start3A_369 = arith.constant 0 : i32
      %dma_start3A_370 = tpu.memref_slice %arg9[%add3A_26, %dma_start3A_369] : memref<10000x128xf32, #tpu.memory_space<vmem_shared>> -> memref<32x128xf32, #tpu.memory_space<vmem_shared>>
      tpu.enqueue_dma source(%arg17 : memref<32x128xf32, #tpu.memory_space<vmem>>) target(%dma_start3A_370 : memref<32x128xf32, #tpu.memory_space<vmem_shared>>) target_semaphore(%run_scoped3A_366 : memref<!tpu.dma_semaphore, #tpu.memory_space<semaphore_mem>>)
      %dma_wait3A_371 = arith.constant 0 : i32
      %dma_wait3A_372 = tpu.memref_slice %arg9[%add3A_26, %dma_wait3A_371] : memref<10000x128xf32, #tpu.memory_space<vmem_shared>> -> memref<32x128xf32, #tpu.memory_space<vmem_shared>>
      %dma_wait3A_373 = arith.constant 0 : i32
      %dma_wait3A_374 = tpu.memref_slice %arg9[%add3A_26, %dma_wait3A_373] : memref<10000x128xf32, #tpu.memory_space<vmem_shared>> -> memref<32x128xf32, #tpu.memory_space<vmem_shared>>
      tpu.wait_dma2 semaphore(%run_scoped3A_366 : memref<!tpu.dma_semaphore, #tpu.memory_space<semaphore_mem>>) src(%arg17 : memref<32x128xf32, #tpu.memory_space<vmem>>) dst(%dma_wait3A_374 : memref<32x128xf32, #tpu.memory_space<vmem_shared>>)
      tpu.yield
    }) : () -> ()
    "tpu.region"() ({
      %run_scoped3A_366 = tpu.sem_alloc : memref<!tpu.dma_semaphore, #tpu.memory_space<semaphore_mem>>
      %dma_start3A_367 = arith.constant 0 : i32
      %dma_start3A_368 = tpu.memref_slice %arg10[%add3A_26, %dma_start3A_367] : memref<10000x16xf32, #tpu.memory_space<vmem_shared>> -> memref<32x16xf32, #tpu.memory_space<vmem_shared>>
      %dma_start3A_369 = arith.constant 0 : i32
      %dma_start3A_370 = tpu.memref_slice %arg10[%add3A_26, %dma_start3A_369] : memref<10000x16xf32, #tpu.memory_space<vmem_shared>> -> memref<32x16xf32, #tpu.memory_space<vmem_shared>>
      tpu.enqueue_dma source(%arg21 : memref<32x16xf32, #tpu.memory_space<vmem>>) target(%dma_start3A_370 : memref<32x16xf32, #tpu.memory_space<vmem_shared>>) target_semaphore(%run_scoped3A_366 : memref<!tpu.dma_semaphore, #tpu.memory_space<semaphore_mem>>)
      %dma_wait3A_371 = arith.constant 0 : i32
      %dma_wait3A_372 = tpu.memref_slice %arg10[%add3A_26, %dma_wait3A_371] : memref<10000x16xf32, #tpu.memory_space<vmem_shared>> -> memref<32x16xf32, #tpu.memory_space<vmem_shared>>
      %dma_wait3A_373 = arith.constant 0 : i32
      %dma_wait3A_374 = tpu.memref_slice %arg10[%add3A_26, %dma_wait3A_373] : memref<10000x16xf32, #tpu.memory_space<vmem_shared>> -> memref<32x16xf32, #tpu.memory_space<vmem_shared>>
      tpu.wait_dma2 semaphore(%run_scoped3A_366 : memref<!tpu.dma_semaphore, #tpu.memory_space<semaphore_mem>>) src(%arg21 : memref<32x16xf32, #tpu.memory_space<vmem>>) dst(%dma_wait3A_374 : memref<32x16xf32, #tpu.memory_space<vmem_shared>>)
      tpu.yield
    }) : () -> ()
    %mul3A_27 = arith.constant 625 : i32
    %mul3A_28 = arith.muli %arg1, %mul3A_27 : i32
    %add3A_29 = arith.constant 160 : i32
    %add3A_30 = arith.addi %mul3A_28, %add3A_29 : i32
    "tpu.region"() ({
      %run_scoped3A_366 = tpu.sem_alloc : memref<!tpu.dma_semaphore, #tpu.memory_space<semaphore_mem>>
      %dma_start3A_367 = arith.constant 0 : i32
      %dma_start3A_368 = tpu.memref_slice %arg9[%add3A_30, %dma_start3A_367] : memref<10000x128xf32, #tpu.memory_space<vmem_shared>> -> memref<32x128xf32, #tpu.memory_space<vmem_shared>>
      %dma_start3A_369 = arith.constant 0 : i32
      %dma_start3A_370 = tpu.memref_slice %arg9[%add3A_30, %dma_start3A_369] : memref<10000x128xf32, #tpu.memory_space<vmem_shared>> -> memref<32x128xf32, #tpu.memory_space<vmem_shared>>
      tpu.enqueue_dma source(%arg17 : memref<32x128xf32, #tpu.memory_space<vmem>>) target(%dma_start3A_370 : memref<32x128xf32, #tpu.memory_space<vmem_shared>>) target_semaphore(%run_scoped3A_366 : memref<!tpu.dma_semaphore, #tpu.memory_space<semaphore_mem>>)
      %dma_wait3A_371 = arith.constant 0 : i32
      %dma_wait3A_372 = tpu.memref_slice %arg9[%add3A_30, %dma_wait3A_371] : memref<10000x128xf32, #tpu.memory_space<vmem_shared>> -> memref<32x128xf32, #tpu.memory_space<vmem_shared>>
      %dma_wait3A_373 = arith.constant 0 : i32
      %dma_wait3A_374 = tpu.memref_slice %arg9[%add3A_30, %dma_wait3A_373] : memref<10000x128xf32, #tpu.memory_space<vmem_shared>> -> memref<32x128xf32, #tpu.memory_space<vmem_shared>>
      tpu.wait_dma2 semaphore(%run_scoped3A_366 : memref<!tpu.dma_semaphore, #tpu.memory_space<semaphore_mem>>) src(%arg17 : memref<32x128xf32, #tpu.memory_space<vmem>>) dst(%dma_wait3A_374 : memref<32x128xf32, #tpu.memory_space<vmem_shared>>)
      tpu.yield
    }) : () -> ()
    "tpu.region"() ({
      %run_scoped3A_366 = tpu.sem_alloc : memref<!tpu.dma_semaphore, #tpu.memory_space<semaphore_mem>>
      %dma_start3A_367 = arith.constant 0 : i32
      %dma_start3A_368 = tpu.memref_slice %arg10[%add3A_30, %dma_start3A_367] : memref<10000x16xf32, #tpu.memory_space<vmem_shared>> -> memref<32x16xf32, #tpu.memory_space<vmem_shared>>
      %dma_start3A_369 = arith.constant 0 : i32
      %dma_start3A_370 = tpu.memref_slice %arg10[%add3A_30, %dma_start3A_369] : memref<10000x16xf32, #tpu.memory_space<vmem_shared>> -> memref<32x16xf32, #tpu.memory_space<vmem_shared>>
      tpu.enqueue_dma source(%arg21 : memref<32x16xf32, #tpu.memory_space<vmem>>) target(%dma_start3A_370 : memref<32x16xf32, #tpu.memory_space<vmem_shared>>) target_semaphore(%run_scoped3A_366 : memref<!tpu.dma_semaphore, #tpu.memory_space<semaphore_mem>>)
      %dma_wait3A_371 = arith.constant 0 : i32
      %dma_wait3A_372 = tpu.memref_slice %arg10[%add3A_30, %dma_wait3A_371] : memref<10000x16xf32, #tpu.memory_space<vmem_shared>> -> memref<32x16xf32, #tpu.memory_space<vmem_shared>>
      %dma_wait3A_373 = arith.constant 0 : i32
      %dma_wait3A_374 = tpu.memref_slice %arg10[%add3A_30, %dma_wait3A_373] : memref<10000x16xf32, #tpu.memory_space<vmem_shared>> -> memref<32x16xf32, #tpu.memory_space<vmem_shared>>
      tpu.wait_dma2 semaphore(%run_scoped3A_366 : memref<!tpu.dma_semaphore, #tpu.memory_space<semaphore_mem>>) src(%arg21 : memref<32x16xf32, #tpu.memory_space<vmem>>) dst(%dma_wait3A_374 : memref<32x16xf32, #tpu.memory_space<vmem_shared>>)
      tpu.yield
    }) : () -> ()
    %mul3A_31 = arith.constant 625 : i32
    %mul3A_32 = arith.muli %arg1, %mul3A_31 : i32
    %add3A_33 = arith.constant 192 : i32
    %add3A_34 = arith.addi %mul3A_32, %add3A_33 : i32
    "tpu.region"() ({
      %run_scoped3A_366 = tpu.sem_alloc : memref<!tpu.dma_semaphore, #tpu.memory_space<semaphore_mem>>
      %dma_start3A_367 = arith.constant 0 : i32
      %dma_start3A_368 = tpu.memref_slice %arg9[%add3A_34, %dma_start3A_367] : memref<10000x128xf32, #tpu.memory_space<vmem_shared>> -> memref<32x128xf32, #tpu.memory_space<vmem_shared>>
      %dma_start3A_369 = arith.constant 0 : i32
      %dma_start3A_370 = tpu.memref_slice %arg9[%add3A_34, %dma_start3A_369] : memref<10000x128xf32, #tpu.memory_space<vmem_shared>> -> memref<32x128xf32, #tpu.memory_space<vmem_shared>>
      tpu.enqueue_dma source(%arg17 : memref<32x128xf32, #tpu.memory_space<vmem>>) target(%dma_start3A_370 : memref<32x128xf32, #tpu.memory_space<vmem_shared>>) target_semaphore(%run_scoped3A_366 : memref<!tpu.dma_semaphore, #tpu.memory_space<semaphore_mem>>)
      %dma_wait3A_371 = arith.constant 0 : i32
      %dma_wait3A_372 = tpu.memref_slice %arg9[%add3A_34, %dma_wait3A_371] : memref<10000x128xf32, #tpu.memory_space<vmem_shared>> -> memref<32x128xf32, #tpu.memory_space<vmem_shared>>
      %dma_wait3A_373 = arith.constant 0 : i32
      %dma_wait3A_374 = tpu.memref_slice %arg9[%add3A_34, %dma_wait3A_373] : memref<10000x128xf32, #tpu.memory_space<vmem_shared>> -> memref<32x128xf32, #tpu.memory_space<vmem_shared>>
      tpu.wait_dma2 semaphore(%run_scoped3A_366 : memref<!tpu.dma_semaphore, #tpu.memory_space<semaphore_mem>>) src(%arg17 : memref<32x128xf32, #tpu.memory_space<vmem>>) dst(%dma_wait3A_374 : memref<32x128xf32, #tpu.memory_space<vmem_shared>>)
      tpu.yield
    }) : () -> ()
    "tpu.region"() ({
      %run_scoped3A_366 = tpu.sem_alloc : memref<!tpu.dma_semaphore, #tpu.memory_space<semaphore_mem>>
      %dma_start3A_367 = arith.constant 0 : i32
      %dma_start3A_368 = tpu.memref_slice %arg10[%add3A_34, %dma_start3A_367] : memref<10000x16xf32, #tpu.memory_space<vmem_shared>> -> memref<32x16xf32, #tpu.memory_space<vmem_shared>>
      %dma_start3A_369 = arith.constant 0 : i32
      %dma_start3A_370 = tpu.memref_slice %arg10[%add3A_34, %dma_start3A_369] : memref<10000x16xf32, #tpu.memory_space<vmem_shared>> -> memref<32x16xf32, #tpu.memory_space<vmem_shared>>
      tpu.enqueue_dma source(%arg21 : memref<32x16xf32, #tpu.memory_space<vmem>>) target(%dma_start3A_370 : memref<32x16xf32, #tpu.memory_space<vmem_shared>>) target_semaphore(%run_scoped3A_366 : memref<!tpu.dma_semaphore, #tpu.memory_space<semaphore_mem>>)
      %dma_wait3A_371 = arith.constant 0 : i32
      %dma_wait3A_372 = tpu.memref_slice %arg10[%add3A_34, %dma_wait3A_371] : memref<10000x16xf32, #tpu.memory_space<vmem_shared>> -> memref<32x16xf32, #tpu.memory_space<vmem_shared>>
      %dma_wait3A_373 = arith.constant 0 : i32
      %dma_wait3A_374 = tpu.memref_slice %arg10[%add3A_34, %dma_wait3A_373] : memref<10000x16xf32, #tpu.memory_space<vmem_shared>> -> memref<32x16xf32, #tpu.memory_space<vmem_shared>>
      tpu.wait_dma2 semaphore(%run_scoped3A_366 : memref<!tpu.dma_semaphore, #tpu.memory_space<semaphore_mem>>) src(%arg21 : memref<32x16xf32, #tpu.memory_space<vmem>>) dst(%dma_wait3A_374 : memref<32x16xf32, #tpu.memory_space<vmem_shared>>)
      tpu.yield
    }) : () -> ()
    %mul3A_35 = arith.constant 625 : i32
    %mul3A_36 = arith.muli %arg1, %mul3A_35 : i32
    %add3A_37 = arith.constant 224 : i32
    %add3A_38 = arith.addi %mul3A_36, %add3A_37 : i32
    "tpu.region"() ({
      %run_scoped3A_366 = tpu.sem_alloc : memref<!tpu.dma_semaphore, #tpu.memory_space<semaphore_mem>>
      %dma_start3A_367 = arith.constant 0 : i32
      %dma_start3A_368 = tpu.memref_slice %arg9[%add3A_38, %dma_start3A_367] : memref<10000x128xf32, #tpu.memory_space<vmem_shared>> -> memref<32x128xf32, #tpu.memory_space<vmem_shared>>
      %dma_start3A_369 = arith.constant 0 : i32
      %dma_start3A_370 = tpu.memref_slice %arg9[%add3A_38, %dma_start3A_369] : memref<10000x128xf32, #tpu.memory_space<vmem_shared>> -> memref<32x128xf32, #tpu.memory_space<vmem_shared>>
      tpu.enqueue_dma source(%arg17 : memref<32x128xf32, #tpu.memory_space<vmem>>) target(%dma_start3A_370 : memref<32x128xf32, #tpu.memory_space<vmem_shared>>) target_semaphore(%run_scoped3A_366 : memref<!tpu.dma_semaphore, #tpu.memory_space<semaphore_mem>>)
      %dma_wait3A_371 = arith.constant 0 : i32
      %dma_wait3A_372 = tpu.memref_slice %arg9[%add3A_38, %dma_wait3A_371] : memref<10000x128xf32, #tpu.memory_space<vmem_shared>> -> memref<32x128xf32, #tpu.memory_space<vmem_shared>>
      %dma_wait3A_373 = arith.constant 0 : i32
      %dma_wait3A_374 = tpu.memref_slice %arg9[%add3A_38, %dma_wait3A_373] : memref<10000x128xf32, #tpu.memory_space<vmem_shared>> -> memref<32x128xf32, #tpu.memory_space<vmem_shared>>
      tpu.wait_dma2 semaphore(%run_scoped3A_366 : memref<!tpu.dma_semaphore, #tpu.memory_space<semaphore_mem>>) src(%arg17 : memref<32x128xf32, #tpu.memory_space<vmem>>) dst(%dma_wait3A_374 : memref<32x128xf32, #tpu.memory_space<vmem_shared>>)
      tpu.yield
    }) : () -> ()
    "tpu.region"() ({
      %run_scoped3A_366 = tpu.sem_alloc : memref<!tpu.dma_semaphore, #tpu.memory_space<semaphore_mem>>
      %dma_start3A_367 = arith.constant 0 : i32
      %dma_start3A_368 = tpu.memref_slice %arg10[%add3A_38, %dma_start3A_367] : memref<10000x16xf32, #tpu.memory_space<vmem_shared>> -> memref<32x16xf32, #tpu.memory_space<vmem_shared>>
      %dma_start3A_369 = arith.constant 0 : i32
      %dma_start3A_370 = tpu.memref_slice %arg10[%add3A_38, %dma_start3A_369] : memref<10000x16xf32, #tpu.memory_space<vmem_shared>> -> memref<32x16xf32, #tpu.memory_space<vmem_shared>>
      tpu.enqueue_dma source(%arg21 : memref<32x16xf32, #tpu.memory_space<vmem>>) target(%dma_start3A_370 : memref<32x16xf32, #tpu.memory_space<vmem_shared>>) target_semaphore(%run_scoped3A_366 : memref<!tpu.dma_semaphore, #tpu.memory_space<semaphore_mem>>)
      %dma_wait3A_371 = arith.constant 0 : i32
      %dma_wait3A_372 = tpu.memref_slice %arg10[%add3A_38, %dma_wait3A_371] : memref<10000x16xf32, #tpu.memory_space<vmem_shared>> -> memref<32x16xf32, #tpu.memory_space<vmem_shared>>
      %dma_wait3A_373 = arith.constant 0 : i32
      %dma_wait3A_374 = tpu.memref_slice %arg10[%add3A_38, %dma_wait3A_373] : memref<10000x16xf32, #tpu.memory_space<vmem_shared>> -> memref<32x16xf32, #tpu.memory_space<vmem_shared>>
      tpu.wait_dma2 semaphore(%run_scoped3A_366 : memref<!tpu.dma_semaphore, #tpu.memory_space<semaphore_mem>>) src(%arg21 : memref<32x16xf32, #tpu.memory_space<vmem>>) dst(%dma_wait3A_374 : memref<32x16xf32, #tpu.memory_space<vmem_shared>>)
      tpu.yield
    }) : () -> ()
    %mul3A_39 = arith.constant 625 : i32
    %mul3A_40 = arith.muli %arg1, %mul3A_39 : i32
    %add3A_41 = arith.constant 256 : i32
    %add3A_42 = arith.addi %mul3A_40, %add3A_41 : i32
    "tpu.region"() ({
      %run_scoped3A_366 = tpu.sem_alloc : memref<!tpu.dma_semaphore, #tpu.memory_space<semaphore_mem>>
      %dma_start3A_367 = arith.constant 0 : i32
      %dma_start3A_368 = tpu.memref_slice %arg9[%add3A_42, %dma_start3A_367] : memref<10000x128xf32, #tpu.memory_space<vmem_shared>> -> memref<32x128xf32, #tpu.memory_space<vmem_shared>>
      %dma_start3A_369 = arith.constant 0 : i32
      %dma_start3A_370 = tpu.memref_slice %arg9[%add3A_42, %dma_start3A_369] : memref<10000x128xf32, #tpu.memory_space<vmem_shared>> -> memref<32x128xf32, #tpu.memory_space<vmem_shared>>
      tpu.enqueue_dma source(%arg17 : memref<32x128xf32, #tpu.memory_space<vmem>>) target(%dma_start3A_370 : memref<32x128xf32, #tpu.memory_space<vmem_shared>>) target_semaphore(%run_scoped3A_366 : memref<!tpu.dma_semaphore, #tpu.memory_space<semaphore_mem>>)
      %dma_wait3A_371 = arith.constant 0 : i32
      %dma_wait3A_372 = tpu.memref_slice %arg9[%add3A_42, %dma_wait3A_371] : memref<10000x128xf32, #tpu.memory_space<vmem_shared>> -> memref<32x128xf32, #tpu.memory_space<vmem_shared>>
      %dma_wait3A_373 = arith.constant 0 : i32
      %dma_wait3A_374 = tpu.memref_slice %arg9[%add3A_42, %dma_wait3A_373] : memref<10000x128xf32, #tpu.memory_space<vmem_shared>> -> memref<32x128xf32, #tpu.memory_space<vmem_shared>>
      tpu.wait_dma2 semaphore(%run_scoped3A_366 : memref<!tpu.dma_semaphore, #tpu.memory_space<semaphore_mem>>) src(%arg17 : memref<32x128xf32, #tpu.memory_space<vmem>>) dst(%dma_wait3A_374 : memref<32x128xf32, #tpu.memory_space<vmem_shared>>)
      tpu.yield
    }) : () -> ()
    "tpu.region"() ({
      %run_scoped3A_366 = tpu.sem_alloc : memref<!tpu.dma_semaphore, #tpu.memory_space<semaphore_mem>>
      %dma_start3A_367 = arith.constant 0 : i32
      %dma_start3A_368 = tpu.memref_slice %arg10[%add3A_42, %dma_start3A_367] : memref<10000x16xf32, #tpu.memory_space<vmem_shared>> -> memref<32x16xf32, #tpu.memory_space<vmem_shared>>
      %dma_start3A_369 = arith.constant 0 : i32
      %dma_start3A_370 = tpu.memref_slice %arg10[%add3A_42, %dma_start3A_369] : memref<10000x16xf32, #tpu.memory_space<vmem_shared>> -> memref<32x16xf32, #tpu.memory_space<vmem_shared>>
      tpu.enqueue_dma source(%arg21 : memref<32x16xf32, #tpu.memory_space<vmem>>) target(%dma_start3A_370 : memref<32x16xf32, #tpu.memory_space<vmem_shared>>) target_semaphore(%run_scoped3A_366 : memref<!tpu.dma_semaphore, #tpu.memory_space<semaphore_mem>>)
      %dma_wait3A_371 = arith.constant 0 : i32
      %dma_wait3A_372 = tpu.memref_slice %arg10[%add3A_42, %dma_wait3A_371] : memref<10000x16xf32, #tpu.memory_space<vmem_shared>> -> memref<32x16xf32, #tpu.memory_space<vmem_shared>>
      %dma_wait3A_373 = arith.constant 0 : i32
      %dma_wait3A_374 = tpu.memref_slice %arg10[%add3A_42, %dma_wait3A_373] : memref<10000x16xf32, #tpu.memory_space<vmem_shared>> -> memref<32x16xf32, #tpu.memory_space<vmem_shared>>
      tpu.wait_dma2 semaphore(%run_scoped3A_366 : memref<!tpu.dma_semaphore, #tpu.memory_space<semaphore_mem>>) src(%arg21 : memref<32x16xf32, #tpu.memory_space<vmem>>) dst(%dma_wait3A_374 : memref<32x16xf32, #tpu.memory_space<vmem_shared>>)
      tpu.yield
    }) : () -> ()
    %mul3A_43 = arith.constant 625 : i32
    %mul3A_44 = arith.muli %arg1, %mul3A_43 : i32
    %add3A_45 = arith.constant 288 : i32
    %add3A_46 = arith.addi %mul3A_44, %add3A_45 : i32
    "tpu.region"() ({
      %run_scoped3A_366 = tpu.sem_alloc : memref<!tpu.dma_semaphore, #tpu.memory_space<semaphore_mem>>
      %dma_start3A_367 = arith.constant 0 : i32
      %dma_start3A_368 = tpu.memref_slice %arg9[%add3A_46, %dma_start3A_367] : memref<10000x128xf32, #tpu.memory_space<vmem_shared>> -> memref<32x128xf32, #tpu.memory_space<vmem_shared>>
      %dma_start3A_369 = arith.constant 0 : i32
      %dma_start3A_370 = tpu.memref_slice %arg9[%add3A_46, %dma_start3A_369] : memref<10000x128xf32, #tpu.memory_space<vmem_shared>> -> memref<32x128xf32, #tpu.memory_space<vmem_shared>>
      tpu.enqueue_dma source(%arg17 : memref<32x128xf32, #tpu.memory_space<vmem>>) target(%dma_start3A_370 : memref<32x128xf32, #tpu.memory_space<vmem_shared>>) target_semaphore(%run_scoped3A_366 : memref<!tpu.dma_semaphore, #tpu.memory_space<semaphore_mem>>)
      %dma_wait3A_371 = arith.constant 0 : i32
      %dma_wait3A_372 = tpu.memref_slice %arg9[%add3A_46, %dma_wait3A_371] : memref<10000x128xf32, #tpu.memory_space<vmem_shared>> -> memref<32x128xf32, #tpu.memory_space<vmem_shared>>
      %dma_wait3A_373 = arith.constant 0 : i32
      %dma_wait3A_374 = tpu.memref_slice %arg9[%add3A_46, %dma_wait3A_373] : memref<10000x128xf32, #tpu.memory_space<vmem_shared>> -> memref<32x128xf32, #tpu.memory_space<vmem_shared>>
      tpu.wait_dma2 semaphore(%run_scoped3A_366 : memref<!tpu.dma_semaphore, #tpu.memory_space<semaphore_mem>>) src(%arg17 : memref<32x128xf32, #tpu.memory_space<vmem>>) dst(%dma_wait3A_374 : memref<32x128xf32, #tpu.memory_space<vmem_shared>>)
      tpu.yield
    }) : () -> ()
    "tpu.region"() ({
      %run_scoped3A_366 = tpu.sem_alloc : memref<!tpu.dma_semaphore, #tpu.memory_space<semaphore_mem>>
      %dma_start3A_367 = arith.constant 0 : i32
      %dma_start3A_368 = tpu.memref_slice %arg10[%add3A_46, %dma_start3A_367] : memref<10000x16xf32, #tpu.memory_space<vmem_shared>> -> memref<32x16xf32, #tpu.memory_space<vmem_shared>>
      %dma_start3A_369 = arith.constant 0 : i32
      %dma_start3A_370 = tpu.memref_slice %arg10[%add3A_46, %dma_start3A_369] : memref<10000x16xf32, #tpu.memory_space<vmem_shared>> -> memref<32x16xf32, #tpu.memory_space<vmem_shared>>
      tpu.enqueue_dma source(%arg21 : memref<32x16xf32, #tpu.memory_space<vmem>>) target(%dma_start3A_370 : memref<32x16xf32, #tpu.memory_space<vmem_shared>>) target_semaphore(%run_scoped3A_366 : memref<!tpu.dma_semaphore, #tpu.memory_space<semaphore_mem>>)
      %dma_wait3A_371 = arith.constant 0 : i32
      %dma_wait3A_372 = tpu.memref_slice %arg10[%add3A_46, %dma_wait3A_371] : memref<10000x16xf32, #tpu.memory_space<vmem_shared>> -> memref<32x16xf32, #tpu.memory_space<vmem_shared>>
      %dma_wait3A_373 = arith.constant 0 : i32
      %dma_wait3A_374 = tpu.memref_slice %arg10[%add3A_46, %dma_wait3A_373] : memref<10000x16xf32, #tpu.memory_space<vmem_shared>> -> memref<32x16xf32, #tpu.memory_space<vmem_shared>>
      tpu.wait_dma2 semaphore(%run_scoped3A_366 : memref<!tpu.dma_semaphore, #tpu.memory_space<semaphore_mem>>) src(%arg21 : memref<32x16xf32, #tpu.memory_space<vmem>>) dst(%dma_wait3A_374 : memref<32x16xf32, #tpu.memory_space<vmem_shared>>)
      tpu.yield
    }) : () -> ()
    %mul3A_47 = arith.constant 625 : i32
    %mul3A_48 = arith.muli %arg1, %mul3A_47 : i32
    %add3A_49 = arith.constant 320 : i32
    %add3A_50 = arith.addi %mul3A_48, %add3A_49 : i32
    "tpu.region"() ({
      %run_scoped3A_366 = tpu.sem_alloc : memref<!tpu.dma_semaphore, #tpu.memory_space<semaphore_mem>>
      %dma_start3A_367 = arith.constant 0 : i32
      %dma_start3A_368 = tpu.memref_slice %arg9[%add3A_50, %dma_start3A_367] : memref<10000x128xf32, #tpu.memory_space<vmem_shared>> -> memref<32x128xf32, #tpu.memory_space<vmem_shared>>
      %dma_start3A_369 = arith.constant 0 : i32
      %dma_start3A_370 = tpu.memref_slice %arg9[%add3A_50, %dma_start3A_369] : memref<10000x128xf32, #tpu.memory_space<vmem_shared>> -> memref<32x128xf32, #tpu.memory_space<vmem_shared>>
      tpu.enqueue_dma source(%arg17 : memref<32x128xf32, #tpu.memory_space<vmem>>) target(%dma_start3A_370 : memref<32x128xf32, #tpu.memory_space<vmem_shared>>) target_semaphore(%run_scoped3A_366 : memref<!tpu.dma_semaphore, #tpu.memory_space<semaphore_mem>>)
      %dma_wait3A_371 = arith.constant 0 : i32
      %dma_wait3A_372 = tpu.memref_slice %arg9[%add3A_50, %dma_wait3A_371] : memref<10000x128xf32, #tpu.memory_space<vmem_shared>> -> memref<32x128xf32, #tpu.memory_space<vmem_shared>>
      %dma_wait3A_373 = arith.constant 0 : i32
      %dma_wait3A_374 = tpu.memref_slice %arg9[%add3A_50, %dma_wait3A_373] : memref<10000x128xf32, #tpu.memory_space<vmem_shared>> -> memref<32x128xf32, #tpu.memory_space<vmem_shared>>
      tpu.wait_dma2 semaphore(%run_scoped3A_366 : memref<!tpu.dma_semaphore, #tpu.memory_space<semaphore_mem>>) src(%arg17 : memref<32x128xf32, #tpu.memory_space<vmem>>) dst(%dma_wait3A_374 : memref<32x128xf32, #tpu.memory_space<vmem_shared>>)
      tpu.yield
    }) : () -> ()
    "tpu.region"() ({
      %run_scoped3A_366 = tpu.sem_alloc : memref<!tpu.dma_semaphore, #tpu.memory_space<semaphore_mem>>
      %dma_start3A_367 = arith.constant 0 : i32
      %dma_start3A_368 = tpu.memref_slice %arg10[%add3A_50, %dma_start3A_367] : memref<10000x16xf32, #tpu.memory_space<vmem_shared>> -> memref<32x16xf32, #tpu.memory_space<vmem_shared>>
      %dma_start3A_369 = arith.constant 0 : i32
      %dma_start3A_370 = tpu.memref_slice %arg10[%add3A_50, %dma_start3A_369] : memref<10000x16xf32, #tpu.memory_space<vmem_shared>> -> memref<32x16xf32, #tpu.memory_space<vmem_shared>>
      tpu.enqueue_dma source(%arg21 : memref<32x16xf32, #tpu.memory_space<vmem>>) target(%dma_start3A_370 : memref<32x16xf32, #tpu.memory_space<vmem_shared>>) target_semaphore(%run_scoped3A_366 : memref<!tpu.dma_semaphore, #tpu.memory_space<semaphore_mem>>)
      %dma_wait3A_371 = arith.constant 0 : i32
      %dma_wait3A_372 = tpu.memref_slice %arg10[%add3A_50, %dma_wait3A_371] : memref<10000x16xf32, #tpu.memory_space<vmem_shared>> -> memref<32x16xf32, #tpu.memory_space<vmem_shared>>
      %dma_wait3A_373 = arith.constant 0 : i32
      %dma_wait3A_374 = tpu.memref_slice %arg10[%add3A_50, %dma_wait3A_373] : memref<10000x16xf32, #tpu.memory_space<vmem_shared>> -> memref<32x16xf32, #tpu.memory_space<vmem_shared>>
      tpu.wait_dma2 semaphore(%run_scoped3A_366 : memref<!tpu.dma_semaphore, #tpu.memory_space<semaphore_mem>>) src(%arg21 : memref<32x16xf32, #tpu.memory_space<vmem>>) dst(%dma_wait3A_374 : memref<32x16xf32, #tpu.memory_space<vmem_shared>>)
      tpu.yield
    }) : () -> ()
    %mul3A_51 = arith.constant 625 : i32
    %mul3A_52 = arith.muli %arg1, %mul3A_51 : i32
    %add3A_53 = arith.constant 352 : i32
    %add3A_54 = arith.addi %mul3A_52, %add3A_53 : i32
    "tpu.region"() ({
      %run_scoped3A_366 = tpu.sem_alloc : memref<!tpu.dma_semaphore, #tpu.memory_space<semaphore_mem>>
      %dma_start3A_367 = arith.constant 0 : i32
      %dma_start3A_368 = tpu.memref_slice %arg9[%add3A_54, %dma_start3A_367] : memref<10000x128xf32, #tpu.memory_space<vmem_shared>> -> memref<32x128xf32, #tpu.memory_space<vmem_shared>>
      %dma_start3A_369 = arith.constant 0 : i32
      %dma_start3A_370 = tpu.memref_slice %arg9[%add3A_54, %dma_start3A_369] : memref<10000x128xf32, #tpu.memory_space<vmem_shared>> -> memref<32x128xf32, #tpu.memory_space<vmem_shared>>
      tpu.enqueue_dma source(%arg17 : memref<32x128xf32, #tpu.memory_space<vmem>>) target(%dma_start3A_370 : memref<32x128xf32, #tpu.memory_space<vmem_shared>>) target_semaphore(%run_scoped3A_366 : memref<!tpu.dma_semaphore, #tpu.memory_space<semaphore_mem>>)
      %dma_wait3A_371 = arith.constant 0 : i32
      %dma_wait3A_372 = tpu.memref_slice %arg9[%add3A_54, %dma_wait3A_371] : memref<10000x128xf32, #tpu.memory_space<vmem_shared>> -> memref<32x128xf32, #tpu.memory_space<vmem_shared>>
      %dma_wait3A_373 = arith.constant 0 : i32
      %dma_wait3A_374 = tpu.memref_slice %arg9[%add3A_54, %dma_wait3A_373] : memref<10000x128xf32, #tpu.memory_space<vmem_shared>> -> memref<32x128xf32, #tpu.memory_space<vmem_shared>>
      tpu.wait_dma2 semaphore(%run_scoped3A_366 : memref<!tpu.dma_semaphore, #tpu.memory_space<semaphore_mem>>) src(%arg17 : memref<32x128xf32, #tpu.memory_space<vmem>>) dst(%dma_wait3A_374 : memref<32x128xf32, #tpu.memory_space<vmem_shared>>)
      tpu.yield
    }) : () -> ()
    "tpu.region"() ({
      %run_scoped3A_366 = tpu.sem_alloc : memref<!tpu.dma_semaphore, #tpu.memory_space<semaphore_mem>>
      %dma_start3A_367 = arith.constant 0 : i32
      %dma_start3A_368 = tpu.memref_slice %arg10[%add3A_54, %dma_start3A_367] : memref<10000x16xf32, #tpu.memory_space<vmem_shared>> -> memref<32x16xf32, #tpu.memory_space<vmem_shared>>
      %dma_start3A_369 = arith.constant 0 : i32
      %dma_start3A_370 = tpu.memref_slice %arg10[%add3A_54, %dma_start3A_369] : memref<10000x16xf32, #tpu.memory_space<vmem_shared>> -> memref<32x16xf32, #tpu.memory_space<vmem_shared>>
      tpu.enqueue_dma source(%arg21 : memref<32x16xf32, #tpu.memory_space<vmem>>) target(%dma_start3A_370 : memref<32x16xf32, #tpu.memory_space<vmem_shared>>) target_semaphore(%run_scoped3A_366 : memref<!tpu.dma_semaphore, #tpu.memory_space<semaphore_mem>>)
      %dma_wait3A_371 = arith.constant 0 : i32
      %dma_wait3A_372 = tpu.memref_slice %arg10[%add3A_54, %dma_wait3A_371] : memref<10000x16xf32, #tpu.memory_space<vmem_shared>> -> memref<32x16xf32, #tpu.memory_space<vmem_shared>>
      %dma_wait3A_373 = arith.constant 0 : i32
      %dma_wait3A_374 = tpu.memref_slice %arg10[%add3A_54, %dma_wait3A_373] : memref<10000x16xf32, #tpu.memory_space<vmem_shared>> -> memref<32x16xf32, #tpu.memory_space<vmem_shared>>
      tpu.wait_dma2 semaphore(%run_scoped3A_366 : memref<!tpu.dma_semaphore, #tpu.memory_space<semaphore_mem>>) src(%arg21 : memref<32x16xf32, #tpu.memory_space<vmem>>) dst(%dma_wait3A_374 : memref<32x16xf32, #tpu.memory_space<vmem_shared>>)
      tpu.yield
    }) : () -> ()
    %mul3A_55 = arith.constant 625 : i32
    %mul3A_56 = arith.muli %arg1, %mul3A_55 : i32
    %add3A_57 = arith.constant 384 : i32
    %add3A_58 = arith.addi %mul3A_56, %add3A_57 : i32
    "tpu.region"() ({
      %run_scoped3A_366 = tpu.sem_alloc : memref<!tpu.dma_semaphore, #tpu.memory_space<semaphore_mem>>
      %dma_start3A_367 = arith.constant 0 : i32
      %dma_start3A_368 = tpu.memref_slice %arg9[%add3A_58, %dma_start3A_367] : memref<10000x128xf32, #tpu.memory_space<vmem_shared>> -> memref<32x128xf32, #tpu.memory_space<vmem_shared>>
      %dma_start3A_369 = arith.constant 0 : i32
      %dma_start3A_370 = tpu.memref_slice %arg9[%add3A_58, %dma_start3A_369] : memref<10000x128xf32, #tpu.memory_space<vmem_shared>> -> memref<32x128xf32, #tpu.memory_space<vmem_shared>>
      tpu.enqueue_dma source(%arg17 : memref<32x128xf32, #tpu.memory_space<vmem>>) target(%dma_start3A_370 : memref<32x128xf32, #tpu.memory_space<vmem_shared>>) target_semaphore(%run_scoped3A_366 : memref<!tpu.dma_semaphore, #tpu.memory_space<semaphore_mem>>)
      %dma_wait3A_371 = arith.constant 0 : i32
      %dma_wait3A_372 = tpu.memref_slice %arg9[%add3A_58, %dma_wait3A_371] : memref<10000x128xf32, #tpu.memory_space<vmem_shared>> -> memref<32x128xf32, #tpu.memory_space<vmem_shared>>
      %dma_wait3A_373 = arith.constant 0 : i32
      %dma_wait3A_374 = tpu.memref_slice %arg9[%add3A_58, %dma_wait3A_373] : memref<10000x128xf32, #tpu.memory_space<vmem_shared>> -> memref<32x128xf32, #tpu.memory_space<vmem_shared>>
      tpu.wait_dma2 semaphore(%run_scoped3A_366 : memref<!tpu.dma_semaphore, #tpu.memory_space<semaphore_mem>>) src(%arg17 : memref<32x128xf32, #tpu.memory_space<vmem>>) dst(%dma_wait3A_374 : memref<32x128xf32, #tpu.memory_space<vmem_shared>>)
      tpu.yield
    }) : () -> ()
    "tpu.region"() ({
      %run_scoped3A_366 = tpu.sem_alloc : memref<!tpu.dma_semaphore, #tpu.memory_space<semaphore_mem>>
      %dma_start3A_367 = arith.constant 0 : i32
      %dma_start3A_368 = tpu.memref_slice %arg10[%add3A_58, %dma_start3A_367] : memref<10000x16xf32, #tpu.memory_space<vmem_shared>> -> memref<32x16xf32, #tpu.memory_space<vmem_shared>>
      %dma_start3A_369 = arith.constant 0 : i32
      %dma_start3A_370 = tpu.memref_slice %arg10[%add3A_58, %dma_start3A_369] : memref<10000x16xf32, #tpu.memory_space<vmem_shared>> -> memref<32x16xf32, #tpu.memory_space<vmem_shared>>
      tpu.enqueue_dma source(%arg21 : memref<32x16xf32, #tpu.memory_space<vmem>>) target(%dma_start3A_370 : memref<32x16xf32, #tpu.memory_space<vmem_shared>>) target_semaphore(%run_scoped3A_366 : memref<!tpu.dma_semaphore, #tpu.memory_space<semaphore_mem>>)
      %dma_wait3A_371 = arith.constant 0 : i32
      %dma_wait3A_372 = tpu.memref_slice %arg10[%add3A_58, %dma_wait3A_371] : memref<10000x16xf32, #tpu.memory_space<vmem_shared>> -> memref<32x16xf32, #tpu.memory_space<vmem_shared>>
      %dma_wait3A_373 = arith.constant 0 : i32
      %dma_wait3A_374 = tpu.memref_slice %arg10[%add3A_58, %dma_wait3A_373] : memref<10000x16xf32, #tpu.memory_space<vmem_shared>> -> memref<32x16xf32, #tpu.memory_space<vmem_shared>>
      tpu.wait_dma2 semaphore(%run_scoped3A_366 : memref<!tpu.dma_semaphore, #tpu.memory_space<semaphore_mem>>) src(%arg21 : memref<32x16xf32, #tpu.memory_space<vmem>>) dst(%dma_wait3A_374 : memref<32x16xf32, #tpu.memory_space<vmem_shared>>)
      tpu.yield
    }) : () -> ()
    %mul3A_59 = arith.constant 625 : i32
    %mul3A_60 = arith.muli %arg1, %mul3A_59 : i32
    %add3A_61 = arith.constant 416 : i32
    %add3A_62 = arith.addi %mul3A_60, %add3A_61 : i32
    "tpu.region"() ({
      %run_scoped3A_366 = tpu.sem_alloc : memref<!tpu.dma_semaphore, #tpu.memory_space<semaphore_mem>>
      %dma_start3A_367 = arith.constant 0 : i32
      %dma_start3A_368 = tpu.memref_slice %arg9[%add3A_62, %dma_start3A_367] : memref<10000x128xf32, #tpu.memory_space<vmem_shared>> -> memref<32x128xf32, #tpu.memory_space<vmem_shared>>
      %dma_start3A_369 = arith.constant 0 : i32
      %dma_start3A_370 = tpu.memref_slice %arg9[%add3A_62, %dma_start3A_369] : memref<10000x128xf32, #tpu.memory_space<vmem_shared>> -> memref<32x128xf32, #tpu.memory_space<vmem_shared>>
      tpu.enqueue_dma source(%arg17 : memref<32x128xf32, #tpu.memory_space<vmem>>) target(%dma_start3A_370 : memref<32x128xf32, #tpu.memory_space<vmem_shared>>) target_semaphore(%run_scoped3A_366 : memref<!tpu.dma_semaphore, #tpu.memory_space<semaphore_mem>>)
      %dma_wait3A_371 = arith.constant 0 : i32
      %dma_wait3A_372 = tpu.memref_slice %arg9[%add3A_62, %dma_wait3A_371] : memref<10000x128xf32, #tpu.memory_space<vmem_shared>> -> memref<32x128xf32, #tpu.memory_space<vmem_shared>>
      %dma_wait3A_373 = arith.constant 0 : i32
      %dma_wait3A_374 = tpu.memref_slice %arg9[%add3A_62, %dma_wait3A_373] : memref<10000x128xf32, #tpu.memory_space<vmem_shared>> -> memref<32x128xf32, #tpu.memory_space<vmem_shared>>
      tpu.wait_dma2 semaphore(%run_scoped3A_366 : memref<!tpu.dma_semaphore, #tpu.memory_space<semaphore_mem>>) src(%arg17 : memref<32x128xf32, #tpu.memory_space<vmem>>) dst(%dma_wait3A_374 : memref<32x128xf32, #tpu.memory_space<vmem_shared>>)
      tpu.yield
    }) : () -> ()
    "tpu.region"() ({
      %run_scoped3A_366 = tpu.sem_alloc : memref<!tpu.dma_semaphore, #tpu.memory_space<semaphore_mem>>
      %dma_start3A_367 = arith.constant 0 : i32
      %dma_start3A_368 = tpu.memref_slice %arg10[%add3A_62, %dma_start3A_367] : memref<10000x16xf32, #tpu.memory_space<vmem_shared>> -> memref<32x16xf32, #tpu.memory_space<vmem_shared>>
      %dma_start3A_369 = arith.constant 0 : i32
      %dma_start3A_370 = tpu.memref_slice %arg10[%add3A_62, %dma_start3A_369] : memref<10000x16xf32, #tpu.memory_space<vmem_shared>> -> memref<32x16xf32, #tpu.memory_space<vmem_shared>>
      tpu.enqueue_dma source(%arg21 : memref<32x16xf32, #tpu.memory_space<vmem>>) target(%dma_start3A_370 : memref<32x16xf32, #tpu.memory_space<vmem_shared>>) target_semaphore(%run_scoped3A_366 : memref<!tpu.dma_semaphore, #tpu.memory_space<semaphore_mem>>)
      %dma_wait3A_371 = arith.constant 0 : i32
      %dma_wait3A_372 = tpu.memref_slice %arg10[%add3A_62, %dma_wait3A_371] : memref<10000x16xf32, #tpu.memory_space<vmem_shared>> -> memref<32x16xf32, #tpu.memory_space<vmem_shared>>
      %dma_wait3A_373 = arith.constant 0 : i32
      %dma_wait3A_374 = tpu.memref_slice %arg10[%add3A_62, %dma_wait3A_373] : memref<10000x16xf32, #tpu.memory_space<vmem_shared>> -> memref<32x16xf32, #tpu.memory_space<vmem_shared>>
      tpu.wait_dma2 semaphore(%run_scoped3A_366 : memref<!tpu.dma_semaphore, #tpu.memory_space<semaphore_mem>>) src(%arg21 : memref<32x16xf32, #tpu.memory_space<vmem>>) dst(%dma_wait3A_374 : memref<32x16xf32, #tpu.memory_space<vmem_shared>>)
      tpu.yield
    }) : () -> ()
    %mul3A_63 = arith.constant 625 : i32
    %mul3A_64 = arith.muli %arg1, %mul3A_63 : i32
    %add3A_65 = arith.constant 448 : i32
    %add3A_66 = arith.addi %mul3A_64, %add3A_65 : i32
    "tpu.region"() ({
      %run_scoped3A_366 = tpu.sem_alloc : memref<!tpu.dma_semaphore, #tpu.memory_space<semaphore_mem>>
      %dma_start3A_367 = arith.constant 0 : i32
      %dma_start3A_368 = tpu.memref_slice %arg9[%add3A_66, %dma_start3A_367] : memref<10000x128xf32, #tpu.memory_space<vmem_shared>> -> memref<32x128xf32, #tpu.memory_space<vmem_shared>>
      %dma_start3A_369 = arith.constant 0 : i32
      %dma_start3A_370 = tpu.memref_slice %arg9[%add3A_66, %dma_start3A_369] : memref<10000x128xf32, #tpu.memory_space<vmem_shared>> -> memref<32x128xf32, #tpu.memory_space<vmem_shared>>
      tpu.enqueue_dma source(%arg17 : memref<32x128xf32, #tpu.memory_space<vmem>>) target(%dma_start3A_370 : memref<32x128xf32, #tpu.memory_space<vmem_shared>>) target_semaphore(%run_scoped3A_366 : memref<!tpu.dma_semaphore, #tpu.memory_space<semaphore_mem>>)
      %dma_wait3A_371 = arith.constant 0 : i32
      %dma_wait3A_372 = tpu.memref_slice %arg9[%add3A_66, %dma_wait3A_371] : memref<10000x128xf32, #tpu.memory_space<vmem_shared>> -> memref<32x128xf32, #tpu.memory_space<vmem_shared>>
      %dma_wait3A_373 = arith.constant 0 : i32
      %dma_wait3A_374 = tpu.memref_slice %arg9[%add3A_66, %dma_wait3A_373] : memref<10000x128xf32, #tpu.memory_space<vmem_shared>> -> memref<32x128xf32, #tpu.memory_space<vmem_shared>>
      tpu.wait_dma2 semaphore(%run_scoped3A_366 : memref<!tpu.dma_semaphore, #tpu.memory_space<semaphore_mem>>) src(%arg17 : memref<32x128xf32, #tpu.memory_space<vmem>>) dst(%dma_wait3A_374 : memref<32x128xf32, #tpu.memory_space<vmem_shared>>)
      tpu.yield
    }) : () -> ()
    "tpu.region"() ({
      %run_scoped3A_366 = tpu.sem_alloc : memref<!tpu.dma_semaphore, #tpu.memory_space<semaphore_mem>>
      %dma_start3A_367 = arith.constant 0 : i32
      %dma_start3A_368 = tpu.memref_slice %arg10[%add3A_66, %dma_start3A_367] : memref<10000x16xf32, #tpu.memory_space<vmem_shared>> -> memref<32x16xf32, #tpu.memory_space<vmem_shared>>
      %dma_start3A_369 = arith.constant 0 : i32
      %dma_start3A_370 = tpu.memref_slice %arg10[%add3A_66, %dma_start3A_369] : memref<10000x16xf32, #tpu.memory_space<vmem_shared>> -> memref<32x16xf32, #tpu.memory_space<vmem_shared>>
      tpu.enqueue_dma source(%arg21 : memref<32x16xf32, #tpu.memory_space<vmem>>) target(%dma_start3A_370 : memref<32x16xf32, #tpu.memory_space<vmem_shared>>) target_semaphore(%run_scoped3A_366 : memref<!tpu.dma_semaphore, #tpu.memory_space<semaphore_mem>>)
      %dma_wait3A_371 = arith.constant 0 : i32
      %dma_wait3A_372 = tpu.memref_slice %arg10[%add3A_66, %dma_wait3A_371] : memref<10000x16xf32, #tpu.memory_space<vmem_shared>> -> memref<32x16xf32, #tpu.memory_space<vmem_shared>>
      %dma_wait3A_373 = arith.constant 0 : i32
      %dma_wait3A_374 = tpu.memref_slice %arg10[%add3A_66, %dma_wait3A_373] : memref<10000x16xf32, #tpu.memory_space<vmem_shared>> -> memref<32x16xf32, #tpu.memory_space<vmem_shared>>
      tpu.wait_dma2 semaphore(%run_scoped3A_366 : memref<!tpu.dma_semaphore, #tpu.memory_space<semaphore_mem>>) src(%arg21 : memref<32x16xf32, #tpu.memory_space<vmem>>) dst(%dma_wait3A_374 : memref<32x16xf32, #tpu.memory_space<vmem_shared>>)
      tpu.yield
    }) : () -> ()
    %mul3A_67 = arith.constant 625 : i32
    %mul3A_68 = arith.muli %arg1, %mul3A_67 : i32
    %add3A_69 = arith.constant 480 : i32
    %add3A_70 = arith.addi %mul3A_68, %add3A_69 : i32
    "tpu.region"() ({
      %run_scoped3A_366 = tpu.sem_alloc : memref<!tpu.dma_semaphore, #tpu.memory_space<semaphore_mem>>
      %dma_start3A_367 = arith.constant 0 : i32
      %dma_start3A_368 = tpu.memref_slice %arg9[%add3A_70, %dma_start3A_367] : memref<10000x128xf32, #tpu.memory_space<vmem_shared>> -> memref<32x128xf32, #tpu.memory_space<vmem_shared>>
      %dma_start3A_369 = arith.constant 0 : i32
      %dma_start3A_370 = tpu.memref_slice %arg9[%add3A_70, %dma_start3A_369] : memref<10000x128xf32, #tpu.memory_space<vmem_shared>> -> memref<32x128xf32, #tpu.memory_space<vmem_shared>>
      tpu.enqueue_dma source(%arg17 : memref<32x128xf32, #tpu.memory_space<vmem>>) target(%dma_start3A_370 : memref<32x128xf32, #tpu.memory_space<vmem_shared>>) target_semaphore(%run_scoped3A_366 : memref<!tpu.dma_semaphore, #tpu.memory_space<semaphore_mem>>)
      %dma_wait3A_371 = arith.constant 0 : i32
      %dma_wait3A_372 = tpu.memref_slice %arg9[%add3A_70, %dma_wait3A_371] : memref<10000x128xf32, #tpu.memory_space<vmem_shared>> -> memref<32x128xf32, #tpu.memory_space<vmem_shared>>
      %dma_wait3A_373 = arith.constant 0 : i32
      %dma_wait3A_374 = tpu.memref_slice %arg9[%add3A_70, %dma_wait3A_373] : memref<10000x128xf32, #tpu.memory_space<vmem_shared>> -> memref<32x128xf32, #tpu.memory_space<vmem_shared>>
      tpu.wait_dma2 semaphore(%run_scoped3A_366 : memref<!tpu.dma_semaphore, #tpu.memory_space<semaphore_mem>>) src(%arg17 : memref<32x128xf32, #tpu.memory_space<vmem>>) dst(%dma_wait3A_374 : memref<32x128xf32, #tpu.memory_space<vmem_shared>>)
      tpu.yield
    }) : () -> ()
    "tpu.region"() ({
      %run_scoped3A_366 = tpu.sem_alloc : memref<!tpu.dma_semaphore, #tpu.memory_space<semaphore_mem>>
      %dma_start3A_367 = arith.constant 0 : i32
      %dma_start3A_368 = tpu.memref_slice %arg10[%add3A_70, %dma_start3A_367] : memref<10000x16xf32, #tpu.memory_space<vmem_shared>> -> memref<32x16xf32, #tpu.memory_space<vmem_shared>>
      %dma_start3A_369 = arith.constant 0 : i32
      %dma_start3A_370 = tpu.memref_slice %arg10[%add3A_70, %dma_start3A_369] : memref<10000x16xf32, #tpu.memory_space<vmem_shared>> -> memref<32x16xf32, #tpu.memory_space<vmem_shared>>
      tpu.enqueue_dma source(%arg21 : memref<32x16xf32, #tpu.memory_space<vmem>>) target(%dma_start3A_370 : memref<32x16xf32, #tpu.memory_space<vmem_shared>>) target_semaphore(%run_scoped3A_366 : memref<!tpu.dma_semaphore, #tpu.memory_space<semaphore_mem>>)
      %dma_wait3A_371 = arith.constant 0 : i32
      %dma_wait3A_372 = tpu.memref_slice %arg10[%add3A_70, %dma_wait3A_371] : memref<10000x16xf32, #tpu.memory_space<vmem_shared>> -> memref<32x16xf32, #tpu.memory_space<vmem_shared>>
      %dma_wait3A_373 = arith.constant 0 : i32
      %dma_wait3A_374 = tpu.memref_slice %arg10[%add3A_70, %dma_wait3A_373] : memref<10000x16xf32, #tpu.memory_space<vmem_shared>> -> memref<32x16xf32, #tpu.memory_space<vmem_shared>>
      tpu.wait_dma2 semaphore(%run_scoped3A_366 : memref<!tpu.dma_semaphore, #tpu.memory_space<semaphore_mem>>) src(%arg21 : memref<32x16xf32, #tpu.memory_space<vmem>>) dst(%dma_wait3A_374 : memref<32x16xf32, #tpu.memory_space<vmem_shared>>)
      tpu.yield
    }) : () -> ()
    %mul3A_71 = arith.constant 625 : i32
    %mul3A_72 = arith.muli %arg1, %mul3A_71 : i32
    %add3A_73 = arith.constant 512 : i32
    %add3A_74 = arith.addi %mul3A_72, %add3A_73 : i32
    "tpu.region"() ({
      %run_scoped3A_366 = tpu.sem_alloc : memref<!tpu.dma_semaphore, #tpu.memory_space<semaphore_mem>>
      %dma_start3A_367 = arith.constant 0 : i32
      %dma_start3A_368 = tpu.memref_slice %arg9[%add3A_74, %dma_start3A_367] : memref<10000x128xf32, #tpu.memory_space<vmem_shared>> -> memref<32x128xf32, #tpu.memory_space<vmem_shared>>
      %dma_start3A_369 = arith.constant 0 : i32
      %dma_start3A_370 = tpu.memref_slice %arg9[%add3A_74, %dma_start3A_369] : memref<10000x128xf32, #tpu.memory_space<vmem_shared>> -> memref<32x128xf32, #tpu.memory_space<vmem_shared>>
      tpu.enqueue_dma source(%arg17 : memref<32x128xf32, #tpu.memory_space<vmem>>) target(%dma_start3A_370 : memref<32x128xf32, #tpu.memory_space<vmem_shared>>) target_semaphore(%run_scoped3A_366 : memref<!tpu.dma_semaphore, #tpu.memory_space<semaphore_mem>>)
      %dma_wait3A_371 = arith.constant 0 : i32
      %dma_wait3A_372 = tpu.memref_slice %arg9[%add3A_74, %dma_wait3A_371] : memref<10000x128xf32, #tpu.memory_space<vmem_shared>> -> memref<32x128xf32, #tpu.memory_space<vmem_shared>>
      %dma_wait3A_373 = arith.constant 0 : i32
      %dma_wait3A_374 = tpu.memref_slice %arg9[%add3A_74, %dma_wait3A_373] : memref<10000x128xf32, #tpu.memory_space<vmem_shared>> -> memref<32x128xf32, #tpu.memory_space<vmem_shared>>
      tpu.wait_dma2 semaphore(%run_scoped3A_366 : memref<!tpu.dma_semaphore, #tpu.memory_space<semaphore_mem>>) src(%arg17 : memref<32x128xf32, #tpu.memory_space<vmem>>) dst(%dma_wait3A_374 : memref<32x128xf32, #tpu.memory_space<vmem_shared>>)
      tpu.yield
    }) : () -> ()
    "tpu.region"() ({
      %run_scoped3A_366 = tpu.sem_alloc : memref<!tpu.dma_semaphore, #tpu.memory_space<semaphore_mem>>
      %dma_start3A_367 = arith.constant 0 : i32
      %dma_start3A_368 = tpu.memref_slice %arg10[%add3A_74, %dma_start3A_367] : memref<10000x16xf32, #tpu.memory_space<vmem_shared>> -> memref<32x16xf32, #tpu.memory_space<vmem_shared>>
      %dma_start3A_369 = arith.constant 0 : i32
      %dma_start3A_370 = tpu.memref_slice %arg10[%add3A_74, %dma_start3A_369] : memref<10000x16xf32, #tpu.memory_space<vmem_shared>> -> memref<32x16xf32, #tpu.memory_space<vmem_shared>>
      tpu.enqueue_dma source(%arg21 : memref<32x16xf32, #tpu.memory_space<vmem>>) target(%dma_start3A_370 : memref<32x16xf32, #tpu.memory_space<vmem_shared>>) target_semaphore(%run_scoped3A_366 : memref<!tpu.dma_semaphore, #tpu.memory_space<semaphore_mem>>)
      %dma_wait3A_371 = arith.constant 0 : i32
      %dma_wait3A_372 = tpu.memref_slice %arg10[%add3A_74, %dma_wait3A_371] : memref<10000x16xf32, #tpu.memory_space<vmem_shared>> -> memref<32x16xf32, #tpu.memory_space<vmem_shared>>
      %dma_wait3A_373 = arith.constant 0 : i32
      %dma_wait3A_374 = tpu.memref_slice %arg10[%add3A_74, %dma_wait3A_373] : memref<10000x16xf32, #tpu.memory_space<vmem_shared>> -> memref<32x16xf32, #tpu.memory_space<vmem_shared>>
      tpu.wait_dma2 semaphore(%run_scoped3A_366 : memref<!tpu.dma_semaphore, #tpu.memory_space<semaphore_mem>>) src(%arg21 : memref<32x16xf32, #tpu.memory_space<vmem>>) dst(%dma_wait3A_374 : memref<32x16xf32, #tpu.memory_space<vmem_shared>>)
      tpu.yield
    }) : () -> ()
    %mul3A_75 = arith.constant 625 : i32
    %mul3A_76 = arith.muli %arg1, %mul3A_75 : i32
    %add3A_77 = arith.constant 544 : i32
    %add3A_78 = arith.addi %mul3A_76, %add3A_77 : i32
    "tpu.region"() ({
      %run_scoped3A_366 = tpu.sem_alloc : memref<!tpu.dma_semaphore, #tpu.memory_space<semaphore_mem>>
      %dma_start3A_367 = arith.constant 0 : i32
      %dma_start3A_368 = tpu.memref_slice %arg9[%add3A_78, %dma_start3A_367] : memref<10000x128xf32, #tpu.memory_space<vmem_shared>> -> memref<32x128xf32, #tpu.memory_space<vmem_shared>>
      %dma_start3A_369 = arith.constant 0 : i32
      %dma_start3A_370 = tpu.memref_slice %arg9[%add3A_78, %dma_start3A_369] : memref<10000x128xf32, #tpu.memory_space<vmem_shared>> -> memref<32x128xf32, #tpu.memory_space<vmem_shared>>
      tpu.enqueue_dma source(%arg17 : memref<32x128xf32, #tpu.memory_space<vmem>>) target(%dma_start3A_370 : memref<32x128xf32, #tpu.memory_space<vmem_shared>>) target_semaphore(%run_scoped3A_366 : memref<!tpu.dma_semaphore, #tpu.memory_space<semaphore_mem>>)
      %dma_wait3A_371 = arith.constant 0 : i32
      %dma_wait3A_372 = tpu.memref_slice %arg9[%add3A_78, %dma_wait3A_371] : memref<10000x128xf32, #tpu.memory_space<vmem_shared>> -> memref<32x128xf32, #tpu.memory_space<vmem_shared>>
      %dma_wait3A_373 = arith.constant 0 : i32
      %dma_wait3A_374 = tpu.memref_slice %arg9[%add3A_78, %dma_wait3A_373] : memref<10000x128xf32, #tpu.memory_space<vmem_shared>> -> memref<32x128xf32, #tpu.memory_space<vmem_shared>>
      tpu.wait_dma2 semaphore(%run_scoped3A_366 : memref<!tpu.dma_semaphore, #tpu.memory_space<semaphore_mem>>) src(%arg17 : memref<32x128xf32, #tpu.memory_space<vmem>>) dst(%dma_wait3A_374 : memref<32x128xf32, #tpu.memory_space<vmem_shared>>)
      tpu.yield
    }) : () -> ()
    "tpu.region"() ({
      %run_scoped3A_366 = tpu.sem_alloc : memref<!tpu.dma_semaphore, #tpu.memory_space<semaphore_mem>>
      %dma_start3A_367 = arith.constant 0 : i32
      %dma_start3A_368 = tpu.memref_slice %arg10[%add3A_78, %dma_start3A_367] : memref<10000x16xf32, #tpu.memory_space<vmem_shared>> -> memref<32x16xf32, #tpu.memory_space<vmem_shared>>
      %dma_start3A_369 = arith.constant 0 : i32
      %dma_start3A_370 = tpu.memref_slice %arg10[%add3A_78, %dma_start3A_369] : memref<10000x16xf32, #tpu.memory_space<vmem_shared>> -> memref<32x16xf32, #tpu.memory_space<vmem_shared>>
      tpu.enqueue_dma source(%arg21 : memref<32x16xf32, #tpu.memory_space<vmem>>) target(%dma_start3A_370 : memref<32x16xf32, #tpu.memory_space<vmem_shared>>) target_semaphore(%run_scoped3A_366 : memref<!tpu.dma_semaphore, #tpu.memory_space<semaphore_mem>>)
      %dma_wait3A_371 = arith.constant 0 : i32
      %dma_wait3A_372 = tpu.memref_slice %arg10[%add3A_78, %dma_wait3A_371] : memref<10000x16xf32, #tpu.memory_space<vmem_shared>> -> memref<32x16xf32, #tpu.memory_space<vmem_shared>>
      %dma_wait3A_373 = arith.constant 0 : i32
      %dma_wait3A_374 = tpu.memref_slice %arg10[%add3A_78, %dma_wait3A_373] : memref<10000x16xf32, #tpu.memory_space<vmem_shared>> -> memref<32x16xf32, #tpu.memory_space<vmem_shared>>
      tpu.wait_dma2 semaphore(%run_scoped3A_366 : memref<!tpu.dma_semaphore, #tpu.memory_space<semaphore_mem>>) src(%arg21 : memref<32x16xf32, #tpu.memory_space<vmem>>) dst(%dma_wait3A_374 : memref<32x16xf32, #tpu.memory_space<vmem_shared>>)
      tpu.yield
    }) : () -> ()
    %mul3A_79 = arith.constant 625 : i32
    %mul3A_80 = arith.muli %arg1, %mul3A_79 : i32
    %add3A_81 = arith.constant 576 : i32
    %add3A_82 = arith.addi %mul3A_80, %add3A_81 : i32
    "tpu.region"() ({
      %run_scoped3A_366 = tpu.sem_alloc : memref<!tpu.dma_semaphore, #tpu.memory_space<semaphore_mem>>
      %dma_start3A_367 = arith.constant 0 : i32
      %dma_start3A_368 = tpu.memref_slice %arg9[%add3A_82, %dma_start3A_367] : memref<10000x128xf32, #tpu.memory_space<vmem_shared>> -> memref<32x128xf32, #tpu.memory_space<vmem_shared>>
      %dma_start3A_369 = arith.constant 0 : i32
      %dma_start3A_370 = tpu.memref_slice %arg9[%add3A_82, %dma_start3A_369] : memref<10000x128xf32, #tpu.memory_space<vmem_shared>> -> memref<32x128xf32, #tpu.memory_space<vmem_shared>>
      tpu.enqueue_dma source(%arg17 : memref<32x128xf32, #tpu.memory_space<vmem>>) target(%dma_start3A_370 : memref<32x128xf32, #tpu.memory_space<vmem_shared>>) target_semaphore(%run_scoped3A_366 : memref<!tpu.dma_semaphore, #tpu.memory_space<semaphore_mem>>)
      %dma_wait3A_371 = arith.constant 0 : i32
      %dma_wait3A_372 = tpu.memref_slice %arg9[%add3A_82, %dma_wait3A_371] : memref<10000x128xf32, #tpu.memory_space<vmem_shared>> -> memref<32x128xf32, #tpu.memory_space<vmem_shared>>
      %dma_wait3A_373 = arith.constant 0 : i32
      %dma_wait3A_374 = tpu.memref_slice %arg9[%add3A_82, %dma_wait3A_373] : memref<10000x128xf32, #tpu.memory_space<vmem_shared>> -> memref<32x128xf32, #tpu.memory_space<vmem_shared>>
      tpu.wait_dma2 semaphore(%run_scoped3A_366 : memref<!tpu.dma_semaphore, #tpu.memory_space<semaphore_mem>>) src(%arg17 : memref<32x128xf32, #tpu.memory_space<vmem>>) dst(%dma_wait3A_374 : memref<32x128xf32, #tpu.memory_space<vmem_shared>>)
      tpu.yield
    }) : () -> ()
    "tpu.region"() ({
      %run_scoped3A_366 = tpu.sem_alloc : memref<!tpu.dma_semaphore, #tpu.memory_space<semaphore_mem>>
      %dma_start3A_367 = arith.constant 0 : i32
      %dma_start3A_368 = tpu.memref_slice %arg10[%add3A_82, %dma_start3A_367] : memref<10000x16xf32, #tpu.memory_space<vmem_shared>> -> memref<32x16xf32, #tpu.memory_space<vmem_shared>>
      %dma_start3A_369 = arith.constant 0 : i32
      %dma_start3A_370 = tpu.memref_slice %arg10[%add3A_82, %dma_start3A_369] : memref<10000x16xf32, #tpu.memory_space<vmem_shared>> -> memref<32x16xf32, #tpu.memory_space<vmem_shared>>
      tpu.enqueue_dma source(%arg21 : memref<32x16xf32, #tpu.memory_space<vmem>>) target(%dma_start3A_370 : memref<32x16xf32, #tpu.memory_space<vmem_shared>>) target_semaphore(%run_scoped3A_366 : memref<!tpu.dma_semaphore, #tpu.memory_space<semaphore_mem>>)
      %dma_wait3A_371 = arith.constant 0 : i32
      %dma_wait3A_372 = tpu.memref_slice %arg10[%add3A_82, %dma_wait3A_371] : memref<10000x16xf32, #tpu.memory_space<vmem_shared>> -> memref<32x16xf32, #tpu.memory_space<vmem_shared>>
      %dma_wait3A_373 = arith.constant 0 : i32
      %dma_wait3A_374 = tpu.memref_slice %arg10[%add3A_82, %dma_wait3A_373] : memref<10000x16xf32, #tpu.memory_space<vmem_shared>> -> memref<32x16xf32, #tpu.memory_space<vmem_shared>>
      tpu.wait_dma2 semaphore(%run_scoped3A_366 : memref<!tpu.dma_semaphore, #tpu.memory_space<semaphore_mem>>) src(%arg21 : memref<32x16xf32, #tpu.memory_space<vmem>>) dst(%dma_wait3A_374 : memref<32x16xf32, #tpu.memory_space<vmem_shared>>)
      tpu.yield
    }) : () -> ()
    %mul3A_83 = arith.constant 625 : i32
    %mul3A_84 = arith.muli %arg1, %mul3A_83 : i32
    %add3A_85 = arith.constant 608 : i32
    %add3A_86 = arith.addi %mul3A_84, %add3A_85 : i32
    "tpu.region"() ({
      %run_scoped3A_366 = tpu.sem_alloc : memref<!tpu.dma_semaphore, #tpu.memory_space<semaphore_mem>>
      %dma_start3A_367 = arith.constant 0 : i32
      %dma_start3A_368 = arith.constant 0 : i32
      %dma_start3A_369 = tpu.memref_slice %arg17[%dma_start3A_367, %dma_start3A_368] : memref<32x128xf32, #tpu.memory_space<vmem>> -> memref<17x128xf32, #tpu.memory_space<vmem>>
      %dma_start3A_370 = arith.constant 0 : i32
      %dma_start3A_371 = tpu.memref_slice %arg9[%add3A_86, %dma_start3A_370] : memref<10000x128xf32, #tpu.memory_space<vmem_shared>> -> memref<17x128xf32, #tpu.memory_space<vmem_shared>>
      %dma_start3A_372 = arith.constant 0 : i32
      %dma_start3A_373 = tpu.memref_slice %arg9[%add3A_86, %dma_start3A_372] : memref<10000x128xf32, #tpu.memory_space<vmem_shared>> -> memref<17x128xf32, #tpu.memory_space<vmem_shared>>
      %dma_start3A_374 = arith.constant 0 : i32
      %dma_start3A_375 = arith.constant 0 : i32
      %dma_start3A_376 = tpu.memref_slice %arg17[%dma_start3A_374, %dma_start3A_375] : memref<32x128xf32, #tpu.memory_space<vmem>> -> memref<17x128xf32, #tpu.memory_space<vmem>>
      tpu.enqueue_dma source(%dma_start3A_376 : memref<17x128xf32, #tpu.memory_space<vmem>>) target(%dma_start3A_373 : memref<17x128xf32, #tpu.memory_space<vmem_shared>>) target_semaphore(%run_scoped3A_366 : memref<!tpu.dma_semaphore, #tpu.memory_space<semaphore_mem>>)
      %dma_wait3A_377 = arith.constant 0 : i32
      %dma_wait3A_378 = arith.constant 0 : i32
      %dma_wait3A_379 = tpu.memref_slice %arg17[%dma_wait3A_377, %dma_wait3A_378] : memref<32x128xf32, #tpu.memory_space<vmem>> -> memref<17x128xf32, #tpu.memory_space<vmem>>
      %dma_wait3A_380 = arith.constant 0 : i32
      %dma_wait3A_381 = tpu.memref_slice %arg9[%add3A_86, %dma_wait3A_380] : memref<10000x128xf32, #tpu.memory_space<vmem_shared>> -> memref<17x128xf32, #tpu.memory_space<vmem_shared>>
      %dma_wait3A_382 = arith.constant 0 : i32
      %dma_wait3A_383 = tpu.memref_slice %arg9[%add3A_86, %dma_wait3A_382] : memref<10000x128xf32, #tpu.memory_space<vmem_shared>> -> memref<17x128xf32, #tpu.memory_space<vmem_shared>>
      %dma_wait3A_384 = arith.constant 0 : i32
      %dma_wait3A_385 = arith.constant 0 : i32
      %dma_wait3A_386 = tpu.memref_slice %arg17[%dma_wait3A_384, %dma_wait3A_385] : memref<32x128xf32, #tpu.memory_space<vmem>> -> memref<17x128xf32, #tpu.memory_space<vmem>>
      tpu.wait_dma2 semaphore(%run_scoped3A_366 : memref<!tpu.dma_semaphore, #tpu.memory_space<semaphore_mem>>) src(%dma_wait3A_386 : memref<17x128xf32, #tpu.memory_space<vmem>>) dst(%dma_wait3A_383 : memref<17x128xf32, #tpu.memory_space<vmem_shared>>)
      tpu.yield
    }) : () -> ()
    "tpu.region"() ({
      %run_scoped3A_366 = tpu.sem_alloc : memref<!tpu.dma_semaphore, #tpu.memory_space<semaphore_mem>>
      %dma_start3A_367 = arith.constant 0 : i32
      %dma_start3A_368 = arith.constant 0 : i32
      %dma_start3A_369 = tpu.memref_slice %arg21[%dma_start3A_367, %dma_start3A_368] : memref<32x16xf32, #tpu.memory_space<vmem>> -> memref<17x16xf32, #tpu.memory_space<vmem>>
      %dma_start3A_370 = arith.constant 0 : i32
      %dma_start3A_371 = tpu.memref_slice %arg10[%add3A_86, %dma_start3A_370] : memref<10000x16xf32, #tpu.memory_space<vmem_shared>> -> memref<17x16xf32, #tpu.memory_space<vmem_shared>>
      %dma_start3A_372 = arith.constant 0 : i32
      %dma_start3A_373 = tpu.memref_slice %arg10[%add3A_86, %dma_start3A_372] : memref<10000x16xf32, #tpu.memory_space<vmem_shared>> -> memref<17x16xf32, #tpu.memory_space<vmem_shared>>
      %dma_start3A_374 = arith.constant 0 : i32
      %dma_start3A_375 = arith.constant 0 : i32
      %dma_start3A_376 = tpu.memref_slice %arg21[%dma_start3A_374, %dma_start3A_375] : memref<32x16xf32, #tpu.memory_space<vmem>> -> memref<17x16xf32, #tpu.memory_space<vmem>>
      tpu.enqueue_dma source(%dma_start3A_376 : memref<17x16xf32, #tpu.memory_space<vmem>>) target(%dma_start3A_373 : memref<17x16xf32, #tpu.memory_space<vmem_shared>>) target_semaphore(%run_scoped3A_366 : memref<!tpu.dma_semaphore, #tpu.memory_space<semaphore_mem>>)
      %dma_wait3A_377 = arith.constant 0 : i32
      %dma_wait3A_378 = arith.constant 0 : i32
      %dma_wait3A_379 = tpu.memref_slice %arg21[%dma_wait3A_377, %dma_wait3A_378] : memref<32x16xf32, #tpu.memory_space<vmem>> -> memref<17x16xf32, #tpu.memory_space<vmem>>
      %dma_wait3A_380 = arith.constant 0 : i32
      %dma_wait3A_381 = tpu.memref_slice %arg10[%add3A_86, %dma_wait3A_380] : memref<10000x16xf32, #tpu.memory_space<vmem_shared>> -> memref<17x16xf32, #tpu.memory_space<vmem_shared>>
      %dma_wait3A_382 = arith.constant 0 : i32
      %dma_wait3A_383 = tpu.memref_slice %arg10[%add3A_86, %dma_wait3A_382] : memref<10000x16xf32, #tpu.memory_space<vmem_shared>> -> memref<17x16xf32, #tpu.memory_space<vmem_shared>>
      %dma_wait3A_384 = arith.constant 0 : i32
      %dma_wait3A_385 = arith.constant 0 : i32
      %dma_wait3A_386 = tpu.memref_slice %arg21[%dma_wait3A_384, %dma_wait3A_385] : memref<32x16xf32, #tpu.memory_space<vmem>> -> memref<17x16xf32, #tpu.memory_space<vmem>>
      tpu.wait_dma2 semaphore(%run_scoped3A_366 : memref<!tpu.dma_semaphore, #tpu.memory_space<semaphore_mem>>) src(%dma_wait3A_386 : memref<17x16xf32, #tpu.memory_space<vmem>>) dst(%dma_wait3A_383 : memref<17x16xf32, #tpu.memory_space<vmem_shared>>)
      tpu.yield
    }) : () -> ()
    %barrier3A = arith.constant 0 : index
    tpu.barrier barrier_id(%barrier3A)
    %iota3A = tpu.iota {dimensions = array<i32: 0>} : vector<16xi32>
    %mul3A_87 = arith.constant 8 : i32
    %mul3A_88 = vector.broadcast %mul3A_87 : i32 to vector<16xi32>
    %mul3A_89 = arith.muli %iota3A, %mul3A_88 : vector<16xi32>
    %add3A_90 = arith.constant 0 : i32
    %add3A_91 = vector.broadcast %add3A_90 : i32 to vector<16xi32>
    %add3A_92 = arith.addi %mul3A_89, %add3A_91 : vector<16xi32>
    %mul3A_93 = arith.constant 8 : i32
    %mul3A_94 = vector.broadcast %mul3A_93 : i32 to vector<16xi32>
    %mul3A_95 = arith.muli %iota3A, %mul3A_94 : vector<16xi32>
    %add3A_96 = arith.constant 1 : i32
    %add3A_97 = vector.broadcast %add3A_96 : i32 to vector<16xi32>
    %add3A_98 = arith.addi %mul3A_95, %add3A_97 : vector<16xi32>
    %mul3A_99 = arith.constant 8 : i32
    %mul3A_100 = vector.broadcast %mul3A_99 : i32 to vector<16xi32>
    %mul3A_101 = arith.muli %iota3A, %mul3A_100 : vector<16xi32>
    %add3A_102 = arith.constant 2 : i32
    %add3A_103 = vector.broadcast %add3A_102 : i32 to vector<16xi32>
    %add3A_104 = arith.addi %mul3A_101, %add3A_103 : vector<16xi32>
    %mul3A_105 = arith.constant 8 : i32
    %mul3A_106 = vector.broadcast %mul3A_105 : i32 to vector<16xi32>
    %mul3A_107 = arith.muli %iota3A, %mul3A_106 : vector<16xi32>
    %add3A_108 = arith.constant 3 : i32
    %add3A_109 = vector.broadcast %add3A_108 : i32 to vector<16xi32>
    %add3A_110 = arith.addi %mul3A_107, %add3A_109 : vector<16xi32>
    %mul3A_111 = arith.constant 8 : i32
    %mul3A_112 = vector.broadcast %mul3A_111 : i32 to vector<16xi32>
    %mul3A_113 = arith.muli %iota3A, %mul3A_112 : vector<16xi32>
    %add3A_114 = arith.constant 4 : i32
    %add3A_115 = vector.broadcast %add3A_114 : i32 to vector<16xi32>
    %add3A_116 = arith.addi %mul3A_113, %add3A_115 : vector<16xi32>
    %mul3A_117 = arith.constant 8 : i32
    %mul3A_118 = vector.broadcast %mul3A_117 : i32 to vector<16xi32>
    %mul3A_119 = arith.muli %iota3A, %mul3A_118 : vector<16xi32>
    %add3A_120 = arith.constant 5 : i32
    %add3A_121 = vector.broadcast %add3A_120 : i32 to vector<16xi32>
    %add3A_122 = arith.addi %mul3A_119, %add3A_121 : vector<16xi32>
    %mul3A_123 = arith.constant 8 : i32
    %mul3A_124 = vector.broadcast %mul3A_123 : i32 to vector<16xi32>
    %mul3A_125 = arith.muli %iota3A, %mul3A_124 : vector<16xi32>
    %add3A_126 = arith.constant 6 : i32
    %add3A_127 = vector.broadcast %add3A_126 : i32 to vector<16xi32>
    %add3A_128 = arith.addi %mul3A_125, %add3A_127 : vector<16xi32>
    %mul3A_129 = arith.constant 8 : i32
    %mul3A_130 = vector.broadcast %mul3A_129 : i32 to vector<16xi32>
    %mul3A_131 = arith.muli %iota3A, %mul3A_130 : vector<16xi32>
    %add3A_132 = arith.constant 7 : i32
    %add3A_133 = vector.broadcast %add3A_132 : i32 to vector<16xi32>
    %add3A_134 = arith.addi %mul3A_131, %add3A_133 : vector<16xi32>
    %ge3A = arith.constant 8 : i32
    %ge3A_135 = vector.broadcast %ge3A : i32 to vector<16xi32>
    %ge3A_136 = arith.cmpi sge, %iota3A, %ge3A_135 : vector<16xi32>
    %jit3A = arith.constant 1 : i32
    %jit3A_137 = arith.constant 0 : i32
    %broadcast_in_dim3A_138 = vector.broadcast %jit3A : i32 to vector<16xi32>
    %broadcast_in_dim3A_139 = vector.broadcast %jit3A_137 : i32 to vector<16xi32>
    %select_n3A = arith.select %ge3A_136, %broadcast_in_dim3A_138, %broadcast_in_dim3A_139 : vector<16xi1>, vector<16xi32>
    %mul3A_140 = arith.constant 10000 : i32
    %mul3A_141 = arith.muli %add3A, %mul3A_140 : i32
    %add3A_142 = arith.constant 0 : i32
    %add3A_143 = arith.addi %mul3A_141, %add3A_142 : i32
    "tpu.region"() ({
      %run_scoped3A_366 = tpu.sem_alloc : memref<!tpu.dma_semaphore, #tpu.memory_space<semaphore_mem>>
      %dma_start3A_367 = arith.constant 0 : i32
      %dma_start3A_368 = tpu.memref_slice %arg2[%dma_start3A_367, %add3A_143] : memref<2x320000xi32, #tpu.memory_space<hbm>> -> memref<2x32xi32, #tpu.memory_space<hbm>>
      %dma_start3A_369 = arith.constant 0 : i32
      %dma_start3A_370 = tpu.memref_slice %arg2[%dma_start3A_369, %add3A_143] : memref<2x320000xi32, #tpu.memory_space<hbm>> -> memref<2x32xi32, #tpu.memory_space<hbm>>
      tpu.enqueue_dma source(%dma_start3A_370 : memref<2x32xi32, #tpu.memory_space<hbm>>) target(%arg11 : memref<2x32xi32, #tpu.memory_space<vmem>>) target_semaphore(%run_scoped3A_366 : memref<!tpu.dma_semaphore, #tpu.memory_space<semaphore_mem>>)
      %dma_wait3A_371 = arith.constant 0 : i32
      %dma_wait3A_372 = tpu.memref_slice %arg2[%dma_wait3A_371, %add3A_143] : memref<2x320000xi32, #tpu.memory_space<hbm>> -> memref<2x32xi32, #tpu.memory_space<hbm>>
      %dma_wait3A_373 = arith.constant 0 : i32
      %dma_wait3A_374 = tpu.memref_slice %arg2[%dma_wait3A_373, %add3A_143] : memref<2x320000xi32, #tpu.memory_space<hbm>> -> memref<2x32xi32, #tpu.memory_space<hbm>>
      tpu.wait_dma2 semaphore(%run_scoped3A_366 : memref<!tpu.dma_semaphore, #tpu.memory_space<semaphore_mem>>) src(%dma_wait3A_374 : memref<2x32xi32, #tpu.memory_space<hbm>>) dst(%arg11 : memref<2x32xi32, #tpu.memory_space<vmem>>)
      tpu.yield
    }) : () -> ()
    %run_scoped3A = arith.constant 1 : i32
    "tpu.region"() ({
      %run_scoped3A_366 = tpu.sem_alloc : memref<!tpu.dma_semaphore, #tpu.memory_space<semaphore_mem>>
      %dma_start3A_367 = tpu.memref_slice %arg2[%run_scoped3A, %add3A_143] : memref<2x320000xi32, #tpu.memory_space<hbm>> -> memref<1x32xi32, #tpu.memory_space<hbm>>
      %dma_start3A_368 = tpu.memref_squeeze %dma_start3A_367 : memref<1x32xi32, #tpu.memory_space<hbm>> -> memref<32xi32, #tpu.memory_space<hbm>>
      %dma_start3A_369 = tpu.memref_slice %arg2[%run_scoped3A, %add3A_143] : memref<2x320000xi32, #tpu.memory_space<hbm>> -> memref<1x32xi32, #tpu.memory_space<hbm>>
      %dma_start3A_370 = tpu.memref_squeeze %dma_start3A_369 : memref<1x32xi32, #tpu.memory_space<hbm>> -> memref<32xi32, #tpu.memory_space<hbm>>
      tpu.enqueue_dma source(%dma_start3A_370 : memref<32xi32, #tpu.memory_space<hbm>>) target(%arg13 : memref<32xi32, #tpu.memory_space<vmem>>) target_semaphore(%run_scoped3A_366 : memref<!tpu.dma_semaphore, #tpu.memory_space<semaphore_mem>>)
      %dma_wait3A_371 = tpu.memref_slice %arg2[%run_scoped3A, %add3A_143] : memref<2x320000xi32, #tpu.memory_space<hbm>> -> memref<1x32xi32, #tpu.memory_space<hbm>>
      %dma_wait3A_372 = tpu.memref_squeeze %dma_wait3A_371 : memref<1x32xi32, #tpu.memory_space<hbm>> -> memref<32xi32, #tpu.memory_space<hbm>>
      %dma_wait3A_373 = tpu.memref_slice %arg2[%run_scoped3A, %add3A_143] : memref<2x320000xi32, #tpu.memory_space<hbm>> -> memref<1x32xi32, #tpu.memory_space<hbm>>
      %dma_wait3A_374 = tpu.memref_squeeze %dma_wait3A_373 : memref<1x32xi32, #tpu.memory_space<hbm>> -> memref<32xi32, #tpu.memory_space<hbm>>
      tpu.wait_dma2 semaphore(%run_scoped3A_366 : memref<!tpu.dma_semaphore, #tpu.memory_space<semaphore_mem>>) src(%dma_wait3A_374 : memref<32xi32, #tpu.memory_space<hbm>>) dst(%arg13 : memref<32xi32, #tpu.memory_space<vmem>>)
      tpu.yield
    }) : () -> ()
    %dma_start3A = arith.constant 1 : i32
    %dma_start3A_144 = arith.constant 0 : i32
    %dma_start3A_145 = tpu.memref_slice %arg11[%dma_start3A, %dma_start3A_144] : memref<2x32xi32, #tpu.memory_space<vmem>> -> memref<1x32xi32, #tpu.memory_space<vmem>>
    %dma_start3A_146 = tpu.memref_squeeze %dma_start3A_145 : memref<1x32xi32, #tpu.memory_space<vmem>> -> memref<32xi32, #tpu.memory_space<vmem>>
    %dma_start3A_147 = arith.constant 0 : i32
    %dma_start3A_148 = arith.constant 0 : i32
    %dma_start3A_149 = tpu.memref_slice %arg3[%dma_start3A_147, %dma_start3A_148] : memref<10000x128xf32, #tpu.memory_space<hbm>> -> memref<10000x128xf32, #tpu.memory_space<hbm>>
    tpu.enqueue_indirect_dma source(%dma_start3A_149 : memref<10000x128xf32, #tpu.memory_space<hbm>>) target(%arg15 : memref<32x128xf32, #tpu.memory_space<vmem>>) offsets(%dma_start3A_146 : memref<32xi32, #tpu.memory_space<vmem>>) semaphore(%arg24 : memref<!tpu.dma_semaphore, #tpu.memory_space<semaphore_mem>>)
    %dma_start3A_150 = arith.constant 0 : i32
    %dma_start3A_151 = arith.constant 0 : i32
    %dma_start3A_152 = tpu.memref_slice %arg11[%dma_start3A_150, %dma_start3A_151] : memref<2x32xi32, #tpu.memory_space<vmem>> -> memref<1x32xi32, #tpu.memory_space<vmem>>
    %dma_start3A_153 = tpu.memref_squeeze %dma_start3A_152 : memref<1x32xi32, #tpu.memory_space<vmem>> -> memref<32xi32, #tpu.memory_space<vmem>>
    %dma_start3A_154 = arith.constant 0 : i32
    %dma_start3A_155 = arith.constant 0 : i32
    %dma_start3A_156 = tpu.memref_slice %arg4[%dma_start3A_154, %dma_start3A_155] : memref<10000x128xf32, #tpu.memory_space<hbm>> -> memref<10000x128xf32, #tpu.memory_space<hbm>>
    tpu.enqueue_indirect_dma source(%dma_start3A_156 : memref<10000x128xf32, #tpu.memory_space<hbm>>) target(%arg17 : memref<32x128xf32, #tpu.memory_space<vmem>>) offsets(%dma_start3A_153 : memref<32xi32, #tpu.memory_space<vmem>>) semaphore(%arg25 : memref<!tpu.dma_semaphore, #tpu.memory_space<semaphore_mem>>)
    %dma_start3A_157 = arith.constant 0 : i32
    %dma_start3A_158 = arith.constant 0 : i32
    %dma_start3A_159 = tpu.memref_slice %arg11[%dma_start3A_157, %dma_start3A_158] : memref<2x32xi32, #tpu.memory_space<vmem>> -> memref<1x32xi32, #tpu.memory_space<vmem>>
    %dma_start3A_160 = tpu.memref_squeeze %dma_start3A_159 : memref<1x32xi32, #tpu.memory_space<vmem>> -> memref<32xi32, #tpu.memory_space<vmem>>
    %dma_start3A_161 = arith.constant 0 : i32
    %dma_start3A_162 = arith.constant 0 : i32
    %dma_start3A_163 = tpu.memref_slice %arg5[%dma_start3A_161, %dma_start3A_162] : memref<10000x128xf32, #tpu.memory_space<hbm>> -> memref<10000x128xf32, #tpu.memory_space<hbm>>
    tpu.enqueue_indirect_dma source(%dma_start3A_163 : memref<10000x128xf32, #tpu.memory_space<hbm>>) target(%arg19 : memref<32x128xf32, #tpu.memory_space<vmem>>) offsets(%dma_start3A_160 : memref<32xi32, #tpu.memory_space<vmem>>) semaphore(%arg26 : memref<!tpu.dma_semaphore, #tpu.memory_space<semaphore_mem>>)
    %dma_start3A_164 = arith.constant 0 : i32
    %dma_start3A_165 = tpu.memref_slice %arg6[%add3A_143, %dma_start3A_164] : memref<320000x128xf32, #tpu.memory_space<hbm>> -> memref<32x128xf32, #tpu.memory_space<hbm>>
    %dma_start3A_166 = arith.constant 0 : i32
    %dma_start3A_167 = tpu.memref_slice %arg6[%add3A_143, %dma_start3A_166] : memref<320000x128xf32, #tpu.memory_space<hbm>> -> memref<32x128xf32, #tpu.memory_space<hbm>>
    tpu.enqueue_dma source(%dma_start3A_167 : memref<32x128xf32, #tpu.memory_space<hbm>>) target(%arg23 : memref<32x128xf32, #tpu.memory_space<vmem>>) target_semaphore(%arg27 : memref<!tpu.dma_semaphore, #tpu.memory_space<semaphore_mem>>)
    %mul3A_168 = arith.constant 10000 : i32
    %mul3A_169 = arith.muli %add3A, %mul3A_168 : i32
    %add3A_170 = arith.constant 0 : i32
    %add3A_171 = arith.addi %mul3A_169, %add3A_170 : i32
    %dma_wait3A = arith.constant 0 : i32
    %dma_wait3A_172 = tpu.memref_slice %arg6[%add3A_171, %dma_wait3A] : memref<320000x128xf32, #tpu.memory_space<hbm>> -> memref<32x128xf32, #tpu.memory_space<hbm>>
    %dma_wait3A_173 = arith.constant 0 : i32
    %dma_wait3A_174 = tpu.memref_slice %arg6[%add3A_171, %dma_wait3A_173] : memref<320000x128xf32, #tpu.memory_space<hbm>> -> memref<32x128xf32, #tpu.memory_space<hbm>>
    tpu.wait_dma2 semaphore(%arg27 : memref<!tpu.dma_semaphore, #tpu.memory_space<semaphore_mem>>) src(%dma_wait3A_174 : memref<32x128xf32, #tpu.memory_space<hbm>>) dst(%arg23 : memref<32x128xf32, #tpu.memory_space<vmem>>)
    %dma_wait3A_175 = arith.constant 1 : i32
    %dma_wait3A_176 = arith.constant 0 : i32
    %dma_wait3A_177 = tpu.memref_slice %arg11[%dma_wait3A_175, %dma_wait3A_176] : memref<2x32xi32, #tpu.memory_space<vmem>> -> memref<1x32xi32, #tpu.memory_space<vmem>>
    %dma_wait3A_178 = tpu.memref_squeeze %dma_wait3A_177 : memref<1x32xi32, #tpu.memory_space<vmem>> -> memref<32xi32, #tpu.memory_space<vmem>>
    %dma_wait3A_179 = arith.constant 0 : i32
    %dma_wait3A_180 = arith.constant 0 : i32
    %dma_wait3A_181 = tpu.memref_slice %arg3[%dma_wait3A_179, %dma_wait3A_180] : memref<10000x128xf32, #tpu.memory_space<hbm>> -> memref<10000x128xf32, #tpu.memory_space<hbm>>
    tpu.wait_indirect_dma semaphore(%arg24 : memref<!tpu.dma_semaphore, #tpu.memory_space<semaphore_mem>>) src(%dma_wait3A_181 : memref<10000x128xf32, #tpu.memory_space<hbm>>) dst(%arg15 : memref<32x128xf32, #tpu.memory_space<vmem>>)
    %dma_wait3A_182 = arith.constant 0 : i32
    %dma_wait3A_183 = arith.constant 0 : i32
    %dma_wait3A_184 = tpu.memref_slice %arg11[%dma_wait3A_182, %dma_wait3A_183] : memref<2x32xi32, #tpu.memory_space<vmem>> -> memref<1x32xi32, #tpu.memory_space<vmem>>
    %dma_wait3A_185 = tpu.memref_squeeze %dma_wait3A_184 : memref<1x32xi32, #tpu.memory_space<vmem>> -> memref<32xi32, #tpu.memory_space<vmem>>
    %dma_wait3A_186 = arith.constant 0 : i32
    %dma_wait3A_187 = arith.constant 0 : i32
    %dma_wait3A_188 = tpu.memref_slice %arg4[%dma_wait3A_186, %dma_wait3A_187] : memref<10000x128xf32, #tpu.memory_space<hbm>> -> memref<10000x128xf32, #tpu.memory_space<hbm>>
    tpu.wait_indirect_dma semaphore(%arg25 : memref<!tpu.dma_semaphore, #tpu.memory_space<semaphore_mem>>) src(%dma_wait3A_188 : memref<10000x128xf32, #tpu.memory_space<hbm>>) dst(%arg17 : memref<32x128xf32, #tpu.memory_space<vmem>>)
    %dma_wait3A_189 = arith.constant 0 : i32
    %dma_wait3A_190 = arith.constant 0 : i32
    %dma_wait3A_191 = tpu.memref_slice %arg11[%dma_wait3A_189, %dma_wait3A_190] : memref<2x32xi32, #tpu.memory_space<vmem>> -> memref<1x32xi32, #tpu.memory_space<vmem>>
    %dma_wait3A_192 = tpu.memref_squeeze %dma_wait3A_191 : memref<1x32xi32, #tpu.memory_space<vmem>> -> memref<32xi32, #tpu.memory_space<vmem>>
    %dma_wait3A_193 = arith.constant 0 : i32
    %dma_wait3A_194 = arith.constant 0 : i32
    %dma_wait3A_195 = tpu.memref_slice %arg5[%dma_wait3A_193, %dma_wait3A_194] : memref<10000x128xf32, #tpu.memory_space<hbm>> -> memref<10000x128xf32, #tpu.memory_space<hbm>>
    tpu.wait_indirect_dma semaphore(%arg26 : memref<!tpu.dma_semaphore, #tpu.memory_space<semaphore_mem>>) src(%dma_wait3A_195 : memref<10000x128xf32, #tpu.memory_space<hbm>>) dst(%arg19 : memref<32x128xf32, #tpu.memory_space<vmem>>)
    %parallel_loop3A = arith.constant 0 : i32
    %parallel_loop3A_196 = arith.constant 32 : i32
    %parallel_loop3A_197 = arith.constant 1 : i32
    scf.for %parallel_loop3A_366 = %parallel_loop3A to %parallel_loop3A_196 step %parallel_loop3A_197  : i32 {
      %parallel_loop3A_367 = vector.broadcast %parallel_loop3A_366 : i32 to vector<16xi32>
      %parallel_loop3A_368 = arith.index_cast %parallel_loop3A_366 : i32 to index
      %parallel_loop3A_369 = arith.constant 0 : index
      %parallel_loop3A_370 = tpu.vector_load %arg23[%parallel_loop3A_368, %parallel_loop3A_369] {strides = array<i32>} : memref<32x128xf32, #tpu.memory_space<vmem>>, vector<16xf32>,
      %parallel_loop3A_371 = arith.index_cast %parallel_loop3A_366 : i32 to index
      %parallel_loop3A_372 = arith.constant 0 : index
      %parallel_loop3A_373 = tpu.vector_load %arg19[%parallel_loop3A_371, %parallel_loop3A_372] {strides = array<i32>} : memref<32x128xf32, #tpu.memory_space<vmem>>, vector<16xf32>,
      %parallel_loop3A_374 = arith.index_cast %parallel_loop3A_366 : i32 to index
      %parallel_loop3A_375 = arith.constant 0 : index
      %parallel_loop3A_376 = tpu.vector_load %arg17[%parallel_loop3A_374, %parallel_loop3A_375] {strides = array<i32>} : memref<32x128xf32, #tpu.memory_space<vmem>>, vector<16xf32>,
      %parallel_loop3A_377 = arith.addf %parallel_loop3A_376, %parallel_loop3A_370 : vector<16xf32>
      %parallel_loop3A_378 = arith.index_cast %parallel_loop3A_366 : i32 to index
      %parallel_loop3A_379 = arith.constant 0 : index
      %parallel_loop3A_380 = tpu.vector_load %arg15[%parallel_loop3A_378, %parallel_loop3A_379] {strides = array<i32>} : memref<32x128xf32, #tpu.memory_space<vmem>>, vector<16xf32>,
      %parallel_loop3A_381 = arith.mulf %parallel_loop3A_380, %parallel_loop3A_377 : vector<16xf32>
      %parallel_loop3A_382 = arith.index_cast %parallel_loop3A_366 : i32 to index
      %parallel_loop3A_383 = arith.constant 0 : index
      %parallel_loop3A_384 = tpu.vector_load %arg17[%parallel_loop3A_382, %parallel_loop3A_383] {strides = array<i32>} : memref<32x128xf32, #tpu.memory_space<vmem>>, vector<16xf32>,
      tpu.vector_store %arg17[%parallel_loop3A_382, %parallel_loop3A_383], %parallel_loop3A_381 {strides = array<i32>} : memref<32x128xf32, #tpu.memory_space<vmem>>, vector<16xf32>,
      %parallel_loop3A_385 = arith.index_cast %parallel_loop3A_366 : i32 to index
      %parallel_loop3A_386 = arith.constant 16 : index
      %parallel_loop3A_387 = tpu.vector_load %arg23[%parallel_loop3A_385, %parallel_loop3A_386] {strides = array<i32>} : memref<32x128xf32, #tpu.memory_space<vmem>>, vector<16xf32>,
      %parallel_loop3A_388 = arith.index_cast %parallel_loop3A_366 : i32 to index
      %parallel_loop3A_389 = arith.constant 16 : index
      %parallel_loop3A_390 = tpu.vector_load %arg19[%parallel_loop3A_388, %parallel_loop3A_389] {strides = array<i32>} : memref<32x128xf32, #tpu.memory_space<vmem>>, vector<16xf32>,
      %parallel_loop3A_391 = arith.index_cast %parallel_loop3A_366 : i32 to index
      %parallel_loop3A_392 = arith.constant 16 : index
      %parallel_loop3A_393 = tpu.vector_load %arg17[%parallel_loop3A_391, %parallel_loop3A_392] {strides = array<i32>} : memref<32x128xf32, #tpu.memory_space<vmem>>, vector<16xf32>,
      %parallel_loop3A_394 = arith.addf %parallel_loop3A_393, %parallel_loop3A_387 : vector<16xf32>
      %parallel_loop3A_395 = arith.index_cast %parallel_loop3A_366 : i32 to index
      %parallel_loop3A_396 = arith.constant 16 : index
      %parallel_loop3A_397 = tpu.vector_load %arg15[%parallel_loop3A_395, %parallel_loop3A_396] {strides = array<i32>} : memref<32x128xf32, #tpu.memory_space<vmem>>, vector<16xf32>,
      %parallel_loop3A_398 = arith.mulf %parallel_loop3A_397, %parallel_loop3A_394 : vector<16xf32>
      %parallel_loop3A_399 = arith.index_cast %parallel_loop3A_366 : i32 to index
      %parallel_loop3A_400 = arith.constant 16 : index
      %parallel_loop3A_401 = tpu.vector_load %arg17[%parallel_loop3A_399, %parallel_loop3A_400] {strides = array<i32>} : memref<32x128xf32, #tpu.memory_space<vmem>>, vector<16xf32>,
      tpu.vector_store %arg17[%parallel_loop3A_399, %parallel_loop3A_400], %parallel_loop3A_398 {strides = array<i32>} : memref<32x128xf32, #tpu.memory_space<vmem>>, vector<16xf32>,
      %parallel_loop3A_402 = arith.index_cast %parallel_loop3A_366 : i32 to index
      %parallel_loop3A_403 = arith.constant 32 : index
      %parallel_loop3A_404 = tpu.vector_load %arg23[%parallel_loop3A_402, %parallel_loop3A_403] {strides = array<i32>} : memref<32x128xf32, #tpu.memory_space<vmem>>, vector<16xf32>,
      %parallel_loop3A_405 = arith.index_cast %parallel_loop3A_366 : i32 to index
      %parallel_loop3A_406 = arith.constant 32 : index
      %parallel_loop3A_407 = tpu.vector_load %arg19[%parallel_loop3A_405, %parallel_loop3A_406] {strides = array<i32>} : memref<32x128xf32, #tpu.memory_space<vmem>>, vector<16xf32>,
      %parallel_loop3A_408 = arith.index_cast %parallel_loop3A_366 : i32 to index
      %parallel_loop3A_409 = arith.constant 32 : index
      %parallel_loop3A_410 = tpu.vector_load %arg17[%parallel_loop3A_408, %parallel_loop3A_409] {strides = array<i32>} : memref<32x128xf32, #tpu.memory_space<vmem>>, vector<16xf32>,
      %parallel_loop3A_411 = arith.addf %parallel_loop3A_410, %parallel_loop3A_404 : vector<16xf32>
      %parallel_loop3A_412 = arith.index_cast %parallel_loop3A_366 : i32 to index
      %parallel_loop3A_413 = arith.constant 32 : index
      %parallel_loop3A_414 = tpu.vector_load %arg15[%parallel_loop3A_412, %parallel_loop3A_413] {strides = array<i32>} : memref<32x128xf32, #tpu.memory_space<vmem>>, vector<16xf32>,
      %parallel_loop3A_415 = arith.mulf %parallel_loop3A_414, %parallel_loop3A_411 : vector<16xf32>
      %parallel_loop3A_416 = arith.index_cast %parallel_loop3A_366 : i32 to index
      %parallel_loop3A_417 = arith.constant 32 : index
      %parallel_loop3A_418 = tpu.vector_load %arg17[%parallel_loop3A_416, %parallel_loop3A_417] {strides = array<i32>} : memref<32x128xf32, #tpu.memory_space<vmem>>, vector<16xf32>,
      tpu.vector_store %arg17[%parallel_loop3A_416, %parallel_loop3A_417], %parallel_loop3A_415 {strides = array<i32>} : memref<32x128xf32, #tpu.memory_space<vmem>>, vector<16xf32>,
      %parallel_loop3A_419 = arith.index_cast %parallel_loop3A_366 : i32 to index
      %parallel_loop3A_420 = arith.constant 48 : index
      %parallel_loop3A_421 = tpu.vector_load %arg23[%parallel_loop3A_419, %parallel_loop3A_420] {strides = array<i32>} : memref<32x128xf32, #tpu.memory_space<vmem>>, vector<16xf32>,
      %parallel_loop3A_422 = arith.index_cast %parallel_loop3A_366 : i32 to index
      %parallel_loop3A_423 = arith.constant 48 : index
      %parallel_loop3A_424 = tpu.vector_load %arg19[%parallel_loop3A_422, %parallel_loop3A_423] {strides = array<i32>} : memref<32x128xf32, #tpu.memory_space<vmem>>, vector<16xf32>,
      %parallel_loop3A_425 = arith.index_cast %parallel_loop3A_366 : i32 to index
      %parallel_loop3A_426 = arith.constant 48 : index
      %parallel_loop3A_427 = tpu.vector_load %arg17[%parallel_loop3A_425, %parallel_loop3A_426] {strides = array<i32>} : memref<32x128xf32, #tpu.memory_space<vmem>>, vector<16xf32>,
      %parallel_loop3A_428 = arith.addf %parallel_loop3A_427, %parallel_loop3A_421 : vector<16xf32>
      %parallel_loop3A_429 = arith.index_cast %parallel_loop3A_366 : i32 to index
      %parallel_loop3A_430 = arith.constant 48 : index
      %parallel_loop3A_431 = tpu.vector_load %arg15[%parallel_loop3A_429, %parallel_loop3A_430] {strides = array<i32>} : memref<32x128xf32, #tpu.memory_space<vmem>>, vector<16xf32>,
      %parallel_loop3A_432 = arith.mulf %parallel_loop3A_431, %parallel_loop3A_428 : vector<16xf32>
      %parallel_loop3A_433 = arith.index_cast %parallel_loop3A_366 : i32 to index
      %parallel_loop3A_434 = arith.constant 48 : index
      %parallel_loop3A_435 = tpu.vector_load %arg17[%parallel_loop3A_433, %parallel_loop3A_434] {strides = array<i32>} : memref<32x128xf32, #tpu.memory_space<vmem>>, vector<16xf32>,
      tpu.vector_store %arg17[%parallel_loop3A_433, %parallel_loop3A_434], %parallel_loop3A_432 {strides = array<i32>} : memref<32x128xf32, #tpu.memory_space<vmem>>, vector<16xf32>,
      %parallel_loop3A_436 = arith.index_cast %parallel_loop3A_366 : i32 to index
      %parallel_loop3A_437 = arith.constant 64 : index
      %parallel_loop3A_438 = tpu.vector_load %arg23[%parallel_loop3A_436, %parallel_loop3A_437] {strides = array<i32>} : memref<32x128xf32, #tpu.memory_space<vmem>>, vector<16xf32>,
      %parallel_loop3A_439 = arith.index_cast %parallel_loop3A_366 : i32 to index
      %parallel_loop3A_440 = arith.constant 64 : index
      %parallel_loop3A_441 = tpu.vector_load %arg19[%parallel_loop3A_439, %parallel_loop3A_440] {strides = array<i32>} : memref<32x128xf32, #tpu.memory_space<vmem>>, vector<16xf32>,
      %parallel_loop3A_442 = arith.index_cast %parallel_loop3A_366 : i32 to index
      %parallel_loop3A_443 = arith.constant 64 : index
      %parallel_loop3A_444 = tpu.vector_load %arg17[%parallel_loop3A_442, %parallel_loop3A_443] {strides = array<i32>} : memref<32x128xf32, #tpu.memory_space<vmem>>, vector<16xf32>,
      %parallel_loop3A_445 = arith.addf %parallel_loop3A_444, %parallel_loop3A_438 : vector<16xf32>
      %parallel_loop3A_446 = arith.index_cast %parallel_loop3A_366 : i32 to index
      %parallel_loop3A_447 = arith.constant 64 : index
      %parallel_loop3A_448 = tpu.vector_load %arg15[%parallel_loop3A_446, %parallel_loop3A_447] {strides = array<i32>} : memref<32x128xf32, #tpu.memory_space<vmem>>, vector<16xf32>,
      %parallel_loop3A_449 = arith.mulf %parallel_loop3A_448, %parallel_loop3A_445 : vector<16xf32>
      %parallel_loop3A_450 = arith.index_cast %parallel_loop3A_366 : i32 to index
      %parallel_loop3A_451 = arith.constant 64 : index
      %parallel_loop3A_452 = tpu.vector_load %arg17[%parallel_loop3A_450, %parallel_loop3A_451] {strides = array<i32>} : memref<32x128xf32, #tpu.memory_space<vmem>>, vector<16xf32>,
      tpu.vector_store %arg17[%parallel_loop3A_450, %parallel_loop3A_451], %parallel_loop3A_449 {strides = array<i32>} : memref<32x128xf32, #tpu.memory_space<vmem>>, vector<16xf32>,
      %parallel_loop3A_453 = arith.index_cast %parallel_loop3A_366 : i32 to index
      %parallel_loop3A_454 = arith.constant 80 : index
      %parallel_loop3A_455 = tpu.vector_load %arg23[%parallel_loop3A_453, %parallel_loop3A_454] {strides = array<i32>} : memref<32x128xf32, #tpu.memory_space<vmem>>, vector<16xf32>,
      %parallel_loop3A_456 = arith.index_cast %parallel_loop3A_366 : i32 to index
      %parallel_loop3A_457 = arith.constant 80 : index
      %parallel_loop3A_458 = tpu.vector_load %arg19[%parallel_loop3A_456, %parallel_loop3A_457] {strides = array<i32>} : memref<32x128xf32, #tpu.memory_space<vmem>>, vector<16xf32>,
      %parallel_loop3A_459 = arith.index_cast %parallel_loop3A_366 : i32 to index
      %parallel_loop3A_460 = arith.constant 80 : index
      %parallel_loop3A_461 = tpu.vector_load %arg17[%parallel_loop3A_459, %parallel_loop3A_460] {strides = array<i32>} : memref<32x128xf32, #tpu.memory_space<vmem>>, vector<16xf32>,
      %parallel_loop3A_462 = arith.addf %parallel_loop3A_461, %parallel_loop3A_455 : vector<16xf32>
      %parallel_loop3A_463 = arith.index_cast %parallel_loop3A_366 : i32 to index
      %parallel_loop3A_464 = arith.constant 80 : index
      %parallel_loop3A_465 = tpu.vector_load %arg15[%parallel_loop3A_463, %parallel_loop3A_464] {strides = array<i32>} : memref<32x128xf32, #tpu.memory_space<vmem>>, vector<16xf32>,
      %parallel_loop3A_466 = arith.mulf %parallel_loop3A_465, %parallel_loop3A_462 : vector<16xf32>
      %parallel_loop3A_467 = arith.index_cast %parallel_loop3A_366 : i32 to index
      %parallel_loop3A_468 = arith.constant 80 : index
      %parallel_loop3A_469 = tpu.vector_load %arg17[%parallel_loop3A_467, %parallel_loop3A_468] {strides = array<i32>} : memref<32x128xf32, #tpu.memory_space<vmem>>, vector<16xf32>,
      tpu.vector_store %arg17[%parallel_loop3A_467, %parallel_loop3A_468], %parallel_loop3A_466 {strides = array<i32>} : memref<32x128xf32, #tpu.memory_space<vmem>>, vector<16xf32>,
      %parallel_loop3A_470 = arith.index_cast %parallel_loop3A_366 : i32 to index
      %parallel_loop3A_471 = arith.constant 96 : index
      %parallel_loop3A_472 = tpu.vector_load %arg23[%parallel_loop3A_470, %parallel_loop3A_471] {strides = array<i32>} : memref<32x128xf32, #tpu.memory_space<vmem>>, vector<16xf32>,
      %parallel_loop3A_473 = arith.index_cast %parallel_loop3A_366 : i32 to index
      %parallel_loop3A_474 = arith.constant 96 : index
      %parallel_loop3A_475 = tpu.vector_load %arg19[%parallel_loop3A_473, %parallel_loop3A_474] {strides = array<i32>} : memref<32x128xf32, #tpu.memory_space<vmem>>, vector<16xf32>,
      %parallel_loop3A_476 = arith.index_cast %parallel_loop3A_366 : i32 to index
      %parallel_loop3A_477 = arith.constant 96 : index
      %parallel_loop3A_478 = tpu.vector_load %arg17[%parallel_loop3A_476, %parallel_loop3A_477] {strides = array<i32>} : memref<32x128xf32, #tpu.memory_space<vmem>>, vector<16xf32>,
      %parallel_loop3A_479 = arith.addf %parallel_loop3A_478, %parallel_loop3A_472 : vector<16xf32>
      %parallel_loop3A_480 = arith.index_cast %parallel_loop3A_366 : i32 to index
      %parallel_loop3A_481 = arith.constant 96 : index
      %parallel_loop3A_482 = tpu.vector_load %arg15[%parallel_loop3A_480, %parallel_loop3A_481] {strides = array<i32>} : memref<32x128xf32, #tpu.memory_space<vmem>>, vector<16xf32>,
      %parallel_loop3A_483 = arith.mulf %parallel_loop3A_482, %parallel_loop3A_479 : vector<16xf32>
      %parallel_loop3A_484 = arith.index_cast %parallel_loop3A_366 : i32 to index
      %parallel_loop3A_485 = arith.constant 96 : index
      %parallel_loop3A_486 = tpu.vector_load %arg17[%parallel_loop3A_484, %parallel_loop3A_485] {strides = array<i32>} : memref<32x128xf32, #tpu.memory_space<vmem>>, vector<16xf32>,
      tpu.vector_store %arg17[%parallel_loop3A_484, %parallel_loop3A_485], %parallel_loop3A_483 {strides = array<i32>} : memref<32x128xf32, #tpu.memory_space<vmem>>, vector<16xf32>,
      %parallel_loop3A_487 = arith.index_cast %parallel_loop3A_366 : i32 to index
      %parallel_loop3A_488 = arith.constant 112 : index
      %parallel_loop3A_489 = tpu.vector_load %arg23[%parallel_loop3A_487, %parallel_loop3A_488] {strides = array<i32>} : memref<32x128xf32, #tpu.memory_space<vmem>>, vector<16xf32>,
      %parallel_loop3A_490 = arith.index_cast %parallel_loop3A_366 : i32 to index
      %parallel_loop3A_491 = arith.constant 112 : index
      %parallel_loop3A_492 = tpu.vector_load %arg19[%parallel_loop3A_490, %parallel_loop3A_491] {strides = array<i32>} : memref<32x128xf32, #tpu.memory_space<vmem>>, vector<16xf32>,
      %parallel_loop3A_493 = arith.index_cast %parallel_loop3A_366 : i32 to index
      %parallel_loop3A_494 = arith.constant 112 : index
      %parallel_loop3A_495 = tpu.vector_load %arg17[%parallel_loop3A_493, %parallel_loop3A_494] {strides = array<i32>} : memref<32x128xf32, #tpu.memory_space<vmem>>, vector<16xf32>,
      %parallel_loop3A_496 = arith.addf %parallel_loop3A_495, %parallel_loop3A_489 : vector<16xf32>
      %parallel_loop3A_497 = arith.index_cast %parallel_loop3A_366 : i32 to index
      %parallel_loop3A_498 = arith.constant 112 : index
      %parallel_loop3A_499 = tpu.vector_load %arg15[%parallel_loop3A_497, %parallel_loop3A_498] {strides = array<i32>} : memref<32x128xf32, #tpu.memory_space<vmem>>, vector<16xf32>,
      %parallel_loop3A_500 = arith.mulf %parallel_loop3A_499, %parallel_loop3A_496 : vector<16xf32>
      %parallel_loop3A_501 = arith.index_cast %parallel_loop3A_366 : i32 to index
      %parallel_loop3A_502 = arith.constant 112 : index
      %parallel_loop3A_503 = tpu.vector_load %arg17[%parallel_loop3A_501, %parallel_loop3A_502] {strides = array<i32>} : memref<32x128xf32, #tpu.memory_space<vmem>>, vector<16xf32>,
      tpu.vector_store %arg17[%parallel_loop3A_501, %parallel_loop3A_502], %parallel_loop3A_500 {strides = array<i32>} : memref<32x128xf32, #tpu.memory_space<vmem>>, vector<16xf32>,
      %parallel_loop3A_504 = tpu.vector_load_idx %arg17[%parallel_loop3A_367, %add3A_92] : memref<32x128xf32, #tpu.memory_space<vmem>>[vector<16xi32>, vector<16xi32>], vector<16xf32>,
      %parallel_loop3A_505 = tpu.vector_load_idx %arg17[%parallel_loop3A_367, %add3A_98] : memref<32x128xf32, #tpu.memory_space<vmem>>[vector<16xi32>, vector<16xi32>], vector<16xf32>,
      %parallel_loop3A_506 = arith.addf %parallel_loop3A_504, %parallel_loop3A_505 : vector<16xf32>
      %parallel_loop3A_507 = tpu.vector_load_idx %arg17[%parallel_loop3A_367, %add3A_104] : memref<32x128xf32, #tpu.memory_space<vmem>>[vector<16xi32>, vector<16xi32>], vector<16xf32>,
      %parallel_loop3A_508 = arith.addf %parallel_loop3A_506, %parallel_loop3A_507 : vector<16xf32>
      %parallel_loop3A_509 = tpu.vector_load_idx %arg17[%parallel_loop3A_367, %add3A_110] : memref<32x128xf32, #tpu.memory_space<vmem>>[vector<16xi32>, vector<16xi32>], vector<16xf32>,
      %parallel_loop3A_510 = arith.addf %parallel_loop3A_508, %parallel_loop3A_509 : vector<16xf32>
      %parallel_loop3A_511 = tpu.vector_load_idx %arg17[%parallel_loop3A_367, %add3A_116] : memref<32x128xf32, #tpu.memory_space<vmem>>[vector<16xi32>, vector<16xi32>], vector<16xf32>,
      %parallel_loop3A_512 = arith.addf %parallel_loop3A_510, %parallel_loop3A_511 : vector<16xf32>
      %parallel_loop3A_513 = tpu.vector_load_idx %arg17[%parallel_loop3A_367, %add3A_122] : memref<32x128xf32, #tpu.memory_space<vmem>>[vector<16xi32>, vector<16xi32>], vector<16xf32>,
      %parallel_loop3A_514 = arith.addf %parallel_loop3A_512, %parallel_loop3A_513 : vector<16xf32>
      %parallel_loop3A_515 = tpu.vector_load_idx %arg17[%parallel_loop3A_367, %add3A_128] : memref<32x128xf32, #tpu.memory_space<vmem>>[vector<16xi32>, vector<16xi32>], vector<16xf32>,
      %parallel_loop3A_516 = arith.addf %parallel_loop3A_514, %parallel_loop3A_515 : vector<16xf32>
      %parallel_loop3A_517 = tpu.vector_load_idx %arg17[%parallel_loop3A_367, %add3A_134] : memref<32x128xf32, #tpu.memory_space<vmem>>[vector<16xi32>, vector<16xi32>], vector<16xf32>,
      %parallel_loop3A_518 = arith.addf %parallel_loop3A_516, %parallel_loop3A_517 : vector<16xf32>
      %parallel_loop3A_519 = arith.constant 0.353553385 : f32
      %parallel_loop3A_520 = vector.broadcast %parallel_loop3A_519 : f32 to vector<16xf32>
      %parallel_loop3A_521 = arith.mulf %parallel_loop3A_518, %parallel_loop3A_520 : vector<16xf32>
      %parallel_loop3A_522 = math.exp %parallel_loop3A_521 : vector<16xf32>
      %parallel_loop3A_523 = arith.index_cast %parallel_loop3A_366 : i32 to index
      %parallel_loop3A_524 = arith.constant 0 : index
      %parallel_loop3A_525 = tpu.vector_load %arg21[%parallel_loop3A_523, %parallel_loop3A_524] {strides = array<i32>} : memref<32x16xf32, #tpu.memory_space<vmem>>, vector<16xf32>,
      tpu.vector_store %arg21[%parallel_loop3A_523, %parallel_loop3A_524], %parallel_loop3A_522 {strides = array<i32>} : memref<32x16xf32, #tpu.memory_space<vmem>>, vector<16xf32>,
      %parallel_loop3A_526 = arith.constant 0 : i32
      %parallel_loop3A_527 = vector.broadcast %parallel_loop3A_526 : i32 to vector<16xi32>
      %parallel_loop3A_528 = arith.addi %select_n3A, %parallel_loop3A_527 : vector<16xi32>
      %parallel_loop3A_529 = vector.shape_cast %parallel_loop3A_528 : vector<16xi32> to vector<16x1xi32>
      %parallel_loop3A_530 = vector.shape_cast %parallel_loop3A_529 : vector<16x1xi32> to vector<16xi32>
      %parallel_loop3A_531 = tpu.dynamic_gather %parallel_loop3A_522[%parallel_loop3A_530] in [0] : vector<16xf32>, vector<16xi32> -> vector<16xf32>
      %parallel_loop3A_532 = arith.addf %parallel_loop3A_373, %parallel_loop3A_370 : vector<16xf32>
      %parallel_loop3A_533 = arith.mulf %parallel_loop3A_532, %parallel_loop3A_531 : vector<16xf32>
      %parallel_loop3A_534 = arith.index_cast %parallel_loop3A_366 : i32 to index
      %parallel_loop3A_535 = arith.constant 0 : index
      %parallel_loop3A_536 = tpu.vector_load %arg17[%parallel_loop3A_534, %parallel_loop3A_535] {strides = array<i32>} : memref<32x128xf32, #tpu.memory_space<vmem>>, vector<16xf32>,
      tpu.vector_store %arg17[%parallel_loop3A_534, %parallel_loop3A_535], %parallel_loop3A_533 {strides = array<i32>} : memref<32x128xf32, #tpu.memory_space<vmem>>, vector<16xf32>,
      %parallel_loop3A_537 = arith.constant 2 : i32
      %parallel_loop3A_538 = vector.broadcast %parallel_loop3A_537 : i32 to vector<16xi32>
      %parallel_loop3A_539 = arith.addi %select_n3A, %parallel_loop3A_538 : vector<16xi32>
      %parallel_loop3A_540 = vector.shape_cast %parallel_loop3A_539 : vector<16xi32> to vector<16x1xi32>
      %parallel_loop3A_541 = vector.shape_cast %parallel_loop3A_540 : vector<16x1xi32> to vector<16xi32>
      %parallel_loop3A_542 = tpu.dynamic_gather %parallel_loop3A_522[%parallel_loop3A_541] in [0] : vector<16xf32>, vector<16xi32> -> vector<16xf32>
      %parallel_loop3A_543 = arith.addf %parallel_loop3A_390, %parallel_loop3A_387 : vector<16xf32>
      %parallel_loop3A_544 = arith.mulf %parallel_loop3A_543, %parallel_loop3A_542 : vector<16xf32>
      %parallel_loop3A_545 = arith.index_cast %parallel_loop3A_366 : i32 to index
      %parallel_loop3A_546 = arith.constant 16 : index
      %parallel_loop3A_547 = tpu.vector_load %arg17[%parallel_loop3A_545, %parallel_loop3A_546] {strides = array<i32>} : memref<32x128xf32, #tpu.memory_space<vmem>>, vector<16xf32>,
      tpu.vector_store %arg17[%parallel_loop3A_545, %parallel_loop3A_546], %parallel_loop3A_544 {strides = array<i32>} : memref<32x128xf32, #tpu.memory_space<vmem>>, vector<16xf32>,
      %parallel_loop3A_548 = arith.constant 4 : i32
      %parallel_loop3A_549 = vector.broadcast %parallel_loop3A_548 : i32 to vector<16xi32>
      %parallel_loop3A_550 = arith.addi %select_n3A, %parallel_loop3A_549 : vector<16xi32>
      %parallel_loop3A_551 = vector.shape_cast %parallel_loop3A_550 : vector<16xi32> to vector<16x1xi32>
      %parallel_loop3A_552 = vector.shape_cast %parallel_loop3A_551 : vector<16x1xi32> to vector<16xi32>
      %parallel_loop3A_553 = tpu.dynamic_gather %parallel_loop3A_522[%parallel_loop3A_552] in [0] : vector<16xf32>, vector<16xi32> -> vector<16xf32>
      %parallel_loop3A_554 = arith.addf %parallel_loop3A_407, %parallel_loop3A_404 : vector<16xf32>
      %parallel_loop3A_555 = arith.mulf %parallel_loop3A_554, %parallel_loop3A_553 : vector<16xf32>
      %parallel_loop3A_556 = arith.index_cast %parallel_loop3A_366 : i32 to index
      %parallel_loop3A_557 = arith.constant 32 : index
      %parallel_loop3A_558 = tpu.vector_load %arg17[%parallel_loop3A_556, %parallel_loop3A_557] {strides = array<i32>} : memref<32x128xf32, #tpu.memory_space<vmem>>, vector<16xf32>,
      tpu.vector_store %arg17[%parallel_loop3A_556, %parallel_loop3A_557], %parallel_loop3A_555 {strides = array<i32>} : memref<32x128xf32, #tpu.memory_space<vmem>>, vector<16xf32>,
      %parallel_loop3A_559 = arith.constant 6 : i32
      %parallel_loop3A_560 = vector.broadcast %parallel_loop3A_559 : i32 to vector<16xi32>
      %parallel_loop3A_561 = arith.addi %select_n3A, %parallel_loop3A_560 : vector<16xi32>
      %parallel_loop3A_562 = vector.shape_cast %parallel_loop3A_561 : vector<16xi32> to vector<16x1xi32>
      %parallel_loop3A_563 = vector.shape_cast %parallel_loop3A_562 : vector<16x1xi32> to vector<16xi32>
      %parallel_loop3A_564 = tpu.dynamic_gather %parallel_loop3A_522[%parallel_loop3A_563] in [0] : vector<16xf32>, vector<16xi32> -> vector<16xf32>
      %parallel_loop3A_565 = arith.addf %parallel_loop3A_424, %parallel_loop3A_421 : vector<16xf32>
      %parallel_loop3A_566 = arith.mulf %parallel_loop3A_565, %parallel_loop3A_564 : vector<16xf32>
      %parallel_loop3A_567 = arith.index_cast %parallel_loop3A_366 : i32 to index
      %parallel_loop3A_568 = arith.constant 48 : index
      %parallel_loop3A_569 = tpu.vector_load %arg17[%parallel_loop3A_567, %parallel_loop3A_568] {strides = array<i32>} : memref<32x128xf32, #tpu.memory_space<vmem>>, vector<16xf32>,
      tpu.vector_store %arg17[%parallel_loop3A_567, %parallel_loop3A_568], %parallel_loop3A_566 {strides = array<i32>} : memref<32x128xf32, #tpu.memory_space<vmem>>, vector<16xf32>,
      %parallel_loop3A_570 = arith.constant 8 : i32
      %parallel_loop3A_571 = vector.broadcast %parallel_loop3A_570 : i32 to vector<16xi32>
      %parallel_loop3A_572 = arith.addi %select_n3A, %parallel_loop3A_571 : vector<16xi32>
      %parallel_loop3A_573 = vector.shape_cast %parallel_loop3A_572 : vector<16xi32> to vector<16x1xi32>
      %parallel_loop3A_574 = vector.shape_cast %parallel_loop3A_573 : vector<16x1xi32> to vector<16xi32>
      %parallel_loop3A_575 = tpu.dynamic_gather %parallel_loop3A_522[%parallel_loop3A_574] in [0] : vector<16xf32>, vector<16xi32> -> vector<16xf32>
      %parallel_loop3A_576 = arith.addf %parallel_loop3A_441, %parallel_loop3A_438 : vector<16xf32>
      %parallel_loop3A_577 = arith.mulf %parallel_loop3A_576, %parallel_loop3A_575 : vector<16xf32>
      %parallel_loop3A_578 = arith.index_cast %parallel_loop3A_366 : i32 to index
      %parallel_loop3A_579 = arith.constant 64 : index
      %parallel_loop3A_580 = tpu.vector_load %arg17[%parallel_loop3A_578, %parallel_loop3A_579] {strides = array<i32>} : memref<32x128xf32, #tpu.memory_space<vmem>>, vector<16xf32>,
      tpu.vector_store %arg17[%parallel_loop3A_578, %parallel_loop3A_579], %parallel_loop3A_577 {strides = array<i32>} : memref<32x128xf32, #tpu.memory_space<vmem>>, vector<16xf32>,
      %parallel_loop3A_581 = arith.constant 10 : i32
      %parallel_loop3A_582 = vector.broadcast %parallel_loop3A_581 : i32 to vector<16xi32>
      %parallel_loop3A_583 = arith.addi %select_n3A, %parallel_loop3A_582 : vector<16xi32>
      %parallel_loop3A_584 = vector.shape_cast %parallel_loop3A_583 : vector<16xi32> to vector<16x1xi32>
      %parallel_loop3A_585 = vector.shape_cast %parallel_loop3A_584 : vector<16x1xi32> to vector<16xi32>
      %parallel_loop3A_586 = tpu.dynamic_gather %parallel_loop3A_522[%parallel_loop3A_585] in [0] : vector<16xf32>, vector<16xi32> -> vector<16xf32>
      %parallel_loop3A_587 = arith.addf %parallel_loop3A_458, %parallel_loop3A_455 : vector<16xf32>
      %parallel_loop3A_588 = arith.mulf %parallel_loop3A_587, %parallel_loop3A_586 : vector<16xf32>
      %parallel_loop3A_589 = arith.index_cast %parallel_loop3A_366 : i32 to index
      %parallel_loop3A_590 = arith.constant 80 : index
      %parallel_loop3A_591 = tpu.vector_load %arg17[%parallel_loop3A_589, %parallel_loop3A_590] {strides = array<i32>} : memref<32x128xf32, #tpu.memory_space<vmem>>, vector<16xf32>,
      tpu.vector_store %arg17[%parallel_loop3A_589, %parallel_loop3A_590], %parallel_loop3A_588 {strides = array<i32>} : memref<32x128xf32, #tpu.memory_space<vmem>>, vector<16xf32>,
      %parallel_loop3A_592 = arith.constant 12 : i32
      %parallel_loop3A_593 = vector.broadcast %parallel_loop3A_592 : i32 to vector<16xi32>
      %parallel_loop3A_594 = arith.addi %select_n3A, %parallel_loop3A_593 : vector<16xi32>
      %parallel_loop3A_595 = vector.shape_cast %parallel_loop3A_594 : vector<16xi32> to vector<16x1xi32>
      %parallel_loop3A_596 = vector.shape_cast %parallel_loop3A_595 : vector<16x1xi32> to vector<16xi32>
      %parallel_loop3A_597 = tpu.dynamic_gather %parallel_loop3A_522[%parallel_loop3A_596] in [0] : vector<16xf32>, vector<16xi32> -> vector<16xf32>
      %parallel_loop3A_598 = arith.addf %parallel_loop3A_475, %parallel_loop3A_472 : vector<16xf32>
      %parallel_loop3A_599 = arith.mulf %parallel_loop3A_598, %parallel_loop3A_597 : vector<16xf32>
      %parallel_loop3A_600 = arith.index_cast %parallel_loop3A_366 : i32 to index
      %parallel_loop3A_601 = arith.constant 96 : index
      %parallel_loop3A_602 = tpu.vector_load %arg17[%parallel_loop3A_600, %parallel_loop3A_601] {strides = array<i32>} : memref<32x128xf32, #tpu.memory_space<vmem>>, vector<16xf32>,
      tpu.vector_store %arg17[%parallel_loop3A_600, %parallel_loop3A_601], %parallel_loop3A_599 {strides = array<i32>} : memref<32x128xf32, #tpu.memory_space<vmem>>, vector<16xf32>,
      %parallel_loop3A_603 = arith.constant 14 : i32
      %parallel_loop3A_604 = vector.broadcast %parallel_loop3A_603 : i32 to vector<16xi32>
      %parallel_loop3A_605 = arith.addi %select_n3A, %parallel_loop3A_604 : vector<16xi32>
      %parallel_loop3A_606 = vector.shape_cast %parallel_loop3A_605 : vector<16xi32> to vector<16x1xi32>
      %parallel_loop3A_607 = vector.shape_cast %parallel_loop3A_606 : vector<16x1xi32> to vector<16xi32>
      %parallel_loop3A_608 = tpu.dynamic_gather %parallel_loop3A_522[%parallel_loop3A_607] in [0] : vector<16xf32>, vector<16xi32> -> vector<16xf32>
      %parallel_loop3A_609 = arith.addf %parallel_loop3A_492, %parallel_loop3A_489 : vector<16xf32>
      %parallel_loop3A_610 = arith.mulf %parallel_loop3A_609, %parallel_loop3A_608 : vector<16xf32>
      %parallel_loop3A_611 = arith.index_cast %parallel_loop3A_366 : i32 to index
      %parallel_loop3A_612 = arith.constant 112 : index
      %parallel_loop3A_613 = tpu.vector_load %arg17[%parallel_loop3A_611, %parallel_loop3A_612] {strides = array<i32>} : memref<32x128xf32, #tpu.memory_space<vmem>>, vector<16xf32>,
      tpu.vector_store %arg17[%parallel_loop3A_611, %parallel_loop3A_612], %parallel_loop3A_610 {strides = array<i32>} : memref<32x128xf32, #tpu.memory_space<vmem>>, vector<16xf32>,
    } {sc.loop_unroll_factor = 4 : i64, sc.parallel_access}
    %dma_start3A_198 = arith.constant 0 : i32
    %dma_start3A_199 = arith.constant 0 : i32
    %dma_start3A_200 = tpu.memref_slice %arg9[%dma_start3A_198, %dma_start3A_199] : memref<10000x128xf32, #tpu.memory_space<vmem_shared>> -> memref<10000x128xf32, #tpu.memory_space<vmem_shared>>
    tpu.enqueue_indirect_dma source(%arg17 : memref<32x128xf32, #tpu.memory_space<vmem>>) target(%dma_start3A_200 : memref<10000x128xf32, #tpu.memory_space<vmem_shared>>) offsets(%arg13 : memref<32xi32, #tpu.memory_space<vmem>>) semaphore(%arg28 : memref<!tpu.dma_semaphore, #tpu.memory_space<semaphore_mem>>) {add = true}
    %dma_start3A_201 = arith.constant 0 : i32
    %dma_start3A_202 = arith.constant 0 : i32
    %dma_start3A_203 = tpu.memref_slice %arg10[%dma_start3A_201, %dma_start3A_202] : memref<10000x16xf32, #tpu.memory_space<vmem_shared>> -> memref<10000x16xf32, #tpu.memory_space<vmem_shared>>
    tpu.enqueue_indirect_dma source(%arg21 : memref<32x16xf32, #tpu.memory_space<vmem>>) target(%dma_start3A_203 : memref<10000x16xf32, #tpu.memory_space<vmem_shared>>) offsets(%arg13 : memref<32xi32, #tpu.memory_space<vmem>>) semaphore(%arg28 : memref<!tpu.dma_semaphore, #tpu.memory_space<semaphore_mem>>) {add = true}
    %mul3A_204 = arith.constant 10000 : i32
    %mul3A_205 = arith.muli %add3A, %mul3A_204 : i32
    %add3A_206 = arith.constant 32 : i32
    %add3A_207 = arith.addi %mul3A_205, %add3A_206 : i32
    "tpu.region"() ({
      %run_scoped3A_366 = tpu.sem_alloc : memref<!tpu.dma_semaphore, #tpu.memory_space<semaphore_mem>>
      %dma_start3A_367 = arith.constant 0 : i32
      %dma_start3A_368 = tpu.memref_slice %arg2[%dma_start3A_367, %add3A_207] : memref<2x320000xi32, #tpu.memory_space<hbm>> -> memref<2x32xi32, #tpu.memory_space<hbm>>
      %dma_start3A_369 = arith.constant 0 : i32
      %dma_start3A_370 = tpu.memref_slice %arg2[%dma_start3A_369, %add3A_207] : memref<2x320000xi32, #tpu.memory_space<hbm>> -> memref<2x32xi32, #tpu.memory_space<hbm>>
      tpu.enqueue_dma source(%dma_start3A_370 : memref<2x32xi32, #tpu.memory_space<hbm>>) target(%arg12 : memref<2x32xi32, #tpu.memory_space<vmem>>) target_semaphore(%run_scoped3A_366 : memref<!tpu.dma_semaphore, #tpu.memory_space<semaphore_mem>>)
      %dma_wait3A_371 = arith.constant 0 : i32
      %dma_wait3A_372 = tpu.memref_slice %arg2[%dma_wait3A_371, %add3A_207] : memref<2x320000xi32, #tpu.memory_space<hbm>> -> memref<2x32xi32, #tpu.memory_space<hbm>>
      %dma_wait3A_373 = arith.constant 0 : i32
      %dma_wait3A_374 = tpu.memref_slice %arg2[%dma_wait3A_373, %add3A_207] : memref<2x320000xi32, #tpu.memory_space<hbm>> -> memref<2x32xi32, #tpu.memory_space<hbm>>
      tpu.wait_dma2 semaphore(%run_scoped3A_366 : memref<!tpu.dma_semaphore, #tpu.memory_space<semaphore_mem>>) src(%dma_wait3A_374 : memref<2x32xi32, #tpu.memory_space<hbm>>) dst(%arg12 : memref<2x32xi32, #tpu.memory_space<vmem>>)
      tpu.yield
    }) : () -> ()
    %run_scoped3A_208 = arith.constant 1 : i32
    "tpu.region"() ({
      %run_scoped3A_366 = tpu.sem_alloc : memref<!tpu.dma_semaphore, #tpu.memory_space<semaphore_mem>>
      %dma_start3A_367 = tpu.memref_slice %arg2[%run_scoped3A_208, %add3A_207] : memref<2x320000xi32, #tpu.memory_space<hbm>> -> memref<1x32xi32, #tpu.memory_space<hbm>>
      %dma_start3A_368 = tpu.memref_squeeze %dma_start3A_367 : memref<1x32xi32, #tpu.memory_space<hbm>> -> memref<32xi32, #tpu.memory_space<hbm>>
      %dma_start3A_369 = tpu.memref_slice %arg2[%run_scoped3A_208, %add3A_207] : memref<2x320000xi32, #tpu.memory_space<hbm>> -> memref<1x32xi32, #tpu.memory_space<hbm>>
      %dma_start3A_370 = tpu.memref_squeeze %dma_start3A_369 : memref<1x32xi32, #tpu.memory_space<hbm>> -> memref<32xi32, #tpu.memory_space<hbm>>
      tpu.enqueue_dma source(%dma_start3A_370 : memref<32xi32, #tpu.memory_space<hbm>>) target(%arg14 : memref<32xi32, #tpu.memory_space<vmem>>) target_semaphore(%run_scoped3A_366 : memref<!tpu.dma_semaphore, #tpu.memory_space<semaphore_mem>>)
      %dma_wait3A_371 = tpu.memref_slice %arg2[%run_scoped3A_208, %add3A_207] : memref<2x320000xi32, #tpu.memory_space<hbm>> -> memref<1x32xi32, #tpu.memory_space<hbm>>
      %dma_wait3A_372 = tpu.memref_squeeze %dma_wait3A_371 : memref<1x32xi32, #tpu.memory_space<hbm>> -> memref<32xi32, #tpu.memory_space<hbm>>
      %dma_wait3A_373 = tpu.memref_slice %arg2[%run_scoped3A_208, %add3A_207] : memref<2x320000xi32, #tpu.memory_space<hbm>> -> memref<1x32xi32, #tpu.memory_space<hbm>>
      %dma_wait3A_374 = tpu.memref_squeeze %dma_wait3A_373 : memref<1x32xi32, #tpu.memory_space<hbm>> -> memref<32xi32, #tpu.memory_space<hbm>>
      tpu.wait_dma2 semaphore(%run_scoped3A_366 : memref<!tpu.dma_semaphore, #tpu.memory_space<semaphore_mem>>) src(%dma_wait3A_374 : memref<32xi32, #tpu.memory_space<hbm>>) dst(%arg14 : memref<32xi32, #tpu.memory_space<vmem>>)
      tpu.yield
    }) : () -> ()
    %dma_start3A_209 = arith.constant 1 : i32
    %dma_start3A_210 = arith.constant 0 : i32
    %dma_start3A_211 = tpu.memref_slice %arg12[%dma_start3A_209, %dma_start3A_210] : memref<2x32xi32, #tpu.memory_space<vmem>> -> memref<1x32xi32, #tpu.memory_space<vmem>>
    %dma_start3A_212 = tpu.memref_squeeze %dma_start3A_211 : memref<1x32xi32, #tpu.memory_space<vmem>> -> memref<32xi32, #tpu.memory_space<vmem>>
    %dma_start3A_213 = arith.constant 0 : i32
    %dma_start3A_214 = arith.constant 0 : i32
    %dma_start3A_215 = tpu.memref_slice %arg3[%dma_start3A_213, %dma_start3A_214] : memref<10000x128xf32, #tpu.memory_space<hbm>> -> memref<10000x128xf32, #tpu.memory_space<hbm>>
    tpu.enqueue_indirect_dma source(%dma_start3A_215 : memref<10000x128xf32, #tpu.memory_space<hbm>>) target(%arg16 : memref<32x128xf32, #tpu.memory_space<vmem>>) offsets(%dma_start3A_212 : memref<32xi32, #tpu.memory_space<vmem>>) semaphore(%arg24 : memref<!tpu.dma_semaphore, #tpu.memory_space<semaphore_mem>>)
    %dma_start3A_216 = arith.constant 0 : i32
    %dma_start3A_217 = arith.constant 0 : i32
    %dma_start3A_218 = tpu.memref_slice %arg12[%dma_start3A_216, %dma_start3A_217] : memref<2x32xi32, #tpu.memory_space<vmem>> -> memref<1x32xi32, #tpu.memory_space<vmem>>
    %dma_start3A_219 = tpu.memref_squeeze %dma_start3A_218 : memref<1x32xi32, #tpu.memory_space<vmem>> -> memref<32xi32, #tpu.memory_space<vmem>>
    %dma_start3A_220 = arith.constant 0 : i32
    %dma_start3A_221 = arith.constant 0 : i32
    %dma_start3A_222 = tpu.memref_slice %arg4[%dma_start3A_220, %dma_start3A_221] : memref<10000x128xf32, #tpu.memory_space<hbm>> -> memref<10000x128xf32, #tpu.memory_space<hbm>>
    tpu.enqueue_indirect_dma source(%dma_start3A_222 : memref<10000x128xf32, #tpu.memory_space<hbm>>) target(%arg18 : memref<32x128xf32, #tpu.memory_space<vmem>>) offsets(%dma_start3A_219 : memref<32xi32, #tpu.memory_space<vmem>>) semaphore(%arg25 : memref<!tpu.dma_semaphore, #tpu.memory_space<semaphore_mem>>)
    %dma_start3A_223 = arith.constant 0 : i32
    %dma_start3A_224 = arith.constant 0 : i32
    %dma_start3A_225 = tpu.memref_slice %arg12[%dma_start3A_223, %dma_start3A_224] : memref<2x32xi32, #tpu.memory_space<vmem>> -> memref<1x32xi32, #tpu.memory_space<vmem>>
    %dma_start3A_226 = tpu.memref_squeeze %dma_start3A_225 : memref<1x32xi32, #tpu.memory_space<vmem>> -> memref<32xi32, #tpu.memory_space<vmem>>
    %dma_start3A_227 = arith.constant 0 : i32
    %dma_start3A_228 = arith.constant 0 : i32
    %dma_start3A_229 = tpu.memref_slice %arg5[%dma_start3A_227, %dma_start3A_228] : memref<10000x128xf32, #tpu.memory_space<hbm>> -> memref<10000x128xf32, #tpu.memory_space<hbm>>
    tpu.enqueue_indirect_dma source(%dma_start3A_229 : memref<10000x128xf32, #tpu.memory_space<hbm>>) target(%arg20 : memref<32x128xf32, #tpu.memory_space<vmem>>) offsets(%dma_start3A_226 : memref<32xi32, #tpu.memory_space<vmem>>) semaphore(%arg26 : memref<!tpu.dma_semaphore, #tpu.memory_space<semaphore_mem>>)
    %dma_start3A_230 = arith.constant 0 : i32
    %dma_start3A_231 = tpu.memref_slice %arg6[%add3A_207, %dma_start3A_230] : memref<320000x128xf32, #tpu.memory_space<hbm>> -> memref<32x128xf32, #tpu.memory_space<hbm>>
    %dma_start3A_232 = arith.constant 0 : i32
    %dma_start3A_233 = tpu.memref_slice %arg6[%add3A_207, %dma_start3A_232] : memref<320000x128xf32, #tpu.memory_space<hbm>> -> memref<32x128xf32, #tpu.memory_space<hbm>>
    tpu.enqueue_dma source(%dma_start3A_233 : memref<32x128xf32, #tpu.memory_space<hbm>>) target(%arg23 : memref<32x128xf32, #tpu.memory_space<vmem>>) target_semaphore(%arg27 : memref<!tpu.dma_semaphore, #tpu.memory_space<semaphore_mem>>)
    %scan3A_234 = arith.constant 0 : i32
    %scan3A_235 = arith.constant 0 : i32
    %scan3A_236 = arith.constant 155 : i32
    %scan3A_237 = arith.addi %scan3A_235, %scan3A_236 : i32
    %scan3A_238 = arith.constant 1 : i32
    scf.for %scan3A_366 = %scan3A_235 to %scan3A_237 step %scan3A_238  : i32 {
      %mul3A_367 = arith.constant 2 : i32
      %mul3A_368 = arith.muli %mul3A_367, %scan3A_366 : i32
      %add3A_369 = arith.constant 1 : i32
      %add3A_370 = arith.addi %add3A_369, %mul3A_368 : i32
      %mul3A_371 = arith.constant 10000 : i32
      %mul3A_372 = arith.muli %add3A, %mul3A_371 : i32
      %mul3A_373 = arith.constant 32 : i32
      %mul3A_374 = arith.muli %add3A_370, %mul3A_373 : i32
      %add3A_375 = arith.addi %mul3A_372, %mul3A_374 : i32
      %dma_wait3A_376 = arith.constant 0 : i32
      %dma_wait3A_377 = tpu.memref_slice %arg6[%add3A_375, %dma_wait3A_376] : memref<320000x128xf32, #tpu.memory_space<hbm>> -> memref<32x128xf32, #tpu.memory_space<hbm>>
      %dma_wait3A_378 = arith.constant 0 : i32
      %dma_wait3A_379 = tpu.memref_slice %arg6[%add3A_375, %dma_wait3A_378] : memref<320000x128xf32, #tpu.memory_space<hbm>> -> memref<32x128xf32, #tpu.memory_space<hbm>>
      tpu.wait_dma2 semaphore(%arg27 : memref<!tpu.dma_semaphore, #tpu.memory_space<semaphore_mem>>) src(%dma_wait3A_379 : memref<32x128xf32, #tpu.memory_space<hbm>>) dst(%arg23 : memref<32x128xf32, #tpu.memory_space<vmem>>)
      %dma_wait3A_380 = arith.constant 1 : i32
      %dma_wait3A_381 = arith.constant 0 : i32
      %dma_wait3A_382 = tpu.memref_slice %arg12[%dma_wait3A_380, %dma_wait3A_381] : memref<2x32xi32, #tpu.memory_space<vmem>> -> memref<1x32xi32, #tpu.memory_space<vmem>>
      %dma_wait3A_383 = tpu.memref_squeeze %dma_wait3A_382 : memref<1x32xi32, #tpu.memory_space<vmem>> -> memref<32xi32, #tpu.memory_space<vmem>>
      %dma_wait3A_384 = arith.constant 0 : i32
      %dma_wait3A_385 = arith.constant 0 : i32
      %dma_wait3A_386 = tpu.memref_slice %arg3[%dma_wait3A_384, %dma_wait3A_385] : memref<10000x128xf32, #tpu.memory_space<hbm>> -> memref<10000x128xf32, #tpu.memory_space<hbm>>
      tpu.wait_indirect_dma semaphore(%arg24 : memref<!tpu.dma_semaphore, #tpu.memory_space<semaphore_mem>>) src(%dma_wait3A_386 : memref<10000x128xf32, #tpu.memory_space<hbm>>) dst(%arg16 : memref<32x128xf32, #tpu.memory_space<vmem>>)
      %dma_wait3A_387 = arith.constant 0 : i32
      %dma_wait3A_388 = arith.constant 0 : i32
      %dma_wait3A_389 = tpu.memref_slice %arg12[%dma_wait3A_387, %dma_wait3A_388] : memref<2x32xi32, #tpu.memory_space<vmem>> -> memref<1x32xi32, #tpu.memory_space<vmem>>
      %dma_wait3A_390 = tpu.memref_squeeze %dma_wait3A_389 : memref<1x32xi32, #tpu.memory_space<vmem>> -> memref<32xi32, #tpu.memory_space<vmem>>
      %dma_wait3A_391 = arith.constant 0 : i32
      %dma_wait3A_392 = arith.constant 0 : i32
      %dma_wait3A_393 = tpu.memref_slice %arg4[%dma_wait3A_391, %dma_wait3A_392] : memref<10000x128xf32, #tpu.memory_space<hbm>> -> memref<10000x128xf32, #tpu.memory_space<hbm>>
      tpu.wait_indirect_dma semaphore(%arg25 : memref<!tpu.dma_semaphore, #tpu.memory_space<semaphore_mem>>) src(%dma_wait3A_393 : memref<10000x128xf32, #tpu.memory_space<hbm>>) dst(%arg18 : memref<32x128xf32, #tpu.memory_space<vmem>>)
      %dma_wait3A_394 = arith.constant 0 : i32
      %dma_wait3A_395 = arith.constant 0 : i32
      %dma_wait3A_396 = tpu.memref_slice %arg12[%dma_wait3A_394, %dma_wait3A_395] : memref<2x32xi32, #tpu.memory_space<vmem>> -> memref<1x32xi32, #tpu.memory_space<vmem>>
      %dma_wait3A_397 = tpu.memref_squeeze %dma_wait3A_396 : memref<1x32xi32, #tpu.memory_space<vmem>> -> memref<32xi32, #tpu.memory_space<vmem>>
      %dma_wait3A_398 = arith.constant 0 : i32
      %dma_wait3A_399 = arith.constant 0 : i32
      %dma_wait3A_400 = tpu.memref_slice %arg5[%dma_wait3A_398, %dma_wait3A_399] : memref<10000x128xf32, #tpu.memory_space<hbm>> -> memref<10000x128xf32, #tpu.memory_space<hbm>>
      tpu.wait_indirect_dma semaphore(%arg26 : memref<!tpu.dma_semaphore, #tpu.memory_space<semaphore_mem>>) src(%dma_wait3A_400 : memref<10000x128xf32, #tpu.memory_space<hbm>>) dst(%arg20 : memref<32x128xf32, #tpu.memory_space<vmem>>)
      %parallel_loop3A_401 = arith.constant 0 : i32
      %parallel_loop3A_402 = arith.constant 32 : i32
      %parallel_loop3A_403 = arith.constant 1 : i32
      scf.for %parallel_loop3A_529 = %parallel_loop3A_401 to %parallel_loop3A_402 step %parallel_loop3A_403  : i32 {
        %parallel_loop3A_530 = vector.broadcast %parallel_loop3A_529 : i32 to vector<16xi32>
        %parallel_loop3A_531 = arith.index_cast %parallel_loop3A_529 : i32 to index
        %parallel_loop3A_532 = arith.constant 0 : index
        %parallel_loop3A_533 = tpu.vector_load %arg23[%parallel_loop3A_531, %parallel_loop3A_532] {strides = array<i32>} : memref<32x128xf32, #tpu.memory_space<vmem>>, vector<16xf32>,
        %parallel_loop3A_534 = arith.index_cast %parallel_loop3A_529 : i32 to index
        %parallel_loop3A_535 = arith.constant 0 : index
        %parallel_loop3A_536 = tpu.vector_load %arg20[%parallel_loop3A_534, %parallel_loop3A_535] {strides = array<i32>} : memref<32x128xf32, #tpu.memory_space<vmem>>, vector<16xf32>,
        %parallel_loop3A_537 = arith.index_cast %parallel_loop3A_529 : i32 to index
        %parallel_loop3A_538 = arith.constant 0 : index
        %parallel_loop3A_539 = tpu.vector_load %arg18[%parallel_loop3A_537, %parallel_loop3A_538] {strides = array<i32>} : memref<32x128xf32, #tpu.memory_space<vmem>>, vector<16xf32>,
        %parallel_loop3A_540 = arith.addf %parallel_loop3A_539, %parallel_loop3A_533 : vector<16xf32>
        %parallel_loop3A_541 = arith.index_cast %parallel_loop3A_529 : i32 to index
        %parallel_loop3A_542 = arith.constant 0 : index
        %parallel_loop3A_543 = tpu.vector_load %arg16[%parallel_loop3A_541, %parallel_loop3A_542] {strides = array<i32>} : memref<32x128xf32, #tpu.memory_space<vmem>>, vector<16xf32>,
        %parallel_loop3A_544 = arith.mulf %parallel_loop3A_543, %parallel_loop3A_540 : vector<16xf32>
        %parallel_loop3A_545 = arith.index_cast %parallel_loop3A_529 : i32 to index
        %parallel_loop3A_546 = arith.constant 0 : index
        %parallel_loop3A_547 = tpu.vector_load %arg18[%parallel_loop3A_545, %parallel_loop3A_546] {strides = array<i32>} : memref<32x128xf32, #tpu.memory_space<vmem>>, vector<16xf32>,
        tpu.vector_store %arg18[%parallel_loop3A_545, %parallel_loop3A_546], %parallel_loop3A_544 {strides = array<i32>} : memref<32x128xf32, #tpu.memory_space<vmem>>, vector<16xf32>,
        %parallel_loop3A_548 = arith.index_cast %parallel_loop3A_529 : i32 to index
        %parallel_loop3A_549 = arith.constant 16 : index
        %parallel_loop3A_550 = tpu.vector_load %arg23[%parallel_loop3A_548, %parallel_loop3A_549] {strides = array<i32>} : memref<32x128xf32, #tpu.memory_space<vmem>>, vector<16xf32>,
        %parallel_loop3A_551 = arith.index_cast %parallel_loop3A_529 : i32 to index
        %parallel_loop3A_552 = arith.constant 16 : index
        %parallel_loop3A_553 = tpu.vector_load %arg20[%parallel_loop3A_551, %parallel_loop3A_552] {strides = array<i32>} : memref<32x128xf32, #tpu.memory_space<vmem>>, vector<16xf32>,
        %parallel_loop3A_554 = arith.index_cast %parallel_loop3A_529 : i32 to index
        %parallel_loop3A_555 = arith.constant 16 : index
        %parallel_loop3A_556 = tpu.vector_load %arg18[%parallel_loop3A_554, %parallel_loop3A_555] {strides = array<i32>} : memref<32x128xf32, #tpu.memory_space<vmem>>, vector<16xf32>,
        %parallel_loop3A_557 = arith.addf %parallel_loop3A_556, %parallel_loop3A_550 : vector<16xf32>
        %parallel_loop3A_558 = arith.index_cast %parallel_loop3A_529 : i32 to index
        %parallel_loop3A_559 = arith.constant 16 : index
        %parallel_loop3A_560 = tpu.vector_load %arg16[%parallel_loop3A_558, %parallel_loop3A_559] {strides = array<i32>} : memref<32x128xf32, #tpu.memory_space<vmem>>, vector<16xf32>,
        %parallel_loop3A_561 = arith.mulf %parallel_loop3A_560, %parallel_loop3A_557 : vector<16xf32>
        %parallel_loop3A_562 = arith.index_cast %parallel_loop3A_529 : i32 to index
        %parallel_loop3A_563 = arith.constant 16 : index
        %parallel_loop3A_564 = tpu.vector_load %arg18[%parallel_loop3A_562, %parallel_loop3A_563] {strides = array<i32>} : memref<32x128xf32, #tpu.memory_space<vmem>>, vector<16xf32>,
        tpu.vector_store %arg18[%parallel_loop3A_562, %parallel_loop3A_563], %parallel_loop3A_561 {strides = array<i32>} : memref<32x128xf32, #tpu.memory_space<vmem>>, vector<16xf32>,
        %parallel_loop3A_565 = arith.index_cast %parallel_loop3A_529 : i32 to index
        %parallel_loop3A_566 = arith.constant 32 : index
        %parallel_loop3A_567 = tpu.vector_load %arg23[%parallel_loop3A_565, %parallel_loop3A_566] {strides = array<i32>} : memref<32x128xf32, #tpu.memory_space<vmem>>, vector<16xf32>,
        %parallel_loop3A_568 = arith.index_cast %parallel_loop3A_529 : i32 to index
        %parallel_loop3A_569 = arith.constant 32 : index
        %parallel_loop3A_570 = tpu.vector_load %arg20[%parallel_loop3A_568, %parallel_loop3A_569] {strides = array<i32>} : memref<32x128xf32, #tpu.memory_space<vmem>>, vector<16xf32>,
        %parallel_loop3A_571 = arith.index_cast %parallel_loop3A_529 : i32 to index
        %parallel_loop3A_572 = arith.constant 32 : index
        %parallel_loop3A_573 = tpu.vector_load %arg18[%parallel_loop3A_571, %parallel_loop3A_572] {strides = array<i32>} : memref<32x128xf32, #tpu.memory_space<vmem>>, vector<16xf32>,
        %parallel_loop3A_574 = arith.addf %parallel_loop3A_573, %parallel_loop3A_567 : vector<16xf32>
        %parallel_loop3A_575 = arith.index_cast %parallel_loop3A_529 : i32 to index
        %parallel_loop3A_576 = arith.constant 32 : index
        %parallel_loop3A_577 = tpu.vector_load %arg16[%parallel_loop3A_575, %parallel_loop3A_576] {strides = array<i32>} : memref<32x128xf32, #tpu.memory_space<vmem>>, vector<16xf32>,
        %parallel_loop3A_578 = arith.mulf %parallel_loop3A_577, %parallel_loop3A_574 : vector<16xf32>
        %parallel_loop3A_579 = arith.index_cast %parallel_loop3A_529 : i32 to index
        %parallel_loop3A_580 = arith.constant 32 : index
        %parallel_loop3A_581 = tpu.vector_load %arg18[%parallel_loop3A_579, %parallel_loop3A_580] {strides = array<i32>} : memref<32x128xf32, #tpu.memory_space<vmem>>, vector<16xf32>,
        tpu.vector_store %arg18[%parallel_loop3A_579, %parallel_loop3A_580], %parallel_loop3A_578 {strides = array<i32>} : memref<32x128xf32, #tpu.memory_space<vmem>>, vector<16xf32>,
        %parallel_loop3A_582 = arith.index_cast %parallel_loop3A_529 : i32 to index
        %parallel_loop3A_583 = arith.constant 48 : index
        %parallel_loop3A_584 = tpu.vector_load %arg23[%parallel_loop3A_582, %parallel_loop3A_583] {strides = array<i32>} : memref<32x128xf32, #tpu.memory_space<vmem>>, vector<16xf32>,
        %parallel_loop3A_585 = arith.index_cast %parallel_loop3A_529 : i32 to index
        %parallel_loop3A_586 = arith.constant 48 : index
        %parallel_loop3A_587 = tpu.vector_load %arg20[%parallel_loop3A_585, %parallel_loop3A_586] {strides = array<i32>} : memref<32x128xf32, #tpu.memory_space<vmem>>, vector<16xf32>,
        %parallel_loop3A_588 = arith.index_cast %parallel_loop3A_529 : i32 to index
        %parallel_loop3A_589 = arith.constant 48 : index
        %parallel_loop3A_590 = tpu.vector_load %arg18[%parallel_loop3A_588, %parallel_loop3A_589] {strides = array<i32>} : memref<32x128xf32, #tpu.memory_space<vmem>>, vector<16xf32>,
        %parallel_loop3A_591 = arith.addf %parallel_loop3A_590, %parallel_loop3A_584 : vector<16xf32>
        %parallel_loop3A_592 = arith.index_cast %parallel_loop3A_529 : i32 to index
        %parallel_loop3A_593 = arith.constant 48 : index
        %parallel_loop3A_594 = tpu.vector_load %arg16[%parallel_loop3A_592, %parallel_loop3A_593] {strides = array<i32>} : memref<32x128xf32, #tpu.memory_space<vmem>>, vector<16xf32>,
        %parallel_loop3A_595 = arith.mulf %parallel_loop3A_594, %parallel_loop3A_591 : vector<16xf32>
        %parallel_loop3A_596 = arith.index_cast %parallel_loop3A_529 : i32 to index
        %parallel_loop3A_597 = arith.constant 48 : index
        %parallel_loop3A_598 = tpu.vector_load %arg18[%parallel_loop3A_596, %parallel_loop3A_597] {strides = array<i32>} : memref<32x128xf32, #tpu.memory_space<vmem>>, vector<16xf32>,
        tpu.vector_store %arg18[%parallel_loop3A_596, %parallel_loop3A_597], %parallel_loop3A_595 {strides = array<i32>} : memref<32x128xf32, #tpu.memory_space<vmem>>, vector<16xf32>,
        %parallel_loop3A_599 = arith.index_cast %parallel_loop3A_529 : i32 to index
        %parallel_loop3A_600 = arith.constant 64 : index
        %parallel_loop3A_601 = tpu.vector_load %arg23[%parallel_loop3A_599, %parallel_loop3A_600] {strides = array<i32>} : memref<32x128xf32, #tpu.memory_space<vmem>>, vector<16xf32>,
        %parallel_loop3A_602 = arith.index_cast %parallel_loop3A_529 : i32 to index
        %parallel_loop3A_603 = arith.constant 64 : index
        %parallel_loop3A_604 = tpu.vector_load %arg20[%parallel_loop3A_602, %parallel_loop3A_603] {strides = array<i32>} : memref<32x128xf32, #tpu.memory_space<vmem>>, vector<16xf32>,
        %parallel_loop3A_605 = arith.index_cast %parallel_loop3A_529 : i32 to index
        %parallel_loop3A_606 = arith.constant 64 : index
        %parallel_loop3A_607 = tpu.vector_load %arg18[%parallel_loop3A_605, %parallel_loop3A_606] {strides = array<i32>} : memref<32x128xf32, #tpu.memory_space<vmem>>, vector<16xf32>,
        %parallel_loop3A_608 = arith.addf %parallel_loop3A_607, %parallel_loop3A_601 : vector<16xf32>
        %parallel_loop3A_609 = arith.index_cast %parallel_loop3A_529 : i32 to index
        %parallel_loop3A_610 = arith.constant 64 : index
        %parallel_loop3A_611 = tpu.vector_load %arg16[%parallel_loop3A_609, %parallel_loop3A_610] {strides = array<i32>} : memref<32x128xf32, #tpu.memory_space<vmem>>, vector<16xf32>,
        %parallel_loop3A_612 = arith.mulf %parallel_loop3A_611, %parallel_loop3A_608 : vector<16xf32>
        %parallel_loop3A_613 = arith.index_cast %parallel_loop3A_529 : i32 to index
        %parallel_loop3A_614 = arith.constant 64 : index
        %parallel_loop3A_615 = tpu.vector_load %arg18[%parallel_loop3A_613, %parallel_loop3A_614] {strides = array<i32>} : memref<32x128xf32, #tpu.memory_space<vmem>>, vector<16xf32>,
        tpu.vector_store %arg18[%parallel_loop3A_613, %parallel_loop3A_614], %parallel_loop3A_612 {strides = array<i32>} : memref<32x128xf32, #tpu.memory_space<vmem>>, vector<16xf32>,
        %parallel_loop3A_616 = arith.index_cast %parallel_loop3A_529 : i32 to index
        %parallel_loop3A_617 = arith.constant 80 : index
        %parallel_loop3A_618 = tpu.vector_load %arg23[%parallel_loop3A_616, %parallel_loop3A_617] {strides = array<i32>} : memref<32x128xf32, #tpu.memory_space<vmem>>, vector<16xf32>,
        %parallel_loop3A_619 = arith.index_cast %parallel_loop3A_529 : i32 to index
        %parallel_loop3A_620 = arith.constant 80 : index
        %parallel_loop3A_621 = tpu.vector_load %arg20[%parallel_loop3A_619, %parallel_loop3A_620] {strides = array<i32>} : memref<32x128xf32, #tpu.memory_space<vmem>>, vector<16xf32>,
        %parallel_loop3A_622 = arith.index_cast %parallel_loop3A_529 : i32 to index
        %parallel_loop3A_623 = arith.constant 80 : index
        %parallel_loop3A_624 = tpu.vector_load %arg18[%parallel_loop3A_622, %parallel_loop3A_623] {strides = array<i32>} : memref<32x128xf32, #tpu.memory_space<vmem>>, vector<16xf32>,
        %parallel_loop3A_625 = arith.addf %parallel_loop3A_624, %parallel_loop3A_618 : vector<16xf32>
        %parallel_loop3A_626 = arith.index_cast %parallel_loop3A_529 : i32 to index
        %parallel_loop3A_627 = arith.constant 80 : index
        %parallel_loop3A_628 = tpu.vector_load %arg16[%parallel_loop3A_626, %parallel_loop3A_627] {strides = array<i32>} : memref<32x128xf32, #tpu.memory_space<vmem>>, vector<16xf32>,
        %parallel_loop3A_629 = arith.mulf %parallel_loop3A_628, %parallel_loop3A_625 : vector<16xf32>
        %parallel_loop3A_630 = arith.index_cast %parallel_loop3A_529 : i32 to index
        %parallel_loop3A_631 = arith.constant 80 : index
        %parallel_loop3A_632 = tpu.vector_load %arg18[%parallel_loop3A_630, %parallel_loop3A_631] {strides = array<i32>} : memref<32x128xf32, #tpu.memory_space<vmem>>, vector<16xf32>,
        tpu.vector_store %arg18[%parallel_loop3A_630, %parallel_loop3A_631], %parallel_loop3A_629 {strides = array<i32>} : memref<32x128xf32, #tpu.memory_space<vmem>>, vector<16xf32>,
        %parallel_loop3A_633 = arith.index_cast %parallel_loop3A_529 : i32 to index
        %parallel_loop3A_634 = arith.constant 96 : index
        %parallel_loop3A_635 = tpu.vector_load %arg23[%parallel_loop3A_633, %parallel_loop3A_634] {strides = array<i32>} : memref<32x128xf32, #tpu.memory_space<vmem>>, vector<16xf32>,
        %parallel_loop3A_636 = arith.index_cast %parallel_loop3A_529 : i32 to index
        %parallel_loop3A_637 = arith.constant 96 : index
        %parallel_loop3A_638 = tpu.vector_load %arg20[%parallel_loop3A_636, %parallel_loop3A_637] {strides = array<i32>} : memref<32x128xf32, #tpu.memory_space<vmem>>, vector<16xf32>,
        %parallel_loop3A_639 = arith.index_cast %parallel_loop3A_529 : i32 to index
        %parallel_loop3A_640 = arith.constant 96 : index
        %parallel_loop3A_641 = tpu.vector_load %arg18[%parallel_loop3A_639, %parallel_loop3A_640] {strides = array<i32>} : memref<32x128xf32, #tpu.memory_space<vmem>>, vector<16xf32>,
        %parallel_loop3A_642 = arith.addf %parallel_loop3A_641, %parallel_loop3A_635 : vector<16xf32>
        %parallel_loop3A_643 = arith.index_cast %parallel_loop3A_529 : i32 to index
        %parallel_loop3A_644 = arith.constant 96 : index
        %parallel_loop3A_645 = tpu.vector_load %arg16[%parallel_loop3A_643, %parallel_loop3A_644] {strides = array<i32>} : memref<32x128xf32, #tpu.memory_space<vmem>>, vector<16xf32>,
        %parallel_loop3A_646 = arith.mulf %parallel_loop3A_645, %parallel_loop3A_642 : vector<16xf32>
        %parallel_loop3A_647 = arith.index_cast %parallel_loop3A_529 : i32 to index
        %parallel_loop3A_648 = arith.constant 96 : index
        %parallel_loop3A_649 = tpu.vector_load %arg18[%parallel_loop3A_647, %parallel_loop3A_648] {strides = array<i32>} : memref<32x128xf32, #tpu.memory_space<vmem>>, vector<16xf32>,
        tpu.vector_store %arg18[%parallel_loop3A_647, %parallel_loop3A_648], %parallel_loop3A_646 {strides = array<i32>} : memref<32x128xf32, #tpu.memory_space<vmem>>, vector<16xf32>,
        %parallel_loop3A_650 = arith.index_cast %parallel_loop3A_529 : i32 to index
        %parallel_loop3A_651 = arith.constant 112 : index
        %parallel_loop3A_652 = tpu.vector_load %arg23[%parallel_loop3A_650, %parallel_loop3A_651] {strides = array<i32>} : memref<32x128xf32, #tpu.memory_space<vmem>>, vector<16xf32>,
        %parallel_loop3A_653 = arith.index_cast %parallel_loop3A_529 : i32 to index
        %parallel_loop3A_654 = arith.constant 112 : index
        %parallel_loop3A_655 = tpu.vector_load %arg20[%parallel_loop3A_653, %parallel_loop3A_654] {strides = array<i32>} : memref<32x128xf32, #tpu.memory_space<vmem>>, vector<16xf32>,
        %parallel_loop3A_656 = arith.index_cast %parallel_loop3A_529 : i32 to index
        %parallel_loop3A_657 = arith.constant 112 : index
        %parallel_loop3A_658 = tpu.vector_load %arg18[%parallel_loop3A_656, %parallel_loop3A_657] {strides = array<i32>} : memref<32x128xf32, #tpu.memory_space<vmem>>, vector<16xf32>,
        %parallel_loop3A_659 = arith.addf %parallel_loop3A_658, %parallel_loop3A_652 : vector<16xf32>
        %parallel_loop3A_660 = arith.index_cast %parallel_loop3A_529 : i32 to index
        %parallel_loop3A_661 = arith.constant 112 : index
        %parallel_loop3A_662 = tpu.vector_load %arg16[%parallel_loop3A_660, %parallel_loop3A_661] {strides = array<i32>} : memref<32x128xf32, #tpu.memory_space<vmem>>, vector<16xf32>,
        %parallel_loop3A_663 = arith.mulf %parallel_loop3A_662, %parallel_loop3A_659 : vector<16xf32>
        %parallel_loop3A_664 = arith.index_cast %parallel_loop3A_529 : i32 to index
        %parallel_loop3A_665 = arith.constant 112 : index
        %parallel_loop3A_666 = tpu.vector_load %arg18[%parallel_loop3A_664, %parallel_loop3A_665] {strides = array<i32>} : memref<32x128xf32, #tpu.memory_space<vmem>>, vector<16xf32>,
        tpu.vector_store %arg18[%parallel_loop3A_664, %parallel_loop3A_665], %parallel_loop3A_663 {strides = array<i32>} : memref<32x128xf32, #tpu.memory_space<vmem>>, vector<16xf32>,
        %parallel_loop3A_667 = tpu.vector_load_idx %arg18[%parallel_loop3A_530, %add3A_92] : memref<32x128xf32, #tpu.memory_space<vmem>>[vector<16xi32>, vector<16xi32>], vector<16xf32>,
        %parallel_loop3A_668 = tpu.vector_load_idx %arg18[%parallel_loop3A_530, %add3A_98] : memref<32x128xf32, #tpu.memory_space<vmem>>[vector<16xi32>, vector<16xi32>], vector<16xf32>,
        %parallel_loop3A_669 = arith.addf %parallel_loop3A_667, %parallel_loop3A_668 : vector<16xf32>
        %parallel_loop3A_670 = tpu.vector_load_idx %arg18[%parallel_loop3A_530, %add3A_104] : memref<32x128xf32, #tpu.memory_space<vmem>>[vector<16xi32>, vector<16xi32>], vector<16xf32>,
        %parallel_loop3A_671 = arith.addf %parallel_loop3A_669, %parallel_loop3A_670 : vector<16xf32>
        %parallel_loop3A_672 = tpu.vector_load_idx %arg18[%parallel_loop3A_530, %add3A_110] : memref<32x128xf32, #tpu.memory_space<vmem>>[vector<16xi32>, vector<16xi32>], vector<16xf32>,
        %parallel_loop3A_673 = arith.addf %parallel_loop3A_671, %parallel_loop3A_672 : vector<16xf32>
        %parallel_loop3A_674 = tpu.vector_load_idx %arg18[%parallel_loop3A_530, %add3A_116] : memref<32x128xf32, #tpu.memory_space<vmem>>[vector<16xi32>, vector<16xi32>], vector<16xf32>,
        %parallel_loop3A_675 = arith.addf %parallel_loop3A_673, %parallel_loop3A_674 : vector<16xf32>
        %parallel_loop3A_676 = tpu.vector_load_idx %arg18[%parallel_loop3A_530, %add3A_122] : memref<32x128xf32, #tpu.memory_space<vmem>>[vector<16xi32>, vector<16xi32>], vector<16xf32>,
        %parallel_loop3A_677 = arith.addf %parallel_loop3A_675, %parallel_loop3A_676 : vector<16xf32>
        %parallel_loop3A_678 = tpu.vector_load_idx %arg18[%parallel_loop3A_530, %add3A_128] : memref<32x128xf32, #tpu.memory_space<vmem>>[vector<16xi32>, vector<16xi32>], vector<16xf32>,
        %parallel_loop3A_679 = arith.addf %parallel_loop3A_677, %parallel_loop3A_678 : vector<16xf32>
        %parallel_loop3A_680 = tpu.vector_load_idx %arg18[%parallel_loop3A_530, %add3A_134] : memref<32x128xf32, #tpu.memory_space<vmem>>[vector<16xi32>, vector<16xi32>], vector<16xf32>,
        %parallel_loop3A_681 = arith.addf %parallel_loop3A_679, %parallel_loop3A_680 : vector<16xf32>
        %parallel_loop3A_682 = arith.constant 0.353553385 : f32
        %parallel_loop3A_683 = vector.broadcast %parallel_loop3A_682 : f32 to vector<16xf32>
        %parallel_loop3A_684 = arith.mulf %parallel_loop3A_681, %parallel_loop3A_683 : vector<16xf32>
        %parallel_loop3A_685 = math.exp %parallel_loop3A_684 : vector<16xf32>
        %parallel_loop3A_686 = arith.index_cast %parallel_loop3A_529 : i32 to index
        %parallel_loop3A_687 = arith.constant 0 : index
        %parallel_loop3A_688 = tpu.vector_load %arg22[%parallel_loop3A_686, %parallel_loop3A_687] {strides = array<i32>} : memref<32x16xf32, #tpu.memory_space<vmem>>, vector<16xf32>,
        tpu.vector_store %arg22[%parallel_loop3A_686, %parallel_loop3A_687], %parallel_loop3A_685 {strides = array<i32>} : memref<32x16xf32, #tpu.memory_space<vmem>>, vector<16xf32>,
        %parallel_loop3A_689 = arith.constant 0 : i32
        %parallel_loop3A_690 = vector.broadcast %parallel_loop3A_689 : i32 to vector<16xi32>
        %parallel_loop3A_691 = arith.addi %select_n3A, %parallel_loop3A_690 : vector<16xi32>
        %parallel_loop3A_692 = vector.shape_cast %parallel_loop3A_691 : vector<16xi32> to vector<16x1xi32>
        %parallel_loop3A_693 = vector.shape_cast %parallel_loop3A_692 : vector<16x1xi32> to vector<16xi32>
        %parallel_loop3A_694 = tpu.dynamic_gather %parallel_loop3A_685[%parallel_loop3A_693] in [0] : vector<16xf32>, vector<16xi32> -> vector<16xf32>
        %parallel_loop3A_695 = arith.addf %parallel_loop3A_536, %parallel_loop3A_533 : vector<16xf32>
        %parallel_loop3A_696 = arith.mulf %parallel_loop3A_695, %parallel_loop3A_694 : vector<16xf32>
        %parallel_loop3A_697 = arith.index_cast %parallel_loop3A_529 : i32 to index
        %parallel_loop3A_698 = arith.constant 0 : index
        %parallel_loop3A_699 = tpu.vector_load %arg18[%parallel_loop3A_697, %parallel_loop3A_698] {strides = array<i32>} : memref<32x128xf32, #tpu.memory_space<vmem>>, vector<16xf32>,
        tpu.vector_store %arg18[%parallel_loop3A_697, %parallel_loop3A_698], %parallel_loop3A_696 {strides = array<i32>} : memref<32x128xf32, #tpu.memory_space<vmem>>, vector<16xf32>,
        %parallel_loop3A_700 = arith.constant 2 : i32
        %parallel_loop3A_701 = vector.broadcast %parallel_loop3A_700 : i32 to vector<16xi32>
        %parallel_loop3A_702 = arith.addi %select_n3A, %parallel_loop3A_701 : vector<16xi32>
        %parallel_loop3A_703 = vector.shape_cast %parallel_loop3A_702 : vector<16xi32> to vector<16x1xi32>
        %parallel_loop3A_704 = vector.shape_cast %parallel_loop3A_703 : vector<16x1xi32> to vector<16xi32>
        %parallel_loop3A_705 = tpu.dynamic_gather %parallel_loop3A_685[%parallel_loop3A_704] in [0] : vector<16xf32>, vector<16xi32> -> vector<16xf32>
        %parallel_loop3A_706 = arith.addf %parallel_loop3A_553, %parallel_loop3A_550 : vector<16xf32>
        %parallel_loop3A_707 = arith.mulf %parallel_loop3A_706, %parallel_loop3A_705 : vector<16xf32>
        %parallel_loop3A_708 = arith.index_cast %parallel_loop3A_529 : i32 to index
        %parallel_loop3A_709 = arith.constant 16 : index
        %parallel_loop3A_710 = tpu.vector_load %arg18[%parallel_loop3A_708, %parallel_loop3A_709] {strides = array<i32>} : memref<32x128xf32, #tpu.memory_space<vmem>>, vector<16xf32>,
        tpu.vector_store %arg18[%parallel_loop3A_708, %parallel_loop3A_709], %parallel_loop3A_707 {strides = array<i32>} : memref<32x128xf32, #tpu.memory_space<vmem>>, vector<16xf32>,
        %parallel_loop3A_711 = arith.constant 4 : i32
        %parallel_loop3A_712 = vector.broadcast %parallel_loop3A_711 : i32 to vector<16xi32>
        %parallel_loop3A_713 = arith.addi %select_n3A, %parallel_loop3A_712 : vector<16xi32>
        %parallel_loop3A_714 = vector.shape_cast %parallel_loop3A_713 : vector<16xi32> to vector<16x1xi32>
        %parallel_loop3A_715 = vector.shape_cast %parallel_loop3A_714 : vector<16x1xi32> to vector<16xi32>
        %parallel_loop3A_716 = tpu.dynamic_gather %parallel_loop3A_685[%parallel_loop3A_715] in [0] : vector<16xf32>, vector<16xi32> -> vector<16xf32>
        %parallel_loop3A_717 = arith.addf %parallel_loop3A_570, %parallel_loop3A_567 : vector<16xf32>
        %parallel_loop3A_718 = arith.mulf %parallel_loop3A_717, %parallel_loop3A_716 : vector<16xf32>
        %parallel_loop3A_719 = arith.index_cast %parallel_loop3A_529 : i32 to index
        %parallel_loop3A_720 = arith.constant 32 : index
        %parallel_loop3A_721 = tpu.vector_load %arg18[%parallel_loop3A_719, %parallel_loop3A_720] {strides = array<i32>} : memref<32x128xf32, #tpu.memory_space<vmem>>, vector<16xf32>,
        tpu.vector_store %arg18[%parallel_loop3A_719, %parallel_loop3A_720], %parallel_loop3A_718 {strides = array<i32>} : memref<32x128xf32, #tpu.memory_space<vmem>>, vector<16xf32>,
        %parallel_loop3A_722 = arith.constant 6 : i32
        %parallel_loop3A_723 = vector.broadcast %parallel_loop3A_722 : i32 to vector<16xi32>
        %parallel_loop3A_724 = arith.addi %select_n3A, %parallel_loop3A_723 : vector<16xi32>
        %parallel_loop3A_725 = vector.shape_cast %parallel_loop3A_724 : vector<16xi32> to vector<16x1xi32>
        %parallel_loop3A_726 = vector.shape_cast %parallel_loop3A_725 : vector<16x1xi32> to vector<16xi32>
        %parallel_loop3A_727 = tpu.dynamic_gather %parallel_loop3A_685[%parallel_loop3A_726] in [0] : vector<16xf32>, vector<16xi32> -> vector<16xf32>
        %parallel_loop3A_728 = arith.addf %parallel_loop3A_587, %parallel_loop3A_584 : vector<16xf32>
        %parallel_loop3A_729 = arith.mulf %parallel_loop3A_728, %parallel_loop3A_727 : vector<16xf32>
        %parallel_loop3A_730 = arith.index_cast %parallel_loop3A_529 : i32 to index
        %parallel_loop3A_731 = arith.constant 48 : index
        %parallel_loop3A_732 = tpu.vector_load %arg18[%parallel_loop3A_730, %parallel_loop3A_731] {strides = array<i32>} : memref<32x128xf32, #tpu.memory_space<vmem>>, vector<16xf32>,
        tpu.vector_store %arg18[%parallel_loop3A_730, %parallel_loop3A_731], %parallel_loop3A_729 {strides = array<i32>} : memref<32x128xf32, #tpu.memory_space<vmem>>, vector<16xf32>,
        %parallel_loop3A_733 = arith.constant 8 : i32
        %parallel_loop3A_734 = vector.broadcast %parallel_loop3A_733 : i32 to vector<16xi32>
        %parallel_loop3A_735 = arith.addi %select_n3A, %parallel_loop3A_734 : vector<16xi32>
        %parallel_loop3A_736 = vector.shape_cast %parallel_loop3A_735 : vector<16xi32> to vector<16x1xi32>
        %parallel_loop3A_737 = vector.shape_cast %parallel_loop3A_736 : vector<16x1xi32> to vector<16xi32>
        %parallel_loop3A_738 = tpu.dynamic_gather %parallel_loop3A_685[%parallel_loop3A_737] in [0] : vector<16xf32>, vector<16xi32> -> vector<16xf32>
        %parallel_loop3A_739 = arith.addf %parallel_loop3A_604, %parallel_loop3A_601 : vector<16xf32>
        %parallel_loop3A_740 = arith.mulf %parallel_loop3A_739, %parallel_loop3A_738 : vector<16xf32>
        %parallel_loop3A_741 = arith.index_cast %parallel_loop3A_529 : i32 to index
        %parallel_loop3A_742 = arith.constant 64 : index
        %parallel_loop3A_743 = tpu.vector_load %arg18[%parallel_loop3A_741, %parallel_loop3A_742] {strides = array<i32>} : memref<32x128xf32, #tpu.memory_space<vmem>>, vector<16xf32>,
        tpu.vector_store %arg18[%parallel_loop3A_741, %parallel_loop3A_742], %parallel_loop3A_740 {strides = array<i32>} : memref<32x128xf32, #tpu.memory_space<vmem>>, vector<16xf32>,
        %parallel_loop3A_744 = arith.constant 10 : i32
        %parallel_loop3A_745 = vector.broadcast %parallel_loop3A_744 : i32 to vector<16xi32>
        %parallel_loop3A_746 = arith.addi %select_n3A, %parallel_loop3A_745 : vector<16xi32>
        %parallel_loop3A_747 = vector.shape_cast %parallel_loop3A_746 : vector<16xi32> to vector<16x1xi32>
        %parallel_loop3A_748 = vector.shape_cast %parallel_loop3A_747 : vector<16x1xi32> to vector<16xi32>
        %parallel_loop3A_749 = tpu.dynamic_gather %parallel_loop3A_685[%parallel_loop3A_748] in [0] : vector<16xf32>, vector<16xi32> -> vector<16xf32>
        %parallel_loop3A_750 = arith.addf %parallel_loop3A_621, %parallel_loop3A_618 : vector<16xf32>
        %parallel_loop3A_751 = arith.mulf %parallel_loop3A_750, %parallel_loop3A_749 : vector<16xf32>
        %parallel_loop3A_752 = arith.index_cast %parallel_loop3A_529 : i32 to index
        %parallel_loop3A_753 = arith.constant 80 : index
        %parallel_loop3A_754 = tpu.vector_load %arg18[%parallel_loop3A_752, %parallel_loop3A_753] {strides = array<i32>} : memref<32x128xf32, #tpu.memory_space<vmem>>, vector<16xf32>,
        tpu.vector_store %arg18[%parallel_loop3A_752, %parallel_loop3A_753], %parallel_loop3A_751 {strides = array<i32>} : memref<32x128xf32, #tpu.memory_space<vmem>>, vector<16xf32>,
        %parallel_loop3A_755 = arith.constant 12 : i32
        %parallel_loop3A_756 = vector.broadcast %parallel_loop3A_755 : i32 to vector<16xi32>
        %parallel_loop3A_757 = arith.addi %select_n3A, %parallel_loop3A_756 : vector<16xi32>
        %parallel_loop3A_758 = vector.shape_cast %parallel_loop3A_757 : vector<16xi32> to vector<16x1xi32>
        %parallel_loop3A_759 = vector.shape_cast %parallel_loop3A_758 : vector<16x1xi32> to vector<16xi32>
        %parallel_loop3A_760 = tpu.dynamic_gather %parallel_loop3A_685[%parallel_loop3A_759] in [0] : vector<16xf32>, vector<16xi32> -> vector<16xf32>
        %parallel_loop3A_761 = arith.addf %parallel_loop3A_638, %parallel_loop3A_635 : vector<16xf32>
        %parallel_loop3A_762 = arith.mulf %parallel_loop3A_761, %parallel_loop3A_760 : vector<16xf32>
        %parallel_loop3A_763 = arith.index_cast %parallel_loop3A_529 : i32 to index
        %parallel_loop3A_764 = arith.constant 96 : index
        %parallel_loop3A_765 = tpu.vector_load %arg18[%parallel_loop3A_763, %parallel_loop3A_764] {strides = array<i32>} : memref<32x128xf32, #tpu.memory_space<vmem>>, vector<16xf32>,
        tpu.vector_store %arg18[%parallel_loop3A_763, %parallel_loop3A_764], %parallel_loop3A_762 {strides = array<i32>} : memref<32x128xf32, #tpu.memory_space<vmem>>, vector<16xf32>,
        %parallel_loop3A_766 = arith.constant 14 : i32
        %parallel_loop3A_767 = vector.broadcast %parallel_loop3A_766 : i32 to vector<16xi32>
        %parallel_loop3A_768 = arith.addi %select_n3A, %parallel_loop3A_767 : vector<16xi32>
        %parallel_loop3A_769 = vector.shape_cast %parallel_loop3A_768 : vector<16xi32> to vector<16x1xi32>
        %parallel_loop3A_770 = vector.shape_cast %parallel_loop3A_769 : vector<16x1xi32> to vector<16xi32>
        %parallel_loop3A_771 = tpu.dynamic_gather %parallel_loop3A_685[%parallel_loop3A_770] in [0] : vector<16xf32>, vector<16xi32> -> vector<16xf32>
        %parallel_loop3A_772 = arith.addf %parallel_loop3A_655, %parallel_loop3A_652 : vector<16xf32>
        %parallel_loop3A_773 = arith.mulf %parallel_loop3A_772, %parallel_loop3A_771 : vector<16xf32>
        %parallel_loop3A_774 = arith.index_cast %parallel_loop3A_529 : i32 to index
        %parallel_loop3A_775 = arith.constant 112 : index
        %parallel_loop3A_776 = tpu.vector_load %arg18[%parallel_loop3A_774, %parallel_loop3A_775] {strides = array<i32>} : memref<32x128xf32, #tpu.memory_space<vmem>>, vector<16xf32>,
        tpu.vector_store %arg18[%parallel_loop3A_774, %parallel_loop3A_775], %parallel_loop3A_773 {strides = array<i32>} : memref<32x128xf32, #tpu.memory_space<vmem>>, vector<16xf32>,
      } {sc.loop_unroll_factor = 4 : i64, sc.parallel_access}
      %dma_start3A_404 = arith.constant 0 : i32
      %dma_start3A_405 = arith.constant 0 : i32
      %dma_start3A_406 = tpu.memref_slice %arg9[%dma_start3A_404, %dma_start3A_405] : memref<10000x128xf32, #tpu.memory_space<vmem_shared>> -> memref<10000x128xf32, #tpu.memory_space<vmem_shared>>
      tpu.enqueue_indirect_dma source(%arg18 : memref<32x128xf32, #tpu.memory_space<vmem>>) target(%dma_start3A_406 : memref<10000x128xf32, #tpu.memory_space<vmem_shared>>) offsets(%arg14 : memref<32xi32, #tpu.memory_space<vmem>>) semaphore(%arg29 : memref<!tpu.dma_semaphore, #tpu.memory_space<semaphore_mem>>) {add = true}
      %dma_start3A_407 = arith.constant 0 : i32
      %dma_start3A_408 = arith.constant 0 : i32
      %dma_start3A_409 = tpu.memref_slice %arg10[%dma_start3A_407, %dma_start3A_408] : memref<10000x16xf32, #tpu.memory_space<vmem_shared>> -> memref<10000x16xf32, #tpu.memory_space<vmem_shared>>
      tpu.enqueue_indirect_dma source(%arg22 : memref<32x16xf32, #tpu.memory_space<vmem>>) target(%dma_start3A_409 : memref<10000x16xf32, #tpu.memory_space<vmem_shared>>) offsets(%arg14 : memref<32xi32, #tpu.memory_space<vmem>>) semaphore(%arg29 : memref<!tpu.dma_semaphore, #tpu.memory_space<semaphore_mem>>) {add = true}
      %dma_wait3A_410 = arith.constant 0 : i32
      %dma_wait3A_411 = arith.constant 0 : i32
      %dma_wait3A_412 = tpu.memref_slice %arg9[%dma_wait3A_410, %dma_wait3A_411] : memref<10000x128xf32, #tpu.memory_space<vmem_shared>> -> memref<10000x128xf32, #tpu.memory_space<vmem_shared>>
      tpu.wait_indirect_dma semaphore(%arg28 : memref<!tpu.dma_semaphore, #tpu.memory_space<semaphore_mem>>) src(%arg17 : memref<32x128xf32, #tpu.memory_space<vmem>>) dst(%dma_wait3A_412 : memref<10000x128xf32, #tpu.memory_space<vmem_shared>>)
      %dma_wait3A_413 = arith.constant 0 : i32
      %dma_wait3A_414 = arith.constant 0 : i32
      %dma_wait3A_415 = tpu.memref_slice %arg10[%dma_wait3A_413, %dma_wait3A_414] : memref<10000x16xf32, #tpu.memory_space<vmem_shared>> -> memref<10000x16xf32, #tpu.memory_space<vmem_shared>>
      tpu.wait_indirect_dma semaphore(%arg28 : memref<!tpu.dma_semaphore, #tpu.memory_space<semaphore_mem>>) src(%arg21 : memref<32x16xf32, #tpu.memory_space<vmem>>) dst(%dma_wait3A_415 : memref<10000x16xf32, #tpu.memory_space<vmem_shared>>)
      %add3A_416 = arith.constant 1 : i32
      %add3A_417 = arith.addi %add3A_370, %add3A_416 : i32
      %mul3A_418 = arith.constant 10000 : i32
      %mul3A_419 = arith.muli %add3A, %mul3A_418 : i32
      %mul3A_420 = arith.constant 32 : i32
      %mul3A_421 = arith.muli %add3A_417, %mul3A_420 : i32
      %add3A_422 = arith.addi %mul3A_419, %mul3A_421 : i32
      "tpu.region"() ({
        %run_scoped3A_529 = tpu.sem_alloc : memref<!tpu.dma_semaphore, #tpu.memory_space<semaphore_mem>>
        %dma_start3A_530 = arith.constant 0 : i32
        %dma_start3A_531 = tpu.memref_slice %arg2[%dma_start3A_530, %add3A_422] : memref<2x320000xi32, #tpu.memory_space<hbm>> -> memref<2x32xi32, #tpu.memory_space<hbm>>
        %dma_start3A_532 = arith.constant 0 : i32
        %dma_start3A_533 = tpu.memref_slice %arg2[%dma_start3A_532, %add3A_422] : memref<2x320000xi32, #tpu.memory_space<hbm>> -> memref<2x32xi32, #tpu.memory_space<hbm>>
        tpu.enqueue_dma source(%dma_start3A_533 : memref<2x32xi32, #tpu.memory_space<hbm>>) target(%arg11 : memref<2x32xi32, #tpu.memory_space<vmem>>) target_semaphore(%run_scoped3A_529 : memref<!tpu.dma_semaphore, #tpu.memory_space<semaphore_mem>>)
        %dma_wait3A_534 = arith.constant 0 : i32
        %dma_wait3A_535 = tpu.memref_slice %arg2[%dma_wait3A_534, %add3A_422] : memref<2x320000xi32, #tpu.memory_space<hbm>> -> memref<2x32xi32, #tpu.memory_space<hbm>>
        %dma_wait3A_536 = arith.constant 0 : i32
        %dma_wait3A_537 = tpu.memref_slice %arg2[%dma_wait3A_536, %add3A_422] : memref<2x320000xi32, #tpu.memory_space<hbm>> -> memref<2x32xi32, #tpu.memory_space<hbm>>
        tpu.wait_dma2 semaphore(%run_scoped3A_529 : memref<!tpu.dma_semaphore, #tpu.memory_space<semaphore_mem>>) src(%dma_wait3A_537 : memref<2x32xi32, #tpu.memory_space<hbm>>) dst(%arg11 : memref<2x32xi32, #tpu.memory_space<vmem>>)
        tpu.yield
      }) : () -> ()
      %run_scoped3A_423 = arith.constant 1 : i32
      "tpu.region"() ({
        %run_scoped3A_529 = tpu.sem_alloc : memref<!tpu.dma_semaphore, #tpu.memory_space<semaphore_mem>>
        %dma_start3A_530 = tpu.memref_slice %arg2[%run_scoped3A_423, %add3A_422] : memref<2x320000xi32, #tpu.memory_space<hbm>> -> memref<1x32xi32, #tpu.memory_space<hbm>>
        %dma_start3A_531 = tpu.memref_squeeze %dma_start3A_530 : memref<1x32xi32, #tpu.memory_space<hbm>> -> memref<32xi32, #tpu.memory_space<hbm>>
        %dma_start3A_532 = tpu.memref_slice %arg2[%run_scoped3A_423, %add3A_422] : memref<2x320000xi32, #tpu.memory_space<hbm>> -> memref<1x32xi32, #tpu.memory_space<hbm>>
        %dma_start3A_533 = tpu.memref_squeeze %dma_start3A_532 : memref<1x32xi32, #tpu.memory_space<hbm>> -> memref<32xi32, #tpu.memory_space<hbm>>
        tpu.enqueue_dma source(%dma_start3A_533 : memref<32xi32, #tpu.memory_space<hbm>>) target(%arg13 : memref<32xi32, #tpu.memory_space<vmem>>) target_semaphore(%run_scoped3A_529 : memref<!tpu.dma_semaphore, #tpu.memory_space<semaphore_mem>>)
        %dma_wait3A_534 = tpu.memref_slice %arg2[%run_scoped3A_423, %add3A_422] : memref<2x320000xi32, #tpu.memory_space<hbm>> -> memref<1x32xi32, #tpu.memory_space<hbm>>
        %dma_wait3A_535 = tpu.memref_squeeze %dma_wait3A_534 : memref<1x32xi32, #tpu.memory_space<hbm>> -> memref<32xi32, #tpu.memory_space<hbm>>
        %dma_wait3A_536 = tpu.memref_slice %arg2[%run_scoped3A_423, %add3A_422] : memref<2x320000xi32, #tpu.memory_space<hbm>> -> memref<1x32xi32, #tpu.memory_space<hbm>>
        %dma_wait3A_537 = tpu.memref_squeeze %dma_wait3A_536 : memref<1x32xi32, #tpu.memory_space<hbm>> -> memref<32xi32, #tpu.memory_space<hbm>>
        tpu.wait_dma2 semaphore(%run_scoped3A_529 : memref<!tpu.dma_semaphore, #tpu.memory_space<semaphore_mem>>) src(%dma_wait3A_537 : memref<32xi32, #tpu.memory_space<hbm>>) dst(%arg13 : memref<32xi32, #tpu.memory_space<vmem>>)
        tpu.yield
      }) : () -> ()
      %dma_start3A_424 = arith.constant 1 : i32
      %dma_start3A_425 = arith.constant 0 : i32
      %dma_start3A_426 = tpu.memref_slice %arg11[%dma_start3A_424, %dma_start3A_425] : memref<2x32xi32, #tpu.memory_space<vmem>> -> memref<1x32xi32, #tpu.memory_space<vmem>>
      %dma_start3A_427 = tpu.memref_squeeze %dma_start3A_426 : memref<1x32xi32, #tpu.memory_space<vmem>> -> memref<32xi32, #tpu.memory_space<vmem>>
      %dma_start3A_428 = arith.constant 0 : i32
      %dma_start3A_429 = arith.constant 0 : i32
      %dma_start3A_430 = tpu.memref_slice %arg3[%dma_start3A_428, %dma_start3A_429] : memref<10000x128xf32, #tpu.memory_space<hbm>> -> memref<10000x128xf32, #tpu.memory_space<hbm>>
      tpu.enqueue_indirect_dma source(%dma_start3A_430 : memref<10000x128xf32, #tpu.memory_space<hbm>>) target(%arg15 : memref<32x128xf32, #tpu.memory_space<vmem>>) offsets(%dma_start3A_427 : memref<32xi32, #tpu.memory_space<vmem>>) semaphore(%arg24 : memref<!tpu.dma_semaphore, #tpu.memory_space<semaphore_mem>>)
      %dma_start3A_431 = arith.constant 0 : i32
      %dma_start3A_432 = arith.constant 0 : i32
      %dma_start3A_433 = tpu.memref_slice %arg11[%dma_start3A_431, %dma_start3A_432] : memref<2x32xi32, #tpu.memory_space<vmem>> -> memref<1x32xi32, #tpu.memory_space<vmem>>
      %dma_start3A_434 = tpu.memref_squeeze %dma_start3A_433 : memref<1x32xi32, #tpu.memory_space<vmem>> -> memref<32xi32, #tpu.memory_space<vmem>>
      %dma_start3A_435 = arith.constant 0 : i32
      %dma_start3A_436 = arith.constant 0 : i32
      %dma_start3A_437 = tpu.memref_slice %arg4[%dma_start3A_435, %dma_start3A_436] : memref<10000x128xf32, #tpu.memory_space<hbm>> -> memref<10000x128xf32, #tpu.memory_space<hbm>>
      tpu.enqueue_indirect_dma source(%dma_start3A_437 : memref<10000x128xf32, #tpu.memory_space<hbm>>) target(%arg17 : memref<32x128xf32, #tpu.memory_space<vmem>>) offsets(%dma_start3A_434 : memref<32xi32, #tpu.memory_space<vmem>>) semaphore(%arg25 : memref<!tpu.dma_semaphore, #tpu.memory_space<semaphore_mem>>)
      %dma_start3A_438 = arith.constant 0 : i32
      %dma_start3A_439 = arith.constant 0 : i32
      %dma_start3A_440 = tpu.memref_slice %arg11[%dma_start3A_438, %dma_start3A_439] : memref<2x32xi32, #tpu.memory_space<vmem>> -> memref<1x32xi32, #tpu.memory_space<vmem>>
      %dma_start3A_441 = tpu.memref_squeeze %dma_start3A_440 : memref<1x32xi32, #tpu.memory_space<vmem>> -> memref<32xi32, #tpu.memory_space<vmem>>
      %dma_start3A_442 = arith.constant 0 : i32
      %dma_start3A_443 = arith.constant 0 : i32
      %dma_start3A_444 = tpu.memref_slice %arg5[%dma_start3A_442, %dma_start3A_443] : memref<10000x128xf32, #tpu.memory_space<hbm>> -> memref<10000x128xf32, #tpu.memory_space<hbm>>
      tpu.enqueue_indirect_dma source(%dma_start3A_444 : memref<10000x128xf32, #tpu.memory_space<hbm>>) target(%arg19 : memref<32x128xf32, #tpu.memory_space<vmem>>) offsets(%dma_start3A_441 : memref<32xi32, #tpu.memory_space<vmem>>) semaphore(%arg26 : memref<!tpu.dma_semaphore, #tpu.memory_space<semaphore_mem>>)
      %dma_start3A_445 = arith.constant 0 : i32
      %dma_start3A_446 = tpu.memref_slice %arg6[%add3A_422, %dma_start3A_445] : memref<320000x128xf32, #tpu.memory_space<hbm>> -> memref<32x128xf32, #tpu.memory_space<hbm>>
      %dma_start3A_447 = arith.constant 0 : i32
      %dma_start3A_448 = tpu.memref_slice %arg6[%add3A_422, %dma_start3A_447] : memref<320000x128xf32, #tpu.memory_space<hbm>> -> memref<32x128xf32, #tpu.memory_space<hbm>>
      tpu.enqueue_dma source(%dma_start3A_448 : memref<32x128xf32, #tpu.memory_space<hbm>>) target(%arg23 : memref<32x128xf32, #tpu.memory_space<vmem>>) target_semaphore(%arg27 : memref<!tpu.dma_semaphore, #tpu.memory_space<semaphore_mem>>)
      %add3A_449 = arith.constant 1 : i32
      %add3A_450 = arith.addi %add3A_370, %add3A_449 : i32
      %mul3A_451 = arith.constant 10000 : i32
      %mul3A_452 = arith.muli %add3A, %mul3A_451 : i32
      %mul3A_453 = arith.constant 32 : i32
      %mul3A_454 = arith.muli %add3A_450, %mul3A_453 : i32
      %add3A_455 = arith.addi %mul3A_452, %mul3A_454 : i32
      %dma_wait3A_456 = arith.constant 0 : i32
      %dma_wait3A_457 = tpu.memref_slice %arg6[%add3A_455, %dma_wait3A_456] : memref<320000x128xf32, #tpu.memory_space<hbm>> -> memref<32x128xf32, #tpu.memory_space<hbm>>
      %dma_wait3A_458 = arith.constant 0 : i32
      %dma_wait3A_459 = tpu.memref_slice %arg6[%add3A_455, %dma_wait3A_458] : memref<320000x128xf32, #tpu.memory_space<hbm>> -> memref<32x128xf32, #tpu.memory_space<hbm>>
      tpu.wait_dma2 semaphore(%arg27 : memref<!tpu.dma_semaphore, #tpu.memory_space<semaphore_mem>>) src(%dma_wait3A_459 : memref<32x128xf32, #tpu.memory_space<hbm>>) dst(%arg23 : memref<32x128xf32, #tpu.memory_space<vmem>>)
      %dma_wait3A_460 = arith.constant 1 : i32
      %dma_wait3A_461 = arith.constant 0 : i32
      %dma_wait3A_462 = tpu.memref_slice %arg11[%dma_wait3A_460, %dma_wait3A_461] : memref<2x32xi32, #tpu.memory_space<vmem>> -> memref<1x32xi32, #tpu.memory_space<vmem>>
      %dma_wait3A_463 = tpu.memref_squeeze %dma_wait3A_462 : memref<1x32xi32, #tpu.memory_space<vmem>> -> memref<32xi32, #tpu.memory_space<vmem>>
      %dma_wait3A_464 = arith.constant 0 : i32
      %dma_wait3A_465 = arith.constant 0 : i32
      %dma_wait3A_466 = tpu.memref_slice %arg3[%dma_wait3A_464, %dma_wait3A_465] : memref<10000x128xf32, #tpu.memory_space<hbm>> -> memref<10000x128xf32, #tpu.memory_space<hbm>>
      tpu.wait_indirect_dma semaphore(%arg24 : memref<!tpu.dma_semaphore, #tpu.memory_space<semaphore_mem>>) src(%dma_wait3A_466 : memref<10000x128xf32, #tpu.memory_space<hbm>>) dst(%arg15 : memref<32x128xf32, #tpu.memory_space<vmem>>)
      %dma_wait3A_467 = arith.constant 0 : i32
      %dma_wait3A_468 = arith.constant 0 : i32
      %dma_wait3A_469 = tpu.memref_slice %arg11[%dma_wait3A_467, %dma_wait3A_468] : memref<2x32xi32, #tpu.memory_space<vmem>> -> memref<1x32xi32, #tpu.memory_space<vmem>>
      %dma_wait3A_470 = tpu.memref_squeeze %dma_wait3A_469 : memref<1x32xi32, #tpu.memory_space<vmem>> -> memref<32xi32, #tpu.memory_space<vmem>>
      %dma_wait3A_471 = arith.constant 0 : i32
      %dma_wait3A_472 = arith.constant 0 : i32
      %dma_wait3A_473 = tpu.memref_slice %arg4[%dma_wait3A_471, %dma_wait3A_472] : memref<10000x128xf32, #tpu.memory_space<hbm>> -> memref<10000x128xf32, #tpu.memory_space<hbm>>
      tpu.wait_indirect_dma semaphore(%arg25 : memref<!tpu.dma_semaphore, #tpu.memory_space<semaphore_mem>>) src(%dma_wait3A_473 : memref<10000x128xf32, #tpu.memory_space<hbm>>) dst(%arg17 : memref<32x128xf32, #tpu.memory_space<vmem>>)
      %dma_wait3A_474 = arith.constant 0 : i32
      %dma_wait3A_475 = arith.constant 0 : i32
      %dma_wait3A_476 = tpu.memref_slice %arg11[%dma_wait3A_474, %dma_wait3A_475] : memref<2x32xi32, #tpu.memory_space<vmem>> -> memref<1x32xi32, #tpu.memory_space<vmem>>
      %dma_wait3A_477 = tpu.memref_squeeze %dma_wait3A_476 : memref<1x32xi32, #tpu.memory_space<vmem>> -> memref<32xi32, #tpu.memory_space<vmem>>
      %dma_wait3A_478 = arith.constant 0 : i32
      %dma_wait3A_479 = arith.constant 0 : i32
      %dma_wait3A_480 = tpu.memref_slice %arg5[%dma_wait3A_478, %dma_wait3A_479] : memref<10000x128xf32, #tpu.memory_space<hbm>> -> memref<10000x128xf32, #tpu.memory_space<hbm>>
      tpu.wait_indirect_dma semaphore(%arg26 : memref<!tpu.dma_semaphore, #tpu.memory_space<semaphore_mem>>) src(%dma_wait3A_480 : memref<10000x128xf32, #tpu.memory_space<hbm>>) dst(%arg19 : memref<32x128xf32, #tpu.memory_space<vmem>>)
      %parallel_loop3A_481 = arith.constant 0 : i32
      %parallel_loop3A_482 = arith.constant 32 : i32
      %parallel_loop3A_483 = arith.constant 1 : i32
      scf.for %parallel_loop3A_529 = %parallel_loop3A_481 to %parallel_loop3A_482 step %parallel_loop3A_483  : i32 {
        %parallel_loop3A_530 = vector.broadcast %parallel_loop3A_529 : i32 to vector<16xi32>
        %parallel_loop3A_531 = arith.index_cast %parallel_loop3A_529 : i32 to index
        %parallel_loop3A_532 = arith.constant 0 : index
        %parallel_loop3A_533 = tpu.vector_load %arg23[%parallel_loop3A_531, %parallel_loop3A_532] {strides = array<i32>} : memref<32x128xf32, #tpu.memory_space<vmem>>, vector<16xf32>,
        %parallel_loop3A_534 = arith.index_cast %parallel_loop3A_529 : i32 to index
        %parallel_loop3A_535 = arith.constant 0 : index
        %parallel_loop3A_536 = tpu.vector_load %arg19[%parallel_loop3A_534, %parallel_loop3A_535] {strides = array<i32>} : memref<32x128xf32, #tpu.memory_space<vmem>>, vector<16xf32>,
        %parallel_loop3A_537 = arith.index_cast %parallel_loop3A_529 : i32 to index
        %parallel_loop3A_538 = arith.constant 0 : index
        %parallel_loop3A_539 = tpu.vector_load %arg17[%parallel_loop3A_537, %parallel_loop3A_538] {strides = array<i32>} : memref<32x128xf32, #tpu.memory_space<vmem>>, vector<16xf32>,
        %parallel_loop3A_540 = arith.addf %parallel_loop3A_539, %parallel_loop3A_533 : vector<16xf32>
        %parallel_loop3A_541 = arith.index_cast %parallel_loop3A_529 : i32 to index
        %parallel_loop3A_542 = arith.constant 0 : index
        %parallel_loop3A_543 = tpu.vector_load %arg15[%parallel_loop3A_541, %parallel_loop3A_542] {strides = array<i32>} : memref<32x128xf32, #tpu.memory_space<vmem>>, vector<16xf32>,
        %parallel_loop3A_544 = arith.mulf %parallel_loop3A_543, %parallel_loop3A_540 : vector<16xf32>
        %parallel_loop3A_545 = arith.index_cast %parallel_loop3A_529 : i32 to index
        %parallel_loop3A_546 = arith.constant 0 : index
        %parallel_loop3A_547 = tpu.vector_load %arg17[%parallel_loop3A_545, %parallel_loop3A_546] {strides = array<i32>} : memref<32x128xf32, #tpu.memory_space<vmem>>, vector<16xf32>,
        tpu.vector_store %arg17[%parallel_loop3A_545, %parallel_loop3A_546], %parallel_loop3A_544 {strides = array<i32>} : memref<32x128xf32, #tpu.memory_space<vmem>>, vector<16xf32>,
        %parallel_loop3A_548 = arith.index_cast %parallel_loop3A_529 : i32 to index
        %parallel_loop3A_549 = arith.constant 16 : index
        %parallel_loop3A_550 = tpu.vector_load %arg23[%parallel_loop3A_548, %parallel_loop3A_549] {strides = array<i32>} : memref<32x128xf32, #tpu.memory_space<vmem>>, vector<16xf32>,
        %parallel_loop3A_551 = arith.index_cast %parallel_loop3A_529 : i32 to index
        %parallel_loop3A_552 = arith.constant 16 : index
        %parallel_loop3A_553 = tpu.vector_load %arg19[%parallel_loop3A_551, %parallel_loop3A_552] {strides = array<i32>} : memref<32x128xf32, #tpu.memory_space<vmem>>, vector<16xf32>,
        %parallel_loop3A_554 = arith.index_cast %parallel_loop3A_529 : i32 to index
        %parallel_loop3A_555 = arith.constant 16 : index
        %parallel_loop3A_556 = tpu.vector_load %arg17[%parallel_loop3A_554, %parallel_loop3A_555] {strides = array<i32>} : memref<32x128xf32, #tpu.memory_space<vmem>>, vector<16xf32>,
        %parallel_loop3A_557 = arith.addf %parallel_loop3A_556, %parallel_loop3A_550 : vector<16xf32>
        %parallel_loop3A_558 = arith.index_cast %parallel_loop3A_529 : i32 to index
        %parallel_loop3A_559 = arith.constant 16 : index
        %parallel_loop3A_560 = tpu.vector_load %arg15[%parallel_loop3A_558, %parallel_loop3A_559] {strides = array<i32>} : memref<32x128xf32, #tpu.memory_space<vmem>>, vector<16xf32>,
        %parallel_loop3A_561 = arith.mulf %parallel_loop3A_560, %parallel_loop3A_557 : vector<16xf32>
        %parallel_loop3A_562 = arith.index_cast %parallel_loop3A_529 : i32 to index
        %parallel_loop3A_563 = arith.constant 16 : index
        %parallel_loop3A_564 = tpu.vector_load %arg17[%parallel_loop3A_562, %parallel_loop3A_563] {strides = array<i32>} : memref<32x128xf32, #tpu.memory_space<vmem>>, vector<16xf32>,
        tpu.vector_store %arg17[%parallel_loop3A_562, %parallel_loop3A_563], %parallel_loop3A_561 {strides = array<i32>} : memref<32x128xf32, #tpu.memory_space<vmem>>, vector<16xf32>,
        %parallel_loop3A_565 = arith.index_cast %parallel_loop3A_529 : i32 to index
        %parallel_loop3A_566 = arith.constant 32 : index
        %parallel_loop3A_567 = tpu.vector_load %arg23[%parallel_loop3A_565, %parallel_loop3A_566] {strides = array<i32>} : memref<32x128xf32, #tpu.memory_space<vmem>>, vector<16xf32>,
        %parallel_loop3A_568 = arith.index_cast %parallel_loop3A_529 : i32 to index
        %parallel_loop3A_569 = arith.constant 32 : index
        %parallel_loop3A_570 = tpu.vector_load %arg19[%parallel_loop3A_568, %parallel_loop3A_569] {strides = array<i32>} : memref<32x128xf32, #tpu.memory_space<vmem>>, vector<16xf32>,
        %parallel_loop3A_571 = arith.index_cast %parallel_loop3A_529 : i32 to index
        %parallel_loop3A_572 = arith.constant 32 : index
        %parallel_loop3A_573 = tpu.vector_load %arg17[%parallel_loop3A_571, %parallel_loop3A_572] {strides = array<i32>} : memref<32x128xf32, #tpu.memory_space<vmem>>, vector<16xf32>,
        %parallel_loop3A_574 = arith.addf %parallel_loop3A_573, %parallel_loop3A_567 : vector<16xf32>
        %parallel_loop3A_575 = arith.index_cast %parallel_loop3A_529 : i32 to index
        %parallel_loop3A_576 = arith.constant 32 : index
        %parallel_loop3A_577 = tpu.vector_load %arg15[%parallel_loop3A_575, %parallel_loop3A_576] {strides = array<i32>} : memref<32x128xf32, #tpu.memory_space<vmem>>, vector<16xf32>,
        %parallel_loop3A_578 = arith.mulf %parallel_loop3A_577, %parallel_loop3A_574 : vector<16xf32>
        %parallel_loop3A_579 = arith.index_cast %parallel_loop3A_529 : i32 to index
        %parallel_loop3A_580 = arith.constant 32 : index
        %parallel_loop3A_581 = tpu.vector_load %arg17[%parallel_loop3A_579, %parallel_loop3A_580] {strides = array<i32>} : memref<32x128xf32, #tpu.memory_space<vmem>>, vector<16xf32>,
        tpu.vector_store %arg17[%parallel_loop3A_579, %parallel_loop3A_580], %parallel_loop3A_578 {strides = array<i32>} : memref<32x128xf32, #tpu.memory_space<vmem>>, vector<16xf32>,
        %parallel_loop3A_582 = arith.index_cast %parallel_loop3A_529 : i32 to index
        %parallel_loop3A_583 = arith.constant 48 : index
        %parallel_loop3A_584 = tpu.vector_load %arg23[%parallel_loop3A_582, %parallel_loop3A_583] {strides = array<i32>} : memref<32x128xf32, #tpu.memory_space<vmem>>, vector<16xf32>,
        %parallel_loop3A_585 = arith.index_cast %parallel_loop3A_529 : i32 to index
        %parallel_loop3A_586 = arith.constant 48 : index
        %parallel_loop3A_587 = tpu.vector_load %arg19[%parallel_loop3A_585, %parallel_loop3A_586] {strides = array<i32>} : memref<32x128xf32, #tpu.memory_space<vmem>>, vector<16xf32>,
        %parallel_loop3A_588 = arith.index_cast %parallel_loop3A_529 : i32 to index
        %parallel_loop3A_589 = arith.constant 48 : index
        %parallel_loop3A_590 = tpu.vector_load %arg17[%parallel_loop3A_588, %parallel_loop3A_589] {strides = array<i32>} : memref<32x128xf32, #tpu.memory_space<vmem>>, vector<16xf32>,
        %parallel_loop3A_591 = arith.addf %parallel_loop3A_590, %parallel_loop3A_584 : vector<16xf32>
        %parallel_loop3A_592 = arith.index_cast %parallel_loop3A_529 : i32 to index
        %parallel_loop3A_593 = arith.constant 48 : index
        %parallel_loop3A_594 = tpu.vector_load %arg15[%parallel_loop3A_592, %parallel_loop3A_593] {strides = array<i32>} : memref<32x128xf32, #tpu.memory_space<vmem>>, vector<16xf32>,
        %parallel_loop3A_595 = arith.mulf %parallel_loop3A_594, %parallel_loop3A_591 : vector<16xf32>
        %parallel_loop3A_596 = arith.index_cast %parallel_loop3A_529 : i32 to index
        %parallel_loop3A_597 = arith.constant 48 : index
        %parallel_loop3A_598 = tpu.vector_load %arg17[%parallel_loop3A_596, %parallel_loop3A_597] {strides = array<i32>} : memref<32x128xf32, #tpu.memory_space<vmem>>, vector<16xf32>,
        tpu.vector_store %arg17[%parallel_loop3A_596, %parallel_loop3A_597], %parallel_loop3A_595 {strides = array<i32>} : memref<32x128xf32, #tpu.memory_space<vmem>>, vector<16xf32>,
        %parallel_loop3A_599 = arith.index_cast %parallel_loop3A_529 : i32 to index
        %parallel_loop3A_600 = arith.constant 64 : index
        %parallel_loop3A_601 = tpu.vector_load %arg23[%parallel_loop3A_599, %parallel_loop3A_600] {strides = array<i32>} : memref<32x128xf32, #tpu.memory_space<vmem>>, vector<16xf32>,
        %parallel_loop3A_602 = arith.index_cast %parallel_loop3A_529 : i32 to index
        %parallel_loop3A_603 = arith.constant 64 : index
        %parallel_loop3A_604 = tpu.vector_load %arg19[%parallel_loop3A_602, %parallel_loop3A_603] {strides = array<i32>} : memref<32x128xf32, #tpu.memory_space<vmem>>, vector<16xf32>,
        %parallel_loop3A_605 = arith.index_cast %parallel_loop3A_529 : i32 to index
        %parallel_loop3A_606 = arith.constant 64 : index
        %parallel_loop3A_607 = tpu.vector_load %arg17[%parallel_loop3A_605, %parallel_loop3A_606] {strides = array<i32>} : memref<32x128xf32, #tpu.memory_space<vmem>>, vector<16xf32>,
        %parallel_loop3A_608 = arith.addf %parallel_loop3A_607, %parallel_loop3A_601 : vector<16xf32>
        %parallel_loop3A_609 = arith.index_cast %parallel_loop3A_529 : i32 to index
        %parallel_loop3A_610 = arith.constant 64 : index
        %parallel_loop3A_611 = tpu.vector_load %arg15[%parallel_loop3A_609, %parallel_loop3A_610] {strides = array<i32>} : memref<32x128xf32, #tpu.memory_space<vmem>>, vector<16xf32>,
        %parallel_loop3A_612 = arith.mulf %parallel_loop3A_611, %parallel_loop3A_608 : vector<16xf32>
        %parallel_loop3A_613 = arith.index_cast %parallel_loop3A_529 : i32 to index
        %parallel_loop3A_614 = arith.constant 64 : index
        %parallel_loop3A_615 = tpu.vector_load %arg17[%parallel_loop3A_613, %parallel_loop3A_614] {strides = array<i32>} : memref<32x128xf32, #tpu.memory_space<vmem>>, vector<16xf32>,
        tpu.vector_store %arg17[%parallel_loop3A_613, %parallel_loop3A_614], %parallel_loop3A_612 {strides = array<i32>} : memref<32x128xf32, #tpu.memory_space<vmem>>, vector<16xf32>,
        %parallel_loop3A_616 = arith.index_cast %parallel_loop3A_529 : i32 to index
        %parallel_loop3A_617 = arith.constant 80 : index
        %parallel_loop3A_618 = tpu.vector_load %arg23[%parallel_loop3A_616, %parallel_loop3A_617] {strides = array<i32>} : memref<32x128xf32, #tpu.memory_space<vmem>>, vector<16xf32>,
        %parallel_loop3A_619 = arith.index_cast %parallel_loop3A_529 : i32 to index
        %parallel_loop3A_620 = arith.constant 80 : index
        %parallel_loop3A_621 = tpu.vector_load %arg19[%parallel_loop3A_619, %parallel_loop3A_620] {strides = array<i32>} : memref<32x128xf32, #tpu.memory_space<vmem>>, vector<16xf32>,
        %parallel_loop3A_622 = arith.index_cast %parallel_loop3A_529 : i32 to index
        %parallel_loop3A_623 = arith.constant 80 : index
        %parallel_loop3A_624 = tpu.vector_load %arg17[%parallel_loop3A_622, %parallel_loop3A_623] {strides = array<i32>} : memref<32x128xf32, #tpu.memory_space<vmem>>, vector<16xf32>,
        %parallel_loop3A_625 = arith.addf %parallel_loop3A_624, %parallel_loop3A_618 : vector<16xf32>
        %parallel_loop3A_626 = arith.index_cast %parallel_loop3A_529 : i32 to index
        %parallel_loop3A_627 = arith.constant 80 : index
        %parallel_loop3A_628 = tpu.vector_load %arg15[%parallel_loop3A_626, %parallel_loop3A_627] {strides = array<i32>} : memref<32x128xf32, #tpu.memory_space<vmem>>, vector<16xf32>,
        %parallel_loop3A_629 = arith.mulf %parallel_loop3A_628, %parallel_loop3A_625 : vector<16xf32>
        %parallel_loop3A_630 = arith.index_cast %parallel_loop3A_529 : i32 to index
        %parallel_loop3A_631 = arith.constant 80 : index
        %parallel_loop3A_632 = tpu.vector_load %arg17[%parallel_loop3A_630, %parallel_loop3A_631] {strides = array<i32>} : memref<32x128xf32, #tpu.memory_space<vmem>>, vector<16xf32>,
        tpu.vector_store %arg17[%parallel_loop3A_630, %parallel_loop3A_631], %parallel_loop3A_629 {strides = array<i32>} : memref<32x128xf32, #tpu.memory_space<vmem>>, vector<16xf32>,
        %parallel_loop3A_633 = arith.index_cast %parallel_loop3A_529 : i32 to index
        %parallel_loop3A_634 = arith.constant 96 : index
        %parallel_loop3A_635 = tpu.vector_load %arg23[%parallel_loop3A_633, %parallel_loop3A_634] {strides = array<i32>} : memref<32x128xf32, #tpu.memory_space<vmem>>, vector<16xf32>,
        %parallel_loop3A_636 = arith.index_cast %parallel_loop3A_529 : i32 to index
        %parallel_loop3A_637 = arith.constant 96 : index
        %parallel_loop3A_638 = tpu.vector_load %arg19[%parallel_loop3A_636, %parallel_loop3A_637] {strides = array<i32>} : memref<32x128xf32, #tpu.memory_space<vmem>>, vector<16xf32>,
        %parallel_loop3A_639 = arith.index_cast %parallel_loop3A_529 : i32 to index
        %parallel_loop3A_640 = arith.constant 96 : index
        %parallel_loop3A_641 = tpu.vector_load %arg17[%parallel_loop3A_639, %parallel_loop3A_640] {strides = array<i32>} : memref<32x128xf32, #tpu.memory_space<vmem>>, vector<16xf32>,
        %parallel_loop3A_642 = arith.addf %parallel_loop3A_641, %parallel_loop3A_635 : vector<16xf32>
        %parallel_loop3A_643 = arith.index_cast %parallel_loop3A_529 : i32 to index
        %parallel_loop3A_644 = arith.constant 96 : index
        %parallel_loop3A_645 = tpu.vector_load %arg15[%parallel_loop3A_643, %parallel_loop3A_644] {strides = array<i32>} : memref<32x128xf32, #tpu.memory_space<vmem>>, vector<16xf32>,
        %parallel_loop3A_646 = arith.mulf %parallel_loop3A_645, %parallel_loop3A_642 : vector<16xf32>
        %parallel_loop3A_647 = arith.index_cast %parallel_loop3A_529 : i32 to index
        %parallel_loop3A_648 = arith.constant 96 : index
        %parallel_loop3A_649 = tpu.vector_load %arg17[%parallel_loop3A_647, %parallel_loop3A_648] {strides = array<i32>} : memref<32x128xf32, #tpu.memory_space<vmem>>, vector<16xf32>,
        tpu.vector_store %arg17[%parallel_loop3A_647, %parallel_loop3A_648], %parallel_loop3A_646 {strides = array<i32>} : memref<32x128xf32, #tpu.memory_space<vmem>>, vector<16xf32>,
        %parallel_loop3A_650 = arith.index_cast %parallel_loop3A_529 : i32 to index
        %parallel_loop3A_651 = arith.constant 112 : index
        %parallel_loop3A_652 = tpu.vector_load %arg23[%parallel_loop3A_650, %parallel_loop3A_651] {strides = array<i32>} : memref<32x128xf32, #tpu.memory_space<vmem>>, vector<16xf32>,
        %parallel_loop3A_653 = arith.index_cast %parallel_loop3A_529 : i32 to index
        %parallel_loop3A_654 = arith.constant 112 : index
        %parallel_loop3A_655 = tpu.vector_load %arg19[%parallel_loop3A_653, %parallel_loop3A_654] {strides = array<i32>} : memref<32x128xf32, #tpu.memory_space<vmem>>, vector<16xf32>,
        %parallel_loop3A_656 = arith.index_cast %parallel_loop3A_529 : i32 to index
        %parallel_loop3A_657 = arith.constant 112 : index
        %parallel_loop3A_658 = tpu.vector_load %arg17[%parallel_loop3A_656, %parallel_loop3A_657] {strides = array<i32>} : memref<32x128xf32, #tpu.memory_space<vmem>>, vector<16xf32>,
        %parallel_loop3A_659 = arith.addf %parallel_loop3A_658, %parallel_loop3A_652 : vector<16xf32>
        %parallel_loop3A_660 = arith.index_cast %parallel_loop3A_529 : i32 to index
        %parallel_loop3A_661 = arith.constant 112 : index
        %parallel_loop3A_662 = tpu.vector_load %arg15[%parallel_loop3A_660, %parallel_loop3A_661] {strides = array<i32>} : memref<32x128xf32, #tpu.memory_space<vmem>>, vector<16xf32>,
        %parallel_loop3A_663 = arith.mulf %parallel_loop3A_662, %parallel_loop3A_659 : vector<16xf32>
        %parallel_loop3A_664 = arith.index_cast %parallel_loop3A_529 : i32 to index
        %parallel_loop3A_665 = arith.constant 112 : index
        %parallel_loop3A_666 = tpu.vector_load %arg17[%parallel_loop3A_664, %parallel_loop3A_665] {strides = array<i32>} : memref<32x128xf32, #tpu.memory_space<vmem>>, vector<16xf32>,
        tpu.vector_store %arg17[%parallel_loop3A_664, %parallel_loop3A_665], %parallel_loop3A_663 {strides = array<i32>} : memref<32x128xf32, #tpu.memory_space<vmem>>, vector<16xf32>,
        %parallel_loop3A_667 = tpu.vector_load_idx %arg17[%parallel_loop3A_530, %add3A_92] : memref<32x128xf32, #tpu.memory_space<vmem>>[vector<16xi32>, vector<16xi32>], vector<16xf32>,
        %parallel_loop3A_668 = tpu.vector_load_idx %arg17[%parallel_loop3A_530, %add3A_98] : memref<32x128xf32, #tpu.memory_space<vmem>>[vector<16xi32>, vector<16xi32>], vector<16xf32>,
        %parallel_loop3A_669 = arith.addf %parallel_loop3A_667, %parallel_loop3A_668 : vector<16xf32>
        %parallel_loop3A_670 = tpu.vector_load_idx %arg17[%parallel_loop3A_530, %add3A_104] : memref<32x128xf32, #tpu.memory_space<vmem>>[vector<16xi32>, vector<16xi32>], vector<16xf32>,
        %parallel_loop3A_671 = arith.addf %parallel_loop3A_669, %parallel_loop3A_670 : vector<16xf32>
        %parallel_loop3A_672 = tpu.vector_load_idx %arg17[%parallel_loop3A_530, %add3A_110] : memref<32x128xf32, #tpu.memory_space<vmem>>[vector<16xi32>, vector<16xi32>], vector<16xf32>,
        %parallel_loop3A_673 = arith.addf %parallel_loop3A_671, %parallel_loop3A_672 : vector<16xf32>
        %parallel_loop3A_674 = tpu.vector_load_idx %arg17[%parallel_loop3A_530, %add3A_116] : memref<32x128xf32, #tpu.memory_space<vmem>>[vector<16xi32>, vector<16xi32>], vector<16xf32>,
        %parallel_loop3A_675 = arith.addf %parallel_loop3A_673, %parallel_loop3A_674 : vector<16xf32>
        %parallel_loop3A_676 = tpu.vector_load_idx %arg17[%parallel_loop3A_530, %add3A_122] : memref<32x128xf32, #tpu.memory_space<vmem>>[vector<16xi32>, vector<16xi32>], vector<16xf32>,
        %parallel_loop3A_677 = arith.addf %parallel_loop3A_675, %parallel_loop3A_676 : vector<16xf32>
        %parallel_loop3A_678 = tpu.vector_load_idx %arg17[%parallel_loop3A_530, %add3A_128] : memref<32x128xf32, #tpu.memory_space<vmem>>[vector<16xi32>, vector<16xi32>], vector<16xf32>,
        %parallel_loop3A_679 = arith.addf %parallel_loop3A_677, %parallel_loop3A_678 : vector<16xf32>
        %parallel_loop3A_680 = tpu.vector_load_idx %arg17[%parallel_loop3A_530, %add3A_134] : memref<32x128xf32, #tpu.memory_space<vmem>>[vector<16xi32>, vector<16xi32>], vector<16xf32>,
        %parallel_loop3A_681 = arith.addf %parallel_loop3A_679, %parallel_loop3A_680 : vector<16xf32>
        %parallel_loop3A_682 = arith.constant 0.353553385 : f32
        %parallel_loop3A_683 = vector.broadcast %parallel_loop3A_682 : f32 to vector<16xf32>
        %parallel_loop3A_684 = arith.mulf %parallel_loop3A_681, %parallel_loop3A_683 : vector<16xf32>
        %parallel_loop3A_685 = math.exp %parallel_loop3A_684 : vector<16xf32>
        %parallel_loop3A_686 = arith.index_cast %parallel_loop3A_529 : i32 to index
        %parallel_loop3A_687 = arith.constant 0 : index
        %parallel_loop3A_688 = tpu.vector_load %arg21[%parallel_loop3A_686, %parallel_loop3A_687] {strides = array<i32>} : memref<32x16xf32, #tpu.memory_space<vmem>>, vector<16xf32>,
        tpu.vector_store %arg21[%parallel_loop3A_686, %parallel_loop3A_687], %parallel_loop3A_685 {strides = array<i32>} : memref<32x16xf32, #tpu.memory_space<vmem>>, vector<16xf32>,
        %parallel_loop3A_689 = arith.constant 0 : i32
        %parallel_loop3A_690 = vector.broadcast %parallel_loop3A_689 : i32 to vector<16xi32>
        %parallel_loop3A_691 = arith.addi %select_n3A, %parallel_loop3A_690 : vector<16xi32>
        %parallel_loop3A_692 = vector.shape_cast %parallel_loop3A_691 : vector<16xi32> to vector<16x1xi32>
        %parallel_loop3A_693 = vector.shape_cast %parallel_loop3A_692 : vector<16x1xi32> to vector<16xi32>
        %parallel_loop3A_694 = tpu.dynamic_gather %parallel_loop3A_685[%parallel_loop3A_693] in [0] : vector<16xf32>, vector<16xi32> -> vector<16xf32>
        %parallel_loop3A_695 = arith.addf %parallel_loop3A_536, %parallel_loop3A_533 : vector<16xf32>
        %parallel_loop3A_696 = arith.mulf %parallel_loop3A_695, %parallel_loop3A_694 : vector<16xf32>
        %parallel_loop3A_697 = arith.index_cast %parallel_loop3A_529 : i32 to index
        %parallel_loop3A_698 = arith.constant 0 : index
        %parallel_loop3A_699 = tpu.vector_load %arg17[%parallel_loop3A_697, %parallel_loop3A_698] {strides = array<i32>} : memref<32x128xf32, #tpu.memory_space<vmem>>, vector<16xf32>,
        tpu.vector_store %arg17[%parallel_loop3A_697, %parallel_loop3A_698], %parallel_loop3A_696 {strides = array<i32>} : memref<32x128xf32, #tpu.memory_space<vmem>>, vector<16xf32>,
        %parallel_loop3A_700 = arith.constant 2 : i32
        %parallel_loop3A_701 = vector.broadcast %parallel_loop3A_700 : i32 to vector<16xi32>
        %parallel_loop3A_702 = arith.addi %select_n3A, %parallel_loop3A_701 : vector<16xi32>
        %parallel_loop3A_703 = vector.shape_cast %parallel_loop3A_702 : vector<16xi32> to vector<16x1xi32>
        %parallel_loop3A_704 = vector.shape_cast %parallel_loop3A_703 : vector<16x1xi32> to vector<16xi32>
        %parallel_loop3A_705 = tpu.dynamic_gather %parallel_loop3A_685[%parallel_loop3A_704] in [0] : vector<16xf32>, vector<16xi32> -> vector<16xf32>
        %parallel_loop3A_706 = arith.addf %parallel_loop3A_553, %parallel_loop3A_550 : vector<16xf32>
        %parallel_loop3A_707 = arith.mulf %parallel_loop3A_706, %parallel_loop3A_705 : vector<16xf32>
        %parallel_loop3A_708 = arith.index_cast %parallel_loop3A_529 : i32 to index
        %parallel_loop3A_709 = arith.constant 16 : index
        %parallel_loop3A_710 = tpu.vector_load %arg17[%parallel_loop3A_708, %parallel_loop3A_709] {strides = array<i32>} : memref<32x128xf32, #tpu.memory_space<vmem>>, vector<16xf32>,
        tpu.vector_store %arg17[%parallel_loop3A_708, %parallel_loop3A_709], %parallel_loop3A_707 {strides = array<i32>} : memref<32x128xf32, #tpu.memory_space<vmem>>, vector<16xf32>,
        %parallel_loop3A_711 = arith.constant 4 : i32
        %parallel_loop3A_712 = vector.broadcast %parallel_loop3A_711 : i32 to vector<16xi32>
        %parallel_loop3A_713 = arith.addi %select_n3A, %parallel_loop3A_712 : vector<16xi32>
        %parallel_loop3A_714 = vector.shape_cast %parallel_loop3A_713 : vector<16xi32> to vector<16x1xi32>
        %parallel_loop3A_715 = vector.shape_cast %parallel_loop3A_714 : vector<16x1xi32> to vector<16xi32>
        %parallel_loop3A_716 = tpu.dynamic_gather %parallel_loop3A_685[%parallel_loop3A_715] in [0] : vector<16xf32>, vector<16xi32> -> vector<16xf32>
        %parallel_loop3A_717 = arith.addf %parallel_loop3A_570, %parallel_loop3A_567 : vector<16xf32>
        %parallel_loop3A_718 = arith.mulf %parallel_loop3A_717, %parallel_loop3A_716 : vector<16xf32>
        %parallel_loop3A_719 = arith.index_cast %parallel_loop3A_529 : i32 to index
        %parallel_loop3A_720 = arith.constant 32 : index
        %parallel_loop3A_721 = tpu.vector_load %arg17[%parallel_loop3A_719, %parallel_loop3A_720] {strides = array<i32>} : memref<32x128xf32, #tpu.memory_space<vmem>>, vector<16xf32>,
        tpu.vector_store %arg17[%parallel_loop3A_719, %parallel_loop3A_720], %parallel_loop3A_718 {strides = array<i32>} : memref<32x128xf32, #tpu.memory_space<vmem>>, vector<16xf32>,
        %parallel_loop3A_722 = arith.constant 6 : i32
        %parallel_loop3A_723 = vector.broadcast %parallel_loop3A_722 : i32 to vector<16xi32>
        %parallel_loop3A_724 = arith.addi %select_n3A, %parallel_loop3A_723 : vector<16xi32>
        %parallel_loop3A_725 = vector.shape_cast %parallel_loop3A_724 : vector<16xi32> to vector<16x1xi32>
        %parallel_loop3A_726 = vector.shape_cast %parallel_loop3A_725 : vector<16x1xi32> to vector<16xi32>
        %parallel_loop3A_727 = tpu.dynamic_gather %parallel_loop3A_685[%parallel_loop3A_726] in [0] : vector<16xf32>, vector<16xi32> -> vector<16xf32>
        %parallel_loop3A_728 = arith.addf %parallel_loop3A_587, %parallel_loop3A_584 : vector<16xf32>
        %parallel_loop3A_729 = arith.mulf %parallel_loop3A_728, %parallel_loop3A_727 : vector<16xf32>
        %parallel_loop3A_730 = arith.index_cast %parallel_loop3A_529 : i32 to index
        %parallel_loop3A_731 = arith.constant 48 : index
        %parallel_loop3A_732 = tpu.vector_load %arg17[%parallel_loop3A_730, %parallel_loop3A_731] {strides = array<i32>} : memref<32x128xf32, #tpu.memory_space<vmem>>, vector<16xf32>,
        tpu.vector_store %arg17[%parallel_loop3A_730, %parallel_loop3A_731], %parallel_loop3A_729 {strides = array<i32>} : memref<32x128xf32, #tpu.memory_space<vmem>>, vector<16xf32>,
        %parallel_loop3A_733 = arith.constant 8 : i32
        %parallel_loop3A_734 = vector.broadcast %parallel_loop3A_733 : i32 to vector<16xi32>
        %parallel_loop3A_735 = arith.addi %select_n3A, %parallel_loop3A_734 : vector<16xi32>
        %parallel_loop3A_736 = vector.shape_cast %parallel_loop3A_735 : vector<16xi32> to vector<16x1xi32>
        %parallel_loop3A_737 = vector.shape_cast %parallel_loop3A_736 : vector<16x1xi32> to vector<16xi32>
        %parallel_loop3A_738 = tpu.dynamic_gather %parallel_loop3A_685[%parallel_loop3A_737] in [0] : vector<16xf32>, vector<16xi32> -> vector<16xf32>
        %parallel_loop3A_739 = arith.addf %parallel_loop3A_604, %parallel_loop3A_601 : vector<16xf32>
        %parallel_loop3A_740 = arith.mulf %parallel_loop3A_739, %parallel_loop3A_738 : vector<16xf32>
        %parallel_loop3A_741 = arith.index_cast %parallel_loop3A_529 : i32 to index
        %parallel_loop3A_742 = arith.constant 64 : index
        %parallel_loop3A_743 = tpu.vector_load %arg17[%parallel_loop3A_741, %parallel_loop3A_742] {strides = array<i32>} : memref<32x128xf32, #tpu.memory_space<vmem>>, vector<16xf32>,
        tpu.vector_store %arg17[%parallel_loop3A_741, %parallel_loop3A_742], %parallel_loop3A_740 {strides = array<i32>} : memref<32x128xf32, #tpu.memory_space<vmem>>, vector<16xf32>,
        %parallel_loop3A_744 = arith.constant 10 : i32
        %parallel_loop3A_745 = vector.broadcast %parallel_loop3A_744 : i32 to vector<16xi32>
        %parallel_loop3A_746 = arith.addi %select_n3A, %parallel_loop3A_745 : vector<16xi32>
        %parallel_loop3A_747 = vector.shape_cast %parallel_loop3A_746 : vector<16xi32> to vector<16x1xi32>
        %parallel_loop3A_748 = vector.shape_cast %parallel_loop3A_747 : vector<16x1xi32> to vector<16xi32>
        %parallel_loop3A_749 = tpu.dynamic_gather %parallel_loop3A_685[%parallel_loop3A_748] in [0] : vector<16xf32>, vector<16xi32> -> vector<16xf32>
        %parallel_loop3A_750 = arith.addf %parallel_loop3A_621, %parallel_loop3A_618 : vector<16xf32>
        %parallel_loop3A_751 = arith.mulf %parallel_loop3A_750, %parallel_loop3A_749 : vector<16xf32>
        %parallel_loop3A_752 = arith.index_cast %parallel_loop3A_529 : i32 to index
        %parallel_loop3A_753 = arith.constant 80 : index
        %parallel_loop3A_754 = tpu.vector_load %arg17[%parallel_loop3A_752, %parallel_loop3A_753] {strides = array<i32>} : memref<32x128xf32, #tpu.memory_space<vmem>>, vector<16xf32>,
        tpu.vector_store %arg17[%parallel_loop3A_752, %parallel_loop3A_753], %parallel_loop3A_751 {strides = array<i32>} : memref<32x128xf32, #tpu.memory_space<vmem>>, vector<16xf32>,
        %parallel_loop3A_755 = arith.constant 12 : i32
        %parallel_loop3A_756 = vector.broadcast %parallel_loop3A_755 : i32 to vector<16xi32>
        %parallel_loop3A_757 = arith.addi %select_n3A, %parallel_loop3A_756 : vector<16xi32>
        %parallel_loop3A_758 = vector.shape_cast %parallel_loop3A_757 : vector<16xi32> to vector<16x1xi32>
        %parallel_loop3A_759 = vector.shape_cast %parallel_loop3A_758 : vector<16x1xi32> to vector<16xi32>
        %parallel_loop3A_760 = tpu.dynamic_gather %parallel_loop3A_685[%parallel_loop3A_759] in [0] : vector<16xf32>, vector<16xi32> -> vector<16xf32>
        %parallel_loop3A_761 = arith.addf %parallel_loop3A_638, %parallel_loop3A_635 : vector<16xf32>
        %parallel_loop3A_762 = arith.mulf %parallel_loop3A_761, %parallel_loop3A_760 : vector<16xf32>
        %parallel_loop3A_763 = arith.index_cast %parallel_loop3A_529 : i32 to index
        %parallel_loop3A_764 = arith.constant 96 : index
        %parallel_loop3A_765 = tpu.vector_load %arg17[%parallel_loop3A_763, %parallel_loop3A_764] {strides = array<i32>} : memref<32x128xf32, #tpu.memory_space<vmem>>, vector<16xf32>,
        tpu.vector_store %arg17[%parallel_loop3A_763, %parallel_loop3A_764], %parallel_loop3A_762 {strides = array<i32>} : memref<32x128xf32, #tpu.memory_space<vmem>>, vector<16xf32>,
        %parallel_loop3A_766 = arith.constant 14 : i32
        %parallel_loop3A_767 = vector.broadcast %parallel_loop3A_766 : i32 to vector<16xi32>
        %parallel_loop3A_768 = arith.addi %select_n3A, %parallel_loop3A_767 : vector<16xi32>
        %parallel_loop3A_769 = vector.shape_cast %parallel_loop3A_768 : vector<16xi32> to vector<16x1xi32>
        %parallel_loop3A_770 = vector.shape_cast %parallel_loop3A_769 : vector<16x1xi32> to vector<16xi32>
        %parallel_loop3A_771 = tpu.dynamic_gather %parallel_loop3A_685[%parallel_loop3A_770] in [0] : vector<16xf32>, vector<16xi32> -> vector<16xf32>
        %parallel_loop3A_772 = arith.addf %parallel_loop3A_655, %parallel_loop3A_652 : vector<16xf32>
        %parallel_loop3A_773 = arith.mulf %parallel_loop3A_772, %parallel_loop3A_771 : vector<16xf32>
        %parallel_loop3A_774 = arith.index_cast %parallel_loop3A_529 : i32 to index
        %parallel_loop3A_775 = arith.constant 112 : index
        %parallel_loop3A_776 = tpu.vector_load %arg17[%parallel_loop3A_774, %parallel_loop3A_775] {strides = array<i32>} : memref<32x128xf32, #tpu.memory_space<vmem>>, vector<16xf32>,
        tpu.vector_store %arg17[%parallel_loop3A_774, %parallel_loop3A_775], %parallel_loop3A_773 {strides = array<i32>} : memref<32x128xf32, #tpu.memory_space<vmem>>, vector<16xf32>,
      } {sc.loop_unroll_factor = 4 : i64, sc.parallel_access}
      %dma_start3A_484 = arith.constant 0 : i32
      %dma_start3A_485 = arith.constant 0 : i32
      %dma_start3A_486 = tpu.memref_slice %arg9[%dma_start3A_484, %dma_start3A_485] : memref<10000x128xf32, #tpu.memory_space<vmem_shared>> -> memref<10000x128xf32, #tpu.memory_space<vmem_shared>>
      tpu.enqueue_indirect_dma source(%arg17 : memref<32x128xf32, #tpu.memory_space<vmem>>) target(%dma_start3A_486 : memref<10000x128xf32, #tpu.memory_space<vmem_shared>>) offsets(%arg13 : memref<32xi32, #tpu.memory_space<vmem>>) semaphore(%arg28 : memref<!tpu.dma_semaphore, #tpu.memory_space<semaphore_mem>>) {add = true}
      %dma_start3A_487 = arith.constant 0 : i32
      %dma_start3A_488 = arith.constant 0 : i32
      %dma_start3A_489 = tpu.memref_slice %arg10[%dma_start3A_487, %dma_start3A_488] : memref<10000x16xf32, #tpu.memory_space<vmem_shared>> -> memref<10000x16xf32, #tpu.memory_space<vmem_shared>>
      tpu.enqueue_indirect_dma source(%arg21 : memref<32x16xf32, #tpu.memory_space<vmem>>) target(%dma_start3A_489 : memref<10000x16xf32, #tpu.memory_space<vmem_shared>>) offsets(%arg13 : memref<32xi32, #tpu.memory_space<vmem>>) semaphore(%arg28 : memref<!tpu.dma_semaphore, #tpu.memory_space<semaphore_mem>>) {add = true}
      %dma_wait3A_490 = arith.constant 0 : i32
      %dma_wait3A_491 = arith.constant 0 : i32
      %dma_wait3A_492 = tpu.memref_slice %arg9[%dma_wait3A_490, %dma_wait3A_491] : memref<10000x128xf32, #tpu.memory_space<vmem_shared>> -> memref<10000x128xf32, #tpu.memory_space<vmem_shared>>
      tpu.wait_indirect_dma semaphore(%arg29 : memref<!tpu.dma_semaphore, #tpu.memory_space<semaphore_mem>>) src(%arg18 : memref<32x128xf32, #tpu.memory_space<vmem>>) dst(%dma_wait3A_492 : memref<10000x128xf32, #tpu.memory_space<vmem_shared>>)
      %dma_wait3A_493 = arith.constant 0 : i32
      %dma_wait3A_494 = arith.constant 0 : i32
      %dma_wait3A_495 = tpu.memref_slice %arg10[%dma_wait3A_493, %dma_wait3A_494] : memref<10000x16xf32, #tpu.memory_space<vmem_shared>> -> memref<10000x16xf32, #tpu.memory_space<vmem_shared>>
      tpu.wait_indirect_dma semaphore(%arg29 : memref<!tpu.dma_semaphore, #tpu.memory_space<semaphore_mem>>) src(%arg22 : memref<32x16xf32, #tpu.memory_space<vmem>>) dst(%dma_wait3A_495 : memref<10000x16xf32, #tpu.memory_space<vmem_shared>>)
      %add3A_496 = arith.constant 1 : i32
      %add3A_497 = arith.addi %add3A_450, %add3A_496 : i32
      %mul3A_498 = arith.constant 10000 : i32
      %mul3A_499 = arith.muli %add3A, %mul3A_498 : i32
      %mul3A_500 = arith.constant 32 : i32
      %mul3A_501 = arith.muli %add3A_497, %mul3A_500 : i32
      %add3A_502 = arith.addi %mul3A_499, %mul3A_501 : i32
      "tpu.region"() ({
        %run_scoped3A_529 = tpu.sem_alloc : memref<!tpu.dma_semaphore, #tpu.memory_space<semaphore_mem>>
        %dma_start3A_530 = arith.constant 0 : i32
        %dma_start3A_531 = tpu.memref_slice %arg2[%dma_start3A_530, %add3A_502] : memref<2x320000xi32, #tpu.memory_space<hbm>> -> memref<2x32xi32, #tpu.memory_space<hbm>>
        %dma_start3A_532 = arith.constant 0 : i32
        %dma_start3A_533 = tpu.memref_slice %arg2[%dma_start3A_532, %add3A_502] : memref<2x320000xi32, #tpu.memory_space<hbm>> -> memref<2x32xi32, #tpu.memory_space<hbm>>
        tpu.enqueue_dma source(%dma_start3A_533 : memref<2x32xi32, #tpu.memory_space<hbm>>) target(%arg12 : memref<2x32xi32, #tpu.memory_space<vmem>>) target_semaphore(%run_scoped3A_529 : memref<!tpu.dma_semaphore, #tpu.memory_space<semaphore_mem>>)
        %dma_wait3A_534 = arith.constant 0 : i32
        %dma_wait3A_535 = tpu.memref_slice %arg2[%dma_wait3A_534, %add3A_502] : memref<2x320000xi32, #tpu.memory_space<hbm>> -> memref<2x32xi32, #tpu.memory_space<hbm>>
        %dma_wait3A_536 = arith.constant 0 : i32
        %dma_wait3A_537 = tpu.memref_slice %arg2[%dma_wait3A_536, %add3A_502] : memref<2x320000xi32, #tpu.memory_space<hbm>> -> memref<2x32xi32, #tpu.memory_space<hbm>>
        tpu.wait_dma2 semaphore(%run_scoped3A_529 : memref<!tpu.dma_semaphore, #tpu.memory_space<semaphore_mem>>) src(%dma_wait3A_537 : memref<2x32xi32, #tpu.memory_space<hbm>>) dst(%arg12 : memref<2x32xi32, #tpu.memory_space<vmem>>)
        tpu.yield
      }) : () -> ()
      %run_scoped3A_503 = arith.constant 1 : i32
      "tpu.region"() ({
        %run_scoped3A_529 = tpu.sem_alloc : memref<!tpu.dma_semaphore, #tpu.memory_space<semaphore_mem>>
        %dma_start3A_530 = tpu.memref_slice %arg2[%run_scoped3A_503, %add3A_502] : memref<2x320000xi32, #tpu.memory_space<hbm>> -> memref<1x32xi32, #tpu.memory_space<hbm>>
        %dma_start3A_531 = tpu.memref_squeeze %dma_start3A_530 : memref<1x32xi32, #tpu.memory_space<hbm>> -> memref<32xi32, #tpu.memory_space<hbm>>
        %dma_start3A_532 = tpu.memref_slice %arg2[%run_scoped3A_503, %add3A_502] : memref<2x320000xi32, #tpu.memory_space<hbm>> -> memref<1x32xi32, #tpu.memory_space<hbm>>
        %dma_start3A_533 = tpu.memref_squeeze %dma_start3A_532 : memref<1x32xi32, #tpu.memory_space<hbm>> -> memref<32xi32, #tpu.memory_space<hbm>>
        tpu.enqueue_dma source(%dma_start3A_533 : memref<32xi32, #tpu.memory_space<hbm>>) target(%arg14 : memref<32xi32, #tpu.memory_space<vmem>>) target_semaphore(%run_scoped3A_529 : memref<!tpu.dma_semaphore, #tpu.memory_space<semaphore_mem>>)
        %dma_wait3A_534 = tpu.memref_slice %arg2[%run_scoped3A_503, %add3A_502] : memref<2x320000xi32, #tpu.memory_space<hbm>> -> memref<1x32xi32, #tpu.memory_space<hbm>>
        %dma_wait3A_535 = tpu.memref_squeeze %dma_wait3A_534 : memref<1x32xi32, #tpu.memory_space<hbm>> -> memref<32xi32, #tpu.memory_space<hbm>>
        %dma_wait3A_536 = tpu.memref_slice %arg2[%run_scoped3A_503, %add3A_502] : memref<2x320000xi32, #tpu.memory_space<hbm>> -> memref<1x32xi32, #tpu.memory_space<hbm>>
        %dma_wait3A_537 = tpu.memref_squeeze %dma_wait3A_536 : memref<1x32xi32, #tpu.memory_space<hbm>> -> memref<32xi32, #tpu.memory_space<hbm>>
        tpu.wait_dma2 semaphore(%run_scoped3A_529 : memref<!tpu.dma_semaphore, #tpu.memory_space<semaphore_mem>>) src(%dma_wait3A_537 : memref<32xi32, #tpu.memory_space<hbm>>) dst(%arg14 : memref<32xi32, #tpu.memory_space<vmem>>)
        tpu.yield
      }) : () -> ()
      %dma_start3A_504 = arith.constant 1 : i32
      %dma_start3A_505 = arith.constant 0 : i32
      %dma_start3A_506 = tpu.memref_slice %arg12[%dma_start3A_504, %dma_start3A_505] : memref<2x32xi32, #tpu.memory_space<vmem>> -> memref<1x32xi32, #tpu.memory_space<vmem>>
      %dma_start3A_507 = tpu.memref_squeeze %dma_start3A_506 : memref<1x32xi32, #tpu.memory_space<vmem>> -> memref<32xi32, #tpu.memory_space<vmem>>
      %dma_start3A_508 = arith.constant 0 : i32
      %dma_start3A_509 = arith.constant 0 : i32
      %dma_start3A_510 = tpu.memref_slice %arg3[%dma_start3A_508, %dma_start3A_509] : memref<10000x128xf32, #tpu.memory_space<hbm>> -> memref<10000x128xf32, #tpu.memory_space<hbm>>
      tpu.enqueue_indirect_dma source(%dma_start3A_510 : memref<10000x128xf32, #tpu.memory_space<hbm>>) target(%arg16 : memref<32x128xf32, #tpu.memory_space<vmem>>) offsets(%dma_start3A_507 : memref<32xi32, #tpu.memory_space<vmem>>) semaphore(%arg24 : memref<!tpu.dma_semaphore, #tpu.memory_space<semaphore_mem>>)
      %dma_start3A_511 = arith.constant 0 : i32
      %dma_start3A_512 = arith.constant 0 : i32
      %dma_start3A_513 = tpu.memref_slice %arg12[%dma_start3A_511, %dma_start3A_512] : memref<2x32xi32, #tpu.memory_space<vmem>> -> memref<1x32xi32, #tpu.memory_space<vmem>>
      %dma_start3A_514 = tpu.memref_squeeze %dma_start3A_513 : memref<1x32xi32, #tpu.memory_space<vmem>> -> memref<32xi32, #tpu.memory_space<vmem>>
      %dma_start3A_515 = arith.constant 0 : i32
      %dma_start3A_516 = arith.constant 0 : i32
      %dma_start3A_517 = tpu.memref_slice %arg4[%dma_start3A_515, %dma_start3A_516] : memref<10000x128xf32, #tpu.memory_space<hbm>> -> memref<10000x128xf32, #tpu.memory_space<hbm>>
      tpu.enqueue_indirect_dma source(%dma_start3A_517 : memref<10000x128xf32, #tpu.memory_space<hbm>>) target(%arg18 : memref<32x128xf32, #tpu.memory_space<vmem>>) offsets(%dma_start3A_514 : memref<32xi32, #tpu.memory_space<vmem>>) semaphore(%arg25 : memref<!tpu.dma_semaphore, #tpu.memory_space<semaphore_mem>>)
      %dma_start3A_518 = arith.constant 0 : i32
      %dma_start3A_519 = arith.constant 0 : i32
      %dma_start3A_520 = tpu.memref_slice %arg12[%dma_start3A_518, %dma_start3A_519] : memref<2x32xi32, #tpu.memory_space<vmem>> -> memref<1x32xi32, #tpu.memory_space<vmem>>
      %dma_start3A_521 = tpu.memref_squeeze %dma_start3A_520 : memref<1x32xi32, #tpu.memory_space<vmem>> -> memref<32xi32, #tpu.memory_space<vmem>>
      %dma_start3A_522 = arith.constant 0 : i32
      %dma_start3A_523 = arith.constant 0 : i32
      %dma_start3A_524 = tpu.memref_slice %arg5[%dma_start3A_522, %dma_start3A_523] : memref<10000x128xf32, #tpu.memory_space<hbm>> -> memref<10000x128xf32, #tpu.memory_space<hbm>>
      tpu.enqueue_indirect_dma source(%dma_start3A_524 : memref<10000x128xf32, #tpu.memory_space<hbm>>) target(%arg20 : memref<32x128xf32, #tpu.memory_space<vmem>>) offsets(%dma_start3A_521 : memref<32xi32, #tpu.memory_space<vmem>>) semaphore(%arg26 : memref<!tpu.dma_semaphore, #tpu.memory_space<semaphore_mem>>)
      %dma_start3A_525 = arith.constant 0 : i32
      %dma_start3A_526 = tpu.memref_slice %arg6[%add3A_502, %dma_start3A_525] : memref<320000x128xf32, #tpu.memory_space<hbm>> -> memref<32x128xf32, #tpu.memory_space<hbm>>
      %dma_start3A_527 = arith.constant 0 : i32
      %dma_start3A_528 = tpu.memref_slice %arg6[%add3A_502, %dma_start3A_527] : memref<320000x128xf32, #tpu.memory_space<hbm>> -> memref<32x128xf32, #tpu.memory_space<hbm>>
      tpu.enqueue_dma source(%dma_start3A_528 : memref<32x128xf32, #tpu.memory_space<hbm>>) target(%arg23 : memref<32x128xf32, #tpu.memory_space<vmem>>) target_semaphore(%arg27 : memref<!tpu.dma_semaphore, #tpu.memory_space<semaphore_mem>>)
    }
    %scan3A_239 = arith.constant 155 : i32
    %mul3A_240 = arith.constant 10000 : i32
    %mul3A_241 = arith.muli %add3A, %mul3A_240 : i32
    %add3A_242 = arith.constant 9952 : i32
    %add3A_243 = arith.addi %mul3A_241, %add3A_242 : i32
    %dma_wait3A_244 = arith.constant 0 : i32
    %dma_wait3A_245 = tpu.memref_slice %arg6[%add3A_243, %dma_wait3A_244] : memref<320000x128xf32, #tpu.memory_space<hbm>> -> memref<32x128xf32, #tpu.memory_space<hbm>>
    %dma_wait3A_246 = arith.constant 0 : i32
    %dma_wait3A_247 = tpu.memref_slice %arg6[%add3A_243, %dma_wait3A_246] : memref<320000x128xf32, #tpu.memory_space<hbm>> -> memref<32x128xf32, #tpu.memory_space<hbm>>
    tpu.wait_dma2 semaphore(%arg27 : memref<!tpu.dma_semaphore, #tpu.memory_space<semaphore_mem>>) src(%dma_wait3A_247 : memref<32x128xf32, #tpu.memory_space<hbm>>) dst(%arg23 : memref<32x128xf32, #tpu.memory_space<vmem>>)
    %dma_wait3A_248 = arith.constant 1 : i32
    %dma_wait3A_249 = arith.constant 0 : i32
    %dma_wait3A_250 = tpu.memref_slice %arg12[%dma_wait3A_248, %dma_wait3A_249] : memref<2x32xi32, #tpu.memory_space<vmem>> -> memref<1x32xi32, #tpu.memory_space<vmem>>
    %dma_wait3A_251 = tpu.memref_squeeze %dma_wait3A_250 : memref<1x32xi32, #tpu.memory_space<vmem>> -> memref<32xi32, #tpu.memory_space<vmem>>
    %dma_wait3A_252 = arith.constant 0 : i32
    %dma_wait3A_253 = arith.constant 0 : i32
    %dma_wait3A_254 = tpu.memref_slice %arg3[%dma_wait3A_252, %dma_wait3A_253] : memref<10000x128xf32, #tpu.memory_space<hbm>> -> memref<10000x128xf32, #tpu.memory_space<hbm>>
    tpu.wait_indirect_dma semaphore(%arg24 : memref<!tpu.dma_semaphore, #tpu.memory_space<semaphore_mem>>) src(%dma_wait3A_254 : memref<10000x128xf32, #tpu.memory_space<hbm>>) dst(%arg16 : memref<32x128xf32, #tpu.memory_space<vmem>>)
    %dma_wait3A_255 = arith.constant 0 : i32
    %dma_wait3A_256 = arith.constant 0 : i32
    %dma_wait3A_257 = tpu.memref_slice %arg12[%dma_wait3A_255, %dma_wait3A_256] : memref<2x32xi32, #tpu.memory_space<vmem>> -> memref<1x32xi32, #tpu.memory_space<vmem>>
    %dma_wait3A_258 = tpu.memref_squeeze %dma_wait3A_257 : memref<1x32xi32, #tpu.memory_space<vmem>> -> memref<32xi32, #tpu.memory_space<vmem>>
    %dma_wait3A_259 = arith.constant 0 : i32
    %dma_wait3A_260 = arith.constant 0 : i32
    %dma_wait3A_261 = tpu.memref_slice %arg4[%dma_wait3A_259, %dma_wait3A_260] : memref<10000x128xf32, #tpu.memory_space<hbm>> -> memref<10000x128xf32, #tpu.memory_space<hbm>>
    tpu.wait_indirect_dma semaphore(%arg25 : memref<!tpu.dma_semaphore, #tpu.memory_space<semaphore_mem>>) src(%dma_wait3A_261 : memref<10000x128xf32, #tpu.memory_space<hbm>>) dst(%arg18 : memref<32x128xf32, #tpu.memory_space<vmem>>)
    %dma_wait3A_262 = arith.constant 0 : i32
    %dma_wait3A_263 = arith.constant 0 : i32
    %dma_wait3A_264 = tpu.memref_slice %arg12[%dma_wait3A_262, %dma_wait3A_263] : memref<2x32xi32, #tpu.memory_space<vmem>> -> memref<1x32xi32, #tpu.memory_space<vmem>>
    %dma_wait3A_265 = tpu.memref_squeeze %dma_wait3A_264 : memref<1x32xi32, #tpu.memory_space<vmem>> -> memref<32xi32, #tpu.memory_space<vmem>>
    %dma_wait3A_266 = arith.constant 0 : i32
    %dma_wait3A_267 = arith.constant 0 : i32
    %dma_wait3A_268 = tpu.memref_slice %arg5[%dma_wait3A_266, %dma_wait3A_267] : memref<10000x128xf32, #tpu.memory_space<hbm>> -> memref<10000x128xf32, #tpu.memory_space<hbm>>
    tpu.wait_indirect_dma semaphore(%arg26 : memref<!tpu.dma_semaphore, #tpu.memory_space<semaphore_mem>>) src(%dma_wait3A_268 : memref<10000x128xf32, #tpu.memory_space<hbm>>) dst(%arg20 : memref<32x128xf32, #tpu.memory_space<vmem>>)
    %parallel_loop3A_269 = arith.constant 0 : i32
    %parallel_loop3A_270 = arith.constant 32 : i32
    %parallel_loop3A_271 = arith.constant 1 : i32
    scf.for %parallel_loop3A_366 = %parallel_loop3A_269 to %parallel_loop3A_270 step %parallel_loop3A_271  : i32 {
      %parallel_loop3A_367 = vector.broadcast %parallel_loop3A_366 : i32 to vector<16xi32>
      %parallel_loop3A_368 = arith.index_cast %parallel_loop3A_366 : i32 to index
      %parallel_loop3A_369 = arith.constant 0 : index
      %parallel_loop3A_370 = tpu.vector_load %arg23[%parallel_loop3A_368, %parallel_loop3A_369] {strides = array<i32>} : memref<32x128xf32, #tpu.memory_space<vmem>>, vector<16xf32>,
      %parallel_loop3A_371 = arith.index_cast %parallel_loop3A_366 : i32 to index
      %parallel_loop3A_372 = arith.constant 0 : index
      %parallel_loop3A_373 = tpu.vector_load %arg20[%parallel_loop3A_371, %parallel_loop3A_372] {strides = array<i32>} : memref<32x128xf32, #tpu.memory_space<vmem>>, vector<16xf32>,
      %parallel_loop3A_374 = arith.index_cast %parallel_loop3A_366 : i32 to index
      %parallel_loop3A_375 = arith.constant 0 : index
      %parallel_loop3A_376 = tpu.vector_load %arg18[%parallel_loop3A_374, %parallel_loop3A_375] {strides = array<i32>} : memref<32x128xf32, #tpu.memory_space<vmem>>, vector<16xf32>,
      %parallel_loop3A_377 = arith.addf %parallel_loop3A_376, %parallel_loop3A_370 : vector<16xf32>
      %parallel_loop3A_378 = arith.index_cast %parallel_loop3A_366 : i32 to index
      %parallel_loop3A_379 = arith.constant 0 : index
      %parallel_loop3A_380 = tpu.vector_load %arg16[%parallel_loop3A_378, %parallel_loop3A_379] {strides = array<i32>} : memref<32x128xf32, #tpu.memory_space<vmem>>, vector<16xf32>,
      %parallel_loop3A_381 = arith.mulf %parallel_loop3A_380, %parallel_loop3A_377 : vector<16xf32>
      %parallel_loop3A_382 = arith.index_cast %parallel_loop3A_366 : i32 to index
      %parallel_loop3A_383 = arith.constant 0 : index
      %parallel_loop3A_384 = tpu.vector_load %arg18[%parallel_loop3A_382, %parallel_loop3A_383] {strides = array<i32>} : memref<32x128xf32, #tpu.memory_space<vmem>>, vector<16xf32>,
      tpu.vector_store %arg18[%parallel_loop3A_382, %parallel_loop3A_383], %parallel_loop3A_381 {strides = array<i32>} : memref<32x128xf32, #tpu.memory_space<vmem>>, vector<16xf32>,
      %parallel_loop3A_385 = arith.index_cast %parallel_loop3A_366 : i32 to index
      %parallel_loop3A_386 = arith.constant 16 : index
      %parallel_loop3A_387 = tpu.vector_load %arg23[%parallel_loop3A_385, %parallel_loop3A_386] {strides = array<i32>} : memref<32x128xf32, #tpu.memory_space<vmem>>, vector<16xf32>,
      %parallel_loop3A_388 = arith.index_cast %parallel_loop3A_366 : i32 to index
      %parallel_loop3A_389 = arith.constant 16 : index
      %parallel_loop3A_390 = tpu.vector_load %arg20[%parallel_loop3A_388, %parallel_loop3A_389] {strides = array<i32>} : memref<32x128xf32, #tpu.memory_space<vmem>>, vector<16xf32>,
      %parallel_loop3A_391 = arith.index_cast %parallel_loop3A_366 : i32 to index
      %parallel_loop3A_392 = arith.constant 16 : index
      %parallel_loop3A_393 = tpu.vector_load %arg18[%parallel_loop3A_391, %parallel_loop3A_392] {strides = array<i32>} : memref<32x128xf32, #tpu.memory_space<vmem>>, vector<16xf32>,
      %parallel_loop3A_394 = arith.addf %parallel_loop3A_393, %parallel_loop3A_387 : vector<16xf32>
      %parallel_loop3A_395 = arith.index_cast %parallel_loop3A_366 : i32 to index
      %parallel_loop3A_396 = arith.constant 16 : index
      %parallel_loop3A_397 = tpu.vector_load %arg16[%parallel_loop3A_395, %parallel_loop3A_396] {strides = array<i32>} : memref<32x128xf32, #tpu.memory_space<vmem>>, vector<16xf32>,
      %parallel_loop3A_398 = arith.mulf %parallel_loop3A_397, %parallel_loop3A_394 : vector<16xf32>
      %parallel_loop3A_399 = arith.index_cast %parallel_loop3A_366 : i32 to index
      %parallel_loop3A_400 = arith.constant 16 : index
      %parallel_loop3A_401 = tpu.vector_load %arg18[%parallel_loop3A_399, %parallel_loop3A_400] {strides = array<i32>} : memref<32x128xf32, #tpu.memory_space<vmem>>, vector<16xf32>,
      tpu.vector_store %arg18[%parallel_loop3A_399, %parallel_loop3A_400], %parallel_loop3A_398 {strides = array<i32>} : memref<32x128xf32, #tpu.memory_space<vmem>>, vector<16xf32>,
      %parallel_loop3A_402 = arith.index_cast %parallel_loop3A_366 : i32 to index
      %parallel_loop3A_403 = arith.constant 32 : index
      %parallel_loop3A_404 = tpu.vector_load %arg23[%parallel_loop3A_402, %parallel_loop3A_403] {strides = array<i32>} : memref<32x128xf32, #tpu.memory_space<vmem>>, vector<16xf32>,
      %parallel_loop3A_405 = arith.index_cast %parallel_loop3A_366 : i32 to index
      %parallel_loop3A_406 = arith.constant 32 : index
      %parallel_loop3A_407 = tpu.vector_load %arg20[%parallel_loop3A_405, %parallel_loop3A_406] {strides = array<i32>} : memref<32x128xf32, #tpu.memory_space<vmem>>, vector<16xf32>,
      %parallel_loop3A_408 = arith.index_cast %parallel_loop3A_366 : i32 to index
      %parallel_loop3A_409 = arith.constant 32 : index
      %parallel_loop3A_410 = tpu.vector_load %arg18[%parallel_loop3A_408, %parallel_loop3A_409] {strides = array<i32>} : memref<32x128xf32, #tpu.memory_space<vmem>>, vector<16xf32>,
      %parallel_loop3A_411 = arith.addf %parallel_loop3A_410, %parallel_loop3A_404 : vector<16xf32>
      %parallel_loop3A_412 = arith.index_cast %parallel_loop3A_366 : i32 to index
      %parallel_loop3A_413 = arith.constant 32 : index
      %parallel_loop3A_414 = tpu.vector_load %arg16[%parallel_loop3A_412, %parallel_loop3A_413] {strides = array<i32>} : memref<32x128xf32, #tpu.memory_space<vmem>>, vector<16xf32>,
      %parallel_loop3A_415 = arith.mulf %parallel_loop3A_414, %parallel_loop3A_411 : vector<16xf32>
      %parallel_loop3A_416 = arith.index_cast %parallel_loop3A_366 : i32 to index
      %parallel_loop3A_417 = arith.constant 32 : index
      %parallel_loop3A_418 = tpu.vector_load %arg18[%parallel_loop3A_416, %parallel_loop3A_417] {strides = array<i32>} : memref<32x128xf32, #tpu.memory_space<vmem>>, vector<16xf32>,
      tpu.vector_store %arg18[%parallel_loop3A_416, %parallel_loop3A_417], %parallel_loop3A_415 {strides = array<i32>} : memref<32x128xf32, #tpu.memory_space<vmem>>, vector<16xf32>,
      %parallel_loop3A_419 = arith.index_cast %parallel_loop3A_366 : i32 to index
      %parallel_loop3A_420 = arith.constant 48 : index
      %parallel_loop3A_421 = tpu.vector_load %arg23[%parallel_loop3A_419, %parallel_loop3A_420] {strides = array<i32>} : memref<32x128xf32, #tpu.memory_space<vmem>>, vector<16xf32>,
      %parallel_loop3A_422 = arith.index_cast %parallel_loop3A_366 : i32 to index
      %parallel_loop3A_423 = arith.constant 48 : index
      %parallel_loop3A_424 = tpu.vector_load %arg20[%parallel_loop3A_422, %parallel_loop3A_423] {strides = array<i32>} : memref<32x128xf32, #tpu.memory_space<vmem>>, vector<16xf32>,
      %parallel_loop3A_425 = arith.index_cast %parallel_loop3A_366 : i32 to index
      %parallel_loop3A_426 = arith.constant 48 : index
      %parallel_loop3A_427 = tpu.vector_load %arg18[%parallel_loop3A_425, %parallel_loop3A_426] {strides = array<i32>} : memref<32x128xf32, #tpu.memory_space<vmem>>, vector<16xf32>,
      %parallel_loop3A_428 = arith.addf %parallel_loop3A_427, %parallel_loop3A_421 : vector<16xf32>
      %parallel_loop3A_429 = arith.index_cast %parallel_loop3A_366 : i32 to index
      %parallel_loop3A_430 = arith.constant 48 : index
      %parallel_loop3A_431 = tpu.vector_load %arg16[%parallel_loop3A_429, %parallel_loop3A_430] {strides = array<i32>} : memref<32x128xf32, #tpu.memory_space<vmem>>, vector<16xf32>,
      %parallel_loop3A_432 = arith.mulf %parallel_loop3A_431, %parallel_loop3A_428 : vector<16xf32>
      %parallel_loop3A_433 = arith.index_cast %parallel_loop3A_366 : i32 to index
      %parallel_loop3A_434 = arith.constant 48 : index
      %parallel_loop3A_435 = tpu.vector_load %arg18[%parallel_loop3A_433, %parallel_loop3A_434] {strides = array<i32>} : memref<32x128xf32, #tpu.memory_space<vmem>>, vector<16xf32>,
      tpu.vector_store %arg18[%parallel_loop3A_433, %parallel_loop3A_434], %parallel_loop3A_432 {strides = array<i32>} : memref<32x128xf32, #tpu.memory_space<vmem>>, vector<16xf32>,
      %parallel_loop3A_436 = arith.index_cast %parallel_loop3A_366 : i32 to index
      %parallel_loop3A_437 = arith.constant 64 : index
      %parallel_loop3A_438 = tpu.vector_load %arg23[%parallel_loop3A_436, %parallel_loop3A_437] {strides = array<i32>} : memref<32x128xf32, #tpu.memory_space<vmem>>, vector<16xf32>,
      %parallel_loop3A_439 = arith.index_cast %parallel_loop3A_366 : i32 to index
      %parallel_loop3A_440 = arith.constant 64 : index
      %parallel_loop3A_441 = tpu.vector_load %arg20[%parallel_loop3A_439, %parallel_loop3A_440] {strides = array<i32>} : memref<32x128xf32, #tpu.memory_space<vmem>>, vector<16xf32>,
      %parallel_loop3A_442 = arith.index_cast %parallel_loop3A_366 : i32 to index
      %parallel_loop3A_443 = arith.constant 64 : index
      %parallel_loop3A_444 = tpu.vector_load %arg18[%parallel_loop3A_442, %parallel_loop3A_443] {strides = array<i32>} : memref<32x128xf32, #tpu.memory_space<vmem>>, vector<16xf32>,
      %parallel_loop3A_445 = arith.addf %parallel_loop3A_444, %parallel_loop3A_438 : vector<16xf32>
      %parallel_loop3A_446 = arith.index_cast %parallel_loop3A_366 : i32 to index
      %parallel_loop3A_447 = arith.constant 64 : index
      %parallel_loop3A_448 = tpu.vector_load %arg16[%parallel_loop3A_446, %parallel_loop3A_447] {strides = array<i32>} : memref<32x128xf32, #tpu.memory_space<vmem>>, vector<16xf32>,
      %parallel_loop3A_449 = arith.mulf %parallel_loop3A_448, %parallel_loop3A_445 : vector<16xf32>
      %parallel_loop3A_450 = arith.index_cast %parallel_loop3A_366 : i32 to index
      %parallel_loop3A_451 = arith.constant 64 : index
      %parallel_loop3A_452 = tpu.vector_load %arg18[%parallel_loop3A_450, %parallel_loop3A_451] {strides = array<i32>} : memref<32x128xf32, #tpu.memory_space<vmem>>, vector<16xf32>,
      tpu.vector_store %arg18[%parallel_loop3A_450, %parallel_loop3A_451], %parallel_loop3A_449 {strides = array<i32>} : memref<32x128xf32, #tpu.memory_space<vmem>>, vector<16xf32>,
      %parallel_loop3A_453 = arith.index_cast %parallel_loop3A_366 : i32 to index
      %parallel_loop3A_454 = arith.constant 80 : index
      %parallel_loop3A_455 = tpu.vector_load %arg23[%parallel_loop3A_453, %parallel_loop3A_454] {strides = array<i32>} : memref<32x128xf32, #tpu.memory_space<vmem>>, vector<16xf32>,
      %parallel_loop3A_456 = arith.index_cast %parallel_loop3A_366 : i32 to index
      %parallel_loop3A_457 = arith.constant 80 : index
      %parallel_loop3A_458 = tpu.vector_load %arg20[%parallel_loop3A_456, %parallel_loop3A_457] {strides = array<i32>} : memref<32x128xf32, #tpu.memory_space<vmem>>, vector<16xf32>,
      %parallel_loop3A_459 = arith.index_cast %parallel_loop3A_366 : i32 to index
      %parallel_loop3A_460 = arith.constant 80 : index
      %parallel_loop3A_461 = tpu.vector_load %arg18[%parallel_loop3A_459, %parallel_loop3A_460] {strides = array<i32>} : memref<32x128xf32, #tpu.memory_space<vmem>>, vector<16xf32>,
      %parallel_loop3A_462 = arith.addf %parallel_loop3A_461, %parallel_loop3A_455 : vector<16xf32>
      %parallel_loop3A_463 = arith.index_cast %parallel_loop3A_366 : i32 to index
      %parallel_loop3A_464 = arith.constant 80 : index
      %parallel_loop3A_465 = tpu.vector_load %arg16[%parallel_loop3A_463, %parallel_loop3A_464] {strides = array<i32>} : memref<32x128xf32, #tpu.memory_space<vmem>>, vector<16xf32>,
      %parallel_loop3A_466 = arith.mulf %parallel_loop3A_465, %parallel_loop3A_462 : vector<16xf32>
      %parallel_loop3A_467 = arith.index_cast %parallel_loop3A_366 : i32 to index
      %parallel_loop3A_468 = arith.constant 80 : index
      %parallel_loop3A_469 = tpu.vector_load %arg18[%parallel_loop3A_467, %parallel_loop3A_468] {strides = array<i32>} : memref<32x128xf32, #tpu.memory_space<vmem>>, vector<16xf32>,
      tpu.vector_store %arg18[%parallel_loop3A_467, %parallel_loop3A_468], %parallel_loop3A_466 {strides = array<i32>} : memref<32x128xf32, #tpu.memory_space<vmem>>, vector<16xf32>,
      %parallel_loop3A_470 = arith.index_cast %parallel_loop3A_366 : i32 to index
      %parallel_loop3A_471 = arith.constant 96 : index
      %parallel_loop3A_472 = tpu.vector_load %arg23[%parallel_loop3A_470, %parallel_loop3A_471] {strides = array<i32>} : memref<32x128xf32, #tpu.memory_space<vmem>>, vector<16xf32>,
      %parallel_loop3A_473 = arith.index_cast %parallel_loop3A_366 : i32 to index
      %parallel_loop3A_474 = arith.constant 96 : index
      %parallel_loop3A_475 = tpu.vector_load %arg20[%parallel_loop3A_473, %parallel_loop3A_474] {strides = array<i32>} : memref<32x128xf32, #tpu.memory_space<vmem>>, vector<16xf32>,
      %parallel_loop3A_476 = arith.index_cast %parallel_loop3A_366 : i32 to index
      %parallel_loop3A_477 = arith.constant 96 : index
      %parallel_loop3A_478 = tpu.vector_load %arg18[%parallel_loop3A_476, %parallel_loop3A_477] {strides = array<i32>} : memref<32x128xf32, #tpu.memory_space<vmem>>, vector<16xf32>,
      %parallel_loop3A_479 = arith.addf %parallel_loop3A_478, %parallel_loop3A_472 : vector<16xf32>
      %parallel_loop3A_480 = arith.index_cast %parallel_loop3A_366 : i32 to index
      %parallel_loop3A_481 = arith.constant 96 : index
      %parallel_loop3A_482 = tpu.vector_load %arg16[%parallel_loop3A_480, %parallel_loop3A_481] {strides = array<i32>} : memref<32x128xf32, #tpu.memory_space<vmem>>, vector<16xf32>,
      %parallel_loop3A_483 = arith.mulf %parallel_loop3A_482, %parallel_loop3A_479 : vector<16xf32>
      %parallel_loop3A_484 = arith.index_cast %parallel_loop3A_366 : i32 to index
      %parallel_loop3A_485 = arith.constant 96 : index
      %parallel_loop3A_486 = tpu.vector_load %arg18[%parallel_loop3A_484, %parallel_loop3A_485] {strides = array<i32>} : memref<32x128xf32, #tpu.memory_space<vmem>>, vector<16xf32>,
      tpu.vector_store %arg18[%parallel_loop3A_484, %parallel_loop3A_485], %parallel_loop3A_483 {strides = array<i32>} : memref<32x128xf32, #tpu.memory_space<vmem>>, vector<16xf32>,
      %parallel_loop3A_487 = arith.index_cast %parallel_loop3A_366 : i32 to index
      %parallel_loop3A_488 = arith.constant 112 : index
      %parallel_loop3A_489 = tpu.vector_load %arg23[%parallel_loop3A_487, %parallel_loop3A_488] {strides = array<i32>} : memref<32x128xf32, #tpu.memory_space<vmem>>, vector<16xf32>,
      %parallel_loop3A_490 = arith.index_cast %parallel_loop3A_366 : i32 to index
      %parallel_loop3A_491 = arith.constant 112 : index
      %parallel_loop3A_492 = tpu.vector_load %arg20[%parallel_loop3A_490, %parallel_loop3A_491] {strides = array<i32>} : memref<32x128xf32, #tpu.memory_space<vmem>>, vector<16xf32>,
      %parallel_loop3A_493 = arith.index_cast %parallel_loop3A_366 : i32 to index
      %parallel_loop3A_494 = arith.constant 112 : index
      %parallel_loop3A_495 = tpu.vector_load %arg18[%parallel_loop3A_493, %parallel_loop3A_494] {strides = array<i32>} : memref<32x128xf32, #tpu.memory_space<vmem>>, vector<16xf32>,
      %parallel_loop3A_496 = arith.addf %parallel_loop3A_495, %parallel_loop3A_489 : vector<16xf32>
      %parallel_loop3A_497 = arith.index_cast %parallel_loop3A_366 : i32 to index
      %parallel_loop3A_498 = arith.constant 112 : index
      %parallel_loop3A_499 = tpu.vector_load %arg16[%parallel_loop3A_497, %parallel_loop3A_498] {strides = array<i32>} : memref<32x128xf32, #tpu.memory_space<vmem>>, vector<16xf32>,
      %parallel_loop3A_500 = arith.mulf %parallel_loop3A_499, %parallel_loop3A_496 : vector<16xf32>
      %parallel_loop3A_501 = arith.index_cast %parallel_loop3A_366 : i32 to index
      %parallel_loop3A_502 = arith.constant 112 : index
      %parallel_loop3A_503 = tpu.vector_load %arg18[%parallel_loop3A_501, %parallel_loop3A_502] {strides = array<i32>} : memref<32x128xf32, #tpu.memory_space<vmem>>, vector<16xf32>,
      tpu.vector_store %arg18[%parallel_loop3A_501, %parallel_loop3A_502], %parallel_loop3A_500 {strides = array<i32>} : memref<32x128xf32, #tpu.memory_space<vmem>>, vector<16xf32>,
      %parallel_loop3A_504 = tpu.vector_load_idx %arg18[%parallel_loop3A_367, %add3A_92] : memref<32x128xf32, #tpu.memory_space<vmem>>[vector<16xi32>, vector<16xi32>], vector<16xf32>,
      %parallel_loop3A_505 = tpu.vector_load_idx %arg18[%parallel_loop3A_367, %add3A_98] : memref<32x128xf32, #tpu.memory_space<vmem>>[vector<16xi32>, vector<16xi32>], vector<16xf32>,
      %parallel_loop3A_506 = arith.addf %parallel_loop3A_504, %parallel_loop3A_505 : vector<16xf32>
      %parallel_loop3A_507 = tpu.vector_load_idx %arg18[%parallel_loop3A_367, %add3A_104] : memref<32x128xf32, #tpu.memory_space<vmem>>[vector<16xi32>, vector<16xi32>], vector<16xf32>,
      %parallel_loop3A_508 = arith.addf %parallel_loop3A_506, %parallel_loop3A_507 : vector<16xf32>
      %parallel_loop3A_509 = tpu.vector_load_idx %arg18[%parallel_loop3A_367, %add3A_110] : memref<32x128xf32, #tpu.memory_space<vmem>>[vector<16xi32>, vector<16xi32>], vector<16xf32>,
      %parallel_loop3A_510 = arith.addf %parallel_loop3A_508, %parallel_loop3A_509 : vector<16xf32>
      %parallel_loop3A_511 = tpu.vector_load_idx %arg18[%parallel_loop3A_367, %add3A_116] : memref<32x128xf32, #tpu.memory_space<vmem>>[vector<16xi32>, vector<16xi32>], vector<16xf32>,
      %parallel_loop3A_512 = arith.addf %parallel_loop3A_510, %parallel_loop3A_511 : vector<16xf32>
      %parallel_loop3A_513 = tpu.vector_load_idx %arg18[%parallel_loop3A_367, %add3A_122] : memref<32x128xf32, #tpu.memory_space<vmem>>[vector<16xi32>, vector<16xi32>], vector<16xf32>,
      %parallel_loop3A_514 = arith.addf %parallel_loop3A_512, %parallel_loop3A_513 : vector<16xf32>
      %parallel_loop3A_515 = tpu.vector_load_idx %arg18[%parallel_loop3A_367, %add3A_128] : memref<32x128xf32, #tpu.memory_space<vmem>>[vector<16xi32>, vector<16xi32>], vector<16xf32>,
      %parallel_loop3A_516 = arith.addf %parallel_loop3A_514, %parallel_loop3A_515 : vector<16xf32>
      %parallel_loop3A_517 = tpu.vector_load_idx %arg18[%parallel_loop3A_367, %add3A_134] : memref<32x128xf32, #tpu.memory_space<vmem>>[vector<16xi32>, vector<16xi32>], vector<16xf32>,
      %parallel_loop3A_518 = arith.addf %parallel_loop3A_516, %parallel_loop3A_517 : vector<16xf32>
      %parallel_loop3A_519 = arith.constant 0.353553385 : f32
      %parallel_loop3A_520 = vector.broadcast %parallel_loop3A_519 : f32 to vector<16xf32>
      %parallel_loop3A_521 = arith.mulf %parallel_loop3A_518, %parallel_loop3A_520 : vector<16xf32>
      %parallel_loop3A_522 = math.exp %parallel_loop3A_521 : vector<16xf32>
      %parallel_loop3A_523 = arith.index_cast %parallel_loop3A_366 : i32 to index
      %parallel_loop3A_524 = arith.constant 0 : index
      %parallel_loop3A_525 = tpu.vector_load %arg22[%parallel_loop3A_523, %parallel_loop3A_524] {strides = array<i32>} : memref<32x16xf32, #tpu.memory_space<vmem>>, vector<16xf32>,
      tpu.vector_store %arg22[%parallel_loop3A_523, %parallel_loop3A_524], %parallel_loop3A_522 {strides = array<i32>} : memref<32x16xf32, #tpu.memory_space<vmem>>, vector<16xf32>,
      %parallel_loop3A_526 = arith.constant 0 : i32
      %parallel_loop3A_527 = vector.broadcast %parallel_loop3A_526 : i32 to vector<16xi32>
      %parallel_loop3A_528 = arith.addi %select_n3A, %parallel_loop3A_527 : vector<16xi32>
      %parallel_loop3A_529 = vector.shape_cast %parallel_loop3A_528 : vector<16xi32> to vector<16x1xi32>
      %parallel_loop3A_530 = vector.shape_cast %parallel_loop3A_529 : vector<16x1xi32> to vector<16xi32>
      %parallel_loop3A_531 = tpu.dynamic_gather %parallel_loop3A_522[%parallel_loop3A_530] in [0] : vector<16xf32>, vector<16xi32> -> vector<16xf32>
      %parallel_loop3A_532 = arith.addf %parallel_loop3A_373, %parallel_loop3A_370 : vector<16xf32>
      %parallel_loop3A_533 = arith.mulf %parallel_loop3A_532, %parallel_loop3A_531 : vector<16xf32>
      %parallel_loop3A_534 = arith.index_cast %parallel_loop3A_366 : i32 to index
      %parallel_loop3A_535 = arith.constant 0 : index
      %parallel_loop3A_536 = tpu.vector_load %arg18[%parallel_loop3A_534, %parallel_loop3A_535] {strides = array<i32>} : memref<32x128xf32, #tpu.memory_space<vmem>>, vector<16xf32>,
      tpu.vector_store %arg18[%parallel_loop3A_534, %parallel_loop3A_535], %parallel_loop3A_533 {strides = array<i32>} : memref<32x128xf32, #tpu.memory_space<vmem>>, vector<16xf32>,
      %parallel_loop3A_537 = arith.constant 2 : i32
      %parallel_loop3A_538 = vector.broadcast %parallel_loop3A_537 : i32 to vector<16xi32>
      %parallel_loop3A_539 = arith.addi %select_n3A, %parallel_loop3A_538 : vector<16xi32>
      %parallel_loop3A_540 = vector.shape_cast %parallel_loop3A_539 : vector<16xi32> to vector<16x1xi32>
      %parallel_loop3A_541 = vector.shape_cast %parallel_loop3A_540 : vector<16x1xi32> to vector<16xi32>
      %parallel_loop3A_542 = tpu.dynamic_gather %parallel_loop3A_522[%parallel_loop3A_541] in [0] : vector<16xf32>, vector<16xi32> -> vector<16xf32>
      %parallel_loop3A_543 = arith.addf %parallel_loop3A_390, %parallel_loop3A_387 : vector<16xf32>
      %parallel_loop3A_544 = arith.mulf %parallel_loop3A_543, %parallel_loop3A_542 : vector<16xf32>
      %parallel_loop3A_545 = arith.index_cast %parallel_loop3A_366 : i32 to index
      %parallel_loop3A_546 = arith.constant 16 : index
      %parallel_loop3A_547 = tpu.vector_load %arg18[%parallel_loop3A_545, %parallel_loop3A_546] {strides = array<i32>} : memref<32x128xf32, #tpu.memory_space<vmem>>, vector<16xf32>,
      tpu.vector_store %arg18[%parallel_loop3A_545, %parallel_loop3A_546], %parallel_loop3A_544 {strides = array<i32>} : memref<32x128xf32, #tpu.memory_space<vmem>>, vector<16xf32>,
      %parallel_loop3A_548 = arith.constant 4 : i32
      %parallel_loop3A_549 = vector.broadcast %parallel_loop3A_548 : i32 to vector<16xi32>
      %parallel_loop3A_550 = arith.addi %select_n3A, %parallel_loop3A_549 : vector<16xi32>
      %parallel_loop3A_551 = vector.shape_cast %parallel_loop3A_550 : vector<16xi32> to vector<16x1xi32>
      %parallel_loop3A_552 = vector.shape_cast %parallel_loop3A_551 : vector<16x1xi32> to vector<16xi32>
      %parallel_loop3A_553 = tpu.dynamic_gather %parallel_loop3A_522[%parallel_loop3A_552] in [0] : vector<16xf32>, vector<16xi32> -> vector<16xf32>
      %parallel_loop3A_554 = arith.addf %parallel_loop3A_407, %parallel_loop3A_404 : vector<16xf32>
      %parallel_loop3A_555 = arith.mulf %parallel_loop3A_554, %parallel_loop3A_553 : vector<16xf32>
      %parallel_loop3A_556 = arith.index_cast %parallel_loop3A_366 : i32 to index
      %parallel_loop3A_557 = arith.constant 32 : index
      %parallel_loop3A_558 = tpu.vector_load %arg18[%parallel_loop3A_556, %parallel_loop3A_557] {strides = array<i32>} : memref<32x128xf32, #tpu.memory_space<vmem>>, vector<16xf32>,
      tpu.vector_store %arg18[%parallel_loop3A_556, %parallel_loop3A_557], %parallel_loop3A_555 {strides = array<i32>} : memref<32x128xf32, #tpu.memory_space<vmem>>, vector<16xf32>,
      %parallel_loop3A_559 = arith.constant 6 : i32
      %parallel_loop3A_560 = vector.broadcast %parallel_loop3A_559 : i32 to vector<16xi32>
      %parallel_loop3A_561 = arith.addi %select_n3A, %parallel_loop3A_560 : vector<16xi32>
      %parallel_loop3A_562 = vector.shape_cast %parallel_loop3A_561 : vector<16xi32> to vector<16x1xi32>
      %parallel_loop3A_563 = vector.shape_cast %parallel_loop3A_562 : vector<16x1xi32> to vector<16xi32>
      %parallel_loop3A_564 = tpu.dynamic_gather %parallel_loop3A_522[%parallel_loop3A_563] in [0] : vector<16xf32>, vector<16xi32> -> vector<16xf32>
      %parallel_loop3A_565 = arith.addf %parallel_loop3A_424, %parallel_loop3A_421 : vector<16xf32>
      %parallel_loop3A_566 = arith.mulf %parallel_loop3A_565, %parallel_loop3A_564 : vector<16xf32>
      %parallel_loop3A_567 = arith.index_cast %parallel_loop3A_366 : i32 to index
      %parallel_loop3A_568 = arith.constant 48 : index
      %parallel_loop3A_569 = tpu.vector_load %arg18[%parallel_loop3A_567, %parallel_loop3A_568] {strides = array<i32>} : memref<32x128xf32, #tpu.memory_space<vmem>>, vector<16xf32>,
      tpu.vector_store %arg18[%parallel_loop3A_567, %parallel_loop3A_568], %parallel_loop3A_566 {strides = array<i32>} : memref<32x128xf32, #tpu.memory_space<vmem>>, vector<16xf32>,
      %parallel_loop3A_570 = arith.constant 8 : i32
      %parallel_loop3A_571 = vector.broadcast %parallel_loop3A_570 : i32 to vector<16xi32>
      %parallel_loop3A_572 = arith.addi %select_n3A, %parallel_loop3A_571 : vector<16xi32>
      %parallel_loop3A_573 = vector.shape_cast %parallel_loop3A_572 : vector<16xi32> to vector<16x1xi32>
      %parallel_loop3A_574 = vector.shape_cast %parallel_loop3A_573 : vector<16x1xi32> to vector<16xi32>
      %parallel_loop3A_575 = tpu.dynamic_gather %parallel_loop3A_522[%parallel_loop3A_574] in [0] : vector<16xf32>, vector<16xi32> -> vector<16xf32>
      %parallel_loop3A_576 = arith.addf %parallel_loop3A_441, %parallel_loop3A_438 : vector<16xf32>
      %parallel_loop3A_577 = arith.mulf %parallel_loop3A_576, %parallel_loop3A_575 : vector<16xf32>
      %parallel_loop3A_578 = arith.index_cast %parallel_loop3A_366 : i32 to index
      %parallel_loop3A_579 = arith.constant 64 : index
      %parallel_loop3A_580 = tpu.vector_load %arg18[%parallel_loop3A_578, %parallel_loop3A_579] {strides = array<i32>} : memref<32x128xf32, #tpu.memory_space<vmem>>, vector<16xf32>,
      tpu.vector_store %arg18[%parallel_loop3A_578, %parallel_loop3A_579], %parallel_loop3A_577 {strides = array<i32>} : memref<32x128xf32, #tpu.memory_space<vmem>>, vector<16xf32>,
      %parallel_loop3A_581 = arith.constant 10 : i32
      %parallel_loop3A_582 = vector.broadcast %parallel_loop3A_581 : i32 to vector<16xi32>
      %parallel_loop3A_583 = arith.addi %select_n3A, %parallel_loop3A_582 : vector<16xi32>
      %parallel_loop3A_584 = vector.shape_cast %parallel_loop3A_583 : vector<16xi32> to vector<16x1xi32>
      %parallel_loop3A_585 = vector.shape_cast %parallel_loop3A_584 : vector<16x1xi32> to vector<16xi32>
      %parallel_loop3A_586 = tpu.dynamic_gather %parallel_loop3A_522[%parallel_loop3A_585] in [0] : vector<16xf32>, vector<16xi32> -> vector<16xf32>
      %parallel_loop3A_587 = arith.addf %parallel_loop3A_458, %parallel_loop3A_455 : vector<16xf32>
      %parallel_loop3A_588 = arith.mulf %parallel_loop3A_587, %parallel_loop3A_586 : vector<16xf32>
      %parallel_loop3A_589 = arith.index_cast %parallel_loop3A_366 : i32 to index
      %parallel_loop3A_590 = arith.constant 80 : index
      %parallel_loop3A_591 = tpu.vector_load %arg18[%parallel_loop3A_589, %parallel_loop3A_590] {strides = array<i32>} : memref<32x128xf32, #tpu.memory_space<vmem>>, vector<16xf32>,
      tpu.vector_store %arg18[%parallel_loop3A_589, %parallel_loop3A_590], %parallel_loop3A_588 {strides = array<i32>} : memref<32x128xf32, #tpu.memory_space<vmem>>, vector<16xf32>,
      %parallel_loop3A_592 = arith.constant 12 : i32
      %parallel_loop3A_593 = vector.broadcast %parallel_loop3A_592 : i32 to vector<16xi32>
      %parallel_loop3A_594 = arith.addi %select_n3A, %parallel_loop3A_593 : vector<16xi32>
      %parallel_loop3A_595 = vector.shape_cast %parallel_loop3A_594 : vector<16xi32> to vector<16x1xi32>
      %parallel_loop3A_596 = vector.shape_cast %parallel_loop3A_595 : vector<16x1xi32> to vector<16xi32>
      %parallel_loop3A_597 = tpu.dynamic_gather %parallel_loop3A_522[%parallel_loop3A_596] in [0] : vector<16xf32>, vector<16xi32> -> vector<16xf32>
      %parallel_loop3A_598 = arith.addf %parallel_loop3A_475, %parallel_loop3A_472 : vector<16xf32>
      %parallel_loop3A_599 = arith.mulf %parallel_loop3A_598, %parallel_loop3A_597 : vector<16xf32>
      %parallel_loop3A_600 = arith.index_cast %parallel_loop3A_366 : i32 to index
      %parallel_loop3A_601 = arith.constant 96 : index
      %parallel_loop3A_602 = tpu.vector_load %arg18[%parallel_loop3A_600, %parallel_loop3A_601] {strides = array<i32>} : memref<32x128xf32, #tpu.memory_space<vmem>>, vector<16xf32>,
      tpu.vector_store %arg18[%parallel_loop3A_600, %parallel_loop3A_601], %parallel_loop3A_599 {strides = array<i32>} : memref<32x128xf32, #tpu.memory_space<vmem>>, vector<16xf32>,
      %parallel_loop3A_603 = arith.constant 14 : i32
      %parallel_loop3A_604 = vector.broadcast %parallel_loop3A_603 : i32 to vector<16xi32>
      %parallel_loop3A_605 = arith.addi %select_n3A, %parallel_loop3A_604 : vector<16xi32>
      %parallel_loop3A_606 = vector.shape_cast %parallel_loop3A_605 : vector<16xi32> to vector<16x1xi32>
      %parallel_loop3A_607 = vector.shape_cast %parallel_loop3A_606 : vector<16x1xi32> to vector<16xi32>
      %parallel_loop3A_608 = tpu.dynamic_gather %parallel_loop3A_522[%parallel_loop3A_607] in [0] : vector<16xf32>, vector<16xi32> -> vector<16xf32>
      %parallel_loop3A_609 = arith.addf %parallel_loop3A_492, %parallel_loop3A_489 : vector<16xf32>
      %parallel_loop3A_610 = arith.mulf %parallel_loop3A_609, %parallel_loop3A_608 : vector<16xf32>
      %parallel_loop3A_611 = arith.index_cast %parallel_loop3A_366 : i32 to index
      %parallel_loop3A_612 = arith.constant 112 : index
      %parallel_loop3A_613 = tpu.vector_load %arg18[%parallel_loop3A_611, %parallel_loop3A_612] {strides = array<i32>} : memref<32x128xf32, #tpu.memory_space<vmem>>, vector<16xf32>,
      tpu.vector_store %arg18[%parallel_loop3A_611, %parallel_loop3A_612], %parallel_loop3A_610 {strides = array<i32>} : memref<32x128xf32, #tpu.memory_space<vmem>>, vector<16xf32>,
    } {sc.loop_unroll_factor = 4 : i64, sc.parallel_access}
    %dma_start3A_272 = arith.constant 0 : i32
    %dma_start3A_273 = arith.constant 0 : i32
    %dma_start3A_274 = tpu.memref_slice %arg9[%dma_start3A_272, %dma_start3A_273] : memref<10000x128xf32, #tpu.memory_space<vmem_shared>> -> memref<10000x128xf32, #tpu.memory_space<vmem_shared>>
    tpu.enqueue_indirect_dma source(%arg18 : memref<32x128xf32, #tpu.memory_space<vmem>>) target(%dma_start3A_274 : memref<10000x128xf32, #tpu.memory_space<vmem_shared>>) offsets(%arg14 : memref<32xi32, #tpu.memory_space<vmem>>) semaphore(%arg29 : memref<!tpu.dma_semaphore, #tpu.memory_space<semaphore_mem>>) {add = true}
    %dma_start3A_275 = arith.constant 0 : i32
    %dma_start3A_276 = arith.constant 0 : i32
    %dma_start3A_277 = tpu.memref_slice %arg10[%dma_start3A_275, %dma_start3A_276] : memref<10000x16xf32, #tpu.memory_space<vmem_shared>> -> memref<10000x16xf32, #tpu.memory_space<vmem_shared>>
    tpu.enqueue_indirect_dma source(%arg22 : memref<32x16xf32, #tpu.memory_space<vmem>>) target(%dma_start3A_277 : memref<10000x16xf32, #tpu.memory_space<vmem_shared>>) offsets(%arg14 : memref<32xi32, #tpu.memory_space<vmem>>) semaphore(%arg29 : memref<!tpu.dma_semaphore, #tpu.memory_space<semaphore_mem>>) {add = true}
    %dma_wait3A_278 = arith.constant 0 : i32
    %dma_wait3A_279 = arith.constant 0 : i32
    %dma_wait3A_280 = tpu.memref_slice %arg9[%dma_wait3A_278, %dma_wait3A_279] : memref<10000x128xf32, #tpu.memory_space<vmem_shared>> -> memref<10000x128xf32, #tpu.memory_space<vmem_shared>>
    tpu.wait_indirect_dma semaphore(%arg28 : memref<!tpu.dma_semaphore, #tpu.memory_space<semaphore_mem>>) src(%arg17 : memref<32x128xf32, #tpu.memory_space<vmem>>) dst(%dma_wait3A_280 : memref<10000x128xf32, #tpu.memory_space<vmem_shared>>)
    %dma_wait3A_281 = arith.constant 0 : i32
    %dma_wait3A_282 = arith.constant 0 : i32
    %dma_wait3A_283 = tpu.memref_slice %arg10[%dma_wait3A_281, %dma_wait3A_282] : memref<10000x16xf32, #tpu.memory_space<vmem_shared>> -> memref<10000x16xf32, #tpu.memory_space<vmem_shared>>
    tpu.wait_indirect_dma semaphore(%arg28 : memref<!tpu.dma_semaphore, #tpu.memory_space<semaphore_mem>>) src(%arg21 : memref<32x16xf32, #tpu.memory_space<vmem>>) dst(%dma_wait3A_283 : memref<10000x16xf32, #tpu.memory_space<vmem_shared>>)
    %dma_wait3A_284 = arith.constant 0 : i32
    %dma_wait3A_285 = arith.constant 0 : i32
    %dma_wait3A_286 = tpu.memref_slice %arg9[%dma_wait3A_284, %dma_wait3A_285] : memref<10000x128xf32, #tpu.memory_space<vmem_shared>> -> memref<10000x128xf32, #tpu.memory_space<vmem_shared>>
    tpu.wait_indirect_dma semaphore(%arg29 : memref<!tpu.dma_semaphore, #tpu.memory_space<semaphore_mem>>) src(%arg18 : memref<32x128xf32, #tpu.memory_space<vmem>>) dst(%dma_wait3A_286 : memref<10000x128xf32, #tpu.memory_space<vmem_shared>>)
    %dma_wait3A_287 = arith.constant 0 : i32
    %dma_wait3A_288 = arith.constant 0 : i32
    %dma_wait3A_289 = tpu.memref_slice %arg10[%dma_wait3A_287, %dma_wait3A_288] : memref<10000x16xf32, #tpu.memory_space<vmem_shared>> -> memref<10000x16xf32, #tpu.memory_space<vmem_shared>>
    tpu.wait_indirect_dma semaphore(%arg29 : memref<!tpu.dma_semaphore, #tpu.memory_space<semaphore_mem>>) src(%arg22 : memref<32x16xf32, #tpu.memory_space<vmem>>) dst(%dma_wait3A_289 : memref<10000x16xf32, #tpu.memory_space<vmem_shared>>)
    %mul3A_290 = arith.constant 10000 : i32
    %mul3A_291 = arith.muli %add3A, %mul3A_290 : i32
    %add3A_292 = arith.constant 10000 : i32
    %add3A_293 = arith.addi %mul3A_291, %add3A_292 : i32
    %sub3A = arith.constant 32 : i32
    %sub3A_294 = arith.subi %add3A_293, %sub3A : i32
    "tpu.region"() ({
      %run_scoped3A_366 = tpu.sem_alloc : memref<!tpu.dma_semaphore, #tpu.memory_space<semaphore_mem>>
      %dma_start3A_367 = arith.constant 0 : i32
      %dma_start3A_368 = tpu.memref_slice %arg2[%dma_start3A_367, %sub3A_294] : memref<2x320000xi32, #tpu.memory_space<hbm>> -> memref<2x32xi32, #tpu.memory_space<hbm>>
      %dma_start3A_369 = arith.constant 0 : i32
      %dma_start3A_370 = tpu.memref_slice %arg2[%dma_start3A_369, %sub3A_294] : memref<2x320000xi32, #tpu.memory_space<hbm>> -> memref<2x32xi32, #tpu.memory_space<hbm>>
      tpu.enqueue_dma source(%dma_start3A_370 : memref<2x32xi32, #tpu.memory_space<hbm>>) target(%arg11 : memref<2x32xi32, #tpu.memory_space<vmem>>) target_semaphore(%run_scoped3A_366 : memref<!tpu.dma_semaphore, #tpu.memory_space<semaphore_mem>>)
      %dma_wait3A_371 = arith.constant 0 : i32
      %dma_wait3A_372 = tpu.memref_slice %arg2[%dma_wait3A_371, %sub3A_294] : memref<2x320000xi32, #tpu.memory_space<hbm>> -> memref<2x32xi32, #tpu.memory_space<hbm>>
      %dma_wait3A_373 = arith.constant 0 : i32
      %dma_wait3A_374 = tpu.memref_slice %arg2[%dma_wait3A_373, %sub3A_294] : memref<2x320000xi32, #tpu.memory_space<hbm>> -> memref<2x32xi32, #tpu.memory_space<hbm>>
      tpu.wait_dma2 semaphore(%run_scoped3A_366 : memref<!tpu.dma_semaphore, #tpu.memory_space<semaphore_mem>>) src(%dma_wait3A_374 : memref<2x32xi32, #tpu.memory_space<hbm>>) dst(%arg11 : memref<2x32xi32, #tpu.memory_space<vmem>>)
      tpu.yield
    }) : () -> ()
    %run_scoped3A_295 = arith.constant 1 : i32
    "tpu.region"() ({
      %run_scoped3A_366 = tpu.sem_alloc : memref<!tpu.dma_semaphore, #tpu.memory_space<semaphore_mem>>
      %dma_start3A_367 = tpu.memref_slice %arg2[%run_scoped3A_295, %sub3A_294] : memref<2x320000xi32, #tpu.memory_space<hbm>> -> memref<1x32xi32, #tpu.memory_space<hbm>>
      %dma_start3A_368 = tpu.memref_squeeze %dma_start3A_367 : memref<1x32xi32, #tpu.memory_space<hbm>> -> memref<32xi32, #tpu.memory_space<hbm>>
      %dma_start3A_369 = tpu.memref_slice %arg2[%run_scoped3A_295, %sub3A_294] : memref<2x320000xi32, #tpu.memory_space<hbm>> -> memref<1x32xi32, #tpu.memory_space<hbm>>
      %dma_start3A_370 = tpu.memref_squeeze %dma_start3A_369 : memref<1x32xi32, #tpu.memory_space<hbm>> -> memref<32xi32, #tpu.memory_space<hbm>>
      tpu.enqueue_dma source(%dma_start3A_370 : memref<32xi32, #tpu.memory_space<hbm>>) target(%arg13 : memref<32xi32, #tpu.memory_space<vmem>>) target_semaphore(%run_scoped3A_366 : memref<!tpu.dma_semaphore, #tpu.memory_space<semaphore_mem>>)
      %dma_wait3A_371 = tpu.memref_slice %arg2[%run_scoped3A_295, %sub3A_294] : memref<2x320000xi32, #tpu.memory_space<hbm>> -> memref<1x32xi32, #tpu.memory_space<hbm>>
      %dma_wait3A_372 = tpu.memref_squeeze %dma_wait3A_371 : memref<1x32xi32, #tpu.memory_space<hbm>> -> memref<32xi32, #tpu.memory_space<hbm>>
      %dma_wait3A_373 = tpu.memref_slice %arg2[%run_scoped3A_295, %sub3A_294] : memref<2x320000xi32, #tpu.memory_space<hbm>> -> memref<1x32xi32, #tpu.memory_space<hbm>>
      %dma_wait3A_374 = tpu.memref_squeeze %dma_wait3A_373 : memref<1x32xi32, #tpu.memory_space<hbm>> -> memref<32xi32, #tpu.memory_space<hbm>>
      tpu.wait_dma2 semaphore(%run_scoped3A_366 : memref<!tpu.dma_semaphore, #tpu.memory_space<semaphore_mem>>) src(%dma_wait3A_374 : memref<32xi32, #tpu.memory_space<hbm>>) dst(%arg13 : memref<32xi32, #tpu.memory_space<vmem>>)
      tpu.yield
    }) : () -> ()
    %dma_start3A_296 = arith.constant 1 : i32
    %dma_start3A_297 = arith.constant 0 : i32
    %dma_start3A_298 = tpu.memref_slice %arg11[%dma_start3A_296, %dma_start3A_297] : memref<2x32xi32, #tpu.memory_space<vmem>> -> memref<1x32xi32, #tpu.memory_space<vmem>>
    %dma_start3A_299 = tpu.memref_squeeze %dma_start3A_298 : memref<1x32xi32, #tpu.memory_space<vmem>> -> memref<32xi32, #tpu.memory_space<vmem>>
    %dma_start3A_300 = arith.constant 0 : i32
    %dma_start3A_301 = arith.constant 0 : i32
    %dma_start3A_302 = tpu.memref_slice %arg3[%dma_start3A_300, %dma_start3A_301] : memref<10000x128xf32, #tpu.memory_space<hbm>> -> memref<10000x128xf32, #tpu.memory_space<hbm>>
    tpu.enqueue_indirect_dma source(%dma_start3A_302 : memref<10000x128xf32, #tpu.memory_space<hbm>>) target(%arg15 : memref<32x128xf32, #tpu.memory_space<vmem>>) offsets(%dma_start3A_299 : memref<32xi32, #tpu.memory_space<vmem>>) semaphore(%arg24 : memref<!tpu.dma_semaphore, #tpu.memory_space<semaphore_mem>>)
    %dma_start3A_303 = arith.constant 0 : i32
    %dma_start3A_304 = arith.constant 0 : i32
    %dma_start3A_305 = tpu.memref_slice %arg11[%dma_start3A_303, %dma_start3A_304] : memref<2x32xi32, #tpu.memory_space<vmem>> -> memref<1x32xi32, #tpu.memory_space<vmem>>
    %dma_start3A_306 = tpu.memref_squeeze %dma_start3A_305 : memref<1x32xi32, #tpu.memory_space<vmem>> -> memref<32xi32, #tpu.memory_space<vmem>>
    %dma_start3A_307 = arith.constant 0 : i32
    %dma_start3A_308 = arith.constant 0 : i32
    %dma_start3A_309 = tpu.memref_slice %arg4[%dma_start3A_307, %dma_start3A_308] : memref<10000x128xf32, #tpu.memory_space<hbm>> -> memref<10000x128xf32, #tpu.memory_space<hbm>>
    tpu.enqueue_indirect_dma source(%dma_start3A_309 : memref<10000x128xf32, #tpu.memory_space<hbm>>) target(%arg17 : memref<32x128xf32, #tpu.memory_space<vmem>>) offsets(%dma_start3A_306 : memref<32xi32, #tpu.memory_space<vmem>>) semaphore(%arg25 : memref<!tpu.dma_semaphore, #tpu.memory_space<semaphore_mem>>)
    %dma_start3A_310 = arith.constant 0 : i32
    %dma_start3A_311 = arith.constant 0 : i32
    %dma_start3A_312 = tpu.memref_slice %arg11[%dma_start3A_310, %dma_start3A_311] : memref<2x32xi32, #tpu.memory_space<vmem>> -> memref<1x32xi32, #tpu.memory_space<vmem>>
    %dma_start3A_313 = tpu.memref_squeeze %dma_start3A_312 : memref<1x32xi32, #tpu.memory_space<vmem>> -> memref<32xi32, #tpu.memory_space<vmem>>
    %dma_start3A_314 = arith.constant 0 : i32
    %dma_start3A_315 = arith.constant 0 : i32
    %dma_start3A_316 = tpu.memref_slice %arg5[%dma_start3A_314, %dma_start3A_315] : memref<10000x128xf32, #tpu.memory_space<hbm>> -> memref<10000x128xf32, #tpu.memory_space<hbm>>
    tpu.enqueue_indirect_dma source(%dma_start3A_316 : memref<10000x128xf32, #tpu.memory_space<hbm>>) target(%arg19 : memref<32x128xf32, #tpu.memory_space<vmem>>) offsets(%dma_start3A_313 : memref<32xi32, #tpu.memory_space<vmem>>) semaphore(%arg26 : memref<!tpu.dma_semaphore, #tpu.memory_space<semaphore_mem>>)
    %dma_start3A_317 = arith.constant 0 : i32
    %dma_start3A_318 = tpu.memref_slice %arg6[%sub3A_294, %dma_start3A_317] : memref<320000x128xf32, #tpu.memory_space<hbm>> -> memref<32x128xf32, #tpu.memory_space<hbm>>
    %dma_start3A_319 = arith.constant 0 : i32
    %dma_start3A_320 = tpu.memref_slice %arg6[%sub3A_294, %dma_start3A_319] : memref<320000x128xf32, #tpu.memory_space<hbm>> -> memref<32x128xf32, #tpu.memory_space<hbm>>
    tpu.enqueue_dma source(%dma_start3A_320 : memref<32x128xf32, #tpu.memory_space<hbm>>) target(%arg23 : memref<32x128xf32, #tpu.memory_space<vmem>>) target_semaphore(%arg27 : memref<!tpu.dma_semaphore, #tpu.memory_space<semaphore_mem>>)
    %dma_wait3A_321 = arith.constant 0 : i32
    %dma_wait3A_322 = tpu.memref_slice %arg6[%sub3A_294, %dma_wait3A_321] : memref<320000x128xf32, #tpu.memory_space<hbm>> -> memref<32x128xf32, #tpu.memory_space<hbm>>
    %dma_wait3A_323 = arith.constant 0 : i32
    %dma_wait3A_324 = tpu.memref_slice %arg6[%sub3A_294, %dma_wait3A_323] : memref<320000x128xf32, #tpu.memory_space<hbm>> -> memref<32x128xf32, #tpu.memory_space<hbm>>
    tpu.wait_dma2 semaphore(%arg27 : memref<!tpu.dma_semaphore, #tpu.memory_space<semaphore_mem>>) src(%dma_wait3A_324 : memref<32x128xf32, #tpu.memory_space<hbm>>) dst(%arg23 : memref<32x128xf32, #tpu.memory_space<vmem>>)
    %dma_wait3A_325 = arith.constant 1 : i32
    %dma_wait3A_326 = arith.constant 0 : i32
    %dma_wait3A_327 = tpu.memref_slice %arg11[%dma_wait3A_325, %dma_wait3A_326] : memref<2x32xi32, #tpu.memory_space<vmem>> -> memref<1x32xi32, #tpu.memory_space<vmem>>
    %dma_wait3A_328 = tpu.memref_squeeze %dma_wait3A_327 : memref<1x32xi32, #tpu.memory_space<vmem>> -> memref<32xi32, #tpu.memory_space<vmem>>
    %dma_wait3A_329 = arith.constant 0 : i32
    %dma_wait3A_330 = arith.constant 0 : i32
    %dma_wait3A_331 = tpu.memref_slice %arg3[%dma_wait3A_329, %dma_wait3A_330] : memref<10000x128xf32, #tpu.memory_space<hbm>> -> memref<10000x128xf32, #tpu.memory_space<hbm>>
    tpu.wait_indirect_dma semaphore(%arg24 : memref<!tpu.dma_semaphore, #tpu.memory_space<semaphore_mem>>) src(%dma_wait3A_331 : memref<10000x128xf32, #tpu.memory_space<hbm>>) dst(%arg15 : memref<32x128xf32, #tpu.memory_space<vmem>>)
    %dma_wait3A_332 = arith.constant 0 : i32
    %dma_wait3A_333 = arith.constant 0 : i32
    %dma_wait3A_334 = tpu.memref_slice %arg11[%dma_wait3A_332, %dma_wait3A_333] : memref<2x32xi32, #tpu.memory_space<vmem>> -> memref<1x32xi32, #tpu.memory_space<vmem>>
    %dma_wait3A_335 = tpu.memref_squeeze %dma_wait3A_334 : memref<1x32xi32, #tpu.memory_space<vmem>> -> memref<32xi32, #tpu.memory_space<vmem>>
    %dma_wait3A_336 = arith.constant 0 : i32
    %dma_wait3A_337 = arith.constant 0 : i32
    %dma_wait3A_338 = tpu.memref_slice %arg4[%dma_wait3A_336, %dma_wait3A_337] : memref<10000x128xf32, #tpu.memory_space<hbm>> -> memref<10000x128xf32, #tpu.memory_space<hbm>>
    tpu.wait_indirect_dma semaphore(%arg25 : memref<!tpu.dma_semaphore, #tpu.memory_space<semaphore_mem>>) src(%dma_wait3A_338 : memref<10000x128xf32, #tpu.memory_space<hbm>>) dst(%arg17 : memref<32x128xf32, #tpu.memory_space<vmem>>)
    %dma_wait3A_339 = arith.constant 0 : i32
    %dma_wait3A_340 = arith.constant 0 : i32
    %dma_wait3A_341 = tpu.memref_slice %arg11[%dma_wait3A_339, %dma_wait3A_340] : memref<2x32xi32, #tpu.memory_space<vmem>> -> memref<1x32xi32, #tpu.memory_space<vmem>>
    %dma_wait3A_342 = tpu.memref_squeeze %dma_wait3A_341 : memref<1x32xi32, #tpu.memory_space<vmem>> -> memref<32xi32, #tpu.memory_space<vmem>>
    %dma_wait3A_343 = arith.constant 0 : i32
    %dma_wait3A_344 = arith.constant 0 : i32
    %dma_wait3A_345 = tpu.memref_slice %arg5[%dma_wait3A_343, %dma_wait3A_344] : memref<10000x128xf32, #tpu.memory_space<hbm>> -> memref<10000x128xf32, #tpu.memory_space<hbm>>
    tpu.wait_indirect_dma semaphore(%arg26 : memref<!tpu.dma_semaphore, #tpu.memory_space<semaphore_mem>>) src(%dma_wait3A_345 : memref<10000x128xf32, #tpu.memory_space<hbm>>) dst(%arg19 : memref<32x128xf32, #tpu.memory_space<vmem>>)
    %parallel_loop3A_346 = arith.constant 0 : i32
    %parallel_loop3A_347 = arith.constant 32 : i32
    %parallel_loop3A_348 = arith.constant 1 : i32
    scf.for %parallel_loop3A_366 = %parallel_loop3A_346 to %parallel_loop3A_347 step %parallel_loop3A_348  : i32 {
      %parallel_loop3A_367 = vector.broadcast %parallel_loop3A_366 : i32 to vector<16xi32>
      %parallel_loop3A_368 = arith.index_cast %parallel_loop3A_366 : i32 to index
      %parallel_loop3A_369 = arith.constant 0 : index
      %parallel_loop3A_370 = tpu.vector_load %arg23[%parallel_loop3A_368, %parallel_loop3A_369] {strides = array<i32>} : memref<32x128xf32, #tpu.memory_space<vmem>>, vector<16xf32>,
      %parallel_loop3A_371 = arith.index_cast %parallel_loop3A_366 : i32 to index
      %parallel_loop3A_372 = arith.constant 0 : index
      %parallel_loop3A_373 = tpu.vector_load %arg19[%parallel_loop3A_371, %parallel_loop3A_372] {strides = array<i32>} : memref<32x128xf32, #tpu.memory_space<vmem>>, vector<16xf32>,
      %parallel_loop3A_374 = arith.index_cast %parallel_loop3A_366 : i32 to index
      %parallel_loop3A_375 = arith.constant 0 : index
      %parallel_loop3A_376 = tpu.vector_load %arg17[%parallel_loop3A_374, %parallel_loop3A_375] {strides = array<i32>} : memref<32x128xf32, #tpu.memory_space<vmem>>, vector<16xf32>,
      %parallel_loop3A_377 = arith.addf %parallel_loop3A_376, %parallel_loop3A_370 : vector<16xf32>
      %parallel_loop3A_378 = arith.index_cast %parallel_loop3A_366 : i32 to index
      %parallel_loop3A_379 = arith.constant 0 : index
      %parallel_loop3A_380 = tpu.vector_load %arg15[%parallel_loop3A_378, %parallel_loop3A_379] {strides = array<i32>} : memref<32x128xf32, #tpu.memory_space<vmem>>, vector<16xf32>,
      %parallel_loop3A_381 = arith.mulf %parallel_loop3A_380, %parallel_loop3A_377 : vector<16xf32>
      %parallel_loop3A_382 = arith.index_cast %parallel_loop3A_366 : i32 to index
      %parallel_loop3A_383 = arith.constant 0 : index
      %parallel_loop3A_384 = tpu.vector_load %arg17[%parallel_loop3A_382, %parallel_loop3A_383] {strides = array<i32>} : memref<32x128xf32, #tpu.memory_space<vmem>>, vector<16xf32>,
      tpu.vector_store %arg17[%parallel_loop3A_382, %parallel_loop3A_383], %parallel_loop3A_381 {strides = array<i32>} : memref<32x128xf32, #tpu.memory_space<vmem>>, vector<16xf32>,
      %parallel_loop3A_385 = arith.index_cast %parallel_loop3A_366 : i32 to index
      %parallel_loop3A_386 = arith.constant 16 : index
      %parallel_loop3A_387 = tpu.vector_load %arg23[%parallel_loop3A_385, %parallel_loop3A_386] {strides = array<i32>} : memref<32x128xf32, #tpu.memory_space<vmem>>, vector<16xf32>,
      %parallel_loop3A_388 = arith.index_cast %parallel_loop3A_366 : i32 to index
      %parallel_loop3A_389 = arith.constant 16 : index
      %parallel_loop3A_390 = tpu.vector_load %arg19[%parallel_loop3A_388, %parallel_loop3A_389] {strides = array<i32>} : memref<32x128xf32, #tpu.memory_space<vmem>>, vector<16xf32>,
      %parallel_loop3A_391 = arith.index_cast %parallel_loop3A_366 : i32 to index
      %parallel_loop3A_392 = arith.constant 16 : index
      %parallel_loop3A_393 = tpu.vector_load %arg17[%parallel_loop3A_391, %parallel_loop3A_392] {strides = array<i32>} : memref<32x128xf32, #tpu.memory_space<vmem>>, vector<16xf32>,
      %parallel_loop3A_394 = arith.addf %parallel_loop3A_393, %parallel_loop3A_387 : vector<16xf32>
      %parallel_loop3A_395 = arith.index_cast %parallel_loop3A_366 : i32 to index
      %parallel_loop3A_396 = arith.constant 16 : index
      %parallel_loop3A_397 = tpu.vector_load %arg15[%parallel_loop3A_395, %parallel_loop3A_396] {strides = array<i32>} : memref<32x128xf32, #tpu.memory_space<vmem>>, vector<16xf32>,
      %parallel_loop3A_398 = arith.mulf %parallel_loop3A_397, %parallel_loop3A_394 : vector<16xf32>
      %parallel_loop3A_399 = arith.index_cast %parallel_loop3A_366 : i32 to index
      %parallel_loop3A_400 = arith.constant 16 : index
      %parallel_loop3A_401 = tpu.vector_load %arg17[%parallel_loop3A_399, %parallel_loop3A_400] {strides = array<i32>} : memref<32x128xf32, #tpu.memory_space<vmem>>, vector<16xf32>,
      tpu.vector_store %arg17[%parallel_loop3A_399, %parallel_loop3A_400], %parallel_loop3A_398 {strides = array<i32>} : memref<32x128xf32, #tpu.memory_space<vmem>>, vector<16xf32>,
      %parallel_loop3A_402 = arith.index_cast %parallel_loop3A_366 : i32 to index
      %parallel_loop3A_403 = arith.constant 32 : index
      %parallel_loop3A_404 = tpu.vector_load %arg23[%parallel_loop3A_402, %parallel_loop3A_403] {strides = array<i32>} : memref<32x128xf32, #tpu.memory_space<vmem>>, vector<16xf32>,
      %parallel_loop3A_405 = arith.index_cast %parallel_loop3A_366 : i32 to index
      %parallel_loop3A_406 = arith.constant 32 : index
      %parallel_loop3A_407 = tpu.vector_load %arg19[%parallel_loop3A_405, %parallel_loop3A_406] {strides = array<i32>} : memref<32x128xf32, #tpu.memory_space<vmem>>, vector<16xf32>,
      %parallel_loop3A_408 = arith.index_cast %parallel_loop3A_366 : i32 to index
      %parallel_loop3A_409 = arith.constant 32 : index
      %parallel_loop3A_410 = tpu.vector_load %arg17[%parallel_loop3A_408, %parallel_loop3A_409] {strides = array<i32>} : memref<32x128xf32, #tpu.memory_space<vmem>>, vector<16xf32>,
      %parallel_loop3A_411 = arith.addf %parallel_loop3A_410, %parallel_loop3A_404 : vector<16xf32>
      %parallel_loop3A_412 = arith.index_cast %parallel_loop3A_366 : i32 to index
      %parallel_loop3A_413 = arith.constant 32 : index
      %parallel_loop3A_414 = tpu.vector_load %arg15[%parallel_loop3A_412, %parallel_loop3A_413] {strides = array<i32>} : memref<32x128xf32, #tpu.memory_space<vmem>>, vector<16xf32>,
      %parallel_loop3A_415 = arith.mulf %parallel_loop3A_414, %parallel_loop3A_411 : vector<16xf32>
      %parallel_loop3A_416 = arith.index_cast %parallel_loop3A_366 : i32 to index
      %parallel_loop3A_417 = arith.constant 32 : index
      %parallel_loop3A_418 = tpu.vector_load %arg17[%parallel_loop3A_416, %parallel_loop3A_417] {strides = array<i32>} : memref<32x128xf32, #tpu.memory_space<vmem>>, vector<16xf32>,
      tpu.vector_store %arg17[%parallel_loop3A_416, %parallel_loop3A_417], %parallel_loop3A_415 {strides = array<i32>} : memref<32x128xf32, #tpu.memory_space<vmem>>, vector<16xf32>,
      %parallel_loop3A_419 = arith.index_cast %parallel_loop3A_366 : i32 to index
      %parallel_loop3A_420 = arith.constant 48 : index
      %parallel_loop3A_421 = tpu.vector_load %arg23[%parallel_loop3A_419, %parallel_loop3A_420] {strides = array<i32>} : memref<32x128xf32, #tpu.memory_space<vmem>>, vector<16xf32>,
      %parallel_loop3A_422 = arith.index_cast %parallel_loop3A_366 : i32 to index
      %parallel_loop3A_423 = arith.constant 48 : index
      %parallel_loop3A_424 = tpu.vector_load %arg19[%parallel_loop3A_422, %parallel_loop3A_423] {strides = array<i32>} : memref<32x128xf32, #tpu.memory_space<vmem>>, vector<16xf32>,
      %parallel_loop3A_425 = arith.index_cast %parallel_loop3A_366 : i32 to index
      %parallel_loop3A_426 = arith.constant 48 : index
      %parallel_loop3A_427 = tpu.vector_load %arg17[%parallel_loop3A_425, %parallel_loop3A_426] {strides = array<i32>} : memref<32x128xf32, #tpu.memory_space<vmem>>, vector<16xf32>,
      %parallel_loop3A_428 = arith.addf %parallel_loop3A_427, %parallel_loop3A_421 : vector<16xf32>
      %parallel_loop3A_429 = arith.index_cast %parallel_loop3A_366 : i32 to index
      %parallel_loop3A_430 = arith.constant 48 : index
      %parallel_loop3A_431 = tpu.vector_load %arg15[%parallel_loop3A_429, %parallel_loop3A_430] {strides = array<i32>} : memref<32x128xf32, #tpu.memory_space<vmem>>, vector<16xf32>,
      %parallel_loop3A_432 = arith.mulf %parallel_loop3A_431, %parallel_loop3A_428 : vector<16xf32>
      %parallel_loop3A_433 = arith.index_cast %parallel_loop3A_366 : i32 to index
      %parallel_loop3A_434 = arith.constant 48 : index
      %parallel_loop3A_435 = tpu.vector_load %arg17[%parallel_loop3A_433, %parallel_loop3A_434] {strides = array<i32>} : memref<32x128xf32, #tpu.memory_space<vmem>>, vector<16xf32>,
      tpu.vector_store %arg17[%parallel_loop3A_433, %parallel_loop3A_434], %parallel_loop3A_432 {strides = array<i32>} : memref<32x128xf32, #tpu.memory_space<vmem>>, vector<16xf32>,
      %parallel_loop3A_436 = arith.index_cast %parallel_loop3A_366 : i32 to index
      %parallel_loop3A_437 = arith.constant 64 : index
      %parallel_loop3A_438 = tpu.vector_load %arg23[%parallel_loop3A_436, %parallel_loop3A_437] {strides = array<i32>} : memref<32x128xf32, #tpu.memory_space<vmem>>, vector<16xf32>,
      %parallel_loop3A_439 = arith.index_cast %parallel_loop3A_366 : i32 to index
      %parallel_loop3A_440 = arith.constant 64 : index
      %parallel_loop3A_441 = tpu.vector_load %arg19[%parallel_loop3A_439, %parallel_loop3A_440] {strides = array<i32>} : memref<32x128xf32, #tpu.memory_space<vmem>>, vector<16xf32>,
      %parallel_loop3A_442 = arith.index_cast %parallel_loop3A_366 : i32 to index
      %parallel_loop3A_443 = arith.constant 64 : index
      %parallel_loop3A_444 = tpu.vector_load %arg17[%parallel_loop3A_442, %parallel_loop3A_443] {strides = array<i32>} : memref<32x128xf32, #tpu.memory_space<vmem>>, vector<16xf32>,
      %parallel_loop3A_445 = arith.addf %parallel_loop3A_444, %parallel_loop3A_438 : vector<16xf32>
      %parallel_loop3A_446 = arith.index_cast %parallel_loop3A_366 : i32 to index
      %parallel_loop3A_447 = arith.constant 64 : index
      %parallel_loop3A_448 = tpu.vector_load %arg15[%parallel_loop3A_446, %parallel_loop3A_447] {strides = array<i32>} : memref<32x128xf32, #tpu.memory_space<vmem>>, vector<16xf32>,
      %parallel_loop3A_449 = arith.mulf %parallel_loop3A_448, %parallel_loop3A_445 : vector<16xf32>
      %parallel_loop3A_450 = arith.index_cast %parallel_loop3A_366 : i32 to index
      %parallel_loop3A_451 = arith.constant 64 : index
      %parallel_loop3A_452 = tpu.vector_load %arg17[%parallel_loop3A_450, %parallel_loop3A_451] {strides = array<i32>} : memref<32x128xf32, #tpu.memory_space<vmem>>, vector<16xf32>,
      tpu.vector_store %arg17[%parallel_loop3A_450, %parallel_loop3A_451], %parallel_loop3A_449 {strides = array<i32>} : memref<32x128xf32, #tpu.memory_space<vmem>>, vector<16xf32>,
      %parallel_loop3A_453 = arith.index_cast %parallel_loop3A_366 : i32 to index
      %parallel_loop3A_454 = arith.constant 80 : index
      %parallel_loop3A_455 = tpu.vector_load %arg23[%parallel_loop3A_453, %parallel_loop3A_454] {strides = array<i32>} : memref<32x128xf32, #tpu.memory_space<vmem>>, vector<16xf32>,
      %parallel_loop3A_456 = arith.index_cast %parallel_loop3A_366 : i32 to index
      %parallel_loop3A_457 = arith.constant 80 : index
      %parallel_loop3A_458 = tpu.vector_load %arg19[%parallel_loop3A_456, %parallel_loop3A_457] {strides = array<i32>} : memref<32x128xf32, #tpu.memory_space<vmem>>, vector<16xf32>,
      %parallel_loop3A_459 = arith.index_cast %parallel_loop3A_366 : i32 to index
      %parallel_loop3A_460 = arith.constant 80 : index
      %parallel_loop3A_461 = tpu.vector_load %arg17[%parallel_loop3A_459, %parallel_loop3A_460] {strides = array<i32>} : memref<32x128xf32, #tpu.memory_space<vmem>>, vector<16xf32>,
      %parallel_loop3A_462 = arith.addf %parallel_loop3A_461, %parallel_loop3A_455 : vector<16xf32>
      %parallel_loop3A_463 = arith.index_cast %parallel_loop3A_366 : i32 to index
      %parallel_loop3A_464 = arith.constant 80 : index
      %parallel_loop3A_465 = tpu.vector_load %arg15[%parallel_loop3A_463, %parallel_loop3A_464] {strides = array<i32>} : memref<32x128xf32, #tpu.memory_space<vmem>>, vector<16xf32>,
      %parallel_loop3A_466 = arith.mulf %parallel_loop3A_465, %parallel_loop3A_462 : vector<16xf32>
      %parallel_loop3A_467 = arith.index_cast %parallel_loop3A_366 : i32 to index
      %parallel_loop3A_468 = arith.constant 80 : index
      %parallel_loop3A_469 = tpu.vector_load %arg17[%parallel_loop3A_467, %parallel_loop3A_468] {strides = array<i32>} : memref<32x128xf32, #tpu.memory_space<vmem>>, vector<16xf32>,
      tpu.vector_store %arg17[%parallel_loop3A_467, %parallel_loop3A_468], %parallel_loop3A_466 {strides = array<i32>} : memref<32x128xf32, #tpu.memory_space<vmem>>, vector<16xf32>,
      %parallel_loop3A_470 = arith.index_cast %parallel_loop3A_366 : i32 to index
      %parallel_loop3A_471 = arith.constant 96 : index
      %parallel_loop3A_472 = tpu.vector_load %arg23[%parallel_loop3A_470, %parallel_loop3A_471] {strides = array<i32>} : memref<32x128xf32, #tpu.memory_space<vmem>>, vector<16xf32>,
      %parallel_loop3A_473 = arith.index_cast %parallel_loop3A_366 : i32 to index
      %parallel_loop3A_474 = arith.constant 96 : index
      %parallel_loop3A_475 = tpu.vector_load %arg19[%parallel_loop3A_473, %parallel_loop3A_474] {strides = array<i32>} : memref<32x128xf32, #tpu.memory_space<vmem>>, vector<16xf32>,
      %parallel_loop3A_476 = arith.index_cast %parallel_loop3A_366 : i32 to index
      %parallel_loop3A_477 = arith.constant 96 : index
      %parallel_loop3A_478 = tpu.vector_load %arg17[%parallel_loop3A_476, %parallel_loop3A_477] {strides = array<i32>} : memref<32x128xf32, #tpu.memory_space<vmem>>, vector<16xf32>,
      %parallel_loop3A_479 = arith.addf %parallel_loop3A_478, %parallel_loop3A_472 : vector<16xf32>
      %parallel_loop3A_480 = arith.index_cast %parallel_loop3A_366 : i32 to index
      %parallel_loop3A_481 = arith.constant 96 : index
      %parallel_loop3A_482 = tpu.vector_load %arg15[%parallel_loop3A_480, %parallel_loop3A_481] {strides = array<i32>} : memref<32x128xf32, #tpu.memory_space<vmem>>, vector<16xf32>,
      %parallel_loop3A_483 = arith.mulf %parallel_loop3A_482, %parallel_loop3A_479 : vector<16xf32>
      %parallel_loop3A_484 = arith.index_cast %parallel_loop3A_366 : i32 to index
      %parallel_loop3A_485 = arith.constant 96 : index
      %parallel_loop3A_486 = tpu.vector_load %arg17[%parallel_loop3A_484, %parallel_loop3A_485] {strides = array<i32>} : memref<32x128xf32, #tpu.memory_space<vmem>>, vector<16xf32>,
      tpu.vector_store %arg17[%parallel_loop3A_484, %parallel_loop3A_485], %parallel_loop3A_483 {strides = array<i32>} : memref<32x128xf32, #tpu.memory_space<vmem>>, vector<16xf32>,
      %parallel_loop3A_487 = arith.index_cast %parallel_loop3A_366 : i32 to index
      %parallel_loop3A_488 = arith.constant 112 : index
      %parallel_loop3A_489 = tpu.vector_load %arg23[%parallel_loop3A_487, %parallel_loop3A_488] {strides = array<i32>} : memref<32x128xf32, #tpu.memory_space<vmem>>, vector<16xf32>,
      %parallel_loop3A_490 = arith.index_cast %parallel_loop3A_366 : i32 to index
      %parallel_loop3A_491 = arith.constant 112 : index
      %parallel_loop3A_492 = tpu.vector_load %arg19[%parallel_loop3A_490, %parallel_loop3A_491] {strides = array<i32>} : memref<32x128xf32, #tpu.memory_space<vmem>>, vector<16xf32>,
      %parallel_loop3A_493 = arith.index_cast %parallel_loop3A_366 : i32 to index
      %parallel_loop3A_494 = arith.constant 112 : index
      %parallel_loop3A_495 = tpu.vector_load %arg17[%parallel_loop3A_493, %parallel_loop3A_494] {strides = array<i32>} : memref<32x128xf32, #tpu.memory_space<vmem>>, vector<16xf32>,
      %parallel_loop3A_496 = arith.addf %parallel_loop3A_495, %parallel_loop3A_489 : vector<16xf32>
      %parallel_loop3A_497 = arith.index_cast %parallel_loop3A_366 : i32 to index
      %parallel_loop3A_498 = arith.constant 112 : index
      %parallel_loop3A_499 = tpu.vector_load %arg15[%parallel_loop3A_497, %parallel_loop3A_498] {strides = array<i32>} : memref<32x128xf32, #tpu.memory_space<vmem>>, vector<16xf32>,
      %parallel_loop3A_500 = arith.mulf %parallel_loop3A_499, %parallel_loop3A_496 : vector<16xf32>
      %parallel_loop3A_501 = arith.index_cast %parallel_loop3A_366 : i32 to index
      %parallel_loop3A_502 = arith.constant 112 : index
      %parallel_loop3A_503 = tpu.vector_load %arg17[%parallel_loop3A_501, %parallel_loop3A_502] {strides = array<i32>} : memref<32x128xf32, #tpu.memory_space<vmem>>, vector<16xf32>,
      tpu.vector_store %arg17[%parallel_loop3A_501, %parallel_loop3A_502], %parallel_loop3A_500 {strides = array<i32>} : memref<32x128xf32, #tpu.memory_space<vmem>>, vector<16xf32>,
      %parallel_loop3A_504 = tpu.vector_load_idx %arg17[%parallel_loop3A_367, %add3A_92] : memref<32x128xf32, #tpu.memory_space<vmem>>[vector<16xi32>, vector<16xi32>], vector<16xf32>,
      %parallel_loop3A_505 = tpu.vector_load_idx %arg17[%parallel_loop3A_367, %add3A_98] : memref<32x128xf32, #tpu.memory_space<vmem>>[vector<16xi32>, vector<16xi32>], vector<16xf32>,
      %parallel_loop3A_506 = arith.addf %parallel_loop3A_504, %parallel_loop3A_505 : vector<16xf32>
      %parallel_loop3A_507 = tpu.vector_load_idx %arg17[%parallel_loop3A_367, %add3A_104] : memref<32x128xf32, #tpu.memory_space<vmem>>[vector<16xi32>, vector<16xi32>], vector<16xf32>,
      %parallel_loop3A_508 = arith.addf %parallel_loop3A_506, %parallel_loop3A_507 : vector<16xf32>
      %parallel_loop3A_509 = tpu.vector_load_idx %arg17[%parallel_loop3A_367, %add3A_110] : memref<32x128xf32, #tpu.memory_space<vmem>>[vector<16xi32>, vector<16xi32>], vector<16xf32>,
      %parallel_loop3A_510 = arith.addf %parallel_loop3A_508, %parallel_loop3A_509 : vector<16xf32>
      %parallel_loop3A_511 = tpu.vector_load_idx %arg17[%parallel_loop3A_367, %add3A_116] : memref<32x128xf32, #tpu.memory_space<vmem>>[vector<16xi32>, vector<16xi32>], vector<16xf32>,
      %parallel_loop3A_512 = arith.addf %parallel_loop3A_510, %parallel_loop3A_511 : vector<16xf32>
      %parallel_loop3A_513 = tpu.vector_load_idx %arg17[%parallel_loop3A_367, %add3A_122] : memref<32x128xf32, #tpu.memory_space<vmem>>[vector<16xi32>, vector<16xi32>], vector<16xf32>,
      %parallel_loop3A_514 = arith.addf %parallel_loop3A_512, %parallel_loop3A_513 : vector<16xf32>
      %parallel_loop3A_515 = tpu.vector_load_idx %arg17[%parallel_loop3A_367, %add3A_128] : memref<32x128xf32, #tpu.memory_space<vmem>>[vector<16xi32>, vector<16xi32>], vector<16xf32>,
      %parallel_loop3A_516 = arith.addf %parallel_loop3A_514, %parallel_loop3A_515 : vector<16xf32>
      %parallel_loop3A_517 = tpu.vector_load_idx %arg17[%parallel_loop3A_367, %add3A_134] : memref<32x128xf32, #tpu.memory_space<vmem>>[vector<16xi32>, vector<16xi32>], vector<16xf32>,
      %parallel_loop3A_518 = arith.addf %parallel_loop3A_516, %parallel_loop3A_517 : vector<16xf32>
      %parallel_loop3A_519 = arith.constant 0.353553385 : f32
      %parallel_loop3A_520 = vector.broadcast %parallel_loop3A_519 : f32 to vector<16xf32>
      %parallel_loop3A_521 = arith.mulf %parallel_loop3A_518, %parallel_loop3A_520 : vector<16xf32>
      %parallel_loop3A_522 = math.exp %parallel_loop3A_521 : vector<16xf32>
      %parallel_loop3A_523 = arith.index_cast %parallel_loop3A_366 : i32 to index
      %parallel_loop3A_524 = arith.constant 0 : index
      %parallel_loop3A_525 = tpu.vector_load %arg21[%parallel_loop3A_523, %parallel_loop3A_524] {strides = array<i32>} : memref<32x16xf32, #tpu.memory_space<vmem>>, vector<16xf32>,
      tpu.vector_store %arg21[%parallel_loop3A_523, %parallel_loop3A_524], %parallel_loop3A_522 {strides = array<i32>} : memref<32x16xf32, #tpu.memory_space<vmem>>, vector<16xf32>,
      %parallel_loop3A_526 = arith.constant 0 : i32
      %parallel_loop3A_527 = vector.broadcast %parallel_loop3A_526 : i32 to vector<16xi32>
      %parallel_loop3A_528 = arith.addi %select_n3A, %parallel_loop3A_527 : vector<16xi32>
      %parallel_loop3A_529 = vector.shape_cast %parallel_loop3A_528 : vector<16xi32> to vector<16x1xi32>
      %parallel_loop3A_530 = vector.shape_cast %parallel_loop3A_529 : vector<16x1xi32> to vector<16xi32>
      %parallel_loop3A_531 = tpu.dynamic_gather %parallel_loop3A_522[%parallel_loop3A_530] in [0] : vector<16xf32>, vector<16xi32> -> vector<16xf32>
      %parallel_loop3A_532 = arith.addf %parallel_loop3A_373, %parallel_loop3A_370 : vector<16xf32>
      %parallel_loop3A_533 = arith.mulf %parallel_loop3A_532, %parallel_loop3A_531 : vector<16xf32>
      %parallel_loop3A_534 = arith.index_cast %parallel_loop3A_366 : i32 to index
      %parallel_loop3A_535 = arith.constant 0 : index
      %parallel_loop3A_536 = tpu.vector_load %arg17[%parallel_loop3A_534, %parallel_loop3A_535] {strides = array<i32>} : memref<32x128xf32, #tpu.memory_space<vmem>>, vector<16xf32>,
      tpu.vector_store %arg17[%parallel_loop3A_534, %parallel_loop3A_535], %parallel_loop3A_533 {strides = array<i32>} : memref<32x128xf32, #tpu.memory_space<vmem>>, vector<16xf32>,
      %parallel_loop3A_537 = arith.constant 2 : i32
      %parallel_loop3A_538 = vector.broadcast %parallel_loop3A_537 : i32 to vector<16xi32>
      %parallel_loop3A_539 = arith.addi %select_n3A, %parallel_loop3A_538 : vector<16xi32>
      %parallel_loop3A_540 = vector.shape_cast %parallel_loop3A_539 : vector<16xi32> to vector<16x1xi32>
      %parallel_loop3A_541 = vector.shape_cast %parallel_loop3A_540 : vector<16x1xi32> to vector<16xi32>
      %parallel_loop3A_542 = tpu.dynamic_gather %parallel_loop3A_522[%parallel_loop3A_541] in [0] : vector<16xf32>, vector<16xi32> -> vector<16xf32>
      %parallel_loop3A_543 = arith.addf %parallel_loop3A_390, %parallel_loop3A_387 : vector<16xf32>
      %parallel_loop3A_544 = arith.mulf %parallel_loop3A_543, %parallel_loop3A_542 : vector<16xf32>
      %parallel_loop3A_545 = arith.index_cast %parallel_loop3A_366 : i32 to index
      %parallel_loop3A_546 = arith.constant 16 : index
      %parallel_loop3A_547 = tpu.vector_load %arg17[%parallel_loop3A_545, %parallel_loop3A_546] {strides = array<i32>} : memref<32x128xf32, #tpu.memory_space<vmem>>, vector<16xf32>,
      tpu.vector_store %arg17[%parallel_loop3A_545, %parallel_loop3A_546], %parallel_loop3A_544 {strides = array<i32>} : memref<32x128xf32, #tpu.memory_space<vmem>>, vector<16xf32>,
      %parallel_loop3A_548 = arith.constant 4 : i32
      %parallel_loop3A_549 = vector.broadcast %parallel_loop3A_548 : i32 to vector<16xi32>
      %parallel_loop3A_550 = arith.addi %select_n3A, %parallel_loop3A_549 : vector<16xi32>
      %parallel_loop3A_551 = vector.shape_cast %parallel_loop3A_550 : vector<16xi32> to vector<16x1xi32>
      %parallel_loop3A_552 = vector.shape_cast %parallel_loop3A_551 : vector<16x1xi32> to vector<16xi32>
      %parallel_loop3A_553 = tpu.dynamic_gather %parallel_loop3A_522[%parallel_loop3A_552] in [0] : vector<16xf32>, vector<16xi32> -> vector<16xf32>
      %parallel_loop3A_554 = arith.addf %parallel_loop3A_407, %parallel_loop3A_404 : vector<16xf32>
      %parallel_loop3A_555 = arith.mulf %parallel_loop3A_554, %parallel_loop3A_553 : vector<16xf32>
      %parallel_loop3A_556 = arith.index_cast %parallel_loop3A_366 : i32 to index
      %parallel_loop3A_557 = arith.constant 32 : index
      %parallel_loop3A_558 = tpu.vector_load %arg17[%parallel_loop3A_556, %parallel_loop3A_557] {strides = array<i32>} : memref<32x128xf32, #tpu.memory_space<vmem>>, vector<16xf32>,
      tpu.vector_store %arg17[%parallel_loop3A_556, %parallel_loop3A_557], %parallel_loop3A_555 {strides = array<i32>} : memref<32x128xf32, #tpu.memory_space<vmem>>, vector<16xf32>,
      %parallel_loop3A_559 = arith.constant 6 : i32
      %parallel_loop3A_560 = vector.broadcast %parallel_loop3A_559 : i32 to vector<16xi32>
      %parallel_loop3A_561 = arith.addi %select_n3A, %parallel_loop3A_560 : vector<16xi32>
      %parallel_loop3A_562 = vector.shape_cast %parallel_loop3A_561 : vector<16xi32> to vector<16x1xi32>
      %parallel_loop3A_563 = vector.shape_cast %parallel_loop3A_562 : vector<16x1xi32> to vector<16xi32>
      %parallel_loop3A_564 = tpu.dynamic_gather %parallel_loop3A_522[%parallel_loop3A_563] in [0] : vector<16xf32>, vector<16xi32> -> vector<16xf32>
      %parallel_loop3A_565 = arith.addf %parallel_loop3A_424, %parallel_loop3A_421 : vector<16xf32>
      %parallel_loop3A_566 = arith.mulf %parallel_loop3A_565, %parallel_loop3A_564 : vector<16xf32>
      %parallel_loop3A_567 = arith.index_cast %parallel_loop3A_366 : i32 to index
      %parallel_loop3A_568 = arith.constant 48 : index
      %parallel_loop3A_569 = tpu.vector_load %arg17[%parallel_loop3A_567, %parallel_loop3A_568] {strides = array<i32>} : memref<32x128xf32, #tpu.memory_space<vmem>>, vector<16xf32>,
      tpu.vector_store %arg17[%parallel_loop3A_567, %parallel_loop3A_568], %parallel_loop3A_566 {strides = array<i32>} : memref<32x128xf32, #tpu.memory_space<vmem>>, vector<16xf32>,
      %parallel_loop3A_570 = arith.constant 8 : i32
      %parallel_loop3A_571 = vector.broadcast %parallel_loop3A_570 : i32 to vector<16xi32>
      %parallel_loop3A_572 = arith.addi %select_n3A, %parallel_loop3A_571 : vector<16xi32>
      %parallel_loop3A_573 = vector.shape_cast %parallel_loop3A_572 : vector<16xi32> to vector<16x1xi32>
      %parallel_loop3A_574 = vector.shape_cast %parallel_loop3A_573 : vector<16x1xi32> to vector<16xi32>
      %parallel_loop3A_575 = tpu.dynamic_gather %parallel_loop3A_522[%parallel_loop3A_574] in [0] : vector<16xf32>, vector<16xi32> -> vector<16xf32>
      %parallel_loop3A_576 = arith.addf %parallel_loop3A_441, %parallel_loop3A_438 : vector<16xf32>
      %parallel_loop3A_577 = arith.mulf %parallel_loop3A_576, %parallel_loop3A_575 : vector<16xf32>
      %parallel_loop3A_578 = arith.index_cast %parallel_loop3A_366 : i32 to index
      %parallel_loop3A_579 = arith.constant 64 : index
      %parallel_loop3A_580 = tpu.vector_load %arg17[%parallel_loop3A_578, %parallel_loop3A_579] {strides = array<i32>} : memref<32x128xf32, #tpu.memory_space<vmem>>, vector<16xf32>,
      tpu.vector_store %arg17[%parallel_loop3A_578, %parallel_loop3A_579], %parallel_loop3A_577 {strides = array<i32>} : memref<32x128xf32, #tpu.memory_space<vmem>>, vector<16xf32>,
      %parallel_loop3A_581 = arith.constant 10 : i32
      %parallel_loop3A_582 = vector.broadcast %parallel_loop3A_581 : i32 to vector<16xi32>
      %parallel_loop3A_583 = arith.addi %select_n3A, %parallel_loop3A_582 : vector<16xi32>
      %parallel_loop3A_584 = vector.shape_cast %parallel_loop3A_583 : vector<16xi32> to vector<16x1xi32>
      %parallel_loop3A_585 = vector.shape_cast %parallel_loop3A_584 : vector<16x1xi32> to vector<16xi32>
      %parallel_loop3A_586 = tpu.dynamic_gather %parallel_loop3A_522[%parallel_loop3A_585] in [0] : vector<16xf32>, vector<16xi32> -> vector<16xf32>
      %parallel_loop3A_587 = arith.addf %parallel_loop3A_458, %parallel_loop3A_455 : vector<16xf32>
      %parallel_loop3A_588 = arith.mulf %parallel_loop3A_587, %parallel_loop3A_586 : vector<16xf32>
      %parallel_loop3A_589 = arith.index_cast %parallel_loop3A_366 : i32 to index
      %parallel_loop3A_590 = arith.constant 80 : index
      %parallel_loop3A_591 = tpu.vector_load %arg17[%parallel_loop3A_589, %parallel_loop3A_590] {strides = array<i32>} : memref<32x128xf32, #tpu.memory_space<vmem>>, vector<16xf32>,
      tpu.vector_store %arg17[%parallel_loop3A_589, %parallel_loop3A_590], %parallel_loop3A_588 {strides = array<i32>} : memref<32x128xf32, #tpu.memory_space<vmem>>, vector<16xf32>,
      %parallel_loop3A_592 = arith.constant 12 : i32
      %parallel_loop3A_593 = vector.broadcast %parallel_loop3A_592 : i32 to vector<16xi32>
      %parallel_loop3A_594 = arith.addi %select_n3A, %parallel_loop3A_593 : vector<16xi32>
      %parallel_loop3A_595 = vector.shape_cast %parallel_loop3A_594 : vector<16xi32> to vector<16x1xi32>
      %parallel_loop3A_596 = vector.shape_cast %parallel_loop3A_595 : vector<16x1xi32> to vector<16xi32>
      %parallel_loop3A_597 = tpu.dynamic_gather %parallel_loop3A_522[%parallel_loop3A_596] in [0] : vector<16xf32>, vector<16xi32> -> vector<16xf32>
      %parallel_loop3A_598 = arith.addf %parallel_loop3A_475, %parallel_loop3A_472 : vector<16xf32>
      %parallel_loop3A_599 = arith.mulf %parallel_loop3A_598, %parallel_loop3A_597 : vector<16xf32>
      %parallel_loop3A_600 = arith.index_cast %parallel_loop3A_366 : i32 to index
      %parallel_loop3A_601 = arith.constant 96 : index
      %parallel_loop3A_602 = tpu.vector_load %arg17[%parallel_loop3A_600, %parallel_loop3A_601] {strides = array<i32>} : memref<32x128xf32, #tpu.memory_space<vmem>>, vector<16xf32>,
      tpu.vector_store %arg17[%parallel_loop3A_600, %parallel_loop3A_601], %parallel_loop3A_599 {strides = array<i32>} : memref<32x128xf32, #tpu.memory_space<vmem>>, vector<16xf32>,
      %parallel_loop3A_603 = arith.constant 14 : i32
      %parallel_loop3A_604 = vector.broadcast %parallel_loop3A_603 : i32 to vector<16xi32>
      %parallel_loop3A_605 = arith.addi %select_n3A, %parallel_loop3A_604 : vector<16xi32>
      %parallel_loop3A_606 = vector.shape_cast %parallel_loop3A_605 : vector<16xi32> to vector<16x1xi32>
      %parallel_loop3A_607 = vector.shape_cast %parallel_loop3A_606 : vector<16x1xi32> to vector<16xi32>
      %parallel_loop3A_608 = tpu.dynamic_gather %parallel_loop3A_522[%parallel_loop3A_607] in [0] : vector<16xf32>, vector<16xi32> -> vector<16xf32>
      %parallel_loop3A_609 = arith.addf %parallel_loop3A_492, %parallel_loop3A_489 : vector<16xf32>
      %parallel_loop3A_610 = arith.mulf %parallel_loop3A_609, %parallel_loop3A_608 : vector<16xf32>
      %parallel_loop3A_611 = arith.index_cast %parallel_loop3A_366 : i32 to index
      %parallel_loop3A_612 = arith.constant 112 : index
      %parallel_loop3A_613 = tpu.vector_load %arg17[%parallel_loop3A_611, %parallel_loop3A_612] {strides = array<i32>} : memref<32x128xf32, #tpu.memory_space<vmem>>, vector<16xf32>,
      tpu.vector_store %arg17[%parallel_loop3A_611, %parallel_loop3A_612], %parallel_loop3A_610 {strides = array<i32>} : memref<32x128xf32, #tpu.memory_space<vmem>>, vector<16xf32>,
    } {sc.loop_unroll_factor = 4 : i64, sc.parallel_access}
    %broadcast_in_dim3A_349 = arith.constant 0.000000e+00 : f32
    %broadcast_in_dim3A_350 = vector.broadcast %broadcast_in_dim3A_349 : f32 to vector<16xf32>
    %scan3A_351 = arith.constant 0 : i32
    %scan3A_352 = arith.constant 0 : i32
    %scan3A_353 = arith.constant 16 : i32
    %scan3A_354 = arith.addi %scan3A_352, %scan3A_353 : i32
    %scan3A_355 = arith.constant 1 : i32
    scf.for %scan3A_366 = %scan3A_352 to %scan3A_354 step %scan3A_355  : i32 {
      %swap3A = arith.index_cast %scan3A_366 : i32 to index
      %swap3A_367 = arith.constant 0 : index
      %swap3A_368 = tpu.vector_load %arg17[%swap3A, %swap3A_367] {strides = array<i32>} : memref<32x128xf32, #tpu.memory_space<vmem>>, vector<16xf32>,
      tpu.vector_store %arg17[%swap3A, %swap3A_367], %broadcast_in_dim3A_350 {strides = array<i32>} : memref<32x128xf32, #tpu.memory_space<vmem>>, vector<16xf32>,
      %swap3A_369 = arith.index_cast %scan3A_366 : i32 to index
      %swap3A_370 = arith.constant 16 : index
      %swap3A_371 = tpu.vector_load %arg17[%swap3A_369, %swap3A_370] {strides = array<i32>} : memref<32x128xf32, #tpu.memory_space<vmem>>, vector<16xf32>,
      tpu.vector_store %arg17[%swap3A_369, %swap3A_370], %broadcast_in_dim3A_350 {strides = array<i32>} : memref<32x128xf32, #tpu.memory_space<vmem>>, vector<16xf32>,
      %swap3A_372 = arith.index_cast %scan3A_366 : i32 to index
      %swap3A_373 = arith.constant 32 : index
      %swap3A_374 = tpu.vector_load %arg17[%swap3A_372, %swap3A_373] {strides = array<i32>} : memref<32x128xf32, #tpu.memory_space<vmem>>, vector<16xf32>,
      tpu.vector_store %arg17[%swap3A_372, %swap3A_373], %broadcast_in_dim3A_350 {strides = array<i32>} : memref<32x128xf32, #tpu.memory_space<vmem>>, vector<16xf32>,
      %swap3A_375 = arith.index_cast %scan3A_366 : i32 to index
      %swap3A_376 = arith.constant 48 : index
      %swap3A_377 = tpu.vector_load %arg17[%swap3A_375, %swap3A_376] {strides = array<i32>} : memref<32x128xf32, #tpu.memory_space<vmem>>, vector<16xf32>,
      tpu.vector_store %arg17[%swap3A_375, %swap3A_376], %broadcast_in_dim3A_350 {strides = array<i32>} : memref<32x128xf32, #tpu.memory_space<vmem>>, vector<16xf32>,
      %swap3A_378 = arith.index_cast %scan3A_366 : i32 to index
      %swap3A_379 = arith.constant 64 : index
      %swap3A_380 = tpu.vector_load %arg17[%swap3A_378, %swap3A_379] {strides = array<i32>} : memref<32x128xf32, #tpu.memory_space<vmem>>, vector<16xf32>,
      tpu.vector_store %arg17[%swap3A_378, %swap3A_379], %broadcast_in_dim3A_350 {strides = array<i32>} : memref<32x128xf32, #tpu.memory_space<vmem>>, vector<16xf32>,
      %swap3A_381 = arith.index_cast %scan3A_366 : i32 to index
      %swap3A_382 = arith.constant 80 : index
      %swap3A_383 = tpu.vector_load %arg17[%swap3A_381, %swap3A_382] {strides = array<i32>} : memref<32x128xf32, #tpu.memory_space<vmem>>, vector<16xf32>,
      tpu.vector_store %arg17[%swap3A_381, %swap3A_382], %broadcast_in_dim3A_350 {strides = array<i32>} : memref<32x128xf32, #tpu.memory_space<vmem>>, vector<16xf32>,
      %swap3A_384 = arith.index_cast %scan3A_366 : i32 to index
      %swap3A_385 = arith.constant 96 : index
      %swap3A_386 = tpu.vector_load %arg17[%swap3A_384, %swap3A_385] {strides = array<i32>} : memref<32x128xf32, #tpu.memory_space<vmem>>, vector<16xf32>,
      tpu.vector_store %arg17[%swap3A_384, %swap3A_385], %broadcast_in_dim3A_350 {strides = array<i32>} : memref<32x128xf32, #tpu.memory_space<vmem>>, vector<16xf32>,
      %swap3A_387 = arith.index_cast %scan3A_366 : i32 to index
      %swap3A_388 = arith.constant 112 : index
      %swap3A_389 = tpu.vector_load %arg17[%swap3A_387, %swap3A_388] {strides = array<i32>} : memref<32x128xf32, #tpu.memory_space<vmem>>, vector<16xf32>,
      tpu.vector_store %arg17[%swap3A_387, %swap3A_388], %broadcast_in_dim3A_350 {strides = array<i32>} : memref<32x128xf32, #tpu.memory_space<vmem>>, vector<16xf32>,
      %swap3A_390 = arith.index_cast %scan3A_366 : i32 to index
      %swap3A_391 = arith.constant 0 : index
      %swap3A_392 = tpu.vector_load %arg21[%swap3A_390, %swap3A_391] {strides = array<i32>} : memref<32x16xf32, #tpu.memory_space<vmem>>, vector<16xf32>,
      tpu.vector_store %arg21[%swap3A_390, %swap3A_391], %broadcast_in_dim3A_350 {strides = array<i32>} : memref<32x16xf32, #tpu.memory_space<vmem>>, vector<16xf32>,
    }
    %scan3A_356 = arith.constant 16 : i32
    "tpu.region"() ({
      %run_scoped3A_366 = tpu.sem_alloc : memref<!tpu.dma_semaphore, #tpu.memory_space<semaphore_mem>>
      %dma_start3A_367 = arith.constant 0 : i32
      %dma_start3A_368 = arith.constant 0 : i32
      %dma_start3A_369 = tpu.memref_slice %arg9[%dma_start3A_367, %dma_start3A_368] : memref<10000x128xf32, #tpu.memory_space<vmem_shared>> -> memref<10000x128xf32, #tpu.memory_space<vmem_shared>>
      tpu.enqueue_indirect_dma source(%arg17 : memref<32x128xf32, #tpu.memory_space<vmem>>) target(%dma_start3A_369 : memref<10000x128xf32, #tpu.memory_space<vmem_shared>>) offsets(%arg13 : memref<32xi32, #tpu.memory_space<vmem>>) semaphore(%run_scoped3A_366 : memref<!tpu.dma_semaphore, #tpu.memory_space<semaphore_mem>>) {add = true}
      %dma_wait3A_370 = arith.constant 0 : i32
      %dma_wait3A_371 = arith.constant 0 : i32
      %dma_wait3A_372 = tpu.memref_slice %arg9[%dma_wait3A_370, %dma_wait3A_371] : memref<10000x128xf32, #tpu.memory_space<vmem_shared>> -> memref<10000x128xf32, #tpu.memory_space<vmem_shared>>
      tpu.wait_indirect_dma semaphore(%run_scoped3A_366 : memref<!tpu.dma_semaphore, #tpu.memory_space<semaphore_mem>>) src(%arg17 : memref<32x128xf32, #tpu.memory_space<vmem>>) dst(%dma_wait3A_372 : memref<10000x128xf32, #tpu.memory_space<vmem_shared>>)
      tpu.yield
    }) : () -> ()
    "tpu.region"() ({
      %run_scoped3A_366 = tpu.sem_alloc : memref<!tpu.dma_semaphore, #tpu.memory_space<semaphore_mem>>
      %dma_start3A_367 = arith.constant 0 : i32
      %dma_start3A_368 = arith.constant 0 : i32
      %dma_start3A_369 = tpu.memref_slice %arg10[%dma_start3A_367, %dma_start3A_368] : memref<10000x16xf32, #tpu.memory_space<vmem_shared>> -> memref<10000x16xf32, #tpu.memory_space<vmem_shared>>
      tpu.enqueue_indirect_dma source(%arg21 : memref<32x16xf32, #tpu.memory_space<vmem>>) target(%dma_start3A_369 : memref<10000x16xf32, #tpu.memory_space<vmem_shared>>) offsets(%arg13 : memref<32xi32, #tpu.memory_space<vmem>>) semaphore(%run_scoped3A_366 : memref<!tpu.dma_semaphore, #tpu.memory_space<semaphore_mem>>) {add = true}
      %dma_wait3A_370 = arith.constant 0 : i32
      %dma_wait3A_371 = arith.constant 0 : i32
      %dma_wait3A_372 = tpu.memref_slice %arg10[%dma_wait3A_370, %dma_wait3A_371] : memref<10000x16xf32, #tpu.memory_space<vmem_shared>> -> memref<10000x16xf32, #tpu.memory_space<vmem_shared>>
      tpu.wait_indirect_dma semaphore(%run_scoped3A_366 : memref<!tpu.dma_semaphore, #tpu.memory_space<semaphore_mem>>) src(%arg21 : memref<32x16xf32, #tpu.memory_space<vmem>>) dst(%dma_wait3A_372 : memref<10000x16xf32, #tpu.memory_space<vmem_shared>>)
      tpu.yield
    }) : () -> ()
    %barrier3A_357 = arith.constant 0 : index
    tpu.barrier barrier_id(%barrier3A_357)
    %mul3A_358 = arith.constant 625 : i32
    %mul3A_359 = arith.muli %arg1, %mul3A_358 : i32
    %mul3A_360 = arith.constant 625 : i32
    %mul3A_361 = arith.muli %arg1, %mul3A_360 : i32
    "tpu.region"() ({
      %run_scoped3A_366 = tpu.sem_alloc : memref<!tpu.dma_semaphore, #tpu.memory_space<semaphore_mem>>
      %dma_start3A_367 = arith.constant 0 : i32
      %dma_start3A_368 = tpu.memref_slice %arg7[%arg0, %mul3A_361, %dma_start3A_367] : memref<2x10000x128xf32, #tpu.memory_space<hbm>> -> memref<1x625x128xf32, #tpu.memory_space<hbm>>
      %dma_start3A_369 = tpu.memref_squeeze %dma_start3A_368 : memref<1x625x128xf32, #tpu.memory_space<hbm>> -> memref<625x128xf32, #tpu.memory_space<hbm>>
      %dma_start3A_370 = arith.constant 0 : i32
      %dma_start3A_371 = tpu.memref_slice %arg9[%mul3A_359, %dma_start3A_370] : memref<10000x128xf32, #tpu.memory_space<vmem_shared>> -> memref<625x128xf32, #tpu.memory_space<vmem_shared>>
      tpu.enqueue_dma source(%dma_start3A_371 : memref<625x128xf32, #tpu.memory_space<vmem_shared>>) target(%dma_start3A_369 : memref<625x128xf32, #tpu.memory_space<hbm>>) target_semaphore(%run_scoped3A_366 : memref<!tpu.dma_semaphore, #tpu.memory_space<semaphore_mem>>)
      %dma_wait3A_372 = arith.constant 0 : i32
      %dma_wait3A_373 = tpu.memref_slice %arg7[%arg0, %mul3A_361, %dma_wait3A_372] : memref<2x10000x128xf32, #tpu.memory_space<hbm>> -> memref<1x625x128xf32, #tpu.memory_space<hbm>>
      %dma_wait3A_374 = tpu.memref_squeeze %dma_wait3A_373 : memref<1x625x128xf32, #tpu.memory_space<hbm>> -> memref<625x128xf32, #tpu.memory_space<hbm>>
      %dma_wait3A_375 = arith.constant 0 : i32
      %dma_wait3A_376 = tpu.memref_slice %arg9[%mul3A_359, %dma_wait3A_375] : memref<10000x128xf32, #tpu.memory_space<vmem_shared>> -> memref<625x128xf32, #tpu.memory_space<vmem_shared>>
      tpu.wait_dma2 semaphore(%run_scoped3A_366 : memref<!tpu.dma_semaphore, #tpu.memory_space<semaphore_mem>>) src(%dma_wait3A_376 : memref<625x128xf32, #tpu.memory_space<vmem_shared>>) dst(%dma_wait3A_374 : memref<625x128xf32, #tpu.memory_space<hbm>>)
      tpu.yield
    }) : () -> ()
    %mul3A_362 = arith.constant 625 : i32
    %mul3A_363 = arith.muli %arg1, %mul3A_362 : i32
    %mul3A_364 = arith.constant 625 : i32
    %mul3A_365 = arith.muli %arg1, %mul3A_364 : i32
    "tpu.region"() ({
      %run_scoped3A_366 = tpu.sem_alloc : memref<!tpu.dma_semaphore, #tpu.memory_space<semaphore_mem>>
      %dma_start3A_367 = arith.constant 0 : i32
      %dma_start3A_368 = tpu.memref_slice %arg8[%arg0, %mul3A_365, %dma_start3A_367] : memref<2x10000x16xf32, #tpu.memory_space<hbm>> -> memref<1x625x16xf32, #tpu.memory_space<hbm>>
      %dma_start3A_369 = tpu.memref_squeeze %dma_start3A_368 : memref<1x625x16xf32, #tpu.memory_space<hbm>> -> memref<625x16xf32, #tpu.memory_space<hbm>>
      %dma_start3A_370 = arith.constant 0 : i32
      %dma_start3A_371 = tpu.memref_slice %arg10[%mul3A_363, %dma_start3A_370] : memref<10000x16xf32, #tpu.memory_space<vmem_shared>> -> memref<625x16xf32, #tpu.memory_space<vmem_shared>>
      tpu.enqueue_dma source(%dma_start3A_371 : memref<625x16xf32, #tpu.memory_space<vmem_shared>>) target(%dma_start3A_369 : memref<625x16xf32, #tpu.memory_space<hbm>>) target_semaphore(%run_scoped3A_366 : memref<!tpu.dma_semaphore, #tpu.memory_space<semaphore_mem>>)
      %dma_wait3A_372 = arith.constant 0 : i32
      %dma_wait3A_373 = tpu.memref_slice %arg8[%arg0, %mul3A_365, %dma_wait3A_372] : memref<2x10000x16xf32, #tpu.memory_space<hbm>> -> memref<1x625x16xf32, #tpu.memory_space<hbm>>
      %dma_wait3A_374 = tpu.memref_squeeze %dma_wait3A_373 : memref<1x625x16xf32, #tpu.memory_space<hbm>> -> memref<625x16xf32, #tpu.memory_space<hbm>>
      %dma_wait3A_375 = arith.constant 0 : i32
      %dma_wait3A_376 = tpu.memref_slice %arg10[%mul3A_363, %dma_wait3A_375] : memref<10000x16xf32, #tpu.memory_space<vmem_shared>> -> memref<625x16xf32, #tpu.memory_space<vmem_shared>>
      tpu.wait_dma2 semaphore(%run_scoped3A_366 : memref<!tpu.dma_semaphore, #tpu.memory_space<semaphore_mem>>) src(%dma_wait3A_376 : memref<625x16xf32, #tpu.memory_space<vmem_shared>>) dst(%dma_wait3A_374 : memref<625x16xf32, #tpu.memory_space<hbm>>)
      tpu.yield
    }) : () -> ()
    return
  }
}

module attributes {stable_mosaic.version = 14 : i64} {
  func.func @body(%arg0: i32, %arg1: memref<2000x128xf32, #tpu.memory_space<vmem>>, %arg2: memref<128x128xf32, #tpu.memory_space<vmem>>, %arg3: memref<128xf32, #tpu.memory_space<vmem>>, %arg4: memref<128x128xf32, #tpu.memory_space<vmem>>, %arg5: memref<128xf32, #tpu.memory_space<vmem>>, %arg6: memref<128x128xf32, #tpu.memory_space<vmem>>, %arg7: memref<128xf32, #tpu.memory_space<vmem>>, %arg8: memref<128x128xf32, #tpu.memory_space<vmem>>, %arg9: memref<128xf32, #tpu.memory_space<vmem>>, %arg10: memref<2000x128xf32, #tpu.memory_space<vmem>>, %arg11: memref<2000x128xf32, #tpu.memory_space<vmem>>, %arg12: memref<2000x128xf32, #tpu.memory_space<vmem>>, %arg13: memref<2000x128xf32, #tpu.memory_space<vmem>>) attributes {dimension_semantics = [#tpu.dimension_semantics<arbitrary>], iteration_bounds = array<i64: 5>, scalar_prefetch = 0 : i64, scratch_operands = 0 : i64, tpu.core_type = #tpu.core_type<tc>, window_params = [{transform_indices = @transform_0, window_bounds = array<i64: 2000, 128>}, {pipeline_mode = #tpu.pipeline_mode<synchronous>, transform_indices = @transform_1, window_bounds = array<i64: 128, 128>}, {pipeline_mode = #tpu.pipeline_mode<synchronous>, transform_indices = @transform_2, window_bounds = array<i64: 128>}, {pipeline_mode = #tpu.pipeline_mode<synchronous>, transform_indices = @transform_3, window_bounds = array<i64: 128, 128>}, {pipeline_mode = #tpu.pipeline_mode<synchronous>, transform_indices = @transform_4, window_bounds = array<i64: 128>}, {pipeline_mode = #tpu.pipeline_mode<synchronous>, transform_indices = @transform_5, window_bounds = array<i64: 128, 128>}, {pipeline_mode = #tpu.pipeline_mode<synchronous>, transform_indices = @transform_6, window_bounds = array<i64: 128>}, {pipeline_mode = #tpu.pipeline_mode<synchronous>, transform_indices = @transform_7, window_bounds = array<i64: 128, 128>}, {pipeline_mode = #tpu.pipeline_mode<synchronous>, transform_indices = @transform_8, window_bounds = array<i64: 128>}, {transform_indices = @transform_9, window_bounds = array<i64: 2000, 128>}, {transform_indices = @transform_10, window_bounds = array<i64: 2000, 128>}, {transform_indices = @transform_11, window_bounds = array<i64: 2000, 128>}, {transform_indices = @transform_12, window_bounds = array<i64: 2000, 128>}]} {
    %get3A = arith.constant 0 : index
    %get3A_0 = arith.constant 0 : index
    %get3A_1 = vector.load %arg1[%get3A, %get3A_0] : memref<2000x128xf32, #tpu.memory_space<vmem>>, vector<2000x128xf32>
    %get3A_2 = arith.constant 0 : index
    %get3A_3 = arith.constant 0 : index
    %get3A_4 = vector.load %arg2[%get3A_2, %get3A_3] : memref<128x128xf32, #tpu.memory_space<vmem>>, vector<128x128xf32>
    %dot_general3A = arith.constant dense<0.000000e+00> : vector<2000x128xf32>
    %dot_general3A_5 = tpu.matmul %get3A_1, %get3A_4, %dot_general3A {dimension_numbers = #tpu.dot_dimension_numbers<[1], [0], [0], [1], [0, 0, 1, 1], [], []>, transpose_lhs_hint = false} : vector<2000x128xf32>, vector<128x128xf32>, vector<2000x128xf32> -> vector<2000x128xf32>
    %get3A_6 = arith.constant 0 : index
    %get3A_7 = vector.load %arg3[%get3A_6] : memref<128xf32, #tpu.memory_space<vmem>>, vector<128xf32>
    %broadcast_in_dim3A = vector.shape_cast %get3A_7 : vector<128xf32> to vector<1x128xf32>
    %add3A = vector.broadcast %broadcast_in_dim3A : vector<1x128xf32> to vector<2000x128xf32>
    %add3A_8 = arith.addf %dot_general3A_5, %add3A : vector<2000x128xf32>
    %swap3A = arith.constant 0 : index
    %swap3A_9 = arith.constant 0 : index
    %swap3A_10 = vector.load %arg10[%swap3A, %swap3A_9] : memref<2000x128xf32, #tpu.memory_space<vmem>>, vector<2000x128xf32>
    tpu.vector_store %arg10[%swap3A, %swap3A_9], %add3A_8 {strides = array<i32>} : memref<2000x128xf32, #tpu.memory_space<vmem>>, vector<2000x128xf32>,
    %get3A_11 = arith.constant 0 : index
    %get3A_12 = arith.constant 0 : index
    %get3A_13 = vector.load %arg4[%get3A_11, %get3A_12] : memref<128x128xf32, #tpu.memory_space<vmem>>, vector<128x128xf32>
    %dot_general3A_14 = arith.constant dense<0.000000e+00> : vector<2000x128xf32>
    %dot_general3A_15 = tpu.matmul %get3A_1, %get3A_13, %dot_general3A_14 {dimension_numbers = #tpu.dot_dimension_numbers<[1], [0], [0], [1], [0, 0, 1, 1], [], []>, transpose_lhs_hint = false} : vector<2000x128xf32>, vector<128x128xf32>, vector<2000x128xf32> -> vector<2000x128xf32>
    %get3A_16 = arith.constant 0 : index
    %get3A_17 = vector.load %arg5[%get3A_16] : memref<128xf32, #tpu.memory_space<vmem>>, vector<128xf32>
    %broadcast_in_dim3A_18 = vector.shape_cast %get3A_17 : vector<128xf32> to vector<1x128xf32>
    %add3A_19 = vector.broadcast %broadcast_in_dim3A_18 : vector<1x128xf32> to vector<2000x128xf32>
    %add3A_20 = arith.addf %dot_general3A_15, %add3A_19 : vector<2000x128xf32>
    %swap3A_21 = arith.constant 0 : index
    %swap3A_22 = arith.constant 0 : index
    %swap3A_23 = vector.load %arg11[%swap3A_21, %swap3A_22] : memref<2000x128xf32, #tpu.memory_space<vmem>>, vector<2000x128xf32>
    tpu.vector_store %arg11[%swap3A_21, %swap3A_22], %add3A_20 {strides = array<i32>} : memref<2000x128xf32, #tpu.memory_space<vmem>>, vector<2000x128xf32>,
    %get3A_24 = arith.constant 0 : index
    %get3A_25 = arith.constant 0 : index
    %get3A_26 = vector.load %arg6[%get3A_24, %get3A_25] : memref<128x128xf32, #tpu.memory_space<vmem>>, vector<128x128xf32>
    %dot_general3A_27 = arith.constant dense<0.000000e+00> : vector<2000x128xf32>
    %dot_general3A_28 = tpu.matmul %get3A_1, %get3A_26, %dot_general3A_27 {dimension_numbers = #tpu.dot_dimension_numbers<[1], [0], [0], [1], [0, 0, 1, 1], [], []>, transpose_lhs_hint = false} : vector<2000x128xf32>, vector<128x128xf32>, vector<2000x128xf32> -> vector<2000x128xf32>
    %get3A_29 = arith.constant 0 : index
    %get3A_30 = vector.load %arg7[%get3A_29] : memref<128xf32, #tpu.memory_space<vmem>>, vector<128xf32>
    %broadcast_in_dim3A_31 = vector.shape_cast %get3A_30 : vector<128xf32> to vector<1x128xf32>
    %add3A_32 = vector.broadcast %broadcast_in_dim3A_31 : vector<1x128xf32> to vector<2000x128xf32>
    %add3A_33 = arith.addf %dot_general3A_28, %add3A_32 : vector<2000x128xf32>
    %swap3A_34 = arith.constant 0 : index
    %swap3A_35 = arith.constant 0 : index
    %swap3A_36 = vector.load %arg12[%swap3A_34, %swap3A_35] : memref<2000x128xf32, #tpu.memory_space<vmem>>, vector<2000x128xf32>
    tpu.vector_store %arg12[%swap3A_34, %swap3A_35], %add3A_33 {strides = array<i32>} : memref<2000x128xf32, #tpu.memory_space<vmem>>, vector<2000x128xf32>,
    %get3A_37 = arith.constant 0 : index
    %get3A_38 = arith.constant 0 : index
    %get3A_39 = vector.load %arg8[%get3A_37, %get3A_38] : memref<128x128xf32, #tpu.memory_space<vmem>>, vector<128x128xf32>
    %dot_general3A_40 = arith.constant dense<0.000000e+00> : vector<2000x128xf32>
    %dot_general3A_41 = tpu.matmul %get3A_1, %get3A_39, %dot_general3A_40 {dimension_numbers = #tpu.dot_dimension_numbers<[1], [0], [0], [1], [0, 0, 1, 1], [], []>, transpose_lhs_hint = false} : vector<2000x128xf32>, vector<128x128xf32>, vector<2000x128xf32> -> vector<2000x128xf32>
    %get3A_42 = arith.constant 0 : index
    %get3A_43 = vector.load %arg9[%get3A_42] : memref<128xf32, #tpu.memory_space<vmem>>, vector<128xf32>
    %broadcast_in_dim3A_44 = vector.shape_cast %get3A_43 : vector<128xf32> to vector<1x128xf32>
    %add3A_45 = vector.broadcast %broadcast_in_dim3A_44 : vector<1x128xf32> to vector<2000x128xf32>
    %add3A_46 = arith.addf %dot_general3A_41, %add3A_45 : vector<2000x128xf32>
    %swap3A_47 = arith.constant 0 : index
    %swap3A_48 = arith.constant 0 : index
    %swap3A_49 = vector.load %arg13[%swap3A_47, %swap3A_48] : memref<2000x128xf32, #tpu.memory_space<vmem>>, vector<2000x128xf32>
    tpu.vector_store %arg13[%swap3A_47, %swap3A_48], %add3A_46 {strides = array<i32>} : memref<2000x128xf32, #tpu.memory_space<vmem>>, vector<2000x128xf32>,
    return
  }
  func.func @transform_0(%arg0: i32) -> (i32, i32) {
    %c0_i32 = arith.constant 0 : i32
    %c0_i32_0 = arith.constant 0 : i32
    return %arg0, %c0_i32 : i32, i32
  }
  func.func @transform_1(%arg0: i32) -> (i32, i32) {
    %c0_i32 = arith.constant 0 : i32
    %c0_i32_0 = arith.constant 0 : i32
    %c0_i32_1 = arith.constant 0 : i32
    return %c0_i32, %c0_i32_0 : i32, i32
  }
  func.func @transform_2(%arg0: i32) -> i32 {
    %c0_i32 = arith.constant 0 : i32
    %c0_i32_0 = arith.constant 0 : i32
    return %c0_i32 : i32
  }
  func.func @transform_3(%arg0: i32) -> (i32, i32) {
    %c0_i32 = arith.constant 0 : i32
    %c0_i32_0 = arith.constant 0 : i32
    %c0_i32_1 = arith.constant 0 : i32
    return %c0_i32, %c0_i32_0 : i32, i32
  }
  func.func @transform_4(%arg0: i32) -> i32 {
    %c0_i32 = arith.constant 0 : i32
    %c0_i32_0 = arith.constant 0 : i32
    return %c0_i32 : i32
  }
  func.func @transform_5(%arg0: i32) -> (i32, i32) {
    %c0_i32 = arith.constant 0 : i32
    %c0_i32_0 = arith.constant 0 : i32
    %c0_i32_1 = arith.constant 0 : i32
    return %c0_i32, %c0_i32_0 : i32, i32
  }
  func.func @transform_6(%arg0: i32) -> i32 {
    %c0_i32 = arith.constant 0 : i32
    %c0_i32_0 = arith.constant 0 : i32
    return %c0_i32 : i32
  }
  func.func @transform_7(%arg0: i32) -> (i32, i32) {
    %c0_i32 = arith.constant 0 : i32
    %c0_i32_0 = arith.constant 0 : i32
    %c0_i32_1 = arith.constant 0 : i32
    return %c0_i32, %c0_i32_0 : i32, i32
  }
  func.func @transform_8(%arg0: i32) -> i32 {
    %c0_i32 = arith.constant 0 : i32
    %c0_i32_0 = arith.constant 0 : i32
    return %c0_i32 : i32
  }
  func.func @transform_9(%arg0: i32) -> (i32, i32) {
    %c0_i32 = arith.constant 0 : i32
    %c0_i32_0 = arith.constant 0 : i32
    return %arg0, %c0_i32 : i32, i32
  }
  func.func @transform_10(%arg0: i32) -> (i32, i32) {
    %c0_i32 = arith.constant 0 : i32
    %c0_i32_0 = arith.constant 0 : i32
    return %arg0, %c0_i32 : i32, i32
  }
  func.func @transform_11(%arg0: i32) -> (i32, i32) {
    %c0_i32 = arith.constant 0 : i32
    %c0_i32_0 = arith.constant 0 : i32
    return %arg0, %c0_i32 : i32, i32
  }
  func.func @transform_12(%arg0: i32) -> (i32, i32) {
    %c0_i32 = arith.constant 0 : i32
    %c0_i32_0 = arith.constant 0 : i32
    return %arg0, %c0_i32 : i32, i32
  }
}

module attributes {stable_mosaic.version = 14 : i64} {
  func.func @body(%arg0: i32, %arg1: memref<4000x16xf32, #tpu.memory_space<vmem>>, %arg2: memref<16x128xf32, #tpu.memory_space<vmem>>, %arg3: memref<16x16xf32, #tpu.memory_space<vmem>>, %arg4: memref<16xf32, #tpu.memory_space<vmem>>, %arg5: memref<4000x128xf32, #tpu.memory_space<vmem>>, %arg6: memref<4000x16xf32, #tpu.memory_space<vmem>>) attributes {dimension_semantics = [#tpu.dimension_semantics<arbitrary>], iteration_bounds = array<i64: 80>, scalar_prefetch = 0 : i64, scratch_operands = 0 : i64, tpu.core_type = #tpu.core_type<tc>, window_params = [{transform_indices = @transform_0, window_bounds = array<i64: 4000, 16>}, {pipeline_mode = #tpu.pipeline_mode<synchronous>, transform_indices = @transform_1, window_bounds = array<i64: 16, 128>}, {pipeline_mode = #tpu.pipeline_mode<synchronous>, transform_indices = @transform_2, window_bounds = array<i64: 16, 16>}, {pipeline_mode = #tpu.pipeline_mode<synchronous>, transform_indices = @transform_3, window_bounds = array<i64: 16>}, {transform_indices = @transform_4, window_bounds = array<i64: 4000, 128>}, {transform_indices = @transform_5, window_bounds = array<i64: 4000, 16>}]} {
    %get3A = arith.constant 0 : index
    %get3A_0 = arith.constant 0 : index
    %get3A_1 = vector.load %arg1[%get3A, %get3A_0] : memref<4000x16xf32, #tpu.memory_space<vmem>>, vector<4000x16xf32>
    %get3A_2 = arith.constant 0 : index
    %get3A_3 = arith.constant 0 : index
    %get3A_4 = vector.load %arg2[%get3A_2, %get3A_3] : memref<16x128xf32, #tpu.memory_space<vmem>>, vector<16x128xf32>
    %dot_general3A = arith.constant dense<0.000000e+00> : vector<4000x128xf32>
    %dot_general3A_5 = tpu.matmul %get3A_1, %get3A_4, %dot_general3A {dimension_numbers = #tpu.dot_dimension_numbers<[1], [0], [0], [1], [0, 0, 1, 1], [], []>, transpose_lhs_hint = false} : vector<4000x16xf32>, vector<16x128xf32>, vector<4000x128xf32> -> vector<4000x128xf32>
    %swap3A = arith.constant 0 : index
    %swap3A_6 = arith.constant 0 : index
    %swap3A_7 = vector.load %arg5[%swap3A, %swap3A_6] : memref<4000x128xf32, #tpu.memory_space<vmem>>, vector<4000x128xf32>
    tpu.vector_store %arg5[%swap3A, %swap3A_6], %dot_general3A_5 {strides = array<i32>} : memref<4000x128xf32, #tpu.memory_space<vmem>>, vector<4000x128xf32>,
    %get3A_8 = arith.constant 0 : index
    %get3A_9 = arith.constant 0 : index
    %get3A_10 = vector.load %arg3[%get3A_8, %get3A_9] : memref<16x16xf32, #tpu.memory_space<vmem>>, vector<16x16xf32>
    %dot_general3A_11 = arith.constant dense<0.000000e+00> : vector<4000x16xf32>
    %dot_general3A_12 = tpu.matmul %get3A_1, %get3A_10, %dot_general3A_11 {dimension_numbers = #tpu.dot_dimension_numbers<[1], [0], [0], [1], [0, 0, 1, 1], [], []>, transpose_lhs_hint = false} : vector<4000x16xf32>, vector<16x16xf32>, vector<4000x16xf32> -> vector<4000x16xf32>
    %get3A_13 = arith.constant 0 : index
    %get3A_14 = vector.load %arg4[%get3A_13] : memref<16xf32, #tpu.memory_space<vmem>>, vector<16xf32>
    %broadcast_in_dim3A = vector.shape_cast %get3A_14 : vector<16xf32> to vector<1x16xf32>
    %add3A = vector.broadcast %broadcast_in_dim3A : vector<1x16xf32> to vector<4000x16xf32>
    %add3A_15 = arith.addf %dot_general3A_12, %add3A : vector<4000x16xf32>
    %swap3A_16 = arith.constant 0 : index
    %swap3A_17 = arith.constant 0 : index
    %swap3A_18 = vector.load %arg6[%swap3A_16, %swap3A_17] : memref<4000x16xf32, #tpu.memory_space<vmem>>, vector<4000x16xf32>
    tpu.vector_store %arg6[%swap3A_16, %swap3A_17], %add3A_15 {strides = array<i32>} : memref<4000x16xf32, #tpu.memory_space<vmem>>, vector<4000x16xf32>,
    return
  }
  func.func @transform_0(%arg0: i32) -> (i32, i32) {
    %c0_i32 = arith.constant 0 : i32
    %c0_i32_0 = arith.constant 0 : i32
    return %arg0, %c0_i32 : i32, i32
  }
  func.func @transform_1(%arg0: i32) -> (i32, i32) {
    %c0_i32 = arith.constant 0 : i32
    %c0_i32_0 = arith.constant 0 : i32
    %c0_i32_1 = arith.constant 0 : i32
    return %c0_i32, %c0_i32_0 : i32, i32
  }
  func.func @transform_2(%arg0: i32) -> (i32, i32) {
    %c0_i32 = arith.constant 0 : i32
    %c0_i32_0 = arith.constant 0 : i32
    %c0_i32_1 = arith.constant 0 : i32
    return %c0_i32, %c0_i32_0 : i32, i32
  }
  func.func @transform_3(%arg0: i32) -> i32 {
    %c0_i32 = arith.constant 0 : i32
    %c0_i32_0 = arith.constant 0 : i32
    return %c0_i32 : i32
  }
  func.func @transform_4(%arg0: i32) -> (i32, i32) {
    %c0_i32 = arith.constant 0 : i32
    %c0_i32_0 = arith.constant 0 : i32
    return %arg0, %c0_i32 : i32, i32
  }
  func.func @transform_5(%arg0: i32) -> (i32, i32) {
    %c0_i32 = arith.constant 0 : i32
    %c0_i32_0 = arith.constant 0 : i32
    return %arg0, %c0_i32 : i32, i32
  }
}

module attributes {stable_mosaic.version = 14 : i64} {
  func.func @body(%arg0: i32, %arg1: memref<2x2000x128xf32, #tpu.memory_space<vmem>>, %arg2: memref<2x2000x16xf32, #tpu.memory_space<vmem>>, %arg3: memref<2000x128xf32, #tpu.memory_space<vmem>>, %arg4: memref<128x16xf32, #tpu.memory_space<vmem>>, %arg5: memref<128x16xf32, #tpu.memory_space<vmem>>, %arg6: memref<16x128xf32, #tpu.memory_space<vmem>>, %arg7: memref<2000x128xf32, #tpu.memory_space<vmem>>, %arg8: memref<2000x16xf32, #tpu.memory_space<vmem>>, %arg9: memref<2000x16xf32, #tpu.memory_space<vmem>>) attributes {dimension_semantics = [#tpu.dimension_semantics<arbitrary>], iteration_bounds = array<i64: 5>, scalar_prefetch = 0 : i64, scratch_operands = 0 : i64, tpu.core_type = #tpu.core_type<tc>, window_params = [{transform_indices = @transform_0, window_bounds = array<i64: 2, 2000, 128>}, {transform_indices = @transform_1, window_bounds = array<i64: 2, 2000, 16>}, {transform_indices = @transform_2, window_bounds = array<i64: 2000, 128>}, {pipeline_mode = #tpu.pipeline_mode<synchronous>, transform_indices = @transform_3, window_bounds = array<i64: 128, 16>}, {pipeline_mode = #tpu.pipeline_mode<synchronous>, transform_indices = @transform_4, window_bounds = array<i64: 128, 16>}, {pipeline_mode = #tpu.pipeline_mode<synchronous>, transform_indices = @transform_5, window_bounds = array<i64: 16, 128>}, {transform_indices = @transform_6, window_bounds = array<i64: 2000, 128>}, {transform_indices = @transform_7, window_bounds = array<i64: 2000, 16>}, {transform_indices = @transform_8, window_bounds = array<i64: 2000, 16>}]} {
    %get3A = arith.constant 0 : index
    %get3A_0 = arith.constant 0 : index
    %get3A_1 = arith.constant 0 : index
    %get3A_2 = vector.load %arg1[%get3A, %get3A_0, %get3A_1] : memref<2x2000x128xf32, #tpu.memory_space<vmem>>, vector<2x2000x128xf32>
    %get3A_3 = arith.constant 0 : index
    %get3A_4 = arith.constant 0 : index
    %get3A_5 = arith.constant 0 : index
    %get3A_6 = vector.load %arg2[%get3A_3, %get3A_4, %get3A_5] : memref<2x2000x16xf32, #tpu.memory_space<vmem>>, vector<2x2000x16xf32>
    %slice3A = vector.extract_strided_slice %get3A_2 {offsets = [0, 0, 0], sizes = [1, 2000, 128], strides = [1, 1, 1]} : vector<2x2000x128xf32> to vector<1x2000x128xf32>
    %squeeze3A = vector.shape_cast %slice3A : vector<1x2000x128xf32> to vector<2000x128xf32>
    %slice3A_7 = vector.extract_strided_slice %get3A_2 {offsets = [1, 0, 0], sizes = [1, 2000, 128], strides = [1, 1, 1]} : vector<2x2000x128xf32> to vector<1x2000x128xf32>
    %squeeze3A_8 = vector.shape_cast %slice3A_7 : vector<1x2000x128xf32> to vector<2000x128xf32>
    %add3A = arith.addf %squeeze3A, %squeeze3A_8 : vector<2000x128xf32>
    %slice3A_9 = vector.extract_strided_slice %get3A_6 {offsets = [0, 0, 0], sizes = [1, 2000, 16], strides = [1, 1, 1]} : vector<2x2000x16xf32> to vector<1x2000x16xf32>
    %squeeze3A_10 = vector.shape_cast %slice3A_9 : vector<1x2000x16xf32> to vector<2000x16xf32>
    %slice3A_11 = vector.extract_strided_slice %get3A_6 {offsets = [1, 0, 0], sizes = [1, 2000, 16], strides = [1, 1, 1]} : vector<2x2000x16xf32> to vector<1x2000x16xf32>
    %squeeze3A_12 = vector.shape_cast %slice3A_11 : vector<1x2000x16xf32> to vector<2000x16xf32>
    %add3A_13 = arith.addf %squeeze3A_10, %squeeze3A_12 : vector<2000x16xf32>
    %add3A_14 = arith.constant 1.000000e-16 : f32
    %add3A_15 = vector.broadcast %add3A_14 : f32 to vector<2000x16xf32>
    %add3A_16 = arith.addf %add3A_13, %add3A_15 : vector<2000x16xf32>
    %div3A = arith.constant 1.000000e+00 : f32
    %div3A_17 = vector.broadcast %div3A : f32 to vector<2000x16xf32>
    %div3A_18 = arith.divf %div3A_17, %add3A_16 : vector<2000x16xf32>
    %get3A_19 = arith.constant 0 : index
    %get3A_20 = arith.constant 0 : index
    %get3A_21 = vector.load %arg6[%get3A_19, %get3A_20] : memref<16x128xf32, #tpu.memory_space<vmem>>, vector<16x128xf32>
    %dot_general3A = arith.constant dense<0.000000e+00> : vector<2000x128xf32>
    %dot_general3A_22 = tpu.matmul %div3A_18, %get3A_21, %dot_general3A {dimension_numbers = #tpu.dot_dimension_numbers<[1], [0], [0], [1], [0, 0, 1, 1], [], []>, transpose_lhs_hint = false} : vector<2000x16xf32>, vector<16x128xf32>, vector<2000x128xf32> -> vector<2000x128xf32>
    %mul3A = arith.mulf %add3A, %dot_general3A_22 : vector<2000x128xf32>
    %get3A_23 = arith.constant 0 : index
    %get3A_24 = arith.constant 0 : index
    %get3A_25 = vector.load %arg3[%get3A_23, %get3A_24] : memref<2000x128xf32, #tpu.memory_space<vmem>>, vector<2000x128xf32>
    %add3A_26 = arith.addf %mul3A, %get3A_25 : vector<2000x128xf32>
    %gt3A = arith.constant 0.000000e+00 : f32
    %gt3A_27 = vector.broadcast %gt3A : f32 to vector<2000x128xf32>
    %gt3A_28 = arith.cmpf ogt, %add3A_26, %gt3A_27 : vector<2000x128xf32>
    %mul3A_29 = arith.constant 0.00999999977 : f32
    %mul3A_30 = vector.broadcast %mul3A_29 : f32 to vector<2000x128xf32>
    %mul3A_31 = arith.mulf %mul3A_30, %add3A_26 : vector<2000x128xf32>
    %select_n3A = arith.select %gt3A_28, %add3A_26, %mul3A_31 : vector<2000x128xi1>, vector<2000x128xf32>
    %swap3A = arith.constant 0 : index
    %swap3A_32 = arith.constant 0 : index
    %swap3A_33 = vector.load %arg7[%swap3A, %swap3A_32] : memref<2000x128xf32, #tpu.memory_space<vmem>>, vector<2000x128xf32>
    tpu.vector_store %arg7[%swap3A, %swap3A_32], %select_n3A {strides = array<i32>} : memref<2000x128xf32, #tpu.memory_space<vmem>>, vector<2000x128xf32>,
    %get3A_34 = arith.constant 0 : index
    %get3A_35 = arith.constant 0 : index
    %get3A_36 = vector.load %arg4[%get3A_34, %get3A_35] : memref<128x16xf32, #tpu.memory_space<vmem>>, vector<128x16xf32>
    %dot_general3A_37 = arith.constant dense<0.000000e+00> : vector<2000x16xf32>
    %dot_general3A_38 = tpu.matmul %select_n3A, %get3A_36, %dot_general3A_37 {dimension_numbers = #tpu.dot_dimension_numbers<[1], [0], [0], [1], [0, 0, 1, 1], [], []>, transpose_lhs_hint = false} : vector<2000x128xf32>, vector<128x16xf32>, vector<2000x16xf32> -> vector<2000x16xf32>
    %swap3A_39 = arith.constant 0 : index
    %swap3A_40 = arith.constant 0 : index
    %swap3A_41 = vector.load %arg8[%swap3A_39, %swap3A_40] : memref<2000x16xf32, #tpu.memory_space<vmem>>, vector<2000x16xf32>
    tpu.vector_store %arg8[%swap3A_39, %swap3A_40], %dot_general3A_38 {strides = array<i32>} : memref<2000x16xf32, #tpu.memory_space<vmem>>, vector<2000x16xf32>,
    %get3A_42 = arith.constant 0 : index
    %get3A_43 = arith.constant 0 : index
    %get3A_44 = vector.load %arg5[%get3A_42, %get3A_43] : memref<128x16xf32, #tpu.memory_space<vmem>>, vector<128x16xf32>
    %dot_general3A_45 = arith.constant dense<0.000000e+00> : vector<2000x16xf32>
    %dot_general3A_46 = tpu.matmul %select_n3A, %get3A_44, %dot_general3A_45 {dimension_numbers = #tpu.dot_dimension_numbers<[1], [0], [0], [1], [0, 0, 1, 1], [], []>, transpose_lhs_hint = false} : vector<2000x128xf32>, vector<128x16xf32>, vector<2000x16xf32> -> vector<2000x16xf32>
    %swap3A_47 = arith.constant 0 : index
    %swap3A_48 = arith.constant 0 : index
    %swap3A_49 = vector.load %arg9[%swap3A_47, %swap3A_48] : memref<2000x16xf32, #tpu.memory_space<vmem>>, vector<2000x16xf32>
    tpu.vector_store %arg9[%swap3A_47, %swap3A_48], %dot_general3A_46 {strides = array<i32>} : memref<2000x16xf32, #tpu.memory_space<vmem>>, vector<2000x16xf32>,
    return
  }
  func.func @transform_0(%arg0: i32) -> (i32, i32, i32) {
    %c0_i32 = arith.constant 0 : i32
    %c0_i32_0 = arith.constant 0 : i32
    %c0_i32_1 = arith.constant 0 : i32
    return %c0_i32, %arg0, %c0_i32_0 : i32, i32, i32
  }
  func.func @transform_1(%arg0: i32) -> (i32, i32, i32) {
    %c0_i32 = arith.constant 0 : i32
    %c0_i32_0 = arith.constant 0 : i32
    %c0_i32_1 = arith.constant 0 : i32
    return %c0_i32, %arg0, %c0_i32_0 : i32, i32, i32
  }
  func.func @transform_2(%arg0: i32) -> (i32, i32) {
    %c0_i32 = arith.constant 0 : i32
    %c0_i32_0 = arith.constant 0 : i32
    return %arg0, %c0_i32 : i32, i32
  }
  func.func @transform_3(%arg0: i32) -> (i32, i32) {
    %c0_i32 = arith.constant 0 : i32
    %c0_i32_0 = arith.constant 0 : i32
    %c0_i32_1 = arith.constant 0 : i32
    return %c0_i32, %c0_i32_0 : i32, i32
  }
  func.func @transform_4(%arg0: i32) -> (i32, i32) {
    %c0_i32 = arith.constant 0 : i32
    %c0_i32_0 = arith.constant 0 : i32
    %c0_i32_1 = arith.constant 0 : i32
    return %c0_i32, %c0_i32_0 : i32, i32
  }
  func.func @transform_5(%arg0: i32) -> (i32, i32) {
    %c0_i32 = arith.constant 0 : i32
    %c0_i32_0 = arith.constant 0 : i32
    %c0_i32_1 = arith.constant 0 : i32
    return %c0_i32, %c0_i32_0 : i32, i32
  }
  func.func @transform_6(%arg0: i32) -> (i32, i32) {
    %c0_i32 = arith.constant 0 : i32
    %c0_i32_0 = arith.constant 0 : i32
    return %arg0, %c0_i32 : i32, i32
  }
  func.func @transform_7(%arg0: i32) -> (i32, i32) {
    %c0_i32 = arith.constant 0 : i32
    %c0_i32_0 = arith.constant 0 : i32
    return %arg0, %c0_i32 : i32, i32
  }
  func.func @transform_8(%arg0: i32) -> (i32, i32) {
    %c0_i32 = arith.constant 0 : i32
    %c0_i32_0 = arith.constant 0 : i32
    return %arg0, %c0_i32 : i32, i32
  }
}

module attributes {stable_mosaic.version = 14 : i64} {
  func.func @body(%arg0: i32, %arg1: memref<4000x16xf32, #tpu.memory_space<vmem>>, %arg2: memref<4000x16xf32, #tpu.memory_space<vmem>>, %arg3: memref<16x16xf32, #tpu.memory_space<vmem>>, %arg4: memref<16xf32, #tpu.memory_space<vmem>>, %arg5: memref<4000x16xf32, #tpu.memory_space<vmem>>) attributes {dimension_semantics = [#tpu.dimension_semantics<arbitrary>], iteration_bounds = array<i64: 80>, scalar_prefetch = 0 : i64, scratch_operands = 0 : i64, tpu.core_type = #tpu.core_type<tc>, window_params = [{transform_indices = @transform_0, window_bounds = array<i64: 4000, 16>}, {transform_indices = @transform_1, window_bounds = array<i64: 4000, 16>}, {pipeline_mode = #tpu.pipeline_mode<synchronous>, transform_indices = @transform_2, window_bounds = array<i64: 16, 16>}, {pipeline_mode = #tpu.pipeline_mode<synchronous>, transform_indices = @transform_3, window_bounds = array<i64: 16>}, {transform_indices = @transform_4, window_bounds = array<i64: 4000, 16>}]} {
    %get3A = arith.constant 0 : index
    %get3A_0 = arith.constant 0 : index
    %get3A_1 = vector.load %arg1[%get3A, %get3A_0] : memref<4000x16xf32, #tpu.memory_space<vmem>>, vector<4000x16xf32>
    %get3A_2 = arith.constant 0 : index
    %get3A_3 = arith.constant 0 : index
    %get3A_4 = vector.load %arg3[%get3A_2, %get3A_3] : memref<16x16xf32, #tpu.memory_space<vmem>>, vector<16x16xf32>
    %dot_general3A = arith.constant dense<0.000000e+00> : vector<4000x16xf32>
    %dot_general3A_5 = tpu.matmul %get3A_1, %get3A_4, %dot_general3A {dimension_numbers = #tpu.dot_dimension_numbers<[1], [0], [0], [1], [0, 0, 1, 1], [], []>, transpose_lhs_hint = false} : vector<4000x16xf32>, vector<16x16xf32>, vector<4000x16xf32> -> vector<4000x16xf32>
    %get3A_6 = arith.constant 0 : index
    %get3A_7 = vector.load %arg4[%get3A_6] : memref<16xf32, #tpu.memory_space<vmem>>, vector<16xf32>
    %broadcast_in_dim3A = vector.shape_cast %get3A_7 : vector<16xf32> to vector<1x16xf32>
    %add3A = vector.broadcast %broadcast_in_dim3A : vector<1x16xf32> to vector<4000x16xf32>
    %add3A_8 = arith.addf %dot_general3A_5, %add3A : vector<4000x16xf32>
    %get3A_9 = arith.constant 0 : index
    %get3A_10 = arith.constant 0 : index
    %get3A_11 = vector.load %arg2[%get3A_9, %get3A_10] : memref<4000x16xf32, #tpu.memory_space<vmem>>, vector<4000x16xf32>
    %add3A_12 = arith.addf %get3A_11, %add3A_8 : vector<4000x16xf32>
    %gt3A = arith.constant 0.000000e+00 : f32
    %gt3A_13 = vector.broadcast %gt3A : f32 to vector<4000x16xf32>
    %gt3A_14 = arith.cmpf ogt, %add3A_12, %gt3A_13 : vector<4000x16xf32>
    %mul3A = arith.constant 0.00999999977 : f32
    %mul3A_15 = vector.broadcast %mul3A : f32 to vector<4000x16xf32>
    %mul3A_16 = arith.mulf %mul3A_15, %add3A_12 : vector<4000x16xf32>
    %select_n3A = arith.select %gt3A_14, %add3A_12, %mul3A_16 : vector<4000x16xi1>, vector<4000x16xf32>
    %swap3A = arith.constant 0 : index
    %swap3A_17 = arith.constant 0 : index
    %swap3A_18 = vector.load %arg5[%swap3A, %swap3A_17] : memref<4000x16xf32, #tpu.memory_space<vmem>>, vector<4000x16xf32>
    tpu.vector_store %arg5[%swap3A, %swap3A_17], %select_n3A {strides = array<i32>} : memref<4000x16xf32, #tpu.memory_space<vmem>>, vector<4000x16xf32>,
    return
  }
  func.func @transform_0(%arg0: i32) -> (i32, i32) {
    %c0_i32 = arith.constant 0 : i32
    %c0_i32_0 = arith.constant 0 : i32
    return %arg0, %c0_i32 : i32, i32
  }
  func.func @transform_1(%arg0: i32) -> (i32, i32) {
    %c0_i32 = arith.constant 0 : i32
    %c0_i32_0 = arith.constant 0 : i32
    return %arg0, %c0_i32 : i32, i32
  }
  func.func @transform_2(%arg0: i32) -> (i32, i32) {
    %c0_i32 = arith.constant 0 : i32
    %c0_i32_0 = arith.constant 0 : i32
    %c0_i32_1 = arith.constant 0 : i32
    return %c0_i32, %c0_i32_0 : i32, i32
  }
  func.func @transform_3(%arg0: i32) -> i32 {
    %c0_i32 = arith.constant 0 : i32
    %c0_i32_0 = arith.constant 0 : i32
    return %c0_i32 : i32
  }
  func.func @transform_4(%arg0: i32) -> (i32, i32) {
    %c0_i32 = arith.constant 0 : i32
    %c0_i32_0 = arith.constant 0 : i32
    return %arg0, %c0_i32 : i32, i32
  }
}

</mosaic_0001>

<sc_bundles>
// kernel: kernel.11.cloned.1.call-start
scs
__scs_entry_jumppad:
0x0: {  	(pc) =	sbr.rel $0x88, $3  }
0x1: {  	(tag) =	ssettag $0x0;
	lr =	simm.s32 $0x1  }
0x2: {  	[smem:$0x3F91] =	sst lr;
	_ =	strace $0xD0000000  }
0x3: {  	_ = 	snop  }
0x4: {  	_ = 	snop  }
0x5: {  	_ = 	snop  }
0x6: {  	_ = 	snop  }
0x7: {  	_ = 	snop  }
__scs_overlays_trampoline_lowered:
0x8: {  	[smem:$0x3FA0] =	sst s0  }
0x9: {  	[smem:$0x3FA1] =	sst s1  }
0xa: {  	[smem:$0x3FA2] =	sst s2  }
0xb: {  	[smem:$0x3FA3] =	sst s3  }
0xc: {  	[smem:$0x3FA4] =	sst s4  }
0xd: {  	[smem:$0x3FA5] =	sst s5  }
0xe: {  	[smem:$0x3FA6] =	sst s6  }
0xf: {  	[smem:$0x3FA7] =	sst s7  }
0x10: {  	[smem:$0x3FA8] =	sst s8  }
0x11: {  	[smem:$0x3FA9] =	sst s9;
	s0 =	simm.s32 @!p0 $0x0  }
0x12: {  	s1 =	sld [smem:$0x3F8F];
	s0 =	simm.s32 @p0 $0x1  }
0x13: {  	[smem:$0x3FAA] =	sst s0;
	s0 =	simm.s32 @!p1 $0x0  }
0x14: {  	s2 =	sld [smem:$0x3F8E];
	s0 =	simm.s32 @p1 $0x1  }
0x15: {  	[smem:$0x3FAB] =	sst s0;
	s0 =	simm.s32 @!p2 $0x0  }
0x16: {  	s3 =	sld [smem:$0x3FDB];
	s0 =	simm.s32 @p2 $0x1  }
0x17: {  	s4 =	simm.s32 $0x1BF5;
	[smem:$0x3FAD] =	sst s0  }
0x18: {  	s0 =	sld [smem:$0x3F90];
	_ =	swait.ge [sflag:s4], $0x0  }
0x19: {  	s7 =	sld [smem:$0x3F91]  }
0x1a: {  	s8 =	sadd.s32 $0xFFFFE003, lr  }
0x1b: {  	s9 =	sadd.s32 $0xFFFFFEF7, lr;
	s5 =	simm.s32 $0xFFFFFFFF;
	p2 =	slt.u32 s8, $0xFFFFF086  }
0x1c: {  	p1 =	slt.u32 s9, $0xF7A;
	s5 =	simm.s32 @!p2 $0x0  }
0x1d: {  	s5 =	simm.s32 @p1 $0x1;
	p0 =	seq.s32 s7, s2  }
0x1e: {  	s7 =	smul.u32 @!p0 $0xF7A, s2;
	p2 =	seq.s32 @!p0 s5, $0x0  }
0x1f: {  	s9 =	smul.u32 $0xF7A, s1;
	s8 =	simm.s32 @!p0 $0x1BF5;
	p2 =	por !p2, p0  }
0x20: {  	[sflag:s8] =	ssyncset.s32 @!p0 $0xFFFFF086;
	s6 =	sadd.s32 @!p0 s3, s7;
	s7 =	simm.s32 @!p0 $0x108  }
0x21: {  	s3 =	sadd.s32 s3, s9;
	s6 =	sadd.s32 @!p0 $0x88, s6;
	s7 =	simm.s32 @p2 $0x1082  }
0x22: {  	[simem:s7], [sflag:s8] =	dma.local @!p0 [hbm:s6], $0xF7A  }
0x23: {  	s9 =	sor.u32 $0xD0000000, s2;
	s6 =	simm.s32 $0x108;
	_ =	swait.ge @!p0 [sflag:s8], $0x0  }
0x24: {  	s3 =	sadd.s32 $0x88, s3;
	s6 =	simm.s32 @!p1 $0x1082;
	[sflag:s4] =	ssyncset.s32 $0xFFFFF086  }
0x25: {  	[simem:s6], [sflag:s4] =	dma.local [hbm:s3], $0xF7A  }
0x26: {  	[smem:$0x3F91] =	sst s1;
	(tag) =	ssettag s2;
	_ =	strace s9  }
0x27: {  	s1 =	sld [smem:$0x3FA1]  }
0x28: {  	s2 =	sld [smem:$0x3FA2]  }
0x29: {  	s4 =	sld [smem:$0x3FA4]  }
0x2a: {  	p0 =	seq.s32 s5, $0x0;
	s5 =	sld [smem:$0x3FA5]  }
0x2b: {  	s6 =	sld [smem:$0x3FA6]  }
0x2c: {  	s7 =	sld [smem:$0x3FA7]  }
0x2d: {  	s3 =	simm.s32 $0x108;
	s8 =	sld [smem:$0x3FA8]  }
0x2e: {  	s3 =	simm.s32 @!p0 $0x1082;
	s9 =	sld [smem:$0x3FA9]  }
0x2f: {  	lr =	sadd.s32 s0, s3;
	s0 =	sld [smem:$0x3FA0]  }
0x30: {  	s3 =	sld [smem:$0x3FA3]  }
0x31: {  	[smem:$0x3FAC] =	sst s10  }
0x32: {  	s10 =	sld [smem:$0x3FAA];
	_ =	sdelay $0x3  }
0x33: {  	p0 =	seq.s32 s10, $0x1;
	s10 =	sld [smem:$0x3FAC];
	_ =	sdelay $0x3  }
0x34: {  	[smem:$0x3FAC] =	sst s10  }
0x35: {  	s10 =	sld [smem:$0x3FAB];
	_ =	sdelay $0x3  }
0x36: {  	p1 =	seq.s32 s10, $0x1;
	s10 =	sld [smem:$0x3FAC];
	_ =	sdelay $0x3  }
0x37: {  	[smem:$0x3FAC] =	sst s10  }
0x38: {  	s10 =	sld [smem:$0x3FAD]  }
0x39: {  	_ = 	snop;
	(pc) =	sbr.ind lr, $3  }
0x3a: {  	_ = 	snop  }
0x3b: {  	_ = 	snop  }
0x3c: {  	p2 =	seq.s32 s10, $0x1;
	s10 =	sld [smem:$0x3FAC]  }
0x3d: {  	_ =	shalt  }
0x3e: {  	_ =	shalt  }
0x3f: {  	_ =	shalt  }
0x40: {  	_ =	shalt  }
0x41: {  	_ =	shalt  }
0x42: {  	_ =	shalt  }
0x43: {  	_ =	shalt  }
0x44: {  	_ =	shalt  }
0x45: {  	_ =	shalt  }
0x46: {  	_ =	shalt  }
0x47: {  	_ =	shalt  }
0x48: {  	_ =	shalt  }
0x49: {  	_ =	shalt  }
0x4a: {  	_ =	shalt  }
0x4b: {  	_ =	shalt  }
0x4c: {  	_ =	shalt  }
0x4d: {  	_ =	shalt  }
0x4e: {  	_ =	shalt  }
0x4f: {  	_ =	shalt  }
0x50: {  	_ =	shalt  }
0x51: {  	_ =	shalt  }
0x52: {  	_ =	shalt  }
0x53: {  	_ =	shalt  }
0x54: {  	_ =	shalt  }
0x55: {  	_ =	shalt  }
0x56: {  	_ =	shalt  }
0x57: {  	_ =	shalt  }
0x58: {  	_ =	shalt  }
0x59: {  	_ =	shalt  }
0x5a: {  	_ =	shalt  }
0x5b: {  	_ =	shalt  }
0x5c: {  	_ =	shalt  }
0x5d: {  	_ =	shalt  }
0x5e: {  	_ =	shalt  }
0x5f: {  	_ =	shalt  }
0x60: {  	_ =	shalt  }
0x61: {  	_ =	shalt  }
0x62: {  	_ =	shalt  }
0x63: {  	_ =	shalt  }
0x64: {  	_ =	shalt  }
0x65: {  	_ =	shalt  }
0x66: {  	_ =	shalt  }
0x67: {  	_ =	shalt  }
0x68: {  	_ =	shalt  }
0x69: {  	_ =	shalt  }
0x6a: {  	_ =	shalt  }
0x6b: {  	_ =	shalt  }
0x6c: {  	_ =	shalt  }
0x6d: {  	_ =	shalt  }
0x6e: {  	_ =	shalt  }
0x6f: {  	_ =	shalt  }
0x70: {  	_ =	shalt  }
0x71: {  	_ =	shalt  }
0x72: {  	_ =	shalt  }
0x73: {  	_ =	shalt  }
0x74: {  	_ =	shalt  }
0x75: {  	_ =	shalt  }
0x76: {  	_ =	shalt  }
0x77: {  	_ =	shalt  }
0x78: {  	_ =	shalt  }
0x79: {  	_ =	shalt  }
0x7a: {  	_ =	shalt  }
0x7b: {  	_ =	shalt  }
0x7c: {  	_ =	shalt  }
0x7d: {  	_ =	shalt  }
0x7e: {  	_ =	shalt  }
0x7f: {  	_ =	shalt  }
0x80: {  	_ =	shalt  }
0x81: {  	_ =	shalt  }
0x82: {  	_ =	shalt  }
0x83: {  	_ =	shalt  }
0x84: {  	_ =	shalt  }
0x85: {  	_ =	shalt  }
0x86: {  	_ =	shalt  }
0x87: {  	_ =	shalt  }
.Lfunc_end0:
.L_simem_size_0:
called_computation.1_lowered:
.L_overlay_start_0:
0x88: {  	s2 =	sld [smem:$0x3FD9]  }
0x89: {  	s3 =	sld [smem:$0x3FFE];
	_ =	sdelay $0x1  }
0x8a: {  	s1 =	srdreg.scid  }
0x8b: {  	s0 =	sand.u32 $0x1, s1  }
0x8c: {  	s14 =	sshll.u32 s0, $0xA;
	s2 =	sadd.s32 s3, s2  }
0x8d: {  	s2 =	sadd.s32 s2, s14  }
0x8e: {  	[smem:$0x3FB8] =	sst s2  }
0x8f: {  	_ = 	snop  }
0x90: {  	s2 =	sld [smem:$0x3FD0];
	_ =	sdelay $0x2  }
0x91: {  	s15 =	simm.s32 $0xA;
	s4 =	simm.s32 $0x10  }
0x92: {  	[smem:s4], [sflag:s15] =	dma.local [hbm:s2], $0x1  }
0x93: {  	_ =	swait.eq [sflag:s15], $0x1  }
0x94: {  	[sflag:s15] =	ssyncset.done $0x0  }
0x95: {  	[sflag:s15] =	ssyncadd.s32 $0xFFFFFFFF  }
0x96: {  	s16 =	sld [smem:$0x11];
	(tm) =	ssettm $0x1  }
0x97: {  	s17 =	sld [smem:$0x3FFB];
	_ =	sdelay $0x3  }
0x98: {  	_ =	strace s17  }
0x99: {  	s3 =	sld [smem:$0x3FFC];
	_ =	sdelay $0x3  }
0x9a: {  	_ =	strace s3  }
0x9b: {  	s3 =	sld [smem:$0x3FFD];
	_ =	sdelay $0x3  }
0x9c: {  	_ =	strace s3  }
0x9d: {  	_ =	strace $0x8FFFFFFF  }
0x9e: {  	s18 =	sld [smem:$0x3FDB];
	_ =	sdelay $0x1  }
0x9f: {  	s19 =	simm.s32 $_scs_section_size  }
0xa0: {  	s5 =	simm.s32 $_size__tile_overlayer_lowered;
	s6 =	simm.s32 $_tile_overlayer_lowered  }
0xa1: {  	s22 =	simm.s32 $0x1BFF;
	s21 =	sshll.u32 s6, $0x1;
	s3 =	sadd.s32 s19, s18  }
0xa2: {  	s7 =	simm.s32 $0x0;
	s20 =	sshll.u32 s5, $0x1;
	s5 =	sadd.s32 s21, s3  }
0xa3: {  	[timem:s7], [sflag:s22] =	dma.local [hbm:s5], s20  }
0xa4: {  	_ =	swait.ge [sflag:s22], s20  }
0xa5: {  	s4 =	ssub.s32 $0x0, s20;
	[sflag:s22] =	ssyncset.done $0x0  }
0xa6: {  	[sflag:s22] =	ssyncadd.s32 s4;
	_ =	sdelay $0x1  }
0xa7: {  	s23 =	simm.s32 $0x1B8B  }
0xa8: {  	_ =	swait.ge [sflag:s23], $0x1  }
0xa9: {  	[sflag:s23] =	ssyncset.done $0x0  }
0xaa: {  	s25 =	simm.s32 $0x1B8E;
	s24 =	sld [smem:$0x3FFE];
	[sflag:s23] =	ssyncadd.s32 $0xFFFFFFFF  }
0xab: {  	s26 =	simm.s32 $execute0_lowered;
	[smem:$0x3FD2] =	sst s25  }
0xac: {  	s5 =	sshll.u32 s26, $0x1;
	_ =	strace $0x80000049;
	[dreg:$0x1] =	wrdreg $0xFFFFFFFF  }
0xad: {  	s28 =	simm.s32 $_size_execute0_lowered;
	s3 =	sadd.s32 s3, s5;
	[dreg:$0x0] =	wrdreg $0x0  }
0xae: {  	s5 =	sshll.u32 s28, $0x1;
	[dreg:$0x2] =	wrdreg s3  }
0xaf: {  	[dreg:$0x3] =	wrdreg s5  }
0xb0: {  	[dreg:$0x4] =	wrdreg $0xC0  }
0xb1: {  	_ =	task [dreg:s7], $0x5FFFF  }
0xb2: {  	[dreg:$0x1] =	wrdreg $0xFFFFFFFF  }
0xb3: {  	[dreg:$0x0] =	wrdreg $0x60  }
0xb4: {  	[dreg:$0x2] =	wrdreg s24  }
0xb5: {  	[dreg:$0x3] =	wrdreg s16  }
0xb6: {  	[dreg:$0x4] =	wrdreg $0x9  }
0xb7: {  	_ =	task.clear_ibuf [dreg:s7], $0x5FFFF;
	_ =	strace $0x90000049  }
0xb8: {  	s29 =	simm.s32 $0x9;
	_ =	strace $0x8000004B  }
0xb9: {  	_ =	swait.ge [sflag:s29], $0x1  }
0xba: {  	[sflag:s29] =	ssyncadd.s32 $0xFFFFFFFF  }
0xbb: {  	_ =	strace $0x9000004B  }
0xbc: {  	_ =	sfence  }
0xbd: {  	s30 =	sld [smem:$0x0];
	_ =	sdelay $0x2  }
0xbe: {  	s31 =	sshll.u32 s1, $0xD;
	s1 =	sshrl.u32 s1, $0x2  }
0xbf: {  	s3 =	sand.u32 $0x4000, s31;
	s1 =	sadd.s32 s1, s30  }
0xc0: {  	s0 =	sor.u32 s3, s0;
	s1 =	sshll.u32 s1, $0x11  }
0xc1: {  	s0 =	sor.u32 s1, s0  }
0xc2: {  	s0 =	sadd.s32 $0x8F2B, s0  }
0xc3: {  	[sflag:s0] =	ssyncadd.remote.s32 $0x1  }
0xc4: {  	_ =	sfence.sel $0xFFFF  }
0xc5: {  	[dreg:$0x0] =	wrdreg $0xFFFFFFFF;
	(pc) =	sbr.abs _section_cstart, $3  }
0xc6: {  	[dreg:$0x1] =	wrdreg $0xFFFFFFFF  }
0xc7: {  	_ =	task.clear_ibuf [dreg:s7], $0x2FFFF;
	_ =	strace $0x9FFFFFFF  }
0xc8: {  	(tm) =	ssettm $0x7FFFFFFF  }
0xc9: {  	_ =	shalt  }
tec
execute0_lowered:
.L_overlay_start_1:
0x0: {  	(tag) =	ssettag $0x1  }
0x1: {  	s8 =	rddreg [dreg:$0x0]  }
0x2: {  	s1 =	rddreg [dreg:$0x1]  }
0x3: {  	s0 =	rddreg [dreg:$0x2]  }
0x4: {  	s2 =	simm.s32 $0x0;
	s3 =	srdreg.scid;
	s13 =	simm.s32 $0xA0  }
0x5: {  	s14 =	simm.s32 $0x5A0;
	s15 =	simm.s32 $0xAA0;
	s16 =	simm.s32 $0x1  }
0x6: {  	s17 =	simm.s32 $0x2;
	s18 =	simm.s32 $0xFA0;
	s19 =	simm.s32 $0x0  }
0x7: {  	[smem:$0x7FF] =	sst s2;
	s4 =	sadd.s32 $0x503800, s8;
	s9 =	sand.u32 $0x1, s3  }
0x8: {  	s5 =	sadd.s32 $0x4F9A00, s8;
	s3 =	stileid.u32;
	s6 =	sadd.s32 $0x4EB000, s8  }
0x9: {  	s7 =	sadd.s32 $0x4E6000, s8;
	s8 =	sadd.s32 $0x50D600, s8;
	s10 =	ssub.s32 $0x2, s9  }
0xa: {  	_ =	strace $0x8000004A;
	s12 =	sshll.u32 s3, $0x1;
	s11 =	sshrl.u32 s10, $0x1  }
0xb: {  	s9 =	sor.u32 s9, s12;
	s12 =	simm.s32 $0x50;
	s10 =	ssub.s32 s10, s11  }
0xc: {  	s9 =	smul.u32 $0x2710, s9;
	s11 =	simm.s32 $0x3;
	s10 =	smax.u32 s10, $0x1  }
.LBB2_1:
0xd: {  	s20 =	simm.s32 $0x0  }
.LBB2_2:
0xe: {  	s21 =	smul.u32 $0x50, s20;
	_ =	sdelay $0x1  }
0xf: {  	s21 =	sadd.s32 s9, s21  }
0x10: {  	s22 =	sshrl.u32 s21, $0x3  }
0x11: {  	s23 =	sadd.s32 s4, s22  }
0x12: {  	[tilespmem:s2], [sflag:$0x3] =	stream.linear.gather [hbm4b:s23+s2], $0x50, $0x38;
	[tilespmem:$0x14A0] =	vst v63  }
0x13: {  	_ =	swait.ge [sflag:s11], $0x50  }
0x14: {  	[sflag:s11] =	ssyncset.done $0x0  }
0x15: {  	s22 =	sadd.s32 s5, s22;
	[sflag:s11] =	ssyncadd.s32 $0xFFFFFFB0  }
0x16: {  	[tilespmem:s12], [sflag:$0x3] =	stream.linear.gather [hbm4b:s22+s2], $0x50, $0x38;
	[tilespmem:$0x14A0] =	vst v63  }
0x17: {  	_ =	swait.ge [sflag:s11], $0x50  }
0x18: {  	[sflag:s11] =	ssyncset.done $0x0  }
0x19: {  	[sflag:s11] =	ssyncadd.s32 $0xFFFFFFB0  }
0x1a: {  	[tilespmem:s13], [sflag:$0x1] =	stream.indirect.gather [hbm4b:s6+s12], $0x10, s2, s12, $0xb8;
	[tilespmem:$0x14A0] =	vst v63  }
0x1b: {  	s21 =	sshll.u32 s21, $0x1  }
0x1c: {  	[tilespmem:s14], [sflag:$0x2] =	stream.indirect.gather [hbm4b:s7+s12], $0x10, s12, s12, $0xb8;
	[tilespmem:$0x14A0] =	vst v63  }
0x1d: {  	s31 =	sadd.s32 s1, s21  }
0x1e: {  	[tilespmem:s15], [sflag:$0x3] =	stream.linear.gather [hbm4b:s31+s2], $0x500, $0x38;
	[tilespmem:$0x14A0] =	vst v63  }
0x1f: {  	_ =	swait.ge [sflag:s11], $0x500  }
0x20: {  	[sflag:s11] =	ssyncset.done $0x0  }
0x21: {  	[sflag:s11] =	ssyncadd.s32 $0xFFFFFB00  }
0x22: {  	_ =	swait.ge [sflag:s16], $0x500  }
0x23: {  	[sflag:s16] =	ssyncset.done $0x0  }
0x24: {  	[sflag:s16] =	ssyncadd.s32 $0xFFFFFB00  }
0x25: {  	_ =	swait.ge [sflag:s17], $0x500  }
0x26: {  	[sflag:s17] =	ssyncset.done $0x0  }
0x27: {  	s24 =	simm.s32 $0xE0;
	[sflag:s17] =	ssyncadd.s32 $0xFFFFFB00  }
0x28: {  	s22 =	simm.s32 $0x5E0;
	v0 =	vld [tilespmem:s24+$0x30]  }
0x29: {  	v1 =	vld [tilespmem:s22+$0x30]  }
0x2a: {  	s23 =	simm.s32 $0xAE0;
	v4 =	vld [tilespmem:s22+$0xFFFFFFC0]  }
0x2b: {  	v2 =	vld [tilespmem:s23+$0x30]  }
0x2c: {  	v3 =	vld [tilespmem:s24+$0xFFFFFFD0]  }
0x2d: {  	v5 =	vld [tilespmem:s22+$0xFFFFFFD0]  }
0x2e: {  	v6 =	vld [tilespmem:s24+$0xFFFFFFE0]  }
0x2f: {  	v7 =	vld [tilespmem:s22+$0xFFFFFFE0]  }
0x30: {  	v8 =	vld [tilespmem:s24+$0xFFFFFFF0]  }
0x31: {  	v9 =	vld [tilespmem:s22+$0xFFFFFFF0]  }
0x32: {  	v11 =	vld [tilespmem:s24+$0x0]  }
0x33: {  	v12 =	vld [tilespmem:s22+$0x0]  }
0x34: {  	v13 =	vld [tilespmem:s24+$0x10]  }
0x35: {  	v14 =	vld [tilespmem:s22+$0x10]  }
0x36: {  	v15 =	vld [tilespmem:s24+$0x20]  }
0x37: {  	v16 =	vld [tilespmem:s22+$0x20]  }
0x38: {  	v17 =	vld [tilespmem:s24+$0xFFFFFFC0];
	v0 =	vadd.f32 v1, v0  }
0x39: {  	v18 =	vld [tilespmem:s23+$0xFFFFFFC0]  }
0x3a: {  	v19 =	vld [tilespmem:s23+$0xFFFFFFD0];
	v0 =	vadd.f32 v2, v0  }
0x3b: {  	v10 =	vld [tilespmem:s23+$0xFFFFFFE0];
	v5 =	vadd.f32 v5, v3  }
0x3c: {  	v1 =	vadd.f32 v7, v6;
	v2 =	vadd.f32 v9, v8;
	v8 =	vld [tilespmem:s23+$0xFFFFFFF0];
	v6 =	vmul.f32 $9.999999770e-03, v0  }
0x3d: {  	v3 =	vadd.f32 v12, v11;
	v7 =	vadd.f32 v4, v17;
	v9 =	vld [tilespmem:s23+$0x0]  }
0x3e: {  	s24 =	simm.s32 $0xFE0;
	v4 =	vadd.f32 v14, v13;
	v11 =	vmax.f32 v0, v6;
	v0 =	vadd.f32 v16, v15;
	v6 =	vld [tilespmem:s23+$0x10]  }
0x3f: {  	s25 =	simm.s32 $0x0;
	s26 =	simm.s32 $0x160;
	[tilespmem:s24+$0x30] =	vst v11;
	v11 =	vadd.f32 v18, v7;
	v7 =	vadd.f32 v19, v5;
	v5 =	vld [tilespmem:s23+$0x20]  }
.LBB2_3:
0x40: {  	v12 =	vld [tilespmem:s26+$0x30];
	v1 =	vadd.f32 v10, v1;
	s22 =	sadd.s32 $0x80, s22  }
0x41: {  	s25 =	sadd.s32 $0x8, s25;
	v10 =	vld [tilespmem:s22+$0x30];
	v13 =	vmul.f32 $9.999999770e-03, v11;
	v14 =	vmul.f32 $9.999999770e-03, v7;
	v2 =	vadd.f32 v8, v2  }
0x42: {  	s23 =	sadd.s32 $0x80, s23;
	p0 =	slt.u32 s25, $0x48;
	v15 =	vld [tilespmem:s22+$0xFFFFFFC0];
	v8 =	vmul.f32 $9.999999770e-03, v1;
	v3 =	vadd.f32 v9, v3  }
0x43: {  	v9 =	vld [tilespmem:s23+$0x30];
	v11 =	vmax.f32 v11, v13;
	v13 =	vmul.f32 $9.999999770e-03, v2;
	v4 =	vadd.f32 v6, v4  }
0x44: {  	v7 =	vmax.f32 v7, v14;
	v6 =	vld [tilespmem:s26+$0xFFFFFFD0];
	[tilespmem:s24+$0xFFFFFFC0] =	vst v11;
	v11 =	vmul.f32 $9.999999770e-03, v3;
	v0 =	vadd.f32 v5, v0  }
0x45: {  	v1 =	vmax.f32 v1, v8;
	v5 =	vld [tilespmem:s22+$0xFFFFFFD0];
	[tilespmem:s24+$0xFFFFFFD0] =	vst v7;
	v2 =	vmax.f32 v2, v13;
	v7 =	vmul.f32 $9.999999770e-03, v4  }
0x46: {  	v8 =	vld [tilespmem:s26+$0xFFFFFFE0];
	v10 =	vadd.f32 v10, v12;
	[tilespmem:s24+$0xFFFFFFE0] =	vst v1;
	v1 =	vmax.f32 v3, v11;
	v3 =	vmul.f32 $9.999999770e-03, v0  }
0x47: {  	v11 =	vld [tilespmem:s22+$0xFFFFFFE0];
	[tilespmem:s24+$0xFFFFFFF0] =	vst v2;
	v2 =	vmax.f32 v4, v7  }
0x48: {  	v4 =	vld [tilespmem:s26+$0xFFFFFFF0];
	v7 =	vadd.f32 v9, v10;
	[tilespmem:s24+$0x0] =	vst v1;
	v0 =	vmax.f32 v0, v3  }
0x49: {  	v3 =	vld [tilespmem:s22+$0xFFFFFFF0];
	[tilespmem:s24+$0x10] =	vst v2  }
0x4a: {  	v5 =	vadd.f32 v5, v6;
	v6 =	vld [tilespmem:s26+$0x0];
	v2 =	vmul.f32 $9.999999770e-03, v7;
	[tilespmem:s24+$0x20] =	vst v0  }
0x4b: {  	v0 =	vld [tilespmem:s22+$0x0]  }
0x4c: {  	s24 =	sadd.s32 $0x80, s24;
	v1 =	vadd.f32 v11, v8;
	v8 =	vld [tilespmem:s26+$0x10];
	v2 =	vmax.f32 v7, v2  }
0x4d: {  	v7 =	vld [tilespmem:s22+$0x10];
	[tilespmem:s24+$0x30] =	vst v2  }
0x4e: {  	v2 =	vadd.f32 v3, v4;
	v9 =	vld [tilespmem:s26+$0x20]  }
0x4f: {  	v11 =	vld [tilespmem:s22+$0x20]  }
0x50: {  	v12 =	vld [tilespmem:s26+$0xFFFFFFC0];
	v3 =	vadd.f32 v0, v6  }
0x51: {  	v13 =	vld [tilespmem:s23+$0xFFFFFFC0]  }
0x52: {  	v14 =	vld [tilespmem:s23+$0xFFFFFFD0];
	v4 =	vadd.f32 v7, v8  }
.Ltmp0:
0x53: {  	v10 =	vld [tilespmem:s23+$0xFFFFFFE0];
	(pc) =	sbr.rel @p0 .LBB2_3-.Ltmp0, $4  }
0x54: {  	v8 =	vld [tilespmem:s23+$0xFFFFFFF0];
	v0 =	vadd.f32 v11, v9  }
0x55: {  	v7 =	vadd.f32 v15, v12;
	v9 =	vld [tilespmem:s23+$0x0]  }
0x56: {  	v6 =	vld [tilespmem:s23+$0x10]  }
0x57: {  	s26 =	sadd.s32 $0x80, s26;
	v11 =	vadd.f32 v13, v7;
	v7 =	vadd.f32 v14, v5;
	v5 =	vld [tilespmem:s23+$0x20]  }
0x58: {  	_ = 	snop  }
0x59: {  	v1 =	vadd.f32 v10, v1;
	v54 =	vmul.f32 $9.999999770e-03, v11  }
0x5a: {  	v12 =	vmul.f32 $9.999999770e-03, v7;
	v2 =	vadd.f32 v8, v2  }
0x5b: {  	v55 =	vmul.f32 $9.999999770e-03, v1;
	v3 =	vadd.f32 v9, v3;
	v56 =	vmax.f32 v11, v54  }
0x5c: {  	v57 =	vmul.f32 $9.999999770e-03, v2;
	v4 =	vadd.f32 v6, v4;
	v58 =	vmax.f32 v7, v12;
	[tilespmem:s24+$0xFFFFFFC0] =	vst v56  }
0x5d: {  	v59 =	vmul.f32 $9.999999770e-03, v3;
	v0 =	vadd.f32 v5, v0;
	[tilespmem:s24+$0xFFFFFFD0] =	vst v58;
	v1 =	vmax.f32 v1, v55  }
0x5e: {  	v2 =	vmax.f32 v2, v57;
	v60 =	vmul.f32 $9.999999770e-03, v4;
	[tilespmem:s24+$0xFFFFFFE0] =	vst v1  }
0x5f: {  	v61 =	vmax.f32 v3, v59;
	v62 =	vmul.f32 $9.999999770e-03, v0;
	[tilespmem:s24+$0xFFFFFFF0] =	vst v2  }
0x60: {  	s20 =	sadd.s32 $0x1, s20;
	v63 =	vmax.f32 v4, v60;
	[tilespmem:s24+$0x0] =	vst v61  }
0x61: {  	p0 =	sne.s32 s20, $0x7D;
	v0 =	vmax.f32 v0, v62;
	[tilespmem:s24+$0x10] =	vst v63  }
.Ltmp1:
0x62: {  	s21 =	sadd.s32 s8, s21;
	[tilespmem:s24+$0x20] =	vst v0;
	(pc) =	sbr.rel @p0 .LBB2_2-.Ltmp1, $4  }
0x63: {  	[hbm4b:s21+s2] =	stream.linear.scatter [tilespmem:s18], [sflag:$0x3], $0x500, $0x38;
	[tilespmem:$0x14A0] =	vst v63  }
0x64: {  	_ =	swait.ge [sflag:s11], $0x500  }
0x65: {  	[sflag:s11] =	ssyncset.done $0x0  }
0x66: {  	[sflag:s11] =	ssyncadd.s32 $0xFFFFFB00  }
0x67: {  	s19 =	sadd.s32 $0x1, s19  }
0x68: {  	p0 =	sne.s32 s19, s10  }
.Ltmp2:
0x69: {  	_ = 	snop;
	(pc) =	sbr.rel @p0 .LBB2_1-.Ltmp2, $1  }
0x6a: {  	_ =	sdelay $0x3  }
0x6b: {  	_ =	sfence.sel $0x180000  }
0x6c: {  	[bflag:$0x0] =	sbarrier.arrive $0xFFFF  }
0x6d: {  	p0 =	sne.s32 s3, $0x0;
	_ =	strace $0x9000004A  }
0x6e: {  	s0 =	sadd.s32 @!p0 $0x100000, s0;
	[bflag:$0x2] =	sbarrier.arrive $0xFFFF  }
0x6f: {  	[sflag:s0] =	ssyncadd.tile.s32 @!p0 $0x1;
	_ =	shalt  }
.Lfunc_end2:
_tile_overlayer_lowered:
.L_overlay_start_2:
0x70: {  	(tag) =	ssettag $0x2  }
0x71: {  	s0 =	rddreg [dreg:$0x0];
	s2 =	stileid.u32  }
0x72: {  	s1 =	rddreg [dreg:$0x1];
	p0 =	sne.s32 s2, $0x0  }
0x73: {  	s3 =	rddreg [dreg:$0x2];
	[bflag:$0x3] =	sbarrier.arrive $0xFFFF;
	s2 =	simm.s32 @!p0 $0x1C03  }
0x74: {  	[timem:s3], [sflag:s2] =	dma.local @!p0 [hbm:s0], s1  }
0x75: {  	s0 =	simm.s32 @!p0 $0x3  }
0x76: {  	_ =	swait.ge @!p0 [sflag:s0], s1  }
0x77: {  	s1 =	ssub.s32 @!p0 $0x0, s1;
	[sflag:s0] =	ssyncset.done @!p0 $0x0  }
0x78: {  	[sflag:s0] =	ssyncadd.s32 @!p0 s1  }
0x79: {  	[bflag:$0x3] =	sbarrier.arrive $0xFFFF  }
0x7a: {  	_ =	shalt  }

// kernel: kernel.8.cloned.1.call-start
scs
__scs_entry_jumppad:
0x0: {  	(pc) =	sbr.rel $0x88, $3  }
0x1: {  	(tag) =	ssettag $0x0;
	lr =	simm.s32 $0x1  }
0x2: {  	[smem:$0x3F91] =	sst lr;
	_ =	strace $0xD0000000  }
0x3: {  	_ = 	snop  }
0x4: {  	_ = 	snop  }
0x5: {  	_ = 	snop  }
0x6: {  	_ = 	snop  }
0x7: {  	_ = 	snop  }
__scs_overlays_trampoline_lowered:
0x8: {  	[smem:$0x3FA0] =	sst s0  }
0x9: {  	[smem:$0x3FA1] =	sst s1  }
0xa: {  	[smem:$0x3FA2] =	sst s2  }
0xb: {  	[smem:$0x3FA3] =	sst s3  }
0xc: {  	[smem:$0x3FA4] =	sst s4  }
0xd: {  	[smem:$0x3FA5] =	sst s5  }
0xe: {  	[smem:$0x3FA6] =	sst s6  }
0xf: {  	[smem:$0x3FA7] =	sst s7  }
0x10: {  	[smem:$0x3FA8] =	sst s8  }
0x11: {  	[smem:$0x3FA9] =	sst s9;
	s0 =	simm.s32 @!p0 $0x0  }
0x12: {  	s1 =	sld [smem:$0x3F8F];
	s0 =	simm.s32 @p0 $0x1  }
0x13: {  	[smem:$0x3FAA] =	sst s0;
	s0 =	simm.s32 @!p1 $0x0  }
0x14: {  	s2 =	sld [smem:$0x3F8E];
	s0 =	simm.s32 @p1 $0x1  }
0x15: {  	[smem:$0x3FAB] =	sst s0;
	s0 =	simm.s32 @!p2 $0x0  }
0x16: {  	s3 =	sld [smem:$0x3FDB];
	s0 =	simm.s32 @p2 $0x1  }
0x17: {  	s4 =	simm.s32 $0x1BF5;
	[smem:$0x3FAD] =	sst s0  }
0x18: {  	s0 =	sld [smem:$0x3F90];
	_ =	swait.ge [sflag:s4], $0x0  }
0x19: {  	s7 =	sld [smem:$0x3F91]  }
0x1a: {  	s8 =	sadd.s32 $0xFFFFE003, lr  }
0x1b: {  	s9 =	sadd.s32 $0xFFFFFEF7, lr;
	s5 =	simm.s32 $0xFFFFFFFF;
	p2 =	slt.u32 s8, $0xFFFFF086  }
0x1c: {  	p1 =	slt.u32 s9, $0xF7A;
	s5 =	simm.s32 @!p2 $0x0  }
0x1d: {  	s5 =	simm.s32 @p1 $0x1;
	p0 =	seq.s32 s7, s2  }
0x1e: {  	s7 =	smul.u32 @!p0 $0xF7A, s2;
	p2 =	seq.s32 @!p0 s5, $0x0  }
0x1f: {  	s9 =	smul.u32 $0xF7A, s1;
	s8 =	simm.s32 @!p0 $0x1BF5;
	p2 =	por !p2, p0  }
0x20: {  	[sflag:s8] =	ssyncset.s32 @!p0 $0xFFFFF086;
	s6 =	sadd.s32 @!p0 s3, s7;
	s7 =	simm.s32 @!p0 $0x108  }
0x21: {  	s3 =	sadd.s32 s3, s9;
	s6 =	sadd.s32 @!p0 $0x88, s6;
	s7 =	simm.s32 @p2 $0x1082  }
0x22: {  	[simem:s7], [sflag:s8] =	dma.local @!p0 [hbm:s6], $0xF7A  }
0x23: {  	s9 =	sor.u32 $0xD0000000, s2;
	s6 =	simm.s32 $0x108;
	_ =	swait.ge @!p0 [sflag:s8], $0x0  }
0x24: {  	s3 =	sadd.s32 $0x88, s3;
	s6 =	simm.s32 @!p1 $0x1082;
	[sflag:s4] =	ssyncset.s32 $0xFFFFF086  }
0x25: {  	[simem:s6], [sflag:s4] =	dma.local [hbm:s3], $0xF7A  }
0x26: {  	[smem:$0x3F91] =	sst s1;
	(tag) =	ssettag s2;
	_ =	strace s9  }
0x27: {  	s1 =	sld [smem:$0x3FA1]  }
0x28: {  	s2 =	sld [smem:$0x3FA2]  }
0x29: {  	s4 =	sld [smem:$0x3FA4]  }
0x2a: {  	p0 =	seq.s32 s5, $0x0;
	s5 =	sld [smem:$0x3FA5]  }
0x2b: {  	s6 =	sld [smem:$0x3FA6]  }
0x2c: {  	s7 =	sld [smem:$0x3FA7]  }
0x2d: {  	s3 =	simm.s32 $0x108;
	s8 =	sld [smem:$0x3FA8]  }
0x2e: {  	s3 =	simm.s32 @!p0 $0x1082;
	s9 =	sld [smem:$0x3FA9]  }
0x2f: {  	lr =	sadd.s32 s0, s3;
	s0 =	sld [smem:$0x3FA0]  }
0x30: {  	s3 =	sld [smem:$0x3FA3]  }
0x31: {  	[smem:$0x3FAC] =	sst s10  }
0x32: {  	s10 =	sld [smem:$0x3FAA];
	_ =	sdelay $0x3  }
0x33: {  	p0 =	seq.s32 s10, $0x1;
	s10 =	sld [smem:$0x3FAC];
	_ =	sdelay $0x3  }
0x34: {  	[smem:$0x3FAC] =	sst s10  }
0x35: {  	s10 =	sld [smem:$0x3FAB];
	_ =	sdelay $0x3  }
0x36: {  	p1 =	seq.s32 s10, $0x1;
	s10 =	sld [smem:$0x3FAC];
	_ =	sdelay $0x3  }
0x37: {  	[smem:$0x3FAC] =	sst s10  }
0x38: {  	s10 =	sld [smem:$0x3FAD]  }
0x39: {  	_ = 	snop;
	(pc) =	sbr.ind lr, $3  }
0x3a: {  	_ = 	snop  }
0x3b: {  	_ = 	snop  }
0x3c: {  	p2 =	seq.s32 s10, $0x1;
	s10 =	sld [smem:$0x3FAC]  }
0x3d: {  	_ =	shalt  }
0x3e: {  	_ =	shalt  }
0x3f: {  	_ =	shalt  }
0x40: {  	_ =	shalt  }
0x41: {  	_ =	shalt  }
0x42: {  	_ =	shalt  }
0x43: {  	_ =	shalt  }
0x44: {  	_ =	shalt  }
0x45: {  	_ =	shalt  }
0x46: {  	_ =	shalt  }
0x47: {  	_ =	shalt  }
0x48: {  	_ =	shalt  }
0x49: {  	_ =	shalt  }
0x4a: {  	_ =	shalt  }
0x4b: {  	_ =	shalt  }
0x4c: {  	_ =	shalt  }
0x4d: {  	_ =	shalt  }
0x4e: {  	_ =	shalt  }
0x4f: {  	_ =	shalt  }
0x50: {  	_ =	shalt  }
0x51: {  	_ =	shalt  }
0x52: {  	_ =	shalt  }
0x53: {  	_ =	shalt  }
0x54: {  	_ =	shalt  }
0x55: {  	_ =	shalt  }
0x56: {  	_ =	shalt  }
0x57: {  	_ =	shalt  }
0x58: {  	_ =	shalt  }
0x59: {  	_ =	shalt  }
0x5a: {  	_ =	shalt  }
0x5b: {  	_ =	shalt  }
0x5c: {  	_ =	shalt  }
0x5d: {  	_ =	shalt  }
0x5e: {  	_ =	shalt  }
0x5f: {  	_ =	shalt  }
0x60: {  	_ =	shalt  }
0x61: {  	_ =	shalt  }
0x62: {  	_ =	shalt  }
0x63: {  	_ =	shalt  }
0x64: {  	_ =	shalt  }
0x65: {  	_ =	shalt  }
0x66: {  	_ =	shalt  }
0x67: {  	_ =	shalt  }
0x68: {  	_ =	shalt  }
0x69: {  	_ =	shalt  }
0x6a: {  	_ =	shalt  }
0x6b: {  	_ =	shalt  }
0x6c: {  	_ =	shalt  }
0x6d: {  	_ =	shalt  }
0x6e: {  	_ =	shalt  }
0x6f: {  	_ =	shalt  }
0x70: {  	_ =	shalt  }
0x71: {  	_ =	shalt  }
0x72: {  	_ =	shalt  }
0x73: {  	_ =	shalt  }
0x74: {  	_ =	shalt  }
0x75: {  	_ =	shalt  }
0x76: {  	_ =	shalt  }
0x77: {  	_ =	shalt  }
0x78: {  	_ =	shalt  }
0x79: {  	_ =	shalt  }
0x7a: {  	_ =	shalt  }
0x7b: {  	_ =	shalt  }
0x7c: {  	_ =	shalt  }
0x7d: {  	_ =	shalt  }
0x7e: {  	_ =	shalt  }
0x7f: {  	_ =	shalt  }
0x80: {  	_ =	shalt  }
0x81: {  	_ =	shalt  }
0x82: {  	_ =	shalt  }
0x83: {  	_ =	shalt  }
0x84: {  	_ =	shalt  }
0x85: {  	_ =	shalt  }
0x86: {  	_ =	shalt  }
0x87: {  	_ =	shalt  }
.Lfunc_end0:
.L_simem_size_0:
called_computation_lowered:
.L_overlay_start_0:
0x88: {  	s2 =	sld [smem:$0x3FD9]  }
0x89: {  	s3 =	sld [smem:$0x3FFE];
	_ =	sdelay $0x1  }
0x8a: {  	s1 =	srdreg.scid  }
0x8b: {  	s0 =	sand.u32 $0x1, s1  }
0x8c: {  	s14 =	sshll.u32 s0, $0xA;
	s2 =	sadd.s32 s3, s2  }
0x8d: {  	s2 =	sadd.s32 s2, s14  }
0x8e: {  	[smem:$0x3FB8] =	sst s2  }
0x8f: {  	_ = 	snop  }
0x90: {  	s2 =	sld [smem:$0x3FD0];
	_ =	sdelay $0x2  }
0x91: {  	s15 =	simm.s32 $0xA;
	s4 =	simm.s32 $0x10  }
0x92: {  	[smem:s4], [sflag:s15] =	dma.local [hbm:s2], $0x1  }
0x93: {  	_ =	swait.eq [sflag:s15], $0x1  }
0x94: {  	[sflag:s15] =	ssyncset.done $0x0  }
0x95: {  	[sflag:s15] =	ssyncadd.s32 $0xFFFFFFFF  }
0x96: {  	s16 =	sld [smem:$0x10];
	(tm) =	ssettm $0x1  }
0x97: {  	s17 =	sld [smem:$0x3FFB];
	_ =	sdelay $0x3  }
0x98: {  	_ =	strace s17  }
0x99: {  	s3 =	sld [smem:$0x3FFC];
	_ =	sdelay $0x3  }
0x9a: {  	_ =	strace s3  }
0x9b: {  	s3 =	sld [smem:$0x3FFD];
	_ =	sdelay $0x3  }
0x9c: {  	_ =	strace s3  }
0x9d: {  	_ =	strace $0x8FFFFFFF  }
0x9e: {  	s18 =	sld [smem:$0x3FDB];
	_ =	sdelay $0x1  }
0x9f: {  	s19 =	simm.s32 $_scs_section_size  }
0xa0: {  	s5 =	simm.s32 $_size__tile_overlayer_lowered;
	s6 =	simm.s32 $_tile_overlayer_lowered  }
0xa1: {  	s22 =	simm.s32 $0x1BFF;
	s21 =	sshll.u32 s6, $0x1;
	s3 =	sadd.s32 s19, s18  }
0xa2: {  	s7 =	simm.s32 $0x0;
	s20 =	sshll.u32 s5, $0x1;
	s5 =	sadd.s32 s21, s3  }
0xa3: {  	[timem:s7], [sflag:s22] =	dma.local [hbm:s5], s20  }
0xa4: {  	_ =	swait.ge [sflag:s22], s20  }
0xa5: {  	s4 =	ssub.s32 $0x0, s20;
	[sflag:s22] =	ssyncset.done $0x0  }
0xa6: {  	[sflag:s22] =	ssyncadd.s32 s4;
	_ =	sdelay $0x1  }
0xa7: {  	s23 =	simm.s32 $0x1B8B  }
0xa8: {  	_ =	swait.ge [sflag:s23], $0x1  }
0xa9: {  	[sflag:s23] =	ssyncset.done $0x0  }
0xaa: {  	s25 =	simm.s32 $0x1B8E;
	s24 =	sld [smem:$0x3FFE];
	[sflag:s23] =	ssyncadd.s32 $0xFFFFFFFF  }
0xab: {  	s26 =	simm.s32 $execute0_lowered;
	[smem:$0x3FD2] =	sst s25  }
0xac: {  	s5 =	sshll.u32 s26, $0x1;
	_ =	strace $0x80000046;
	[dreg:$0x1] =	wrdreg $0xFFFFFFFF  }
0xad: {  	s28 =	simm.s32 $_size_execute0_lowered;
	s3 =	sadd.s32 s3, s5;
	[dreg:$0x0] =	wrdreg $0x0  }
0xae: {  	s5 =	sshll.u32 s28, $0x1;
	[dreg:$0x2] =	wrdreg s3  }
0xaf: {  	[dreg:$0x3] =	wrdreg s5  }
0xb0: {  	[dreg:$0x4] =	wrdreg $0xC0  }
0xb1: {  	_ =	task [dreg:s7], $0x5FFFF  }
0xb2: {  	[dreg:$0x1] =	wrdreg $0xFFFFFFFF  }
0xb3: {  	[dreg:$0x0] =	wrdreg $0x60  }
0xb4: {  	[dreg:$0x2] =	wrdreg s24  }
0xb5: {  	[dreg:$0x3] =	wrdreg s16  }
0xb6: {  	[dreg:$0x4] =	wrdreg $0x0  }
0xb7: {  	[dreg:$0x5] =	wrdreg $0x138800  }
0xb8: {  	[dreg:$0x6] =	wrdreg $0x9  }
0xb9: {  	_ =	task.clear_ibuf [dreg:s7], $0x7FFFF;
	_ =	strace $0x90000046  }
0xba: {  	s29 =	simm.s32 $0x9;
	_ =	strace $0x80000048  }
0xbb: {  	_ =	swait.ge [sflag:s29], $0x1  }
0xbc: {  	[sflag:s29] =	ssyncadd.s32 $0xFFFFFFFF  }
0xbd: {  	_ =	strace $0x90000048  }
0xbe: {  	_ =	sfence  }
0xbf: {  	s30 =	sld [smem:$0x0];
	_ =	sdelay $0x2  }
0xc0: {  	s31 =	sshll.u32 s1, $0xD;
	s1 =	sshrl.u32 s1, $0x2  }
0xc1: {  	s3 =	sand.u32 $0x4000, s31;
	s1 =	sadd.s32 s1, s30  }
0xc2: {  	s0 =	sor.u32 s3, s0;
	s1 =	sshll.u32 s1, $0x11  }
0xc3: {  	s0 =	sor.u32 s1, s0  }
0xc4: {  	s0 =	sadd.s32 $0x8F2B, s0  }
0xc5: {  	[sflag:s0] =	ssyncadd.remote.s32 $0x1  }
0xc6: {  	_ =	sfence.sel $0xFFFF  }
0xc7: {  	[dreg:$0x0] =	wrdreg $0xFFFFFFFF;
	(pc) =	sbr.abs _section_cstart, $3  }
0xc8: {  	[dreg:$0x1] =	wrdreg $0xFFFFFFFF  }
0xc9: {  	_ =	task.clear_ibuf [dreg:s7], $0x2FFFF;
	_ =	strace $0x9FFFFFFF  }
0xca: {  	(tm) =	ssettm $0x7FFFFFFF  }
0xcb: {  	_ =	shalt  }
tec
execute0_lowered:
.L_overlay_start_1:
0x0: {  	(tag) =	ssettag $0x1  }
0x1: {  	s1 =	rddreg [dreg:$0x0]  }
0x2: {  	s14 =	rddreg [dreg:$0x2]  }
0x3: {  	s15 =	rddreg [dreg:$0x3];
	s0 =	srdreg.scid  }
0x4: {  	s4 =	stileid.u32;
	s2 =	simm.s32 $0x0;
	s28 =	simm.s32 $0x15F90  }
0x5: {  	s29 =	simm.s32 $0x16010;
	s30 =	simm.s32 $0x5;
	s10 =	smul.u32 $0x13880, s4  }
0x6: {  	[smem:$0x7FF] =	sst s2;
	s11 =	smul.u32 $0x2710, s4;
	s6 =	sadd.s32 $0x4E6000, s1  }
0x7: {  	s3 =	sand.u32 $0x1, s0;
	s7 =	sadd.s32 $0xEBDA00, s1;
	s8 =	sadd.s32 $0xEE4C00, s1  }
0x8: {  	s9 =	sadd.s32 $0x9DBA00, s1;
	s5 =	smul.u32 $0x271, s4;
	s13 =	sshll.u32 s4, $0x1  }
0x9: {  	s0 =	smul.u32 $0x138800, s3;
	_ =	strace $0x80000047;
	s12 =	ssub.s32 $0x2, s3  }
0xa: {  	s25 =	smul.u32 $0x27100, s3;
	s3 =	sor.u32 s3, s13;
	s26 =	sshrl.u32 s12, $0x1  }
0xb: {  	s31 =	sadd.s32 $0x20, s5;
	s4 =	sadd.s32 s10, s14;
	s13 =	sadd.s32 s11, s15  }
0xc: {  	s17 =	sadd.s32 $0x40, s5;
	s20 =	sadd.s32 $0x60, s5;
	s22 =	sadd.s32 $0x80, s5  }
0xd: {  	s0 =	sadd.s32 s10, s0;
	s2 =	sadd.s32 s11, s25;
	s11 =	sshll.u32 s31, $0x7  }
0xe: {  	s16 =	sshll.u32 s31, $0x4;
	s18 =	sshll.u32 s17, $0x7;
	s21 =	sshll.u32 s20, $0x7  }
0xf: {  	s23 =	sshll.u32 s22, $0x7;
	s24 =	sshll.u32 s22, $0x4;
	[dreg:$0x5] =	wrdreg s4  }
0x10: {  	s25 =	sadd.s32 $0xA0, s5;
	s22 =	sadd.s32 $0x120, s5;
	[dreg:$0x6] =	wrdreg s13  }
0x11: {  	s0 =	sshrl.u32 s0, $0x3;
	s2 =	sshrl.u32 s2, $0x3;
	s10 =	sadd.s32 s11, s14  }
0x12: {  	s11 =	sshll.u32 s17, $0x4;
	s0 =	sadd.s32 s0, s1;
	s1 =	sadd.s32 s2, s1  }
0x13: {  	s2 =	ssub.s32 s12, s26;
	[dreg:$0x7] =	wrdreg s10;
	s10 =	sadd.s32 s16, s15  }
0x14: {  	s19 =	sadd.s32 s11, s15;
	s11 =	sadd.s32 s21, s14;
	[dreg:$0x8] =	wrdreg s10  }
0x15: {  	s26 =	sshll.u32 s25, $0x7;
	s16 =	sadd.s32 $0xE0, s5;
	[dreg:$0xa] =	wrdreg s19  }
0x16: {  	s10 =	sadd.s32 s18, s14;
	[dreg:$0xb] =	wrdreg s11;
	s11 =	sshll.u32 s25, $0x4  }
0x17: {  	s17 =	sshll.u32 s16, $0x7;
	s18 =	sshll.u32 s16, $0x4;
	s19 =	sadd.s32 $0x100, s5  }
0x18: {  	s0 =	sadd.s32 $0xF3CE00, s0;
	[dreg:$0x9] =	wrdreg s10;
	s10 =	sshll.u32 s20, $0x4  }
0x19: {  	s31 =	sadd.s32 s11, s15;
	s11 =	sadd.s32 $0xC0, s5;
	[smem:$0x7F7] =	sst s0  }
0x1a: {  	s20 =	sshll.u32 s19, $0x7;
	s10 =	sadd.s32 s10, s15;
	[dreg:$0x10] =	wrdreg s31  }
0x1b: {  	s12 =	sshll.u32 s11, $0x7;
	[dreg:$0xc] =	wrdreg s10;
	s10 =	sadd.s32 s23, s14  }
0x1c: {  	s31 =	sadd.s32 $0x160, s5;
	[dreg:$0xd] =	wrdreg s10;
	s10 =	sadd.s32 s24, s15  }
0x1d: {  	s23 =	sshll.u32 s22, $0x7;
	s24 =	sadd.s32 $0x140, s5;
	[dreg:$0xe] =	wrdreg s10  }
0x1e: {  	s10 =	sadd.s32 s26, s14;
	s25 =	sshll.u32 s24, $0x7;
	s26 =	sshll.u32 s24, $0x4  }
0x1f: {  	[dreg:$0xf] =	wrdreg s10;
	s10 =	sshll.u32 s11, $0x4;
	s11 =	sadd.s32 s12, s14  }
0x20: {  	s12 =	sshll.u32 s31, $0x7;
	[dreg:$0x11] =	wrdreg s11;
	s10 =	sadd.s32 s10, s15  }
0x21: {  	s11 =	sshll.u32 s19, $0x4;
	[dreg:$0x12] =	wrdreg s10;
	s10 =	sadd.s32 s17, s14  }
0x22: {  	s19 =	sadd.s32 $0x1A0, s5;
	s21 =	sadd.s32 s11, s15;
	[dreg:$0x13] =	wrdreg s10  }
0x23: {  	s11 =	sadd.s32 s23, s14;
	s17 =	sadd.s32 $0x180, s5;
	[dreg:$0x16] =	wrdreg s21  }
0x24: {  	s10 =	sadd.s32 s18, s15;
	[dreg:$0x17] =	wrdreg s11;
	s11 =	sshll.u32 s31, $0x4  }
0x25: {  	s18 =	sshll.u32 s17, $0x7;
	s21 =	sshll.u32 s19, $0x4;
	s31 =	sadd.s32 $0x200, s5  }
0x26: {  	[dreg:$0x14] =	wrdreg s10;
	s10 =	sadd.s32 s20, s14;
	s16 =	sadd.s32 s11, s15  }
0x27: {  	s11 =	sadd.s32 s18, s14;
	s20 =	sshll.u32 s19, $0x7;
	[dreg:$0x15] =	wrdreg s10  }
0x28: {  	s19 =	sadd.s32 $0x240, s5;
	s10 =	sshll.u32 s22, $0x4;
	[dreg:$0x1c] =	wrdreg s16  }
0x29: {  	[dreg:$0x1d] =	wrdreg s11;
	s22 =	sadd.s32 $0x1C0, s5;
	s10 =	sadd.s32 s10, s15  }
0x2a: {  	s11 =	sshll.u32 s22, $0x4;
	[dreg:$0x18] =	wrdreg s10;
	s10 =	sadd.s32 s25, s14  }
0x2b: {  	s16 =	sshll.u32 s31, $0x4;
	s24 =	sadd.s32 s11, s15;
	[dreg:$0x19] =	wrdreg s10  }
0x2c: {  	s25 =	sadd.s32 $0x1E0, s5;
	s10 =	sadd.s32 s26, s15;
	[smem:$0x7E5] =	sst s24  }
0x2d: {  	s26 =	sshll.u32 s25, $0x7;
	[dreg:$0x1a] =	wrdreg s10;
	s10 =	sadd.s32 s12, s14  }
0x2e: {  	s23 =	sshll.u32 s22, $0x7;
	s11 =	sadd.s32 s26, s14;
	[dreg:$0x1b] =	wrdreg s10  }
0x2f: {  	s10 =	sshll.u32 s17, $0x4;
	[smem:$0x7E6] =	sst s11;
	s11 =	sshll.u32 s31, $0x7  }
0x30: {  	s17 =	sadd.s32 $0x220, s5;
	s5 =	sadd.s32 $0x260, s5;
	s10 =	sadd.s32 s10, s15  }
0x31: {  	s24 =	sshll.u32 s5, $0x7;
	[dreg:$0x1e] =	wrdreg s10;
	s10 =	sadd.s32 s20, s14  }
0x32: {  	s5 =	sshll.u32 s5, $0x4;
	s31 =	sadd.s32 s24, s14;
	[dreg:$0x1f] =	wrdreg s10  }
0x33: {  	s26 =	smov.u32 s15;
	s5 =	sadd.s32 s5, s15;
	[smem:$0x7EE] =	sst s31  }
0x34: {  	s18 =	sshll.u32 s17, $0x7;
	s10 =	sadd.s32 s21, s15;
	[smem:$0x7EF] =	sst s5  }
0x35: {  	s20 =	sshll.u32 s17, $0x4;
	s21 =	sshll.u32 s19, $0x7;
	[smem:$0x7E3] =	sst s10  }
0x36: {  	s10 =	sadd.s32 s23, s14;
	s22 =	sadd.s32 s21, s14;
	s23 =	sshll.u32 s19, $0x4  }
0x37: {  	[smem:$0x7E4] =	sst s10;
	s10 =	sshll.u32 s25, $0x4;
	s25 =	smul.u32 $0x2710, s3  }
0x38: {  	[smem:$0x7EC] =	sst s22;
	s3 =	smul.u32 $0x27100, s3;
	s22 =	sadd.s32 $0xF33000, s1  }
0x39: {  	s1 =	simm.s32 $0x0;
	s10 =	sadd.s32 s10, s15;
	[smem:$0x7F8] =	sst s22  }
0x3a: {  	v7 =	vlaneseq.u32;
	s22 =	simm.s32 $0x18050;
	[smem:$0x7E7] =	sst s10;
	s10 =	sadd.s32 s11, s14  }
0x3b: {  	v60 =	vmul.u32 $0x8, v7;
	v6 =	vshrl.u32 v7, $0x3;
	s11 =	sshrl.u32 s25, $0x3;
	s3 =	sadd.s32 s9, s3;
	[smem:$0x7E8] =	sst s10  }
0x3c: {  	[tilespmem:$0x1FF60] =	vst v6;
	s19 =	sadd.s32 $0x26F0, s25;
	s10 =	sadd.s32 s16, s15;
	[smem:$0x7F0] =	sst s3  }
0x3d: {  	v50 =	vor.u32 $0x2, v6;
	[tilespmem:$0x1FF40] =	vst v60;
	s21 =	sshrl.u32 s19, $0x3;
	[smem:$0x7E9] =	sst s10;
	s10 =	sadd.s32 s18, s14  }
0x3e: {  	v41 =	vor.u32 $0x4, v6;
	[tilespmem:$0x1FF90] =	vst v50;
	s14 =	sadd.s32 $0x20, s25;
	s18 =	sadd.s32 $0x40, s25;
	[smem:$0x7EA] =	sst s10  }
0x3f: {  	v9 =	vor.u32 $0x6, v6;
	[tilespmem:$0x1FFA0] =	vst v41;
	s5 =	sadd.s32 s6, s21;
	s10 =	sadd.s32 s20, s15;
	[smem:$0x7F3] =	sst s18  }
0x40: {  	v10 =	vor.u32 $0x8, v6;
	[tilespmem:$0x1FFB0] =	vst v9;
	s17 =	sshll.u32 s14, $0x4;
	s20 =	sadd.s32 $0x60, s25;
	[smem:$0x7F5] =	sst s5  }
0x41: {  	v61 =	vor.u32 $0xA, v6;
	[tilespmem:$0x1FFC0] =	vst v10;
	s18 =	simm.s32 $0x3;
	[smem:$0x7EB] =	sst s10;
	s10 =	sadd.s32 s23, s15  }
0x42: {  	v36 =	vor.u32 $0xC, v6;
	[tilespmem:$0x1FFD0] =	vst v61;
	s15 =	sshrl.u32 s14, $0x3;
	s3 =	sadd.s32 s9, s17;
	[smem:$0x7F4] =	sst s20  }
0x43: {  	v13 =	vor.u32 $0xE, v6;
	[tilespmem:$0x1FFE0] =	vst v36;
	s23 =	smax.u32 s2, $0x1;
	s14 =	simm.s32 $0x1C450;
	[smem:$0x7ED] =	sst s10  }
0x44: {  	v58 =	vor.u32 $0x1, v60;
	[tilespmem:$0x1FFF0] =	vst v13;
	s17 =	simm.s32 $0x2;
	s20 =	simm.s32 $0x16030;
	[smem:$0x7F2] =	sst s3  }
0x45: {  	v2 =	vor.u32 $0x2, v60;
	[tilespmem:$0x1FF00] =	vst v58;
	s10 =	sadd.s32 s6, s11;
	s16 =	sadd.s32 s6, s15;
	[smem:$0x7F9] =	sst s23  }
0x46: {  	v62 =	vor.u32 $0x3, v60;
	[tilespmem:$0x1FF10] =	vst v2;
	s3 =	sshll.u32 s19, $0x4;
	s23 =	simm.s32 $0x7;
	[smem:$0x7F1] =	sst s16  }
0x47: {  	v14 =	vor.u32 $0x4, v60;
	[tilespmem:$0x1FF20] =	vst v62;
	s15 =	simm.s32 $0x4;
	s3 =	sadd.s32 s9, s3;
	[smem:$0x7FC] =	sst s10  }
0x48: {  	v15 =	vor.u32 $0x5, v60;
	[tilespmem:$0x1FF30] =	vst v14;
	s19 =	simm.s32 $0x15FD0;
	s24 =	sadd.s32 $0x9C40, s10;
	[smem:$0x7F6] =	sst s3  }
0x49: {  	v7 =	vor.u32 $0x6, v60;
	[tilespmem:$0x1FF50] =	vst v15;
	s11 =	simm.s32 $0x6;
	s25 =	sadd.s32 $0x9C44, s10;
	[smem:$0x7FA] =	sst s24  }
0x4a: {  	v16 =	vor.u32 $0x7, v60;
	[tilespmem:$0x1FF70] =	vst v7;
	s31 =	sadd.s32 $0xA11E, s10;
	s16 =	simm.s32 $0x1;
	[smem:$0x7FB] =	sst s25  }
0x4b: {  	v4 =	vimm.f32 $0.0e+00;
	[tilespmem:$0x1FF80] =	vst v16;
	s10 =	simm.s32 $0x19050;
	[smem:$0x7FD] =	sst s31;
	s25 =	simm.s32 $0x20  }
.LBB2_1:
0x4c: {  	s0 =	simm.s32 $0x18090  }
0x4d: {  	[tilespmem:s0+$0xFFFFFFD0] =	vst v4  }
0x4e: {  	[tilespmem:s0+$0xFFFFFFE0] =	vst v4  }
0x4f: {  	[tilespmem:s0+$0xFFFFFFF0] =	vst v4  }
0x50: {  	[tilespmem:s0+$0x0] =	vst v4  }
0x51: {  	[tilespmem:s0+$0x10] =	vst v4  }
0x52: {  	[tilespmem:s0+$0x20] =	vst v4  }
0x53: {  	[tilespmem:s0+$0x30] =	vst v4  }
0x54: {  	[smem:$0x7E2] =	sst s1;
	s2 =	simm.s32 $0x0;
	s1 =	simm.s32 $0x40;
	[tilespmem:s0+$0xFFFFFFC0] =	vst v4  }
.LBB2_2:
0x55: {  	p0 =	sne.s32 s1, $0x7C0;
	[tilespmem:s2+$0x1C050] =	vst v4;
	s0 =	sadd.s32 $0x80, s0  }
0x56: {  	[tilespmem:s0+$0xFFFFFFD0] =	vst v4  }
0x57: {  	[tilespmem:s0+$0xFFFFFFE0] =	vst v4  }
0x58: {  	[tilespmem:s0+$0xFFFFFFF0] =	vst v4  }
.Ltmp0:
0x59: {  	[tilespmem:s0+$0x0] =	vst v4;
	(pc) =	sbr.rel @p0 .LBB2_2-.Ltmp0, $4  }
0x5a: {  	[tilespmem:s0+$0x10] =	vst v4  }
0x5b: {  	[tilespmem:s0+$0x20] =	vst v4  }
0x5c: {  	[tilespmem:s0+$0x30] =	vst v4  }
0x5d: {  	s2 =	sshra.s32 s1, $0x2;
	s1 =	sadd.s32 $0x40, s1;
	[tilespmem:s0+$0xFFFFFFC0] =	vst v4  }
0x5e: {  	[tilespmem:s2+$0x1C050] =	vst v4  }
0x5f: {  	[spmem:s4] =	stream.linear.scatter [tilespmem:s22], [sflag:$0x7], $0x1000, $0x38;
	[tilespmem:$0x1D450] =	vst v63  }
0x60: {  	_ =	swait.ge [sflag:s23], $0x1000  }
0x61: {  	[sflag:s23] =	ssyncset.done $0x0  }
0x62: {  	s1 =	simm.s32 $0x1C050;
	[sflag:s23] =	ssyncadd.s32 $0xFFFFF000  }
0x63: {  	[spmem:s13] =	stream.linear.scatter [tilespmem:s1], [sflag:$0x7], $0x200, $0x38;
	[tilespmem:$0x1D450] =	vst v63  }
0x64: {  	_ =	swait.ge [sflag:s23], $0x200  }
0x65: {  	[sflag:s23] =	ssyncset.done $0x0  }
0x66: {  	s0 =	rddreg [dreg:$0x7];
	[sflag:s23] =	ssyncadd.s32 $0xFFFFFE00  }
0x67: {  	[spmem:s0] =	stream.linear.scatter [tilespmem:s22], [sflag:$0x7], $0x1000, $0x38;
	[tilespmem:$0x1D450] =	vst v63  }
0x68: {  	_ =	swait.ge [sflag:s23], $0x1000  }
0x69: {  	[sflag:s23] =	ssyncset.done $0x0  }
0x6a: {  	s3 =	rddreg [dreg:$0x8];
	[sflag:s23] =	ssyncadd.s32 $0xFFFFF000  }
0x6b: {  	[spmem:s3] =	stream.linear.scatter [tilespmem:s1], [sflag:$0x7], $0x200, $0x38;
	[tilespmem:$0x1D450] =	vst v63  }
0x6c: {  	_ =	swait.ge [sflag:s23], $0x200  }
0x6d: {  	[sflag:s23] =	ssyncset.done $0x0  }
0x6e: {  	s4 =	rddreg [dreg:$0x9];
	[sflag:s23] =	ssyncadd.s32 $0xFFFFFE00  }
0x6f: {  	[spmem:s4] =	stream.linear.scatter [tilespmem:s22], [sflag:$0x7], $0x1000, $0x38;
	[tilespmem:$0x1D450] =	vst v63  }
0x70: {  	_ =	swait.ge [sflag:s23], $0x1000  }
0x71: {  	[sflag:s23] =	ssyncset.done $0x0  }
0x72: {  	s5 =	rddreg [dreg:$0xa];
	[sflag:s23] =	ssyncadd.s32 $0xFFFFF000  }
0x73: {  	[spmem:s5] =	stream.linear.scatter [tilespmem:s1], [sflag:$0x7], $0x200, $0x38;
	[tilespmem:$0x1D450] =	vst v63  }
0x74: {  	_ =	swait.ge [sflag:s23], $0x200  }
0x75: {  	[sflag:s23] =	ssyncset.done $0x0  }
0x76: {  	s12 =	rddreg [dreg:$0xb];
	[sflag:s23] =	ssyncadd.s32 $0xFFFFFE00  }
0x77: {  	[spmem:s12] =	stream.linear.scatter [tilespmem:s22], [sflag:$0x7], $0x1000, $0x38;
	[tilespmem:$0x1D450] =	vst v63  }
0x78: {  	_ =	swait.ge [sflag:s23], $0x1000  }
0x79: {  	[sflag:s23] =	ssyncset.done $0x0  }
0x7a: {  	s13 =	rddreg [dreg:$0xc];
	[sflag:s23] =	ssyncadd.s32 $0xFFFFF000  }
0x7b: {  	[spmem:s13] =	stream.linear.scatter [tilespmem:s1], [sflag:$0x7], $0x200, $0x38;
	[tilespmem:$0x1D450] =	vst v63  }
0x7c: {  	_ =	swait.ge [sflag:s23], $0x200  }
0x7d: {  	[sflag:s23] =	ssyncset.done $0x0  }
0x7e: {  	s21 =	rddreg [dreg:$0xd];
	[sflag:s23] =	ssyncadd.s32 $0xFFFFFE00  }
0x7f: {  	[spmem:s21] =	stream.linear.scatter [tilespmem:s22], [sflag:$0x7], $0x1000, $0x38;
	[tilespmem:$0x1D450] =	vst v63  }
0x80: {  	_ =	swait.ge [sflag:s23], $0x1000  }
0x81: {  	[sflag:s23] =	ssyncset.done $0x0  }
0x82: {  	s24 =	rddreg [dreg:$0xe];
	[sflag:s23] =	ssyncadd.s32 $0xFFFFF000  }
0x83: {  	[spmem:s24] =	stream.linear.scatter [tilespmem:s1], [sflag:$0x7], $0x200, $0x38;
	[tilespmem:$0x1D450] =	vst v63  }
0x84: {  	_ =	swait.ge [sflag:s23], $0x200  }
0x85: {  	[sflag:s23] =	ssyncset.done $0x0  }
0x86: {  	s31 =	rddreg [dreg:$0xf];
	[sflag:s23] =	ssyncadd.s32 $0xFFFFFE00  }
0x87: {  	[spmem:s31] =	stream.linear.scatter [tilespmem:s22], [sflag:$0x7], $0x1000, $0x38;
	[tilespmem:$0x1D450] =	vst v63  }
0x88: {  	_ =	swait.ge [sflag:s23], $0x1000  }
0x89: {  	[sflag:s23] =	ssyncset.done $0x0  }
0x8a: {  	s2 =	rddreg [dreg:$0x10];
	[sflag:s23] =	ssyncadd.s32 $0xFFFFF000  }
0x8b: {  	[spmem:s2] =	stream.linear.scatter [tilespmem:s1], [sflag:$0x7], $0x200, $0x38;
	[tilespmem:$0x1D450] =	vst v63  }
0x8c: {  	_ =	swait.ge [sflag:s23], $0x200  }
0x8d: {  	[sflag:s23] =	ssyncset.done $0x0  }
0x8e: {  	s3 =	rddreg [dreg:$0x11];
	[sflag:s23] =	ssyncadd.s32 $0xFFFFFE00  }
0x8f: {  	[spmem:s3] =	stream.linear.scatter [tilespmem:s22], [sflag:$0x7], $0x1000, $0x38;
	[tilespmem:$0x1D450] =	vst v63  }
0x90: {  	_ =	swait.ge [sflag:s23], $0x1000  }
0x91: {  	[sflag:s23] =	ssyncset.done $0x0  }
0x92: {  	s4 =	rddreg [dreg:$0x12];
	[sflag:s23] =	ssyncadd.s32 $0xFFFFF000  }
0x93: {  	[spmem:s4] =	stream.linear.scatter [tilespmem:s1], [sflag:$0x7], $0x200, $0x38;
	[tilespmem:$0x1D450] =	vst v63  }
0x94: {  	_ =	swait.ge [sflag:s23], $0x200  }
0x95: {  	[sflag:s23] =	ssyncset.done $0x0  }
0x96: {  	s5 =	rddreg [dreg:$0x13];
	[sflag:s23] =	ssyncadd.s32 $0xFFFFFE00  }
0x97: {  	[spmem:s5] =	stream.linear.scatter [tilespmem:s22], [sflag:$0x7], $0x1000, $0x38;
	[tilespmem:$0x1D450] =	vst v63  }
0x98: {  	_ =	swait.ge [sflag:s23], $0x1000  }
0x99: {  	[sflag:s23] =	ssyncset.done $0x0  }
0x9a: {  	s12 =	rddreg [dreg:$0x14];
	[sflag:s23] =	ssyncadd.s32 $0xFFFFF000  }
0x9b: {  	[spmem:s12] =	stream.linear.scatter [tilespmem:s1], [sflag:$0x7], $0x200, $0x38;
	[tilespmem:$0x1D450] =	vst v63  }
0x9c: {  	_ =	swait.ge [sflag:s23], $0x200  }
0x9d: {  	[sflag:s23] =	ssyncset.done $0x0  }
0x9e: {  	s13 =	rddreg [dreg:$0x15];
	[sflag:s23] =	ssyncadd.s32 $0xFFFFFE00  }
0x9f: {  	[spmem:s13] =	stream.linear.scatter [tilespmem:s22], [sflag:$0x7], $0x1000, $0x38;
	[tilespmem:$0x1D450] =	vst v63  }
0xa0: {  	_ =	swait.ge [sflag:s23], $0x1000  }
0xa1: {  	[sflag:s23] =	ssyncset.done $0x0  }
0xa2: {  	s21 =	rddreg [dreg:$0x16];
	[sflag:s23] =	ssyncadd.s32 $0xFFFFF000  }
0xa3: {  	[spmem:s21] =	stream.linear.scatter [tilespmem:s1], [sflag:$0x7], $0x200, $0x38;
	[tilespmem:$0x1D450] =	vst v63  }
0xa4: {  	_ =	swait.ge [sflag:s23], $0x200  }
0xa5: {  	[sflag:s23] =	ssyncset.done $0x0  }
0xa6: {  	s24 =	rddreg [dreg:$0x17];
	[sflag:s23] =	ssyncadd.s32 $0xFFFFFE00  }
0xa7: {  	[spmem:s24] =	stream.linear.scatter [tilespmem:s22], [sflag:$0x7], $0x1000, $0x38;
	[tilespmem:$0x1D450] =	vst v63  }
0xa8: {  	_ =	swait.ge [sflag:s23], $0x1000  }
0xa9: {  	[sflag:s23] =	ssyncset.done $0x0  }
0xaa: {  	s31 =	rddreg [dreg:$0x18];
	[sflag:s23] =	ssyncadd.s32 $0xFFFFF000  }
0xab: {  	[spmem:s31] =	stream.linear.scatter [tilespmem:s1], [sflag:$0x7], $0x200, $0x38;
	[tilespmem:$0x1D450] =	vst v63  }
0xac: {  	_ =	swait.ge [sflag:s23], $0x200  }
0xad: {  	[sflag:s23] =	ssyncset.done $0x0  }
0xae: {  	s2 =	rddreg [dreg:$0x19];
	[sflag:s23] =	ssyncadd.s32 $0xFFFFFE00  }
0xaf: {  	[spmem:s2] =	stream.linear.scatter [tilespmem:s22], [sflag:$0x7], $0x1000, $0x38;
	[tilespmem:$0x1D450] =	vst v63  }
0xb0: {  	_ =	swait.ge [sflag:s23], $0x1000  }
0xb1: {  	[sflag:s23] =	ssyncset.done $0x0  }
0xb2: {  	s3 =	rddreg [dreg:$0x1a];
	[sflag:s23] =	ssyncadd.s32 $0xFFFFF000  }
0xb3: {  	[spmem:s3] =	stream.linear.scatter [tilespmem:s1], [sflag:$0x7], $0x200, $0x38;
	[tilespmem:$0x1D450] =	vst v63  }
0xb4: {  	_ =	swait.ge [sflag:s23], $0x200  }
0xb5: {  	[sflag:s23] =	ssyncset.done $0x0  }
0xb6: {  	s4 =	rddreg [dreg:$0x1b];
	[sflag:s23] =	ssyncadd.s32 $0xFFFFFE00  }
0xb7: {  	[spmem:s4] =	stream.linear.scatter [tilespmem:s22], [sflag:$0x7], $0x1000, $0x38;
	[tilespmem:$0x1D450] =	vst v63  }
0xb8: {  	_ =	swait.ge [sflag:s23], $0x1000  }
0xb9: {  	[sflag:s23] =	ssyncset.done $0x0  }
0xba: {  	s5 =	rddreg [dreg:$0x1c];
	[sflag:s23] =	ssyncadd.s32 $0xFFFFF000  }
0xbb: {  	[spmem:s5] =	stream.linear.scatter [tilespmem:s1], [sflag:$0x7], $0x200, $0x38;
	[tilespmem:$0x1D450] =	vst v63  }
0xbc: {  	_ =	swait.ge [sflag:s23], $0x200  }
0xbd: {  	[sflag:s23] =	ssyncset.done $0x0  }
0xbe: {  	s12 =	rddreg [dreg:$0x1d];
	[sflag:s23] =	ssyncadd.s32 $0xFFFFFE00  }
0xbf: {  	[spmem:s12] =	stream.linear.scatter [tilespmem:s22], [sflag:$0x7], $0x1000, $0x38;
	[tilespmem:$0x1D450] =	vst v63  }
0xc0: {  	_ =	swait.ge [sflag:s23], $0x1000  }
0xc1: {  	[sflag:s23] =	ssyncset.done $0x0  }
0xc2: {  	s13 =	rddreg [dreg:$0x1e];
	[sflag:s23] =	ssyncadd.s32 $0xFFFFF000  }
0xc3: {  	[spmem:s13] =	stream.linear.scatter [tilespmem:s1], [sflag:$0x7], $0x200, $0x38;
	[tilespmem:$0x1D450] =	vst v63  }
0xc4: {  	_ =	swait.ge [sflag:s23], $0x200  }
0xc5: {  	[sflag:s23] =	ssyncset.done $0x0  }
0xc6: {  	s21 =	rddreg [dreg:$0x1f];
	[sflag:s23] =	ssyncadd.s32 $0xFFFFFE00  }
0xc7: {  	[spmem:s21] =	stream.linear.scatter [tilespmem:s22], [sflag:$0x7], $0x1000, $0x38;
	[tilespmem:$0x1D450] =	vst v63  }
0xc8: {  	_ =	swait.ge [sflag:s23], $0x1000  }
0xc9: {  	s24 =	sld [smem:$0x7E3]  }
0xca: {  	[sflag:s23] =	ssyncset.done $0x0  }
0xcb: {  	[sflag:s23] =	ssyncadd.s32 $0xFFFFF000  }
0xcc: {  	[spmem:s24] =	stream.linear.scatter [tilespmem:s1], [sflag:$0x7], $0x200, $0x38;
	[tilespmem:$0x1D450] =	vst v63  }
0xcd: {  	_ =	swait.ge [sflag:s23], $0x200  }
0xce: {  	s31 =	sld [smem:$0x7E4]  }
0xcf: {  	[sflag:s23] =	ssyncset.done $0x0  }
0xd0: {  	[sflag:s23] =	ssyncadd.s32 $0xFFFFFE00  }
0xd1: {  	[spmem:s31] =	stream.linear.scatter [tilespmem:s22], [sflag:$0x7], $0x1000, $0x38;
	[tilespmem:$0x1D450] =	vst v63  }
0xd2: {  	_ =	swait.ge [sflag:s23], $0x1000  }
0xd3: {  	s2 =	sld [smem:$0x7E5]  }
0xd4: {  	[sflag:s23] =	ssyncset.done $0x0  }
0xd5: {  	[sflag:s23] =	ssyncadd.s32 $0xFFFFF000  }
0xd6: {  	[spmem:s2] =	stream.linear.scatter [tilespmem:s1], [sflag:$0x7], $0x200, $0x38;
	[tilespmem:$0x1D450] =	vst v63  }
0xd7: {  	_ =	swait.ge [sflag:s23], $0x200  }
0xd8: {  	s3 =	sld [smem:$0x7E6]  }
0xd9: {  	[sflag:s23] =	ssyncset.done $0x0  }
0xda: {  	[sflag:s23] =	ssyncadd.s32 $0xFFFFFE00  }
0xdb: {  	[spmem:s3] =	stream.linear.scatter [tilespmem:s22], [sflag:$0x7], $0x1000, $0x38;
	[tilespmem:$0x1D450] =	vst v63  }
0xdc: {  	_ =	swait.ge [sflag:s23], $0x1000  }
0xdd: {  	s4 =	sld [smem:$0x7E7]  }
0xde: {  	[sflag:s23] =	ssyncset.done $0x0  }
0xdf: {  	[sflag:s23] =	ssyncadd.s32 $0xFFFFF000  }
0xe0: {  	[spmem:s4] =	stream.linear.scatter [tilespmem:s1], [sflag:$0x7], $0x200, $0x38;
	[tilespmem:$0x1D450] =	vst v63  }
0xe1: {  	_ =	swait.ge [sflag:s23], $0x200  }
0xe2: {  	s5 =	sld [smem:$0x7E8]  }
0xe3: {  	[sflag:s23] =	ssyncset.done $0x0  }
0xe4: {  	[sflag:s23] =	ssyncadd.s32 $0xFFFFFE00  }
0xe5: {  	[spmem:s5] =	stream.linear.scatter [tilespmem:s22], [sflag:$0x7], $0x1000, $0x38;
	[tilespmem:$0x1D450] =	vst v63  }
0xe6: {  	_ =	swait.ge [sflag:s23], $0x1000  }
0xe7: {  	s12 =	sld [smem:$0x7E9]  }
0xe8: {  	[sflag:s23] =	ssyncset.done $0x0  }
0xe9: {  	[sflag:s23] =	ssyncadd.s32 $0xFFFFF000  }
0xea: {  	[spmem:s12] =	stream.linear.scatter [tilespmem:s1], [sflag:$0x7], $0x200, $0x38;
	[tilespmem:$0x1D450] =	vst v63  }
0xeb: {  	_ =	swait.ge [sflag:s23], $0x200  }
0xec: {  	s13 =	sld [smem:$0x7EA]  }
0xed: {  	[sflag:s23] =	ssyncset.done $0x0  }
0xee: {  	[sflag:s23] =	ssyncadd.s32 $0xFFFFFE00  }
0xef: {  	[spmem:s13] =	stream.linear.scatter [tilespmem:s22], [sflag:$0x7], $0x1000, $0x38;
	[tilespmem:$0x1D450] =	vst v63  }
0xf0: {  	_ =	swait.ge [sflag:s23], $0x1000  }
0xf1: {  	s21 =	sld [smem:$0x7EB]  }
0xf2: {  	[sflag:s23] =	ssyncset.done $0x0  }
0xf3: {  	[sflag:s23] =	ssyncadd.s32 $0xFFFFF000  }
0xf4: {  	[spmem:s21] =	stream.linear.scatter [tilespmem:s1], [sflag:$0x7], $0x200, $0x38;
	[tilespmem:$0x1D450] =	vst v63  }
0xf5: {  	_ =	swait.ge [sflag:s23], $0x200  }
0xf6: {  	s24 =	sld [smem:$0x7EC]  }
0xf7: {  	[sflag:s23] =	ssyncset.done $0x0  }
0xf8: {  	[sflag:s23] =	ssyncadd.s32 $0xFFFFFE00  }
0xf9: {  	[spmem:s24] =	stream.linear.scatter [tilespmem:s22], [sflag:$0x7], $0x1000, $0x38;
	[tilespmem:$0x1D450] =	vst v63  }
0xfa: {  	_ =	swait.ge [sflag:s23], $0x1000  }
0xfb: {  	s31 =	sld [smem:$0x7ED]  }
0xfc: {  	[sflag:s23] =	ssyncset.done $0x0  }
0xfd: {  	[sflag:s23] =	ssyncadd.s32 $0xFFFFF000  }
0xfe: {  	[spmem:s31] =	stream.linear.scatter [tilespmem:s1], [sflag:$0x7], $0x200, $0x38;
	[tilespmem:$0x1D450] =	vst v63  }
0xff: {  	_ =	swait.ge [sflag:s23], $0x200  }
0x100: {  	s2 =	sld [smem:$0x7EE]  }
0x101: {  	[sflag:s23] =	ssyncset.done $0x0  }
0x102: {  	[sflag:s23] =	ssyncadd.s32 $0xFFFFFE00  }
0x103: {  	[spmem:s2] =	stream.linear.scatter [tilespmem:s22], [sflag:$0x7], $0x880, $0x38;
	[tilespmem:$0x1D450] =	vst v63  }
0x104: {  	_ =	swait.ge [sflag:s23], $0x880  }
0x105: {  	s3 =	sld [smem:$0x7EF]  }
0x106: {  	[sflag:s23] =	ssyncset.done $0x0  }
0x107: {  	[sflag:s23] =	ssyncadd.s32 $0xFFFFF780  }
0x108: {  	[spmem:s3] =	stream.linear.scatter [tilespmem:s1], [sflag:$0x7], $0x110, $0x38;
	[tilespmem:$0x1D450] =	vst v63  }
0x109: {  	_ =	swait.ge [sflag:s23], $0x110  }
0x10a: {  	[sflag:s23] =	ssyncset.done $0x0  }
0x10b: {  	[sflag:s23] =	ssyncadd.s32 $0xFFFFFEF0  }
0x10c: {  	[bflag:$0x0] =	sbarrier.arrive $0xFFFF  }
0x10d: {  	s4 =	sld [smem:$0x7FC];
	_ =	sdelay $0x1  }
0x10e: {  	s5 =	simm.s32 $0x4E200  }
0x10f: {  	[tilespmem:s28], [sflag:$0x7] =	stream.strided.gather [hbm4b:s4+s25], $0x40, s5, s25, $0x38;
	[tilespmem:$0x1D450] =	vst v63  }
0x110: {  	_ =	swait.ge [sflag:s23], $0x40  }
0x111: {  	s12 =	sld [smem:$0x7FA]  }
0x112: {  	[sflag:s23] =	ssyncset.done $0x0  }
0x113: {  	s0 =	simm.s32 $0x0;
	[sflag:s23] =	ssyncadd.s32 $0xFFFFFFC0  }
0x114: {  	[tilespmem:s29], [sflag:$0x7] =	stream.linear.gather [hbm4b:s12+s0], $0x20, $0x38;
	[tilespmem:$0x1D450] =	vst v63  }
0x115: {  	_ =	swait.ge [sflag:s23], $0x20  }
0x116: {  	[sflag:s23] =	ssyncset.done $0x0  }
0x117: {  	[sflag:s23] =	ssyncadd.s32 $0xFFFFFFE0  }
0x118: {  	s21 =	simm.s32 $0x15FB0;
	s3 =	simm.s32 $0x16050;
	s13 =	rddreg [dreg:$0x1]  }
0x119: {  	[tilespmem:s3], [sflag:$0x1] =	stream.indirect.gather [hbm4b:s13+s25], $0x80, s21, s25, $0xb8;
	[tilespmem:$0x1D450] =	vst v63  }
0x11a: {  	_ = 	snop  }
0x11b: {  	[tilespmem:s22], [sflag:$0x2] =	stream.indirect.gather [hbm4b:s7+s25], $0x80, s28, s25, $0xb8;
	[tilespmem:$0x1D450] =	vst v63  }
0x11c: {  	s24 =	simm.s32 $0x1A050;
	s31 =	sld [smem:$0x7F0]  }
0x11d: {  	[tilespmem:s24], [sflag:$0x3] =	stream.indirect.gather [hbm4b:s8+s25], $0x80, s28, s25, $0xb8;
	[tilespmem:$0x1D450] =	vst v63  }
0x11e: {  	_ = 	snop  }
0x11f: {  	[tilespmem:s14], [sflag:$0x4] =	stream.linear.gather [hbm4b:s31+s0], $0x1000, $0x38;
	[tilespmem:$0x1D450] =	vst v63  }
0x120: {  	_ =	swait.ge [sflag:s15], $0x1000  }
0x121: {  	[sflag:s15] =	ssyncset.done $0x0  }
0x122: {  	[sflag:s15] =	ssyncadd.s32 $0xFFFFF000  }
0x123: {  	_ =	swait.ge [sflag:s16], $0x1000  }
0x124: {  	[sflag:s16] =	ssyncset.done $0x0  }
0x125: {  	[sflag:s16] =	ssyncadd.s32 $0xFFFFF000  }
0x126: {  	_ =	swait.ge [sflag:s17], $0x1000  }
0x127: {  	[sflag:s17] =	ssyncset.done $0x0  }
0x128: {  	[sflag:s17] =	ssyncadd.s32 $0xFFFFF000  }
0x129: {  	_ =	swait.ge [sflag:s18], $0x1000  }
0x12a: {  	[sflag:s18] =	ssyncset.done $0x0  }
0x12b: {  	[sflag:s18] =	ssyncadd.s32 $0xFFFFF000  }
.LBB2_4:
0x12c: {  	s21 =	sshll.u32 s0, $0x7  }
0x12d: {  	v38 =	vld [tilespmem:s21+$0x1C450]  }
0x12e: {  	v17 =	vld [tilespmem:s21+$0x18050]  }
0x12f: {  	v18 =	vld [tilespmem:s21+$0x16050]  }
0x130: {  	v42 =	vld [tilespmem:s21+$0x1C460]  }
0x131: {  	v19 =	vld [tilespmem:s21+$0x18060]  }
0x132: {  	v20 =	vld [tilespmem:s21+$0x16060]  }
0x133: {  	v53 =	vld [tilespmem:s21+$0x1C470]  }
0x134: {  	v22 =	vld [tilespmem:s21+$0x18070]  }
0x135: {  	v23 =	vld [tilespmem:s21+$0x16070]  }
0x136: {  	v3 =	vld [tilespmem:s21+$0x1C480]  }
0x137: {  	v24 =	vld [tilespmem:s21+$0x18080]  }
0x138: {  	v27 =	vld [tilespmem:s21+$0x16080]  }
0x139: {  	v12 =	vld [tilespmem:s21+$0x1C490]  }
0x13a: {  	v28 =	vld [tilespmem:s21+$0x18090]  }
0x13b: {  	v29 =	vld [tilespmem:s21+$0x16090]  }
0x13c: {  	v11 =	vld [tilespmem:s21+$0x1C4A0]  }
0x13d: {  	v30 =	vld [tilespmem:s21+$0x180A0]  }
0x13e: {  	v32 =	vld [tilespmem:s21+$0x160A0]  }
0x13f: {  	v4 =	vld [tilespmem:s21+$0x1C4B0]  }
0x140: {  	v35 =	vld [tilespmem:s21+$0x180B0]  }
0x141: {  	v0 =	vld [tilespmem:s21+$0x1C4C0]  }
0x142: {  	v31 =	vld [tilespmem:s21+$0x180C0]  }
0x143: {  	s12 =	sor.u32 $0x1, s0;
	v37 =	vld [tilespmem:s21+$0x160B0]  }
0x144: {  	v40 =	vld [tilespmem:s21+$0x160C0];
	s24 =	sshll.u32 s12, $0x7  }
0x145: {  	v56 =	vld [tilespmem:s24+$0x16070]  }
0x146: {  	v54 =	vld [tilespmem:s24+$0x1C480]  }
0x147: {  	v1 =	vld [tilespmem:s24+$0x1C4A0]  }
0x148: {  	s5 =	sor.u32 $0x2, s0;
	v63 =	vld [tilespmem:s24+$0x180B0]  }
0x149: {  	s2 =	sshll.u32 s5, $0x7;
	v26 =	vld [tilespmem:s24+$0x160C0]  }
0x14a: {  	v5 =	vld [tilespmem:s2+$0x1C450]  }
0x14b: {  	v51 =	vmov v6;
	v6 =	vld [tilespmem:s2+$0x1C460]  }
0x14c: {  	v21 =	vld [tilespmem:s2+$0x18060]  }
0x14d: {  	v8 =	vld [tilespmem:s2+$0x1C480]  }
0x14e: {  	v25 =	vld [tilespmem:s2+$0x18080]  }
0x14f: {  	[tilespmem:$0x1FDF0] =	vst v3;
	v33 =	vadd.f32 v24, v3;
	v3 =	vld [tilespmem:s21+$0x1A050]  }
0x150: {  	[tilespmem:$0x1FE60] =	vst v0;
	v45 =	vadd.f32 v31, v0;
	v0 =	vld [tilespmem:s21+$0x1A070]  }
0x151: {  	v39 =	vadd.f32 v28, v12;
	v28 =	vld [tilespmem:s24+$0x18060]  }
0x152: {  	v47 =	vor.u32 s21, v58;
	[tilespmem:$0x1FE30] =	vst v11;
	v43 =	vadd.f32 v30, v11;
	v11 =	vmov v58;
	v58 =	vld [tilespmem:s24+$0x16080]  }
0x153: {  	v46 =	vor.u32 s21, v60;
	v44 =	vadd.f32 v35, v4;
	v35 =	vmovc v10;
	v10 =	vmov v60;
	v60 =	vld [tilespmem:s24+$0x16090]  }
0x154: {  	v48 =	vor.u32 s21, v2;
	[tilespmem:$0x1FE10] =	vst v12;
	v12 =	vmov v2;
	v2 =	vld [tilespmem:s24+$0x1C4B0]  }
0x155: {  	v24 =	vld [tilespmem:s24+$0x160B0]  }
0x156: {  	[tilespmem:$0x1FE50] =	vst v4;
	v34 =	vadd.f32 v17, v38;
	v4 =	vld [tilespmem:s24+$0x1C4C0]  }
0x157: {  	v57 =	vor.u32 s21, v7;
	v19 =	vadd.f32 v19, v42;
	v31 =	vmov v7;
	v7 =	vld [tilespmem:s2+$0x1C470]  }
0x158: {  	v22 =	vadd.f32 v22, v53;
	v30 =	vld [tilespmem:s2+$0x16070];
	v18 =	vmul.f32 v34, v18  }
0x159: {  	v19 =	vmul.f32 v19, v20;
	v20 =	vld [tilespmem:s24+$0x180C0]  }
0x15a: {  	[tilespmem:s21+$0x18050] =	vst v18;
	v18 =	vmul.f32 v22, v23;
	v23 =	vld [tilespmem:s24+$0x16050]  }
0x15b: {  	v34 =	vmov v61;
	v61 =	vld [tilespmem:s24+$0x180A0]  }
0x15c: {  	[tilespmem:s21+$0x18060] =	vst v19;
	v19 =	vmul.f32 v33, v27;
	v27 =	vld [tilespmem:s2+$0x16050]  }
0x15d: {  	v22 =	vld [tilespmem:s2+$0x18070]  }
0x15e: {  	[tilespmem:$0x1FDC0] =	vst v3;
	v3 =	vld [tilespmem:s21+$0x1A060]  }
0x15f: {  	[tilespmem:$0x1FDE0] =	vst v0;
	v0 =	vld [tilespmem:s21+$0x1A080]  }
0x160: {  	[tilespmem:s21+$0x18070] =	vst v18;
	v18 =	vmul.f32 v39, v29;
	v39 =	vld [tilespmem:s24+$0x1C460]  }
0x161: {  	[tilespmem:s21+$0x18080] =	vst v19;
	v19 =	vmul.f32 v43, v32;
	v32 =	vld [tilespmem:s24+$0x16060]  }
0x162: {  	v29 =	vld [tilespmem:s2+$0x16060];
	[tilespmem:s21+$0x18090] =	vst v18  }
0x163: {  	[tilespmem:s21+$0x180A0] =	vst v19;
	v19 =	vmul.f32 v45, v40;
	v40 =	vld [tilespmem:s24+$0x1C450]  }
0x164: {  	v18 =	vmul.f32 v44, v37;
	v37 =	vmov v9;
	v9 =	vld [tilespmem:s2+$0x1C490];
	[tilespmem:$0x1FDD0] =	vst v3  }
0x165: {  	[tilespmem:$0x1FE00] =	vst v0;
	v0 =	vld [tilespmem:s21+$0x1A090]  }
0x166: {  	v49 =	vor.u32 s21, v15;
	[tilespmem:s21+$0x180B0] =	vst v18;
	v3 =	vld [tilespmem:s24+$0x1C470]  }
0x167: {  	v33 =	vmov v13;
	v13 =	vmov v62;
	v18 =	vor.u32 s21, v62;
	[tilespmem:s21+$0x180C0] =	vst v19;
	v62 =	vld [tilespmem:s24+$0x160A0]  }
0x168: {  	v59 =	vor.u32 s21, v16;
	v43 =	vld.idx.msk [tilespmem:v46+s22+$0x0], $0xffff  }
0x169: {  	v45 =	vld.idx.msk [tilespmem:v47+s22+$0x0], $0xffff  }
0x16a: {  	v55 =	vld.idx.msk [tilespmem:v48+s22+$0x0], $0xffff  }
0x16b: {  	v49 =	vld.idx.msk [tilespmem:v49+s22+$0x0], $0xffff  }
0x16c: {  	v46 =	vld.idx.msk [tilespmem:v57+s22+$0x0], $0xffff  }
0x16d: {  	v48 =	vld.idx.msk [tilespmem:v59+s22+$0x0], $0xffff  }
0x16e: {  	v47 =	vld [tilespmem:s24+$0x18070]  }
0x16f: {  	v21 =	vadd.f32 v21, v6;
	v19 =	vor.u32 s21, v14;
	v57 =	vld [tilespmem:s24+$0x18080]  }
0x170: {  	v59 =	vld [tilespmem:s24+$0x18090]  }
0x171: {  	v21 =	vmul.f32 v21, v29;
	v29 =	vld [tilespmem:s2+$0x160B0]  }
0x172: {  	[tilespmem:$0x1FE20] =	vst v0;
	v0 =	vld [tilespmem:s21+$0x1A0A0]  }
0x173: {  	v52 =	vld.idx.msk [tilespmem:v18+s22+$0x0], $0xffff  }
0x174: {  	v44 =	vld.idx.msk [tilespmem:v19+s22+$0x0], $0xffff  }
0x175: {  	v28 =	vadd.f32 v28, v39;
	v19 =	vld [tilespmem:s24+$0x18050]  }
0x176: {  	s13 =	sor.u32 $0x3, s0;
	v18 =	vld [tilespmem:s2+$0x18050]  }
0x177: {  	s1 =	sshll.u32 s13, $0x7;
	v28 =	vmul.f32 v28, v32;
	v32 =	vadd.f32 v57, v54;
	v57 =	vld [tilespmem:s2+$0x16090]  }
0x178: {  	v43 =	vadd.f32 v45, v43;
	v45 =	vld [tilespmem:s1+$0x1C460]  }
0x179: {  	[tilespmem:s24+$0x18060] =	vst v28;
	v28 =	vmul.f32 v32, v58;
	v58 =	vld [tilespmem:s2+$0x180A0]  }
0x17a: {  	v32 =	vadd.f32 v61, v1;
	[tilespmem:$0x1FE40] =	vst v0;
	v0 =	vld [tilespmem:s24+$0x1C490]  }
0x17b: {  	v17 =	vadd.f32 v19, v40;
	v19 =	vld [tilespmem:s2+$0x16080]  }
0x17c: {  	[tilespmem:s24+$0x18080] =	vst v28;
	v32 =	vmul.f32 v32, v62;
	v28 =	vld [tilespmem:s2+$0x1C4B0]  }
0x17d: {  	v18 =	vadd.f32 v18, v5;
	v17 =	vmul.f32 v17, v23;
	v23 =	vadd.f32 v47, v3;
	v47 =	vld [tilespmem:s2+$0x18090]  }
0x17e: {  	[tilespmem:s24+$0x180A0] =	vst v32;
	v32 =	vld [tilespmem:s2+$0x1C4C0]  }
0x17f: {  	v20 =	vadd.f32 v20, v4;
	v18 =	vmul.f32 v18, v27;
	v27 =	vld [tilespmem:s2+$0x180C0]  }
0x180: {  	v22 =	vadd.f32 v22, v7;
	[tilespmem:$0x1FE70] =	vst v3;
	v3 =	vld [tilespmem:$0x1FDC0]  }
0x181: {  	v20 =	vmul.f32 v20, v26;
	[tilespmem:s24+$0x18050] =	vst v17;
	v17 =	vmul.f32 v23, v56;
	v23 =	vld [tilespmem:s2+$0x1C4A0]  }
0x182: {  	[tilespmem:s2+$0x18050] =	vst v18;
	v18 =	vmul.f32 v22, v30;
	v30 =	vld [tilespmem:s2+$0x160C0];
	v56 =	vadd.f32 v59, v0  }
0x183: {  	v25 =	vadd.f32 v25, v8;
	v26 =	vor.u32 s24, v11;
	[tilespmem:s24+$0x180C0] =	vst v20;
	v59 =	vld [tilespmem:s2+$0x160A0]  }
0x184: {  	v20 =	vor.u32 s24, v13;
	v61 =	vadd.f32 v63, v2;
	[tilespmem:s24+$0x18070] =	vst v17;
	v17 =	vmul.f32 v56, v60;
	v56 =	vld [tilespmem:s2+$0x180B0]  }
0x185: {  	v19 =	vmul.f32 v25, v19;
	v62 =	vadd.f32 v47, v9;
	v38 =	vadd.f32 v3, v38;
	v3 =	vld [tilespmem:$0x1FDD0]  }
0x186: {  	[tilespmem:s24+$0x18090] =	vst v17;
	v17 =	vmul.f32 v61, v24;
	v61 =	vadd.f32 v27, v32;
	v27 =	vadd.f32 v55, v43;
	v55 =	vld [tilespmem:s1+$0x18060]  }
0x187: {  	[tilespmem:s2+$0x18070] =	vst v18;
	v47 =	vor.u32 s24, v15;
	v63 =	vadd.f32 v58, v23;
	v43 =	vld [tilespmem:s1+$0x1C470]  }
0x188: {  	[tilespmem:s2+$0x18080] =	vst v19;
	v18 =	vmul.f32 v62, v57;
	v57 =	vld [tilespmem:s1+$0x18070]  }
0x189: {  	[tilespmem:s24+$0x180B0] =	vst v17;
	v19 =	vmul.f32 v63, v59;
	v59 =	vld [tilespmem:s1+$0x18080]  }
0x18a: {  	v25 =	vld.idx.msk [tilespmem:v26+s22+$0x0], $0xffff  }
0x18b: {  	v20 =	vld.idx.msk [tilespmem:v20+s22+$0x0], $0xffff  }
0x18c: {  	[tilespmem:s2+$0x18060] =	vst v21;
	v21 =	vld.idx.msk [tilespmem:v47+s22+$0x0], $0xffff  }
0x18d: {  	v24 =	vor.u32 s24, v10;
	v47 =	vld [tilespmem:s1+$0x1C450]  }
0x18e: {  	v60 =	vor.u32 s24, v14;
	v27 =	vadd.f32 v52, v27;
	v58 =	vadd.f32 v56, v28;
	v56 =	vld [tilespmem:s1+$0x16060]  }
0x18f: {  	[tilespmem:s2+$0x180A0] =	vst v19;
	v19 =	vmul.f32 v61, v30;
	v30 =	vld [tilespmem:s1+$0x16050]  }
0x190: {  	v27 =	vadd.f32 v44, v27;
	v44 =	vld [tilespmem:s1+$0x1C480]  }
0x191: {  	v17 =	vor.u32 s24, v12;
	v61 =	vld [tilespmem:s1+$0x18090]  }
0x192: {  	v24 =	vld.idx.msk [tilespmem:v24+s22+$0x0], $0xffff  }
0x193: {  	[tilespmem:s2+$0x18090] =	vst v18;
	v26 =	vor.u32 s24, v31;
	v18 =	vmul.f32 v58, v29;
	v29 =	vld.idx.msk [tilespmem:v60+s22+$0x0], $0xffff  }
0x194: {  	v58 =	vld [tilespmem:s1+$0x16070];
	v27 =	vadd.f32 v49, v27  }
0x195: {  	v62 =	vor.u32 s2, v10;
	v60 =	vld [tilespmem:s1+$0x16080]  }
0x196: {  	v63 =	vor.u32 s2, v11;
	v17 =	vld.idx.msk [tilespmem:v17+s22+$0x0], $0xffff;
	v27 =	vadd.f32 v46, v27  }
0x197: {  	v49 =	vld [tilespmem:s1+$0x1C4B0]  }
0x198: {  	[tilespmem:s2+$0x180B0] =	vst v18;
	v18 =	vld.idx.msk [tilespmem:v26+s22+$0x0], $0xffff;
	v27 =	vadd.f32 v48, v27  }
0x199: {  	[tilespmem:s2+$0x180C0] =	vst v19;
	v26 =	vld [tilespmem:s1+$0x18050];
	v24 =	vadd.f32 v25, v24  }
0x19a: {  	v19 =	vld.idx.msk [tilespmem:v62+s22+$0x0], $0xffff;
	v52 =	vmul.f32 $3.535533850e-01, v27  }
0x19b: {  	v22 =	vld.idx.msk [tilespmem:v63+s22+$0x0], $0xffff;
	v17 =	vadd.f32 v17, v24  }
0x19c: {  	v46 =	vld [tilespmem:s1+$0x1C490];
	v25 =	vmul.f32 $1.442695020e+00, v52  }
0x19d: {  	v55 =	vadd.f32 v55, v45;
	v62 =	vld [tilespmem:s1+$0x16090];
	v17 =	vadd.f32 v20, v17;
	v20 =	vor.u32 s24, v16  }
0x19e: {  	v63 =	vld [tilespmem:s1+$0x180B0];
	v26 =	vadd.f32 v26, v47;
	(erf) = vpow2.f32 v25  }
0x19f: {  	v55 =	vmul.f32 v55, v56;
	v56 =	vadd.f32 v59, v44;
	v59 =	vld [tilespmem:s1+$0x160B0]  }
0x1a0: {  	v48 =	vld [tilespmem:s1+$0x1C4A0];
	v26 =	vmul.f32 v26, v30  }
0x1a1: {  	v27 =	vld [tilespmem:s1+$0x180A0];
	v17 =	vadd.f32 v29, v17  }
0x1a2: {  	v25 =	vor.u32 s2, v12;
	[tilespmem:s1+$0x18050] =	vst v26;
	v26 =	vadd.f32 v61, v46;
	v20 =	vld.idx.msk [tilespmem:v20+s22+$0x0], $0xffff  }
0x1a3: {  	v24 =	vld [tilespmem:s1+$0x160A0];
	v29 =	vadd.f32 v57, v43;
	v17 =	vadd.f32 v21, v17  }
0x1a4: {  	v52 =	vld [tilespmem:s1+$0x1C4C0];
	v62 =	vmul.f32 v26, v62  }
0x1a5: {  	v63 =	vadd.f32 v63, v49;
	v30 =	vld [tilespmem:s1+$0x180C0];
	v21 =	vmul.f32 v29, v58;
	v17 =	vadd.f32 v18, v17  }
0x1a6: {  	[tilespmem:$0x1FED0] =	vst v6;
	v6 =	vmov v51;
	v57 =	vor.u32 s2, v13;
	v27 =	vadd.f32 v27, v48;
	v29 =	vld [tilespmem:s1+$0x160C0]  }
0x1a7: {  	[tilespmem:s1+$0x18070] =	vst v21;
	v21 =	vld.idx.msk [tilespmem:v25+s22+$0x0], $0xffff;
	v25 =	vmul.f32 v63, v59;
	v63 =	vor.u32 s2, v31;
	v17 =	vadd.f32 v20, v17;
	v20 =	vpop (erf)  }
0x1a8: {  	[tilespmem:s1+$0x18090] =	vst v62;
	v62 =	vmovc v13;
	v13 =	vmov v33;
	v33 =	vperm.xlane v20, v51;
	v51 =	vadd.f32 v3, v42;
	v3 =	vld [tilespmem:$0x1FDE0];
	_ =	sdelay $0x1  }
0x1a9: {  	[tilespmem:$0x1FEB0] =	vst v4;
	v4 =	vld [tilespmem:$0x1FE00];
	v24 =	vmul.f32 v27, v24;
	v27 =	vadd.f32 v30, v52  }
0x1aa: {  	[tilespmem:s1+$0x18060] =	vst v55;
	v55 =	vmul.f32 v56, v60;
	v18 =	vld.idx.msk [tilespmem:v57+s22+$0x0], $0xffff  }
0x1ab: {  	v56 =	vor.u32 s2, v14;
	v19 =	vadd.f32 v22, v19;
	v59 =	vmul.f32 v27, v29;
	v27 =	vld.idx.msk [tilespmem:v63+s22+$0x0], $0xffff  }
0x1ac: {  	v63 =	vadd.f32 v3, v53;
	v3 =	vld [tilespmem:$0x1FDF0]  }
0x1ad: {  	v19 =	vadd.f32 v21, v19  }
0x1ae: {  	v26 =	vor.u32 s2, v15  }
0x1af: {  	v30 =	vor.u32 s1, v10;
	v18 =	vadd.f32 v18, v19;
	v19 =	vperm.xlane v20, v50  }
0x1b0: {  	[tilespmem:s1+$0x18080] =	vst v55;
	v57 =	vor.u32 s1, v11;
	v29 =	vld.idx.msk [tilespmem:v56+s22+$0x0], $0xffff  }
0x1b1: {  	[tilespmem:s1+$0x180B0] =	vst v25;
	v25 =	vor.u32 s1, v12;
	v19 =	vmul.f32 v19, v51;
	v51 =	vadd.f32 v4, v3;
	v3 =	vld [tilespmem:$0x1FE10]  }
0x1b2: {  	[tilespmem:s1+$0x180A0] =	vst v24;
	v4 =	vld [tilespmem:$0x1FE20]  }
0x1b3: {  	v26 =	vld.idx.msk [tilespmem:v26+s22+$0x0], $0xffff;
	[tilespmem:s1+$0x180C0] =	vst v59  }
0x1b4: {  	v30 =	vld.idx.msk [tilespmem:v30+s22+$0x0], $0xffff  }
0x1b5: {  	v56 =	vor.u32 s1, v62;
	v57 =	vld.idx.msk [tilespmem:v57+s22+$0x0], $0xffff;
	v42 =	vperm.xlane v20, v41  }
0x1b6: {  	v21 =	vmul.f32 v33, v38;
	v38 =	vor.u32 s1, v14;
	v25 =	vld.idx.msk [tilespmem:v25+s22+$0x0], $0xffff  }
0x1b7: {  	v18 =	vadd.f32 v29, v18;
	v29 =	vmul.f32 v42, v63;
	v63 =	vadd.f32 v4, v3;
	v3 =	vld [tilespmem:$0x1FE30]  }
0x1b8: {  	v4 =	vld [tilespmem:$0x1FE40]  }
0x1b9: {  	v55 =	vld [tilespmem:s21+$0x1A0B0];
	v24 =	vor.u32 s2, v16  }
0x1ba: {  	[tilespmem:$0x1FEF0] =	vst v9;
	v9 =	vmov v37;
	v17 =	vmul.f32 $3.535533850e-01, v17;
	v37 =	vld.idx.msk [tilespmem:v56+s22+$0x0], $0xffff;
	v18 =	vadd.f32 v26, v18  }
0x1bb: {  	v22 =	vld [tilespmem:s21+$0x1A0C0];
	v30 =	vadd.f32 v57, v30  }
0x1bc: {  	v17 =	vmul.f32 $1.442695020e+00, v17;
	v18 =	vadd.f32 v27, v18;
	v27 =	vld.idx.msk [tilespmem:v38+s22+$0x0], $0xffff  }
0x1bd: {  	v25 =	vadd.f32 v25, v30;
	v38 =	vadd.f32 v4, v3;
	v4 =	vld [tilespmem:$0x1FE50]  }
0x1be: {  	[tilespmem:$0x1FEE0] =	vst v7;
	v7 =	vmov v31;
	(erf) = vpow2.f32 v17;
	v17 =	vld.idx.msk [tilespmem:v24+s22+$0x0], $0xffff;
	v53 =	vperm.xlane v20, v9  }
0x1bf: {  	v56 =	vor.u32 s1, v7;
	v25 =	vadd.f32 v37, v25;
	v37 =	vld [tilespmem:s24+$0x1A070]  }
0x1c0: {  	v26 =	vmul.f32 v53, v51;
	v51 =	vld [tilespmem:s24+$0x1A060]  }
0x1c1: {  	v3 =	vld [tilespmem:$0x1FE70]  }
0x1c2: {  	v42 =	vperm.xlane v20, v35;
	v55 =	vadd.f32 v55, v4;
	v4 =	vld [tilespmem:$0x1FE60]  }
0x1c3: {  	v53 =	vld [tilespmem:s24+$0x1A080]  }
0x1c4: {  	v24 =	vor.u32 s1, v15;
	v63 =	vmul.f32 v42, v63;
	v42 =	vld.idx.msk [tilespmem:v56+s22+$0x0], $0xffff  }
0x1c5: {  	s3 =	sshll.u32 s0, $0x4;
	[tilespmem:$0x1FE80] =	vst v0;
	v17 =	vadd.f32 v17, v18;
	v18 =	vperm.xlane v20, v34;
	v56 =	vld [tilespmem:s24+$0x1A090]  }
0x1c6: {  	s3 =	sand.u32 $0x3FFFFFF0, s3;
	v57 =	vperm.xlane v20, v36;
	v59 =	vadd.f32 v51, v39;
	v39 =	vadd.f32 v37, v3;
	v3 =	vld [tilespmem:$0x1FE80]  }
0x1c7: {  	[tilespmem:s3+$0x1C050] =	vst v20;
	v20 =	vperm.xlane v20, v13;
	v18 =	vmul.f32 v18, v38;
	v22 =	vadd.f32 v22, v4;
	_ =	sdelay $0x1  }
0x1c8: {  	v24 =	vld.idx.msk [tilespmem:v24+s22+$0x0], $0xffff;
	[tilespmem:s21+$0x180A0] =	vst v18;
	v18 =	vmul.f32 v20, v22  }
0x1c9: {  	[tilespmem:$0x1FE90] =	vst v1;
	v38 =	vld [tilespmem:s24+$0x1A0A0]  }
0x1ca: {  	[tilespmem:s21+$0x180C0] =	vst v18;
	v18 =	vadd.f32 v53, v54;
	v53 =	vadd.f32 v56, v3;
	v3 =	vld [tilespmem:$0x1FE90]  }
0x1cb: {  	v25 =	vadd.f32 v27, v25  }
0x1cc: {  	[tilespmem:s21+$0x18060] =	vst v19;
	v19 =	vmul.f32 v57, v55  }
0x1cd: {  	[tilespmem:$0x1FEA0] =	vst v2;
	v24 =	vadd.f32 v24, v25  }
0x1ce: {  	[tilespmem:s21+$0x180B0] =	vst v19;
	v19 =	vld [tilespmem:s24+$0x1A0B0]  }
0x1cf: {  	v31 =	vadd.f32 v42, v24;
	v24 =	vadd.f32 v38, v3;
	v3 =	vld [tilespmem:$0x1FEA0];
	_ =	sdelay $0x1  }
0x1d0: {  	v33 =	vld [tilespmem:s24+$0x1A050]  }
0x1d1: {  	v30 =	vor.u32 s1, v16  }
0x1d2: {  	v42 =	vld [tilespmem:s24+$0x1A0C0]  }
0x1d3: {  	v19 =	vadd.f32 v19, v3;
	v3 =	vld [tilespmem:$0x1FEB0]  }
0x1d4: {  	[tilespmem:s21+$0x18070] =	vst v29;
	v29 =	vpop (erf)  }
0x1d5: {  	v17 =	vmul.f32 $3.535533850e-01, v17;
	v55 =	vadd.f32 v33, v40;
	v57 =	vperm.xlane v29, v6  }
0x1d6: {  	[tilespmem:$0x1FEC0] =	vst v5;
	v30 =	vld.idx.msk [tilespmem:v30+s22+$0x0], $0xffff  }
0x1d7: {  	v17 =	vmul.f32 $1.442695020e+00, v17;
	[tilespmem:s21+$0x18090] =	vst v63;
	v63 =	vmul.f32 v57, v55;
	v55 =	vld [tilespmem:s2+$0x1A050]  }
0x1d8: {  	v33 =	vadd.f32 v42, v3;
	v3 =	vld [tilespmem:$0x1FEC0]  }
0x1d9: {  	(erf) = vpow2.f32 v17;
	v17 =	vperm.xlane v29, v50  }
0x1da: {  	s4 =	sshll.u32 s12, $0x4  }
0x1db: {  	s3 =	sand.u32 $0x3FFFFFF0, s4;
	v17 =	vmul.f32 v17, v59;
	v54 =	vperm.xlane v29, v35  }
0x1dc: {  	v59 =	vperm.xlane v29, v36;
	v40 =	vperm.xlane v29, v41;
	[tilespmem:s3+$0x1C050] =	vst v29;
	v57 =	vld [tilespmem:s2+$0x1A060]  }
0x1dd: {  	[tilespmem:s24+$0x18060] =	vst v17;
	v22 =	vadd.f32 v30, v31;
	v17 =	vmul.f32 v54, v53;
	v20 =	vadd.f32 v55, v3;
	v3 =	vld [tilespmem:$0x1FED0]  }
0x1de: {  	v0 =	vld [tilespmem:$0x1FEF0];
	[tilespmem:s21+$0x18050] =	vst v21;
	v51 =	vperm.xlane v29, v9;
	v21 =	vmul.f32 v40, v39  }
0x1df: {  	v39 =	vld [tilespmem:s2+$0x1A0A0];
	v22 =	vmul.f32 $3.535533850e-01, v22;
	[tilespmem:s24+$0x18090] =	vst v17;
	v17 =	vmul.f32 v59, v19  }
0x1e0: {  	[tilespmem:s24+$0x18050] =	vst v63;
	v63 =	vld [tilespmem:s2+$0x1A070];
	v56 =	vperm.xlane v29, v34  }
0x1e1: {  	v18 =	vmul.f32 v51, v18;
	v22 =	vmul.f32 $1.442695020e+00, v22;
	[tilespmem:s24+$0x180B0] =	vst v17;
	v17 =	vld [tilespmem:s2+$0x1A0B0]  }
0x1e2: {  	[tilespmem:s21+$0x18080] =	vst v26;
	v31 =	vperm.xlane v29, v13;
	v42 =	vadd.f32 v57, v3;
	v3 =	vld [tilespmem:$0x1FEE0]  }
0x1e3: {  	v37 =	vld [tilespmem:s2+$0x1A080];
	[tilespmem:s24+$0x18080] =	vst v18;
	v18 =	vmul.f32 v56, v24;
	v19 =	vpop (erf);
	(erf) = vpow2.f32 v22  }
0x1e4: {  	s12 =	sshll.u32 s5, $0x4;
	[tilespmem:s24+$0x18070] =	vst v21;
	v38 =	vld [tilespmem:s2+$0x1A090];
	v22 =	vadd.f32 v39, v23;
	v40 =	vperm.xlane v19, v6;
	v30 =	vperm.xlane v19, v34  }
0x1e5: {  	s3 =	sand.u32 $0x3FFFFFF0, s12;
	v53 =	vld [tilespmem:s2+$0x1A0C0];
	[tilespmem:s24+$0x180A0] =	vst v18;
	v51 =	vperm.xlane v19, v50;
	v18 =	vmul.f32 v31, v33  }
0x1e6: {  	[tilespmem:s3+$0x1C050] =	vst v19;
	v33 =	vperm.xlane v19, v36;
	v22 =	vmul.f32 v30, v22;
	v17 =	vadd.f32 v17, v28  }
0x1e7: {  	[tilespmem:s24+$0x180C0] =	vst v18;
	v55 =	vperm.xlane v19, v41;
	v18 =	vmul.f32 v40, v20;
	v54 =	vadd.f32 v63, v3  }
0x1e8: {  	v26 =	vadd.f32 v37, v8;
	v59 =	vld [tilespmem:s1+$0x1A050];
	v56 =	vperm.xlane v19, v9;
	[tilespmem:s2+$0x180A0] =	vst v22;
	v17 =	vmul.f32 v33, v17  }
0x1e9: {  	v21 =	vadd.f32 v38, v0;
	v31 =	vld [tilespmem:s1+$0x1A060];
	[tilespmem:s2+$0x18050] =	vst v18;
	v57 =	vperm.xlane v19, v35;
	v18 =	vmul.f32 v55, v54  }
0x1ea: {  	v37 =	vld [tilespmem:s1+$0x1A070];
	v20 =	vadd.f32 v53, v32;
	[tilespmem:s2+$0x180B0] =	vst v17;
	v19 =	vperm.xlane v19, v13;
	v25 =	vmul.f32 v51, v42  }
0x1eb: {  	v38 =	vld [tilespmem:s1+$0x1A080];
	[tilespmem:s2+$0x18070] =	vst v18;
	v18 =	vmul.f32 v57, v21  }
0x1ec: {  	v40 =	vld [tilespmem:s1+$0x1A0A0];
	v39 =	vpop (erf);
	v19 =	vmul.f32 v19, v20;
	[tilespmem:s2+$0x18060] =	vst v25  }
0x1ed: {  	v47 =	vadd.f32 v59, v47;
	v42 =	vperm.xlane v39, v6;
	v63 =	vmul.f32 v56, v26;
	[tilespmem:s2+$0x18090] =	vst v18;
	v18 =	vld [tilespmem:s1+$0x1A090]  }
0x1ee: {  	s21 =	sshll.u32 s13, $0x4;
	v23 =	vadd.f32 v31, v45;
	v17 =	vld [tilespmem:s1+$0x1A0B0];
	v51 =	vperm.xlane v39, v50;
	[tilespmem:s2+$0x180C0] =	vst v19  }
0x1ef: {  	v24 =	vadd.f32 v37, v43;
	s24 =	sand.u32 $0x3FFFFFF0, s21;
	v53 =	vperm.xlane v39, v41;
	v19 =	vld [tilespmem:s1+$0x1A0C0];
	v22 =	vmul.f32 v42, v47;
	[tilespmem:s2+$0x18080] =	vst v63  }
0x1f0: {  	v23 =	vmul.f32 v51, v23;
	v25 =	vadd.f32 v38, v44;
	v54 =	vperm.xlane v39, v9;
	[tilespmem:s24+$0x1C050] =	vst v39  }
0x1f1: {  	v59 =	vperm.xlane v39, v34;
	v20 =	vadd.f32 v40, v48;
	v55 =	vmul.f32 v53, v24;
	[tilespmem:s1+$0x18050] =	vst v22  }
0x1f2: {  	v56 =	vperm.xlane v39, v35;
	v57 =	vmul.f32 v54, v25;
	[tilespmem:s1+$0x18060] =	vst v23;
	v18 =	vadd.f32 v18, v46  }
0x1f3: {  	p0 =	slt.u32 s0, $0x1C;
	v17 =	vadd.f32 v17, v49;
	v20 =	vmul.f32 v59, v20;
	v63 =	vperm.xlane v39, v36;
	[tilespmem:s1+$0x18070] =	vst v55  }
.Ltmp1:
0x1f4: {  	v21 =	vperm.xlane v39, v13;
	v19 =	vadd.f32 v19, v52;
	[tilespmem:s1+$0x18080] =	vst v57;
	v18 =	vmul.f32 v56, v18;
	(pc) =	sbr.rel @p0 .LBB2_4-.Ltmp1, $4  }
0x1f5: {  	v17 =	vmul.f32 v63, v17;
	[tilespmem:s1+$0x180A0] =	vst v20  }
0x1f6: {  	[tilespmem:s1+$0x18090] =	vst v18;
	v18 =	vmul.f32 v21, v19  }
0x1f7: {  	s31 =	sadd.s32 $0x4, s0;
	[tilespmem:s1+$0x180B0] =	vst v17  }
0x1f8: {  	s0 =	smov.u32 s31;
	v2 =	vmovc v12;
	v60 =	vmovc v10;
	v61 =	vmov v34;
	v58 =	vmov v11;
	v10 =	vmov v35;
	[tilespmem:s1+$0x180C0] =	vst v18  }
0x1f9: {  	s0 =	rddreg [dreg:$0x2]  }
0x1fa: {  	[spmem:s0] =	stream.indirect.scatter.add.f32 [tilespmem:s22], [sflag:$0x5], $0x80, s29, s25, $0xb8;
	[tilespmem:$0x1D450] =	vst v63  }
0x1fb: {  	s3 =	simm.s32 $0x1C050;
	s4 =	sld [smem:$0x7F1]  }
0x1fc: {  	[spmem:s26] =	stream.indirect.scatter.add.f32 [tilespmem:s3], [sflag:$0x5], $0x10, s29, s25, $0xb8;
	[tilespmem:$0x1D450] =	vst v63  }
0x1fd: {  	s1 =	simm.s32 $0x4E200  }
0x1fe: {  	[tilespmem:s19], [sflag:$0x7] =	stream.strided.gather [hbm4b:s4+s25], $0x40, s1, s25, $0x38;
	[tilespmem:$0x1D450] =	vst v63  }
0x1ff: {  	_ =	swait.ge [sflag:s23], $0x40  }
0x200: {  	s5 =	sld [smem:$0x7FB]  }
0x201: {  	[sflag:s23] =	ssyncset.done $0x0  }
0x202: {  	s21 =	simm.s32 $0x0;
	[sflag:s23] =	ssyncadd.s32 $0xFFFFFFC0  }
0x203: {  	[tilespmem:s20], [sflag:$0x7] =	stream.linear.gather [hbm4b:s5+s21], $0x20, $0x38;
	[tilespmem:$0x1D450] =	vst v63  }
0x204: {  	_ =	swait.ge [sflag:s23], $0x20  }
0x205: {  	[sflag:s23] =	ssyncset.done $0x0  }
0x206: {  	[sflag:s23] =	ssyncadd.s32 $0xFFFFFFE0  }
0x207: {  	s13 =	simm.s32 $0x15FF0;
	s2 =	simm.s32 $0x17050;
	s12 =	rddreg [dreg:$0x1]  }
0x208: {  	[tilespmem:s2], [sflag:$0x1] =	stream.indirect.gather [hbm4b:s12+s25], $0x80, s13, s25, $0xb8;
	[tilespmem:$0x1D450] =	vst v63  }
0x209: {  	_ = 	snop  }
0x20a: {  	[tilespmem:s10], [sflag:$0x2] =	stream.indirect.gather [hbm4b:s7+s25], $0x80, s19, s25, $0xb8;
	[tilespmem:$0x1D450] =	vst v63  }
0x20b: {  	s24 =	simm.s32 $0x1B050;
	s31 =	sld [smem:$0x7F2]  }
0x20c: {  	[tilespmem:s24], [sflag:$0x3] =	stream.indirect.gather [hbm4b:s8+s25], $0x80, s19, s25, $0xb8;
	[tilespmem:$0x1D450] =	vst v63  }
0x20d: {  	_ = 	snop  }
0x20e: {  	[tilespmem:s14], [sflag:$0x4] =	stream.linear.gather [hbm4b:s31+s21], $0x1000, $0x38;
	[tilespmem:$0x1D450] =	vst v63  }
.LBB2_6:
0x20f: {  	_ =	swait.ge [sflag:s15], $0x1000  }
0x210: {  	[sflag:s15] =	ssyncset.done $0x0  }
0x211: {  	[sflag:s15] =	ssyncadd.s32 $0xFFFFF000  }
0x212: {  	_ =	swait.ge [sflag:s16], $0x1000  }
0x213: {  	[sflag:s16] =	ssyncset.done $0x0  }
0x214: {  	[sflag:s16] =	ssyncadd.s32 $0xFFFFF000  }
0x215: {  	_ =	swait.ge [sflag:s17], $0x1000  }
0x216: {  	[sflag:s17] =	ssyncset.done $0x0  }
0x217: {  	[sflag:s17] =	ssyncadd.s32 $0xFFFFF000  }
0x218: {  	_ =	swait.ge [sflag:s18], $0x1000  }
0x219: {  	v56 =	vld [tilespmem:$0x1FF50]  }
0x21a: {  	v58 =	vld [tilespmem:$0x1FF70]  }
0x21b: {  	[sflag:s18] =	ssyncset.done $0x0;
	v59 =	vld [tilespmem:$0x1FF80]  }
0x21c: {  	s0 =	simm.s32 $0x0;
	v42 =	vld [tilespmem:$0x1FFF0];
	[sflag:s18] =	ssyncadd.s32 $0xFFFFF000  }
.LBB2_7:
0x21d: {  	v15 =	vld [tilespmem:$0x1FF00]  }
0x21e: {  	v16 =	vld [tilespmem:$0x1FF10]  }
0x21f: {  	s31 =	sshll.u32 s0, $0x7;
	v14 =	vld [tilespmem:$0x1FF30]  }
0x220: {  	v38 =	vld [tilespmem:s31+$0x1C450]  }
0x221: {  	v17 =	vld [tilespmem:s31+$0x19050]  }
0x222: {  	v18 =	vld [tilespmem:s31+$0x17050]  }
0x223: {  	v37 =	vld [tilespmem:s31+$0x1C460]  }
0x224: {  	v19 =	vld [tilespmem:s31+$0x19060]  }
0x225: {  	v20 =	vld [tilespmem:s31+$0x17060]  }
0x226: {  	v33 =	vld [tilespmem:s31+$0x1C470]  }
0x227: {  	v22 =	vld [tilespmem:s31+$0x19070]  }
0x228: {  	v23 =	vld [tilespmem:s31+$0x17070]  }
0x229: {  	v31 =	vld [tilespmem:s31+$0x1C480]  }
0x22a: {  	v24 =	vld [tilespmem:s31+$0x19080]  }
0x22b: {  	v27 =	vld [tilespmem:s31+$0x17080]  }
0x22c: {  	v26 =	vld [tilespmem:s31+$0x1C490]  }
0x22d: {  	v28 =	vld [tilespmem:s31+$0x19090]  }
0x22e: {  	v29 =	vld [tilespmem:s31+$0x17090]  }
0x22f: {  	v25 =	vld [tilespmem:s31+$0x1C4A0]  }
0x230: {  	v30 =	vld [tilespmem:s31+$0x190A0]  }
0x231: {  	v32 =	vld [tilespmem:s31+$0x170A0]  }
0x232: {  	v21 =	vld [tilespmem:s31+$0x1C4B0]  }
0x233: {  	v35 =	vld [tilespmem:s31+$0x190B0]  }
0x234: {  	v0 =	vld [tilespmem:s31+$0x190C0]  }
0x235: {  	v2 =	vld [tilespmem:s31+$0x170B0]  }
0x236: {  	v5 =	vld [tilespmem:s31+$0x170C0]  }
0x237: {  	v53 =	vld [tilespmem:s31+$0x1B050]  }
0x238: {  	v54 =	vld [tilespmem:s31+$0x1B060]  }
0x239: {  	v41 =	vld [tilespmem:s31+$0x1B070]  }
0x23a: {  	s12 =	sor.u32 $0x1, s0;
	v50 =	vld [tilespmem:s31+$0x1B080]  }
0x23b: {  	v48 =	vld [tilespmem:s31+$0x1B0A0];
	s24 =	sshll.u32 s12, $0x7  }
0x23c: {  	v40 =	vld [tilespmem:s24+$0x1C450]  }
0x23d: {  	v47 =	vld [tilespmem:s24+$0x19070]  }
0x23e: {  	v51 =	vmov v56;
	v57 =	vor.u32 s31, v56;
	v56 =	vld [tilespmem:s24+$0x17070]  }
0x23f: {  	v61 =	vld [tilespmem:s24+$0x190A0]  }
0x240: {  	s5 =	sor.u32 $0x2, s0;
	v62 =	vld [tilespmem:s24+$0x170A0]  }
0x241: {  	s2 =	sshll.u32 s5, $0x7;
	v63 =	vld [tilespmem:s24+$0x190B0]  }
0x242: {  	v12 =	vld [tilespmem:s2+$0x17080]  }
0x243: {  	v34 =	vadd.f32 v17, v38;
	v17 =	vld [tilespmem:s31+$0x1C4C0]  }
0x244: {  	v4 =	vadd.f32 v28, v26;
	v28 =	vld [tilespmem:s24+$0x19060]  }
0x245: {  	v13 =	vmov v60;
	v7 =	vadd.f32 v30, v25;
	v30 =	vor.u32 s31, v60;
	v60 =	vld [tilespmem:s24+$0x17090]  }
0x246: {  	v1 =	vadd.f32 v24, v31;
	[tilespmem:$0x1FDB0] =	vst v48;
	v24 =	vld [tilespmem:s2+$0x1C450]  }
0x247: {  	v22 =	vadd.f32 v22, v33;
	v33 =	vadd.f32 v41, v33;
	v41 =	vld [tilespmem:$0x1FDB0]  }
0x248: {  	v6 =	vmul.f32 v1, v27;
	v1 =	vld [tilespmem:$0x1FF20]  }
0x249: {  	v3 =	vmul.f32 v22, v23;
	v23 =	vld [tilespmem:s24+$0x17050]  }
0x24a: {  	v9 =	vadd.f32 v35, v21;
	v8 =	vmul.f32 v4, v29;
	v29 =	vld [tilespmem:s24+$0x1C4B0]  }
0x24b: {  	v27 =	vld [tilespmem:s24+$0x1C4C0]  }
0x24c: {  	v10 =	vmul.f32 v7, v32;
	v32 =	vmul.f32 v9, v2;
	v2 =	vld [tilespmem:s24+$0x190C0]  }
0x24d: {  	v4 =	vld [tilespmem:s2+$0x19050]  }
0x24e: {  	v19 =	vadd.f32 v19, v37;
	v22 =	vld [tilespmem:s2+$0x1C460]  }
0x24f: {  	v7 =	vld [tilespmem:s2+$0x17060]  }
0x250: {  	v19 =	vmul.f32 v19, v20;
	v20 =	vld [tilespmem:s2+$0x1C470]  }
0x251: {  	v9 =	vld [tilespmem:s2+$0x17070]  }
0x252: {  	[tilespmem:s31+$0x19060] =	vst v19;
	v19 =	vld [tilespmem:s24+$0x19050]  }
0x253: {  	[tilespmem:s31+$0x190B0] =	vst v32;
	v32 =	vld [tilespmem:s24+$0x17060]  }
0x254: {  	[tilespmem:s31+$0x19070] =	vst v3;
	v3 =	vld [tilespmem:s24+$0x170C0]  }
0x255: {  	v18 =	vmul.f32 v34, v18;
	[tilespmem:s31+$0x19080] =	vst v6;
	v6 =	vld [tilespmem:s2+$0x19060]  }
0x256: {  	[tilespmem:s31+$0x19090] =	vst v8;
	v8 =	vld [tilespmem:s2+$0x19070]  }
0x257: {  	[tilespmem:s31+$0x19050] =	vst v18;
	v18 =	vld [tilespmem:s2+$0x1C480];
	v11 =	vadd.f32 v0, v17  }
0x258: {  	[tilespmem:s31+$0x190A0] =	vst v10;
	v10 =	vld [tilespmem:s2+$0x19080]  }
0x259: {  	v34 =	vor.u32 s31, v15;
	v0 =	vld [tilespmem:s31+$0x1B090];
	v35 =	vmul.f32 v11, v5  }
0x25a: {  	v36 =	vor.u32 s31, v16;
	v5 =	vld [tilespmem:s2+$0x17050]  }
0x25b: {  	v49 =	vor.u32 s31, v14;
	[tilespmem:s31+$0x190C0] =	vst v35;
	v35 =	vld [tilespmem:s24+$0x1C470]  }
0x25c: {  	v11 =	vadd.f32 v19, v40;
	v19 =	vld [tilespmem:s2+$0x1C490]  }
0x25d: {  	v58 =	vor.u32 s31, v58;
	v43 =	vld.idx.msk [tilespmem:v30+s10+$0x0], $0xffff  }
0x25e: {  	v59 =	vor.u32 s31, v59;
	v45 =	vld.idx.msk [tilespmem:v34+s10+$0x0], $0xffff  }
0x25f: {  	v55 =	vld.idx.msk [tilespmem:v36+s10+$0x0], $0xffff  }
0x260: {  	v44 =	vld.idx.msk [tilespmem:v49+s10+$0x0], $0xffff  }
0x261: {  	v49 =	vld.idx.msk [tilespmem:v57+s10+$0x0], $0xffff  }
0x262: {  	v46 =	vld.idx.msk [tilespmem:v58+s10+$0x0], $0xffff  }
0x263: {  	v39 =	vor.u32 s31, v1;
	v48 =	vld.idx.msk [tilespmem:v59+s10+$0x0], $0xffff  }
0x264: {  	v36 =	vld [tilespmem:s24+$0x1C480]  }
0x265: {  	v57 =	vld [tilespmem:s24+$0x19080]  }
0x266: {  	v58 =	vld [tilespmem:s24+$0x17080]  }
0x267: {  	v34 =	vld [tilespmem:s24+$0x1C490]  }
0x268: {  	v52 =	vld.idx.msk [tilespmem:v39+s10+$0x0], $0xffff  }
0x269: {  	v39 =	vld [tilespmem:s24+$0x1C460]  }
0x26a: {  	v6 =	vadd.f32 v6, v22;
	v59 =	vld [tilespmem:s24+$0x19090]  }
0x26b: {  	v4 =	vadd.f32 v4, v24;
	v30 =	vld [tilespmem:s24+$0x1C4A0]  }
0x26c: {  	v2 =	vadd.f32 v2, v27;
	[tilespmem:$0x1FDA0] =	vst v0;
	v0 =	vld [tilespmem:s24+$0x170B0];
	v6 =	vmul.f32 v6, v7  }
0x26d: {  	v7 =	vadd.f32 v10, v18;
	v10 =	vld [tilespmem:s2+$0x170B0];
	v4 =	vmul.f32 v4, v5;
	v5 =	vadd.f32 v8, v20  }
0x26e: {  	v11 =	vmul.f32 v11, v23;
	v8 =	vld [tilespmem:s2+$0x190C0];
	v23 =	vadd.f32 v47, v35;
	v28 =	vadd.f32 v28, v39  }
0x26f: {  	v2 =	vmul.f32 v2, v3;
	v47 =	vld [tilespmem:s2+$0x19090]  }
0x270: {  	[tilespmem:s24+$0x19050] =	vst v11;
	v11 =	vmul.f32 v23, v56;
	v23 =	vld [tilespmem:s2+$0x1C4A0];
	v28 =	vmul.f32 v28, v32;
	v32 =	vadd.f32 v57, v36  }
0x271: {  	[tilespmem:s24+$0x190C0] =	vst v2;
	v56 =	vadd.f32 v59, v34;
	v59 =	vld [tilespmem:s2+$0x170A0]  }
0x272: {  	v57 =	vld [tilespmem:s2+$0x17090];
	[tilespmem:s24+$0x19060] =	vst v28;
	v28 =	vmul.f32 v32, v58;
	v32 =	vadd.f32 v61, v30  }
0x273: {  	[tilespmem:s24+$0x19070] =	vst v11;
	v11 =	vor.u32 s24, v13;
	v58 =	vld [tilespmem:s2+$0x190A0];
	v61 =	vmul.f32 v56, v60;
	v60 =	vadd.f32 v63, v29  }
0x274: {  	v3 =	vor.u32 s24, v15;
	v56 =	vld [tilespmem:s2+$0x190B0];
	[tilespmem:s24+$0x19080] =	vst v28;
	v32 =	vmul.f32 v32, v62  }
0x275: {  	v28 =	vld [tilespmem:s2+$0x1C4B0];
	[tilespmem:s24+$0x19090] =	vst v61;
	v0 =	vmul.f32 v60, v0  }
0x276: {  	v2 =	vor.u32 s24, v1;
	v61 =	vmul.f32 v5, v9;
	v9 =	vld [tilespmem:s2+$0x170C0];
	[tilespmem:s24+$0x190A0] =	vst v32  }
0x277: {  	v62 =	vadd.f32 v47, v19;
	v47 =	vor.u32 s24, v51;
	v32 =	vld [tilespmem:s2+$0x1C4C0];
	[tilespmem:s24+$0x190B0] =	vst v0  }
0x278: {  	v11 =	vld.idx.msk [tilespmem:v11+s10+$0x0], $0xffff  }
0x279: {  	v0 =	vor.u32 s24, v16;
	v3 =	vld.idx.msk [tilespmem:v3+s10+$0x0], $0xffff  }
0x27a: {  	v63 =	vadd.f32 v58, v23;
	v58 =	vld [tilespmem:$0x1FF70]  }
0x27b: {  	s13 =	sor.u32 $0x3, s0;
	v2 =	vld.idx.msk [tilespmem:v2+s10+$0x0], $0xffff  }
0x27c: {  	s1 =	sshll.u32 s13, $0x7;
	[tilespmem:s2+$0x19060] =	vst v6;
	v6 =	vmul.f32 v7, v12;
	v60 =	vor.u32 s24, v14;
	v7 =	vld.idx.msk [tilespmem:v47+s10+$0x0], $0xffff  }
0x27d: {  	v47 =	vld [tilespmem:s1+$0x1C450]  }
0x27e: {  	v63 =	vmul.f32 v63, v59;
	v0 =	vld.idx.msk [tilespmem:v0+s10+$0x0], $0xffff  }
0x27f: {  	[tilespmem:s2+$0x19070] =	vst v61;
	v61 =	vmul.f32 v62, v57;
	v62 =	vadd.f32 v56, v28;
	v56 =	vadd.f32 v8, v32;
	v8 =	vld [tilespmem:s1+$0x19050]  }
0x280: {  	[tilespmem:s2+$0x190A0] =	vst v63;
	v63 =	vld [tilespmem:$0x1FF80]  }
0x281: {  	v12 =	vor.u32 s24, v58;
	v58 =	vmul.f32 v62, v10;
	v10 =	vld.idx.msk [tilespmem:v60+s10+$0x0], $0xffff  }
0x282: {  	v62 =	vadd.f32 v45, v43;
	v45 =	vld [tilespmem:s1+$0x1C460]  }
0x283: {  	v43 =	vld [tilespmem:s1+$0x1C470]  }
0x284: {  	v60 =	vld [tilespmem:s1+$0x17080]  }
0x285: {  	v3 =	vadd.f32 v3, v11;
	v11 =	vld [tilespmem:s1+$0x190A0]  }
0x286: {  	v57 =	vor.u32 s2, v13;
	[tilespmem:s2+$0x19090] =	vst v61;
	v61 =	vmul.f32 v56, v9;
	v56 =	vld [tilespmem:s1+$0x17060]  }
0x287: {  	[tilespmem:s2+$0x19050] =	vst v4;
	v59 =	vor.u32 s2, v15;
	v9 =	vadd.f32 v55, v62;
	v55 =	vld [tilespmem:s1+$0x19060]  }
0x288: {  	[tilespmem:s2+$0x190B0] =	vst v58;
	v58 =	vld [tilespmem:s1+$0x17070]  }
0x289: {  	[tilespmem:s2+$0x19080] =	vst v6;
	v62 =	vld [tilespmem:s1+$0x17090]  }
0x28a: {  	[tilespmem:s2+$0x190C0] =	vst v61;
	v61 =	vld [tilespmem:s1+$0x19090]  }
0x28b: {  	v6 =	vld.idx.msk [tilespmem:v57+s10+$0x0], $0xffff  }
0x28c: {  	v5 =	vld.idx.msk [tilespmem:v59+s10+$0x0], $0xffff  }
0x28d: {  	v57 =	vld [tilespmem:s1+$0x19070]  }
0x28e: {  	v59 =	vld [tilespmem:s1+$0x19080]  }
0x28f: {  	v0 =	vadd.f32 v0, v3;
	v3 =	vld [tilespmem:s1+$0x170A0]  }
0x290: {  	v9 =	vadd.f32 v52, v9;
	v52 =	vld [tilespmem:s1+$0x1C4C0]  }
0x291: {  	v4 =	vld.idx.msk [tilespmem:v12+s10+$0x0], $0xffff  }
0x292: {  	v12 =	vld [tilespmem:s1+$0x17050]  }
0x293: {  	v9 =	vadd.f32 v44, v9;
	v44 =	vld [tilespmem:s1+$0x1C480]  }
0x294: {  	v38 =	vadd.f32 v53, v38;
	v0 =	vadd.f32 v2, v0;
	v2 =	vor.u32 s24, v63;
	v63 =	vld [tilespmem:s1+$0x190B0]  }
0x295: {  	v53 =	vor.u32 s1, v1;
	v8 =	vadd.f32 v8, v47;
	v9 =	vadd.f32 v49, v9;
	v49 =	vld [tilespmem:s1+$0x1C4B0]  }
0x296: {  	v0 =	vadd.f32 v10, v0;
	v10 =	vadd.f32 v57, v43;
	v57 =	vor.u32 s2, v1;
	v1 =	vld [tilespmem:$0x1FFC0]  }
0x297: {  	v55 =	vadd.f32 v55, v45;
	v9 =	vadd.f32 v46, v9;
	v46 =	vld [tilespmem:s1+$0x1C490]  }
0x298: {  	v8 =	vmul.f32 v8, v12;
	v12 =	vld [tilespmem:s1+$0x190C0]  }
0x299: {  	v55 =	vmul.f32 v55, v56;
	v56 =	vadd.f32 v59, v44;
	v59 =	vld [tilespmem:s1+$0x170B0]  }
0x29a: {  	v0 =	vadd.f32 v7, v0;
	v7 =	vmul.f32 v10, v58;
	v10 =	vld [tilespmem:s1+$0x170C0]  }
0x29b: {  	v2 =	vld.idx.msk [tilespmem:v2+s10+$0x0], $0xffff;
	v9 =	vadd.f32 v48, v9  }
0x29c: {  	[tilespmem:s1+$0x19060] =	vst v55;
	v48 =	vld [tilespmem:s1+$0x1C4A0]  }
0x29d: {  	[tilespmem:s1+$0x19050] =	vst v8;
	v58 =	vadd.f32 v63, v49;
	v63 =	vld [tilespmem:$0x1FFB0];
	v9 =	vmul.f32 $3.535533850e-01, v9  }
0x29e: {  	v0 =	vadd.f32 v4, v0;
	v55 =	vmul.f32 v56, v60;
	v4 =	vld.idx.msk [tilespmem:v57+s10+$0x0], $0xffff;
	v8 =	vadd.f32 v61, v46  }
0x29f: {  	v61 =	vld [tilespmem:$0x1FF90];
	v9 =	vmul.f32 $1.442695020e+00, v9  }
0x2a0: {  	[tilespmem:s1+$0x19080] =	vst v55;
	v55 =	vld [tilespmem:s31+$0x1B0B0];
	v8 =	vmul.f32 v8, v62  }
0x2a1: {  	v62 =	vld [tilespmem:$0x1FFA0];
	(erf) = vpow2.f32 v9;
	v9 =	vor.u32 s2, v16  }
0x2a2: {  	v11 =	vadd.f32 v11, v48;
	[tilespmem:s1+$0x19090] =	vst v8;
	v8 =	vmul.f32 v58, v59;
	v59 =	vld [tilespmem:$0x1FF80]  }
0x2a3: {  	v56 =	vor.u32 s2, v14;
	v58 =	vld [tilespmem:$0x1FF70]  }
0x2a4: {  	v60 =	vmovc v13;
	v3 =	vmul.f32 v11, v3;
	v11 =	vadd.f32 v12, v52;
	v12 =	vor.u32 s1, v13;
	v13 =	vld [tilespmem:$0x1FF60]  }
0x2a5: {  	[tilespmem:s1+$0x19070] =	vst v7;
	v57 =	vor.u32 s1, v15;
	v21 =	vadd.f32 v55, v21;
	v55 =	vld [tilespmem:s24+$0x1B080]  }
0x2a6: {  	v15 =	vmul.f32 v11, v10;
	[tilespmem:s1+$0x190B0] =	vst v8;
	v8 =	vor.u32 s1, v16;
	v7 =	vld.idx.msk [tilespmem:v9+s10+$0x0], $0xffff  }
0x2a7: {  	[tilespmem:s1+$0x190A0] =	vst v3;
	v3 =	vld [tilespmem:s31+$0x1B0C0];
	v9 =	vor.u32 s2, v51  }
0x2a8: {  	v0 =	vadd.f32 v2, v0;
	v11 =	vld.idx.msk [tilespmem:v56+s10+$0x0], $0xffff;
	[tilespmem:s1+$0x190C0] =	vst v15;
	v10 =	vor.u32 s2, v58  }
0x2a9: {  	v5 =	vadd.f32 v5, v6;
	v6 =	vor.u32 s2, v59;
	v12 =	vld.idx.msk [tilespmem:v12+s10+$0x0], $0xffff  }
0x2aa: {  	v37 =	vadd.f32 v54, v37;
	v0 =	vmul.f32 $3.535533850e-01, v0;
	v54 =	vld.idx.msk [tilespmem:v57+s10+$0x0], $0xffff  }
0x2ab: {  	v8 =	vld.idx.msk [tilespmem:v8+s10+$0x0], $0xffff;
	v5 =	vadd.f32 v7, v5  }
0x2ac: {  	v0 =	vmul.f32 $1.442695020e+00, v0;
	v9 =	vld.idx.msk [tilespmem:v9+s10+$0x0], $0xffff  }
0x2ad: {  	v31 =	vadd.f32 v50, v31;
	v2 =	vpop (erf);
	v10 =	vld.idx.msk [tilespmem:v10+s10+$0x0], $0xffff;
	v4 =	vadd.f32 v4, v5  }
0x2ae: {  	v57 =	vor.u32 s1, v14;
	(erf) = vpow2.f32 v0;
	v16 =	vperm.xlane v2, v61;
	v0 =	vld.idx.msk [tilespmem:v6+s10+$0x0], $0xffff  }
0x2af: {  	v50 =	vor.u32 s1, v58;
	v12 =	vadd.f32 v54, v12;
	v54 =	vld [tilespmem:$0x1FFE0];
	v4 =	vadd.f32 v11, v4  }
0x2b0: {  	v6 =	vor.u32 s1, v51;
	v5 =	vmul.f32 v16, v37;
	v16 =	vperm.xlane v2, v63;
	v37 =	vld.idx.msk [tilespmem:v53+s10+$0x0], $0xffff  }
0x2b1: {  	v53 =	vld [tilespmem:$0x1FFD0];
	v4 =	vadd.f32 v9, v4  }
0x2b2: {  	v7 =	vperm.xlane v2, v13;
	v9 =	vmul.f32 v16, v31;
	v31 =	vld [tilespmem:$0x1FDA0]  }
0x2b3: {  	v3 =	vadd.f32 v3, v17;
	v15 =	vperm.xlane v2, v62;
	v4 =	vadd.f32 v10, v4;
	v10 =	vld.idx.msk [tilespmem:v57+s10+$0x0], $0xffff  }
0x2b4: {  	s3 =	sshll.u32 s0, $0x4;
	v7 =	vmul.f32 v7, v38;
	v38 =	vld.idx.msk [tilespmem:v50+s10+$0x0], $0xffff;
	v8 =	vadd.f32 v8, v12;
	v57 =	vor.u32 s1, v59  }
0x2b5: {  	s3 =	sand.u32 $0x3FFFFFF0, s3;
	v14 =	vperm.xlane v2, v1;
	v11 =	vmul.f32 v15, v33;
	v6 =	vld.idx.msk [tilespmem:v6+s10+$0x0], $0xffff;
	v0 =	vadd.f32 v0, v4  }
0x2b6: {  	[tilespmem:s3+$0x1C250] =	vst v2;
	v33 =	vld [tilespmem:s24+$0x1B050];
	v16 =	vperm.xlane v2, v54;
	v15 =	vperm.xlane v2, v53;
	v8 =	vadd.f32 v37, v8  }
0x2b7: {  	[tilespmem:s31+$0x19050] =	vst v7;
	v2 =	vperm.xlane v2, v42;
	v26 =	vadd.f32 v31, v26;
	v31 =	vld [tilespmem:s24+$0x1B060];
	v0 =	vmul.f32 $3.535533850e-01, v0  }
0x2b8: {  	v25 =	vadd.f32 v41, v25;
	[tilespmem:s31+$0x19060] =	vst v5;
	v37 =	vld [tilespmem:s24+$0x1B070];
	v50 =	vmul.f32 v16, v21;
	v8 =	vadd.f32 v10, v8  }
0x2b9: {  	v41 =	vadd.f32 v55, v36;
	[tilespmem:s31+$0x19070] =	vst v11;
	v11 =	vpop (erf);
	v2 =	vmul.f32 v2, v3;
	v12 =	vld.idx.msk [tilespmem:v57+s10+$0x0], $0xffff;
	v0 =	vmul.f32 $1.442695020e+00, v0  }
0x2ba: {  	[tilespmem:s31+$0x19080] =	vst v9;
	v55 =	vperm.xlane v11, v63;
	v4 =	vmul.f32 v15, v25;
	v6 =	vadd.f32 v6, v8  }
0x2bb: {  	[tilespmem:s31+$0x190B0] =	vst v50;
	v7 =	vmul.f32 v14, v26;
	v57 =	vadd.f32 v33, v40;
	v14 =	vld [tilespmem:s24+$0x1B090];
	(erf) = vpow2.f32 v0  }
0x2bc: {  	v15 =	vperm.xlane v11, v13;
	[tilespmem:s31+$0x190C0] =	vst v2;
	v33 =	vld [tilespmem:s24+$0x1B0A0];
	v16 =	vadd.f32 v31, v39;
	v31 =	vadd.f32 v38, v6  }
0x2bd: {  	s4 =	sshll.u32 s12, $0x4;
	v21 =	vperm.xlane v11, v61;
	v50 =	vld [tilespmem:s24+$0x1B0C0];
	[tilespmem:s31+$0x190A0] =	vst v4;
	v40 =	vperm.xlane v11, v62;
	v39 =	vadd.f32 v37, v35  }
0x2be: {  	s3 =	sand.u32 $0x3FFFFFF0, s4;
	v2 =	vmul.f32 v55, v41;
	[tilespmem:s31+$0x19090] =	vst v7;
	v25 =	vmul.f32 v15, v57;
	v38 =	vld [tilespmem:s24+$0x1B0B0];
	v4 =	vadd.f32 v12, v31  }
0x2bf: {  	[tilespmem:s3+$0x1C250] =	vst v11;
	v0 =	vmul.f32 v21, v16;
	v7 =	vmul.f32 v40, v39  }
0x2c0: {  	v17 =	vld [tilespmem:s2+$0x1B050];
	v57 =	vadd.f32 v14, v34;
	v16 =	vperm.xlane v11, v1;
	[tilespmem:s24+$0x19050] =	vst v25;
	v4 =	vmul.f32 $3.535533850e-01, v4  }
0x2c1: {  	v26 =	vld [tilespmem:s2+$0x1B060];
	v25 =	vperm.xlane v11, v53;
	v6 =	vadd.f32 v33, v30;
	[tilespmem:s24+$0x19080] =	vst v2;
	v34 =	vperm.xlane v11, v42  }
0x2c2: {  	v35 =	vadd.f32 v50, v27;
	v31 =	vld [tilespmem:s2+$0x1B070];
	[tilespmem:s24+$0x19060] =	vst v0;
	v21 =	vmul.f32 v16, v57;
	v4 =	vmul.f32 $1.442695020e+00, v4  }
0x2c3: {  	v36 =	vld [tilespmem:s2+$0x1B080];
	v30 =	vperm.xlane v11, v54;
	[tilespmem:s24+$0x19070] =	vst v7;
	v33 =	vmul.f32 v25, v6;
	v5 =	vadd.f32 v38, v29  }
0x2c4: {  	v39 =	vld [tilespmem:s2+$0x1B090];
	v40 =	vmul.f32 v34, v35;
	[tilespmem:s24+$0x19090] =	vst v21;
	v38 =	vpop (erf);
	(erf) = vpow2.f32 v4  }
0x2c5: {  	v3 =	vadd.f32 v17, v24;
	v41 =	vld [tilespmem:s2+$0x1B0A0];
	[tilespmem:s24+$0x190A0] =	vst v33;
	v37 =	vmul.f32 v30, v5;
	v50 =	vperm.xlane v38, v13  }
0x2c6: {  	s12 =	sshll.u32 s5, $0x4;
	v55 =	vld [tilespmem:s2+$0x1B0B0];
	v57 =	vadd.f32 v26, v22;
	[tilespmem:s24+$0x190C0] =	vst v40;
	v14 =	vperm.xlane v38, v61  }
0x2c7: {  	s3 =	sand.u32 $0x3FFFFFF0, s12;
	v16 =	vld [tilespmem:s2+$0x1B0C0];
	v17 =	vadd.f32 v31, v20;
	[tilespmem:s24+$0x190B0] =	vst v37;
	v20 =	vperm.xlane v38, v62;
	v15 =	vmul.f32 v50, v3  }
0x2c8: {  	v9 =	vadd.f32 v36, v18;
	[tilespmem:s3+$0x1C250] =	vst v38;
	v21 =	vperm.xlane v38, v63;
	v8 =	vmul.f32 v14, v57  }
0x2c9: {  	v25 =	vld [tilespmem:s1+$0x1B050];
	v4 =	vadd.f32 v39, v19;
	v24 =	vperm.xlane v38, v1;
	v22 =	vmul.f32 v20, v17;
	[tilespmem:s2+$0x19050] =	vst v15  }
0x2ca: {  	v6 =	vadd.f32 v41, v23;
	v29 =	vld [tilespmem:s1+$0x1B060];
	v27 =	vperm.xlane v38, v53;
	v26 =	vmul.f32 v21, v9;
	[tilespmem:s2+$0x19060] =	vst v8  }
0x2cb: {  	v0 =	vadd.f32 v55, v28;
	v33 =	vld [tilespmem:s1+$0x1B070];
	v31 =	vperm.xlane v38, v54;
	v30 =	vmul.f32 v24, v4;
	[tilespmem:s2+$0x19070] =	vst v22  }
0x2cc: {  	v34 =	vld [tilespmem:s1+$0x1B080];
	v5 =	vperm.xlane v38, v42;
	v6 =	vmul.f32 v27, v6;
	v3 =	vadd.f32 v16, v32;
	[tilespmem:s2+$0x19080] =	vst v26  }
0x2cd: {  	v35 =	vld [tilespmem:s1+$0x1B090];
	v0 =	vmul.f32 v31, v0;
	[tilespmem:s2+$0x19090] =	vst v30;
	v36 =	vpop (erf)  }
0x2ce: {  	v39 =	vadd.f32 v25, v47;
	v37 =	vld [tilespmem:s1+$0x1B0A0];
	[tilespmem:s2+$0x190A0] =	vst v6;
	v3 =	vmul.f32 v5, v3;
	v38 =	vperm.xlane v36, v13  }
0x2cf: {  	s13 =	sshll.u32 s13, $0x4;
	v40 =	vld [tilespmem:s1+$0x1B0B0];
	v10 =	vadd.f32 v29, v45;
	[tilespmem:s2+$0x190B0] =	vst v0;
	v41 =	vperm.xlane v36, v61  }
0x2d0: {  	s24 =	sand.u32 $0x3FFFFFF0, s13;
	v45 =	vld [tilespmem:s1+$0x1B0C0];
	v7 =	vadd.f32 v33, v43;
	[tilespmem:s2+$0x190C0] =	vst v3;
	v47 =	vperm.xlane v36, v62;
	v6 =	vmul.f32 v38, v39  }
0x2d1: {  	v8 =	vadd.f32 v34, v44;
	[tilespmem:s24+$0x1C250] =	vst v36;
	v50 =	vperm.xlane v36, v63;
	v10 =	vmul.f32 v41, v10  }
0x2d2: {  	v2 =	vadd.f32 v35, v46;
	v57 =	vperm.xlane v36, v1;
	v55 =	vmul.f32 v47, v7;
	[tilespmem:s1+$0x19050] =	vst v6  }
0x2d3: {  	v5 =	vadd.f32 v37, v48;
	v61 =	vperm.xlane v36, v53;
	v8 =	vmul.f32 v50, v8;
	[tilespmem:s1+$0x19060] =	vst v10  }
0x2d4: {  	p0 =	slt.u32 s0, $0x1C;
	v0 =	vadd.f32 v40, v49;
	v62 =	vperm.xlane v36, v54;
	v2 =	vmul.f32 v57, v2;
	[tilespmem:s1+$0x19070] =	vst v55  }
.Ltmp2:
0x2d5: {  	v3 =	vadd.f32 v45, v52;
	v4 =	vperm.xlane v36, v42;
	v5 =	vmul.f32 v61, v5;
	[tilespmem:s1+$0x19080] =	vst v8;
	(pc) =	sbr.rel @p0 .LBB2_7-.Ltmp2, $4  }
0x2d6: {  	v0 =	vmul.f32 v62, v0;
	[tilespmem:s1+$0x19090] =	vst v2  }
0x2d7: {  	v63 =	vmul.f32 v4, v3;
	[tilespmem:s1+$0x190A0] =	vst v5  }
0x2d8: {  	s31 =	sadd.s32 $0x4, s0;
	[tilespmem:s1+$0x190B0] =	vst v0  }
0x2d9: {  	v56 =	vmov v51;
	s0 =	smov.u32 s31;
	[tilespmem:s1+$0x190C0] =	vst v63  }
0x2da: {  	s0 =	rddreg [dreg:$0x2]  }
0x2db: {  	[spmem:s0] =	stream.indirect.scatter.add.f32 [tilespmem:s10], [sflag:$0x6], $0x80, s20, s25, $0xb8;
	[tilespmem:$0x1D450] =	vst v63  }
0x2dc: {  	s4 =	simm.s32 $0x1C250  }
0x2dd: {  	[spmem:s26] =	stream.indirect.scatter.add.f32 [tilespmem:s4], [sflag:$0x6], $0x10, s20, s25, $0xb8;
	[tilespmem:$0x1D450] =	vst v63  }
0x2de: {  	_ =	swait.ge [sflag:s30], $0x1000  }
0x2df: {  	[sflag:s30] =	ssyncset.done $0x0  }
0x2e0: {  	[sflag:s30] =	ssyncadd.s32 $0xFFFFF000  }
0x2e1: {  	_ =	swait.ge [sflag:s30], $0x200  }
0x2e2: {  	s5 =	sld [smem:$0x7F3];
	_ =	sdelay $0x1  }
0x2e3: {  	s31 =	sshll.u32 s21, $0x6  }
0x2e4: {  	s1 =	sadd.s32 s31, s5  }
0x2e5: {  	[sflag:s30] =	ssyncset.done $0x0;
	s0 =	sshrl.u32 s1, $0x3  }
0x2e6: {  	s2 =	simm.s32 $0x4E200;
	[sflag:s30] =	ssyncadd.s32 $0xFFFFFE00;
	s0 =	sadd.s32 s6, s0  }
0x2e7: {  	[tilespmem:s28], [sflag:$0x7] =	stream.strided.gather [hbm4b:s0+s25], $0x40, s2, s25, $0x38;
	[tilespmem:$0x1D450] =	vst v63  }
0x2e8: {  	_ =	swait.ge [sflag:s23], $0x40  }
0x2e9: {  	[sflag:s23] =	ssyncset.done $0x0  }
0x2ea: {  	s12 =	sadd.s32 $0x9C40, s0;
	s0 =	simm.s32 $0x0;
	[sflag:s23] =	ssyncadd.s32 $0xFFFFFFC0  }
0x2eb: {  	[tilespmem:s29], [sflag:$0x7] =	stream.linear.gather [hbm4b:s12+s0], $0x20, $0x38;
	[tilespmem:$0x1D450] =	vst v63  }
0x2ec: {  	_ =	swait.ge [sflag:s23], $0x20  }
0x2ed: {  	[sflag:s23] =	ssyncset.done $0x0  }
0x2ee: {  	[sflag:s23] =	ssyncadd.s32 $0xFFFFFFE0  }
0x2ef: {  	s3 =	simm.s32 $0x15FB0;
	s4 =	simm.s32 $0x16050;
	s13 =	rddreg [dreg:$0x1]  }
0x2f0: {  	[tilespmem:s4], [sflag:$0x1] =	stream.indirect.gather [hbm4b:s13+s25], $0x80, s3, s25, $0xb8;
	[tilespmem:$0x1D450] =	vst v63  }
0x2f1: {  	s1 =	sshll.u32 s1, $0x4  }
0x2f2: {  	[tilespmem:s22], [sflag:$0x2] =	stream.indirect.gather [hbm4b:s7+s25], $0x80, s28, s25, $0xb8;
	[tilespmem:$0x1D450] =	vst v63  }
0x2f3: {  	s24 =	simm.s32 $0x1A050;
	s1 =	sand.u32 $0x1FFFFF00, s1  }
0x2f4: {  	[tilespmem:s24], [sflag:$0x3] =	stream.indirect.gather [hbm4b:s8+s25], $0x80, s28, s25, $0xb8;
	[tilespmem:$0x1D450] =	vst v63  }
0x2f5: {  	s1 =	sadd.s32 s9, s1  }
0x2f6: {  	[tilespmem:s14], [sflag:$0x4] =	stream.linear.gather [hbm4b:s1+s0], $0x1000, $0x38;
	[tilespmem:$0x1D450] =	vst v63  }
0x2f7: {  	_ =	swait.ge [sflag:s15], $0x1000  }
0x2f8: {  	[sflag:s15] =	ssyncset.done $0x0  }
0x2f9: {  	[sflag:s15] =	ssyncadd.s32 $0xFFFFF000  }
0x2fa: {  	_ =	swait.ge [sflag:s16], $0x1000  }
0x2fb: {  	[sflag:s16] =	ssyncset.done $0x0  }
0x2fc: {  	[sflag:s16] =	ssyncadd.s32 $0xFFFFF000  }
0x2fd: {  	_ =	swait.ge [sflag:s17], $0x1000  }
0x2fe: {  	[sflag:s17] =	ssyncset.done $0x0  }
0x2ff: {  	[sflag:s17] =	ssyncadd.s32 $0xFFFFF000  }
0x300: {  	_ =	swait.ge [sflag:s18], $0x1000  }
0x301: {  	v14 =	vld [tilespmem:$0x1FF00]  }
0x302: {  	v15 =	vld [tilespmem:$0x1FF10]  }
0x303: {  	[sflag:s18] =	ssyncset.done $0x0;
	v16 =	vld [tilespmem:$0x1FF20]  }
0x304: {  	v1 =	vld [tilespmem:$0x1FF30];
	[sflag:s18] =	ssyncadd.s32 $0xFFFFF000  }
.LBB2_9:
0x305: {  	s2 =	sshll.u32 s0, $0x7  }
0x306: {  	v38 =	vld [tilespmem:s2+$0x1C450]  }
0x307: {  	v0 =	vld [tilespmem:s2+$0x18050]  }
0x308: {  	v2 =	vld [tilespmem:s2+$0x16050]  }
0x309: {  	v37 =	vld [tilespmem:s2+$0x1C460]  }
0x30a: {  	v3 =	vld [tilespmem:s2+$0x18060]  }
0x30b: {  	v4 =	vld [tilespmem:s2+$0x16060]  }
0x30c: {  	v33 =	vld [tilespmem:s2+$0x1C470]  }
0x30d: {  	v5 =	vld [tilespmem:s2+$0x18070]  }
0x30e: {  	v6 =	vld [tilespmem:s2+$0x16070]  }
0x30f: {  	v31 =	vld [tilespmem:s2+$0x1C480]  }
0x310: {  	v7 =	vld [tilespmem:s2+$0x18080]  }
0x311: {  	v8 =	vld [tilespmem:s2+$0x16080]  }
0x312: {  	v26 =	vld [tilespmem:s2+$0x1C490]  }
0x313: {  	v9 =	vld [tilespmem:s2+$0x18090]  }
0x314: {  	v10 =	vld [tilespmem:s2+$0x16090]  }
0x315: {  	v25 =	vld [tilespmem:s2+$0x1C4A0]  }
0x316: {  	v11 =	vld [tilespmem:s2+$0x180A0]  }
0x317: {  	v12 =	vld [tilespmem:s2+$0x160A0]  }
0x318: {  	v21 =	vld [tilespmem:s2+$0x1C4B0]  }
0x319: {  	v18 =	vld [tilespmem:s2+$0x180B0]  }
0x31a: {  	v17 =	vld [tilespmem:s2+$0x1C4C0]  }
0x31b: {  	v23 =	vld [tilespmem:s2+$0x180C0]  }
0x31c: {  	v27 =	vld [tilespmem:s2+$0x160B0]  }
0x31d: {  	v28 =	vld [tilespmem:s2+$0x160C0]  }
0x31e: {  	v53 =	vld [tilespmem:s2+$0x1A050]  }
0x31f: {  	v54 =	vld [tilespmem:s2+$0x1A060]  }
0x320: {  	v41 =	vld [tilespmem:s2+$0x1A070]  }
0x321: {  	v50 =	vld [tilespmem:s2+$0x1A080]  }
0x322: {  	s13 =	sor.u32 $0x1, s0;
	v35 =	vld [tilespmem:s2+$0x1A090]  }
0x323: {  	v36 =	vld [tilespmem:s2+$0x1A0A0];
	s5 =	sshll.u32 s13, $0x7  }
0x324: {  	s1 =	sor.u32 $0x2, s0;
	v47 =	vld [tilespmem:s5+$0x180C0]  }
0x325: {  	v39 =	vor.u32 s2, v56;
	s24 =	sshll.u32 s1, $0x7;
	v56 =	vld [tilespmem:s5+$0x160C0]  }
0x326: {  	v57 =	vld [tilespmem:s24+$0x18050]  }
0x327: {  	v22 =	vld [tilespmem:s24+$0x1C460]  }
0x328: {  	v40 =	vor.u32 s2, v59;
	v59 =	vld [tilespmem:s24+$0x18060]  }
0x329: {  	v20 =	vld [tilespmem:s24+$0x1C470]  }
0x32a: {  	v61 =	vld [tilespmem:s24+$0x18070]  }
0x32b: {  	v62 =	vld [tilespmem:s24+$0x16070]  }
0x32c: {  	v63 =	vld [tilespmem:s24+$0x18080]  }
0x32d: {  	v13 =	vld [tilespmem:s24+$0x16080]  }
0x32e: {  	v19 =	vld [tilespmem:s24+$0x1C490]  }
0x32f: {  	v32 =	vor.u32 s2, v60;
	v60 =	vld [tilespmem:s24+$0x16060]  }
0x330: {  	[tilespmem:$0x1FD80] =	vst v35;
	v35 =	vld [tilespmem:s5+$0x1C470]  }
0x331: {  	[tilespmem:$0x1FD90] =	vst v36;
	v36 =	vld [tilespmem:s5+$0x1C480]  }
0x332: {  	v24 =	vadd.f32 v7, v31;
	v7 =	vld [tilespmem:s5+$0x18080]  }
0x333: {  	v3 =	vadd.f32 v3, v37;
	v29 =	vadd.f32 v11, v25;
	v11 =	vld [tilespmem:s5+$0x180A0]  }
0x334: {  	v0 =	vadd.f32 v0, v38;
	v30 =	vadd.f32 v23, v17;
	v23 =	vld [tilespmem:s24+$0x1C4A0]  }
0x335: {  	v3 =	vmul.f32 v3, v4;
	v4 =	vld [tilespmem:s5+$0x16060]  }
0x336: {  	v0 =	vmul.f32 v0, v2;
	v2 =	vadd.f32 v5, v33;
	v5 =	vld [tilespmem:s5+$0x18070]  }
0x337: {  	v33 =	vadd.f32 v41, v33;
	v41 =	vld [tilespmem:$0x1FFC0]  }
0x338: {  	[tilespmem:s2+$0x18050] =	vst v0;
	v0 =	vmul.f32 v2, v6;
	v6 =	vld [tilespmem:s5+$0x16070]  }
0x339: {  	[tilespmem:s2+$0x18060] =	vst v3;
	v3 =	vmul.f32 v24, v8;
	v8 =	vld [tilespmem:s5+$0x16080]  }
0x33a: {  	v2 =	vadd.f32 v9, v26;
	v9 =	vld [tilespmem:s5+$0x18090]  }
0x33b: {  	v24 =	vld [tilespmem:s24+$0x1C450]  }
0x33c: {  	[tilespmem:s2+$0x18070] =	vst v0;
	v0 =	vmul.f32 v2, v10;
	v10 =	vld [tilespmem:s5+$0x16090]  }
0x33d: {  	v2 =	vadd.f32 v18, v21;
	[tilespmem:s2+$0x18080] =	vst v3;
	v3 =	vmul.f32 v29, v12;
	v12 =	vld [tilespmem:s5+$0x160A0]  }
0x33e: {  	v29 =	vld [tilespmem:s5+$0x1C4B0]  }
0x33f: {  	v34 =	vor.u32 s2, v15;
	v18 =	vld [tilespmem:s24+$0x1C480];
	[tilespmem:s2+$0x18090] =	vst v0;
	v0 =	vmul.f32 v2, v27  }
0x340: {  	[tilespmem:s2+$0x180A0] =	vst v3;
	v3 =	vmul.f32 v30, v28;
	v30 =	vld [tilespmem:s5+$0x1C4A0]  }
0x341: {  	v28 =	vld [tilespmem:s5+$0x180B0];
	[tilespmem:s2+$0x180B0] =	vst v0  }
0x342: {  	v27 =	vld [tilespmem:s5+$0x1C4C0];
	[tilespmem:s2+$0x180C0] =	vst v3  }
0x343: {  	v43 =	vld.idx.msk [tilespmem:v32+s22+$0x0], $0xffff  }
0x344: {  	v55 =	vld.idx.msk [tilespmem:v34+s22+$0x0], $0xffff  }
0x345: {  	v2 =	vor.u32 s2, v14;
	v49 =	vld.idx.msk [tilespmem:v39+s22+$0x0], $0xffff  }
0x346: {  	v0 =	vor.u32 s2, v16;
	v48 =	vld.idx.msk [tilespmem:v40+s22+$0x0], $0xffff  }
0x347: {  	v3 =	vor.u32 s2, v1;
	v40 =	vld [tilespmem:s5+$0x1C450]  }
0x348: {  	v39 =	vld [tilespmem:s5+$0x1C460]  }
0x349: {  	v34 =	vld [tilespmem:s5+$0x1C490]  }
0x34a: {  	v45 =	vld.idx.msk [tilespmem:v2+s22+$0x0], $0xffff;
	v2 =	vor.u32 s2, v58  }
0x34b: {  	v52 =	vld.idx.msk [tilespmem:v0+s22+$0x0], $0xffff  }
0x34c: {  	v44 =	vld.idx.msk [tilespmem:v3+s22+$0x0], $0xffff  }
0x34d: {  	v3 =	vld [tilespmem:s5+$0x18060]  }
0x34e: {  	v0 =	vld [tilespmem:s5+$0x18050]  }
0x34f: {  	v46 =	vld.idx.msk [tilespmem:v2+s22+$0x0], $0xffff  }
0x350: {  	v2 =	vld [tilespmem:s5+$0x16050]  }
0x351: {  	s3 =	sor.u32 $0x3, s0;
	v32 =	vld [tilespmem:s5+$0x160B0]  }
0x352: {  	s12 =	sshll.u32 s3, $0x7;
	v58 =	vld [tilespmem:s24+$0x16050];
	v3 =	vadd.f32 v3, v39  }
0x353: {  	v43 =	vadd.f32 v45, v43;
	v45 =	vld [tilespmem:s12+$0x1C460];
	v0 =	vadd.f32 v0, v40  }
0x354: {  	v3 =	vmul.f32 v3, v4;
	v4 =	vadd.f32 v7, v36;
	v7 =	vld [tilespmem:s24+$0x16090]  }
0x355: {  	v59 =	vadd.f32 v59, v22;
	v0 =	vmul.f32 v0, v2;
	v2 =	vadd.f32 v5, v35;
	v5 =	vld [tilespmem:s24+$0x18090]  }
0x356: {  	v57 =	vadd.f32 v57, v24;
	[tilespmem:s5+$0x18060] =	vst v3;
	v3 =	vmul.f32 v4, v8;
	v8 =	vld [tilespmem:s24+$0x160A0]  }
0x357: {  	v4 =	vadd.f32 v11, v30;
	v11 =	vmul.f32 v59, v60;
	[tilespmem:s5+$0x18050] =	vst v0;
	v0 =	vmul.f32 v2, v6;
	v6 =	vld [tilespmem:s24+$0x180A0]  }
0x358: {  	v2 =	vadd.f32 v9, v34;
	v9 =	vmul.f32 v57, v58;
	v57 =	vld [tilespmem:s24+$0x160B0]  }
0x359: {  	[tilespmem:s24+$0x18060] =	vst v11;
	v11 =	vadd.f32 v55, v43;
	v55 =	vld [tilespmem:s12+$0x16060]  }
0x35a: {  	v47 =	vadd.f32 v47, v27;
	[tilespmem:s5+$0x18080] =	vst v3;
	v43 =	vld [tilespmem:s12+$0x1C470]  }
0x35b: {  	v3 =	vmul.f32 v4, v12;
	[tilespmem:s5+$0x18070] =	vst v0;
	v0 =	vmul.f32 v2, v10;
	v2 =	vadd.f32 v28, v29;
	v28 =	vld [tilespmem:s24+$0x1C4B0]  }
0x35c: {  	v10 =	vld [tilespmem:s24+$0x180B0]  }
0x35d: {  	v12 =	vadd.f32 v61, v20;
	[tilespmem:s5+$0x180A0] =	vst v3;
	v3 =	vmul.f32 v47, v56;
	v47 =	vld [tilespmem:s24+$0x180C0]  }
0x35e: {  	v56 =	vadd.f32 v63, v18;
	v63 =	vld [tilespmem:$0x1FFB0]  }
0x35f: {  	v60 =	vmul.f32 v12, v62;
	v12 =	vld [tilespmem:s24+$0x160C0]  }
0x360: {  	v4 =	vor.u32 s5, v14;
	[tilespmem:s5+$0x18090] =	vst v0;
	v0 =	vmul.f32 v2, v32;
	v2 =	vld [tilespmem:$0x1FF40]  }
0x361: {  	v58 =	vor.u32 s5, v1;
	v32 =	vld [tilespmem:s24+$0x1C4C0]  }
0x362: {  	v59 =	vor.u32 s5, v51;
	v11 =	vadd.f32 v52, v11;
	v61 =	vmul.f32 v56, v13;
	v13 =	vld [tilespmem:$0x1FF70]  }
0x363: {  	[tilespmem:s5+$0x180C0] =	vst v3;
	v56 =	vld [tilespmem:$0x1FF40]  }
0x364: {  	v11 =	vadd.f32 v44, v11;
	v44 =	vld [tilespmem:s12+$0x1C480];
	[tilespmem:s5+$0x180B0] =	vst v0  }
0x365: {  	v6 =	vadd.f32 v6, v23;
	v4 =	vld.idx.msk [tilespmem:v4+s22+$0x0], $0xffff  }
0x366: {  	v62 =	vadd.f32 v10, v28;
	v10 =	vld.idx.msk [tilespmem:v58+s22+$0x0], $0xffff  }
0x367: {  	v6 =	vmul.f32 v6, v8;
	v8 =	vld.idx.msk [tilespmem:v59+s22+$0x0], $0xffff  }
0x368: {  	v3 =	vor.u32 s5, v16;
	v58 =	vld [tilespmem:s12+$0x18080]  }
0x369: {  	v59 =	vld [tilespmem:s12+$0x16080]  }
0x36a: {  	v0 =	vor.u32 s5, v15;
	v11 =	vadd.f32 v49, v11;
	v49 =	vld [tilespmem:s12+$0x1C4B0]  }
0x36b: {  	[tilespmem:s24+$0x18070] =	vst v60;
	v60 =	vmul.f32 v62, v57;
	v57 =	vld [tilespmem:s12+$0x16070]  }
0x36c: {  	v11 =	vadd.f32 v46, v11;
	v46 =	vld [tilespmem:s12+$0x1C490]  }
0x36d: {  	v3 =	vld.idx.msk [tilespmem:v3+s22+$0x0], $0xffff  }
0x36e: {  	[tilespmem:s24+$0x18050] =	vst v9;
	v47 =	vadd.f32 v47, v32;
	v9 =	vor.u32 s24, v56;
	v56 =	vld [tilespmem:s12+$0x18070]  }
0x36f: {  	v5 =	vadd.f32 v5, v19;
	v2 =	vor.u32 s5, v2;
	v0 =	vld.idx.msk [tilespmem:v0+s22+$0x0], $0xffff  }
0x370: {  	v13 =	vor.u32 s5, v13;
	v62 =	vmul.f32 v47, v12;
	v47 =	vld [tilespmem:s12+$0x1C450]  }
0x371: {  	v5 =	vmul.f32 v5, v7;
	[tilespmem:s24+$0x18080] =	vst v61;
	v12 =	vld [tilespmem:s12+$0x16050]  }
0x372: {  	[tilespmem:s24+$0x180B0] =	vst v60;
	v60 =	vld [tilespmem:s12+$0x18090]  }
0x373: {  	[tilespmem:s24+$0x18090] =	vst v5;
	v11 =	vadd.f32 v48, v11;
	v48 =	vld [tilespmem:s12+$0x1C4A0]  }
0x374: {  	[tilespmem:s24+$0x180A0] =	vst v6;
	v2 =	vld.idx.msk [tilespmem:v2+s22+$0x0], $0xffff  }
0x375: {  	[tilespmem:s24+$0x180C0] =	vst v62;
	v5 =	vld.idx.msk [tilespmem:v13+s22+$0x0], $0xffff  }
0x376: {  	v61 =	vor.u32 s24, v14;
	v6 =	vld.idx.msk [tilespmem:v9+s22+$0x0], $0xffff  }
0x377: {  	v9 =	vld [tilespmem:s12+$0x18050]  }
0x378: {  	v13 =	vld [tilespmem:s12+$0x18060]  }
0x379: {  	v52 =	vmul.f32 $3.535533850e-01, v11;
	v11 =	vld [tilespmem:s12+$0x180A0]  }
0x37a: {  	v62 =	vld [tilespmem:s12+$0x180B0]  }
0x37b: {  	v7 =	vld.idx.msk [tilespmem:v61+s22+$0x0], $0xffff  }
0x37c: {  	v61 =	vld [tilespmem:s12+$0x16090];
	v2 =	vadd.f32 v4, v2;
	v4 =	vmul.f32 $1.442695020e+00, v52  }
0x37d: {  	v52 =	vld [tilespmem:s12+$0x1C4C0];
	v9 =	vadd.f32 v9, v47;
	v13 =	vadd.f32 v13, v45  }
0x37e: {  	v0 =	vadd.f32 v0, v2;
	v2 =	vld [tilespmem:s12+$0x160A0];
	(erf) = vpow2.f32 v4;
	v4 =	vor.u32 s24, v15  }
0x37f: {  	v9 =	vmul.f32 v9, v12;
	v12 =	vld [tilespmem:s12+$0x180C0]  }
0x380: {  	v13 =	vmul.f32 v13, v55;
	v55 =	vadd.f32 v58, v44;
	v58 =	vld [tilespmem:s12+$0x160B0]  }
0x381: {  	v0 =	vadd.f32 v3, v0;
	v3 =	vld [tilespmem:$0x1FF80]  }
0x382: {  	v11 =	vadd.f32 v11, v48;
	[tilespmem:s12+$0x18060] =	vst v13;
	v13 =	vmul.f32 v55, v59;
	v59 =	vld [tilespmem:$0x1FF80]  }
0x383: {  	v0 =	vadd.f32 v10, v0;
	v10 =	vadd.f32 v56, v43;
	v4 =	vld.idx.msk [tilespmem:v4+s22+$0x0], $0xffff  }
0x384: {  	[tilespmem:s12+$0x18080] =	vst v13;
	v13 =	vld [tilespmem:s2+$0x1A0B0]  }
0x385: {  	v2 =	vmul.f32 v11, v2;
	v0 =	vadd.f32 v8, v0;
	v8 =	vmul.f32 v10, v57;
	v10 =	vld [tilespmem:s12+$0x160C0]  }
0x386: {  	v60 =	vadd.f32 v60, v46;
	v55 =	vor.u32 s24, v1;
	v57 =	vadd.f32 v62, v49;
	v62 =	vld [tilespmem:$0x1FFA0]  }
0x387: {  	v56 =	vor.u32 s24, v16;
	[tilespmem:s12+$0x180A0] =	vst v2;
	v2 =	vld [tilespmem:s2+$0x1A0C0]  }
0x388: {  	v3 =	vor.u32 s5, v3;
	[tilespmem:s12+$0x18070] =	vst v8;
	v8 =	vmul.f32 v60, v61;
	v61 =	vld [tilespmem:$0x1FF90]  }
0x389: {  	[tilespmem:s12+$0x18050] =	vst v9;
	v9 =	vor.u32 s24, v51;
	v60 =	vadd.f32 v12, v52;
	v12 =	vld [tilespmem:$0x1FF40]  }
0x38a: {  	[tilespmem:s12+$0x18090] =	vst v8;
	v8 =	vmul.f32 v57, v58;
	v58 =	vld [tilespmem:$0x1FF70]  }
0x38b: {  	v11 =	vld.idx.msk [tilespmem:v55+s22+$0x0], $0xffff  }
0x38c: {  	v0 =	vadd.f32 v5, v0;
	v5 =	vld.idx.msk [tilespmem:v56+s22+$0x0], $0xffff;
	v56 =	vor.u32 s12, v14  }
0x38d: {  	v3 =	vld.idx.msk [tilespmem:v3+s22+$0x0], $0xffff;
	[tilespmem:s12+$0x180B0] =	vst v8;
	v8 =	vor.u32 s12, v15  }
0x38e: {  	v9 =	vld.idx.msk [tilespmem:v9+s22+$0x0], $0xffff;
	v60 =	vmul.f32 v60, v10;
	v12 =	vor.u32 s12, v12  }
0x38f: {  	v6 =	vadd.f32 v7, v6;
	v57 =	vld [tilespmem:$0x1FF60];
	v10 =	vor.u32 s24, v58  }
0x390: {  	v38 =	vadd.f32 v53, v38;
	v53 =	vor.u32 s12, v16;
	v55 =	vld [tilespmem:$0x1FD90];
	[tilespmem:s12+$0x180C0] =	vst v60  }
0x391: {  	v37 =	vadd.f32 v54, v37;
	v4 =	vadd.f32 v4, v6;
	v54 =	vld.idx.msk [tilespmem:v56+s22+$0x0], $0xffff  }
0x392: {  	v0 =	vadd.f32 v3, v0;
	v3 =	vpop (erf);
	v8 =	vld.idx.msk [tilespmem:v8+s22+$0x0], $0xffff  }
0x393: {  	v7 =	vor.u32 s24, v59;
	v4 =	vadd.f32 v5, v4;
	v12 =	vld.idx.msk [tilespmem:v12+s22+$0x0], $0xffff;
	v60 =	vperm.xlane v3, v61  }
0x394: {  	v31 =	vadd.f32 v50, v31;
	v6 =	vperm.xlane v3, v57;
	v0 =	vmul.f32 $3.535533850e-01, v0;
	v10 =	vld.idx.msk [tilespmem:v10+s22+$0x0], $0xffff  }
0x395: {  	v4 =	vadd.f32 v11, v4;
	v5 =	vmul.f32 v60, v37;
	v60 =	vperm.xlane v3, v63;
	v37 =	vld.idx.msk [tilespmem:v53+s22+$0x0], $0xffff  }
0x396: {  	v6 =	vmul.f32 v6, v38;
	v38 =	vor.u32 s12, v1;
	v53 =	vld [tilespmem:$0x1FFD0];
	v0 =	vmul.f32 $1.442695020e+00, v0  }
0x397: {  	v4 =	vadd.f32 v9, v4;
	v9 =	vmul.f32 v60, v31;
	v60 =	vld [tilespmem:$0x1FD80]  }
0x398: {  	v11 =	vperm.xlane v3, v62;
	(erf) = vpow2.f32 v0;
	v0 =	vld.idx.msk [tilespmem:v7+s22+$0x0], $0xffff;
	v7 =	vor.u32 s12, v51  }
0x399: {  	v12 =	vadd.f32 v54, v12;
	v54 =	vld [tilespmem:$0x1FFE0]  }
0x39a: {  	v50 =	vor.u32 s12, v58;
	v11 =	vmul.f32 v11, v33;
	v33 =	vld [tilespmem:s5+$0x1A050]  }
0x39b: {  	v13 =	vadd.f32 v13, v21;
	v4 =	vadd.f32 v10, v4;
	v10 =	vld.idx.msk [tilespmem:v38+s22+$0x0], $0xffff  }
0x39c: {  	s4 =	sshll.u32 s0, $0x4;
	v25 =	vadd.f32 v55, v25;
	v31 =	vld [tilespmem:s5+$0x1A060];
	v8 =	vadd.f32 v8, v12;
	v12 =	vor.u32 s12, v59  }
0x39d: {  	s4 =	sand.u32 $0x3FFFFFF0, s4;
	v26 =	vadd.f32 v60, v26;
	v60 =	vperm.xlane v3, v41;
	v0 =	vadd.f32 v0, v4;
	v7 =	vld.idx.msk [tilespmem:v7+s22+$0x0], $0xffff  }
0x39e: {  	[tilespmem:s4+$0x1C050] =	vst v3;
	v8 =	vadd.f32 v37, v8;
	v37 =	vld [tilespmem:s5+$0x1A070];
	v4 =	vperm.xlane v3, v53;
	v21 =	vperm.xlane v3, v54  }
0x39f: {  	v2 =	vadd.f32 v2, v17;
	[tilespmem:s2+$0x18050] =	vst v6;
	v55 =	vmul.f32 v60, v26;
	v60 =	vld.idx.msk [tilespmem:v50+s22+$0x0], $0xffff;
	v0 =	vmul.f32 $3.535533850e-01, v0  }
0x3a0: {  	[tilespmem:s2+$0x18060] =	vst v5;
	v3 =	vperm.xlane v3, v42;
	v4 =	vmul.f32 v4, v25;
	v8 =	vadd.f32 v10, v8;
	v25 =	vld [tilespmem:s5+$0x1A080]  }
0x3a1: {  	[tilespmem:s2+$0x18070] =	vst v11;
	v33 =	vadd.f32 v33, v40;
	v12 =	vld.idx.msk [tilespmem:v12+s22+$0x0], $0xffff;
	v0 =	vmul.f32 $1.442695020e+00, v0  }
0x3a2: {  	[tilespmem:s2+$0x18080] =	vst v9;
	v21 =	vmul.f32 v21, v13;
	v2 =	vmul.f32 v3, v2;
	v11 =	vpop (erf);
	v7 =	vadd.f32 v7, v8  }
0x3a3: {  	v39 =	vadd.f32 v31, v39;
	v13 =	vld [tilespmem:s5+$0x1A090];
	[tilespmem:s2+$0x18090] =	vst v55;
	v38 =	vperm.xlane v11, v57;
	(erf) = vpow2.f32 v0  }
0x3a4: {  	v50 =	vld [tilespmem:s5+$0x1A0A0];
	[tilespmem:s2+$0x180B0] =	vst v21;
	v21 =	vperm.xlane v11, v62;
	v26 =	vperm.xlane v11, v63;
	v40 =	vadd.f32 v60, v7  }
0x3a5: {  	s13 =	sshll.u32 s13, $0x4;
	v55 =	vld [tilespmem:s5+$0x1A0B0];
	[tilespmem:s2+$0x180A0] =	vst v4;
	v0 =	vperm.xlane v11, v61;
	v3 =	vmul.f32 v38, v33;
	v60 =	vadd.f32 v37, v35  }
0x3a6: {  	s4 =	sand.u32 $0x3FFFFFF0, s13;
	[tilespmem:s2+$0x180C0] =	vst v2;
	v2 =	vadd.f32 v25, v36;
	v25 =	vld [tilespmem:s5+$0x1A0C0];
	v33 =	vperm.xlane v11, v53;
	v4 =	vadd.f32 v12, v40  }
0x3a7: {  	[tilespmem:s4+$0x1C050] =	vst v11;
	v0 =	vmul.f32 v0, v39;
	v6 =	vmul.f32 v21, v60  }
0x3a8: {  	v31 =	vadd.f32 v13, v34;
	v12 =	vperm.xlane v11, v41;
	[tilespmem:s5+$0x18050] =	vst v3;
	v3 =	vld [tilespmem:s24+$0x1A050];
	v4 =	vmul.f32 $3.535533850e-01, v4  }
0x3a9: {  	v7 =	vadd.f32 v50, v30;
	v34 =	vld [tilespmem:s24+$0x1A060];
	v35 =	vperm.xlane v11, v54;
	v2 =	vmul.f32 v26, v2;
	[tilespmem:s5+$0x18060] =	vst v0  }
0x3aa: {  	v38 =	vld [tilespmem:s24+$0x1A080];
	v5 =	vadd.f32 v55, v29;
	v0 =	vmul.f32 v12, v31;
	[tilespmem:s5+$0x18070] =	vst v6;
	v4 =	vmul.f32 $1.442695020e+00, v4  }
0x3ab: {  	v36 =	vperm.xlane v11, v42;
	v12 =	vld [tilespmem:s24+$0x1A070];
	[tilespmem:s5+$0x18080] =	vst v2;
	v2 =	vmul.f32 v33, v7;
	v37 =	vadd.f32 v25, v27  }
0x3ac: {  	v50 =	vld [tilespmem:s24+$0x1A0A0];
	[tilespmem:s5+$0x18090] =	vst v0;
	v0 =	vmul.f32 v35, v5;
	v39 =	vpop (erf);
	(erf) = vpow2.f32 v4  }
0x3ad: {  	v40 =	vld [tilespmem:s24+$0x1A090];
	[tilespmem:s5+$0x180A0] =	vst v2;
	v2 =	vmul.f32 v36, v37;
	v3 =	vadd.f32 v3, v24;
	v55 =	vperm.xlane v39, v57  }
0x3ae: {  	s1 =	sshll.u32 s1, $0x4;
	v21 =	vadd.f32 v34, v22;
	[tilespmem:s5+$0x180B0] =	vst v0;
	v0 =	vld [tilespmem:s24+$0x1A0B0];
	v22 =	vperm.xlane v39, v61  }
0x3af: {  	s1 =	sand.u32 $0x3FFFFFF0, s1;
	v9 =	vadd.f32 v38, v18;
	[tilespmem:s5+$0x180C0] =	vst v2;
	v26 =	vperm.xlane v39, v63;
	v2 =	vmul.f32 v55, v3;
	v3 =	vld [tilespmem:s24+$0x1A0C0]  }
0x3b0: {  	v24 =	vadd.f32 v12, v20;
	v25 =	vperm.xlane v39, v62;
	[tilespmem:s1+$0x1C050] =	vst v39;
	v8 =	vmul.f32 v22, v21  }
0x3b1: {  	v29 =	vld [tilespmem:s12+$0x1A050];
	v6 =	vadd.f32 v50, v23;
	v31 =	vperm.xlane v39, v53;
	v30 =	vmul.f32 v26, v9;
	[tilespmem:s24+$0x18050] =	vst v2  }
0x3b2: {  	v33 =	vld [tilespmem:s12+$0x1A060];
	v4 =	vadd.f32 v40, v19;
	v27 =	vperm.xlane v39, v41;
	v2 =	vmul.f32 v25, v24;
	[tilespmem:s24+$0x18060] =	vst v8  }
0x3b3: {  	v35 =	vld [tilespmem:s12+$0x1A070];
	v34 =	vperm.xlane v39, v54;
	v6 =	vmul.f32 v31, v6;
	v0 =	vadd.f32 v0, v28;
	[tilespmem:s24+$0x18080] =	vst v30  }
0x3b4: {  	v36 =	vld [tilespmem:s12+$0x1A080];
	v5 =	vperm.xlane v39, v42;
	[tilespmem:s24+$0x18070] =	vst v2;
	v2 =	vmul.f32 v27, v4;
	v3 =	vadd.f32 v3, v32  }
0x3b5: {  	v38 =	vld [tilespmem:s12+$0x1A0A0];
	[tilespmem:s24+$0x180A0] =	vst v6;
	v0 =	vmul.f32 v34, v0;
	v37 =	vpop (erf)  }
0x3b6: {  	v40 =	vadd.f32 v29, v47;
	[tilespmem:s24+$0x18090] =	vst v2;
	v2 =	vld [tilespmem:s12+$0x1A090];
	v3 =	vmul.f32 v5, v3;
	v39 =	vperm.xlane v37, v57  }
0x3b7: {  	s13 =	sshll.u32 s3, $0x4;
	v10 =	vadd.f32 v33, v45;
	[tilespmem:s24+$0x180B0] =	vst v0;
	v0 =	vld [tilespmem:s12+$0x1A0B0];
	v47 =	vperm.xlane v37, v61  }
0x3b8: {  	s1 =	sand.u32 $0x3FFFFFF0, s13;
	v7 =	vadd.f32 v35, v43;
	v50 =	vperm.xlane v37, v62;
	[tilespmem:s24+$0x180C0] =	vst v3;
	v3 =	vld [tilespmem:s12+$0x1A0C0];
	v6 =	vmul.f32 v39, v40  }
0x3b9: {  	v8 =	vadd.f32 v36, v44;
	v55 =	vperm.xlane v37, v63;
	[tilespmem:s1+$0x1C050] =	vst v37;
	v10 =	vmul.f32 v47, v10  }
0x3ba: {  	v62 =	vperm.xlane v37, v53;
	v5 =	vadd.f32 v38, v48;
	v57 =	vmul.f32 v50, v7;
	[tilespmem:s12+$0x18050] =	vst v6  }
0x3bb: {  	v61 =	vperm.xlane v37, v41;
	v8 =	vmul.f32 v55, v8;
	v2 =	vadd.f32 v2, v46;
	[tilespmem:s12+$0x18060] =	vst v10  }
0x3bc: {  	p0 =	slt.u32 s0, $0x1C;
	v63 =	vperm.xlane v37, v54;
	v5 =	vmul.f32 v62, v5;
	[tilespmem:s12+$0x18070] =	vst v57;
	v0 =	vadd.f32 v0, v49  }
.Ltmp3:
0x3bd: {  	v4 =	vperm.xlane v37, v42;
	[tilespmem:s12+$0x18080] =	vst v8;
	v2 =	vmul.f32 v61, v2;
	v3 =	vadd.f32 v3, v52;
	(pc) =	sbr.rel @p0 .LBB2_9-.Ltmp3, $4  }
0x3be: {  	[tilespmem:s12+$0x180A0] =	vst v5;
	v0 =	vmul.f32 v63, v0  }
0x3bf: {  	[tilespmem:s12+$0x18090] =	vst v2;
	v2 =	vmul.f32 v4, v3  }
0x3c0: {  	s24 =	sadd.s32 $0x4, s0;
	[tilespmem:s12+$0x180B0] =	vst v0  }
0x3c1: {  	v56 =	vmov v51;
	v60 =	vld [tilespmem:$0x1FF40];
	s0 =	smov.u32 s24;
	[tilespmem:s12+$0x180C0] =	vst v2  }
0x3c2: {  	s0 =	rddreg [dreg:$0x2]  }
0x3c3: {  	[spmem:s0] =	stream.indirect.scatter.add.f32 [tilespmem:s22], [sflag:$0x5], $0x80, s29, s25, $0xb8;
	[tilespmem:$0x1D450] =	vst v63  }
0x3c4: {  	s5 =	simm.s32 $0x1C050  }
0x3c5: {  	[spmem:s26] =	stream.indirect.scatter.add.f32 [tilespmem:s5], [sflag:$0x5], $0x10, s29, s25, $0xb8;
	[tilespmem:$0x1D450] =	vst v63  }
0x3c6: {  	_ =	swait.ge [sflag:s11], $0x1000  }
0x3c7: {  	[sflag:s11] =	ssyncset.done $0x0  }
0x3c8: {  	[sflag:s11] =	ssyncadd.s32 $0xFFFFF000  }
0x3c9: {  	_ =	swait.ge [sflag:s11], $0x200  }
0x3ca: {  	s12 =	sld [smem:$0x7F4];
	_ =	sdelay $0x2  }
0x3cb: {  	s0 =	sadd.s32 s31, s12  }
0x3cc: {  	[sflag:s11] =	ssyncset.done $0x0;
	s1 =	sshrl.u32 s0, $0x3  }
0x3cd: {  	s2 =	simm.s32 $0x4E200;
	[sflag:s11] =	ssyncadd.s32 $0xFFFFFE00;
	s1 =	sadd.s32 s6, s1  }
0x3ce: {  	[tilespmem:s19], [sflag:$0x7] =	stream.strided.gather [hbm4b:s1+s25], $0x40, s2, s25, $0x38;
	[tilespmem:$0x1D450] =	vst v63  }
0x3cf: {  	_ =	swait.ge [sflag:s23], $0x40  }
0x3d0: {  	[sflag:s23] =	ssyncset.done $0x0  }
0x3d1: {  	s13 =	simm.s32 $0x0;
	s1 =	sadd.s32 $0x9C40, s1;
	[sflag:s23] =	ssyncadd.s32 $0xFFFFFFC0  }
0x3d2: {  	[tilespmem:s20], [sflag:$0x7] =	stream.linear.gather [hbm4b:s1+s13], $0x20, $0x38;
	[tilespmem:$0x1D450] =	vst v63  }
0x3d3: {  	_ =	swait.ge [sflag:s23], $0x20  }
0x3d4: {  	[sflag:s23] =	ssyncset.done $0x0  }
0x3d5: {  	s3 =	simm.s32 $0x15FF0;
	[sflag:s23] =	ssyncadd.s32 $0xFFFFFFE0  }
0x3d6: {  	s4 =	simm.s32 $0x17050;
	s21 =	sadd.s32 $0x1, s21;
	s24 =	rddreg [dreg:$0x1]  }
0x3d7: {  	[tilespmem:s4], [sflag:$0x1] =	stream.indirect.gather [hbm4b:s24+s25], $0x80, s3, s25, $0xb8;
	[tilespmem:$0x1D450] =	vst v63  }
0x3d8: {  	p0 =	sne.s32 s21, $0x9B  }
0x3d9: {  	[tilespmem:s10], [sflag:$0x2] =	stream.indirect.gather [hbm4b:s7+s25], $0x80, s19, s25, $0xb8;
	[tilespmem:$0x1D450] =	vst v63  }
.Ltmp4:
0x3da: {  	s0 =	sshll.u32 s0, $0x4;
	(pc) =	sbr.rel @p0 .LBB2_6-.Ltmp4, $4  }
0x3db: {  	s31 =	simm.s32 $0x1B050;
	s0 =	sand.u32 $0x1FFFFF00, s0  }
0x3dc: {  	[tilespmem:s31], [sflag:$0x3] =	stream.indirect.gather [hbm4b:s8+s25], $0x80, s19, s25, $0xb8;
	[tilespmem:$0x1D450] =	vst v63  }
0x3dd: {  	s0 =	sadd.s32 s9, s0  }
0x3de: {  	[tilespmem:s14], [sflag:$0x4] =	stream.linear.gather [hbm4b:s0+s13], $0x1000, $0x38;
	[tilespmem:$0x1D450] =	vst v63  }
0x3df: {  	_ =	swait.ge [sflag:s15], $0x1000  }
0x3e0: {  	[sflag:s15] =	ssyncset.done $0x0  }
0x3e1: {  	[sflag:s15] =	ssyncadd.s32 $0xFFFFF000  }
0x3e2: {  	_ =	swait.ge [sflag:s16], $0x1000  }
0x3e3: {  	[sflag:s16] =	ssyncset.done $0x0  }
0x3e4: {  	[sflag:s16] =	ssyncadd.s32 $0xFFFFF000  }
0x3e5: {  	_ =	swait.ge [sflag:s17], $0x1000  }
0x3e6: {  	[sflag:s17] =	ssyncset.done $0x0  }
0x3e7: {  	[sflag:s17] =	ssyncadd.s32 $0xFFFFF000  }
0x3e8: {  	_ =	swait.ge [sflag:s18], $0x1000  }
0x3e9: {  	v57 =	vld [tilespmem:$0x1FF00]  }
0x3ea: {  	v55 =	vld [tilespmem:$0x1FF10]  }
0x3eb: {  	v58 =	vld [tilespmem:$0x1FF20]  }
0x3ec: {  	v56 =	vld [tilespmem:$0x1FF30]  }
0x3ed: {  	v59 =	vld [tilespmem:$0x1FF50]  }
0x3ee: {  	v62 =	vld [tilespmem:$0x1FF70]  }
0x3ef: {  	v63 =	vld [tilespmem:$0x1FF80]  }
0x3f0: {  	[sflag:s18] =	ssyncset.done $0x0;
	v12 =	vld [tilespmem:$0x1FF90]  }
0x3f1: {  	s0 =	simm.s32 $0x0;
	v7 =	vld [tilespmem:$0x1FFE0];
	[sflag:s18] =	ssyncadd.s32 $0xFFFFF000  }
.LBB2_12:
0x3f2: {  	s2 =	sshll.u32 s0, $0x7  }
0x3f3: {  	v38 =	vld [tilespmem:s2+$0x1C450]  }
0x3f4: {  	v0 =	vld [tilespmem:s2+$0x19050]  }
0x3f5: {  	v2 =	vld [tilespmem:s2+$0x17050]  }
0x3f6: {  	v37 =	vld [tilespmem:s2+$0x1C460]  }
0x3f7: {  	v3 =	vld [tilespmem:s2+$0x19060]  }
0x3f8: {  	v4 =	vld [tilespmem:s2+$0x17060]  }
0x3f9: {  	v33 =	vld [tilespmem:s2+$0x1C470]  }
0x3fa: {  	v5 =	vld [tilespmem:s2+$0x19070]  }
0x3fb: {  	v6 =	vld [tilespmem:s2+$0x17070]  }
0x3fc: {  	v31 =	vld [tilespmem:s2+$0x1C480]  }
0x3fd: {  	v42 =	vmov v7;
	v7 =	vld [tilespmem:s2+$0x19080]  }
0x3fe: {  	v8 =	vld [tilespmem:s2+$0x17080]  }
0x3ff: {  	v26 =	vld [tilespmem:s2+$0x1C490]  }
0x400: {  	v9 =	vld [tilespmem:s2+$0x19090]  }
0x401: {  	v10 =	vld [tilespmem:s2+$0x17090]  }
0x402: {  	v25 =	vld [tilespmem:s2+$0x1C4A0]  }
0x403: {  	v11 =	vld [tilespmem:s2+$0x190A0]  }
0x404: {  	v41 =	vmov v12;
	v12 =	vld [tilespmem:s2+$0x170A0]  }
0x405: {  	v21 =	vld [tilespmem:s2+$0x1C4B0]  }
0x406: {  	v13 =	vld [tilespmem:s2+$0x190B0]  }
0x407: {  	v17 =	vld [tilespmem:s2+$0x1C4C0]  }
0x408: {  	v54 =	vld [tilespmem:s2+$0x1B060]  }
0x409: {  	s13 =	sor.u32 $0x1, s0;
	v50 =	vld [tilespmem:s2+$0x1B070]  }
0x40a: {  	v1 =	vld [tilespmem:s2+$0x1B080];
	s5 =	sshll.u32 s13, $0x7  }
0x40b: {  	v40 =	vld [tilespmem:s5+$0x1C450]  }
0x40c: {  	v39 =	vld [tilespmem:s5+$0x1C460]  }
0x40d: {  	v35 =	vld [tilespmem:s5+$0x1C470]  }
0x40e: {  	v36 =	vld [tilespmem:s5+$0x1C480]  }
0x40f: {  	v34 =	vld [tilespmem:s5+$0x1C490]  }
0x410: {  	v30 =	vld [tilespmem:s5+$0x1C4A0]  }
0x411: {  	v29 =	vld [tilespmem:s5+$0x1C4B0]  }
0x412: {  	v32 =	vld [tilespmem:s5+$0x170B0]  }
0x413: {  	v27 =	vld [tilespmem:s5+$0x1C4C0]  }
0x414: {  	s1 =	sor.u32 $0x2, s0;
	v28 =	vld [tilespmem:s5+$0x190C0]  }
0x415: {  	s21 =	sshll.u32 s1, $0x7;
	v47 =	vld [tilespmem:s5+$0x170C0]  }
0x416: {  	v24 =	vld [tilespmem:s21+$0x1C450]  }
0x417: {  	v22 =	vld [tilespmem:s21+$0x1C460]  }
0x418: {  	v20 =	vld [tilespmem:s21+$0x1C470]  }
0x419: {  	v61 =	vld [tilespmem:s21+$0x17070]  }
0x41a: {  	v18 =	vld [tilespmem:s21+$0x1C480]  }
0x41b: {  	v19 =	vld [tilespmem:s21+$0x1C490]  }
0x41c: {  	v23 =	vld [tilespmem:s21+$0x1C4A0];
	v0 =	vadd.f32 v0, v38  }
0x41d: {  	v3 =	vadd.f32 v3, v37;
	[tilespmem:$0x1FD50] =	vst v1;
	v1 =	vld [tilespmem:s2+$0x1B090]  }
0x41e: {  	v0 =	vmul.f32 v0, v2;
	v2 =	vadd.f32 v5, v33;
	v5 =	vld [tilespmem:s2+$0x190C0]  }
0x41f: {  	v3 =	vmul.f32 v3, v4;
	v4 =	vadd.f32 v7, v31;
	v7 =	vld [tilespmem:s2+$0x170B0]  }
0x420: {  	[tilespmem:s2+$0x19050] =	vst v0;
	v0 =	vmul.f32 v2, v6;
	v6 =	vld [tilespmem:s2+$0x170C0]  }
0x421: {  	[tilespmem:s2+$0x19060] =	vst v3;
	v3 =	vmul.f32 v4, v8;
	v8 =	vld [tilespmem:s5+$0x17080]  }
0x422: {  	v2 =	vadd.f32 v9, v26;
	v9 =	vld [tilespmem:s5+$0x19090]  }
0x423: {  	v4 =	vadd.f32 v11, v25;
	v11 =	vld [tilespmem:s5+$0x190A0]  }
0x424: {  	[tilespmem:$0x1FD60] =	vst v1;
	v1 =	vld [tilespmem:s2+$0x1B0A0]  }
0x425: {  	[tilespmem:s2+$0x19070] =	vst v0;
	v0 =	vmul.f32 v2, v10;
	v10 =	vld [tilespmem:s5+$0x17090]  }
0x426: {  	[tilespmem:s2+$0x19080] =	vst v3;
	v3 =	vmul.f32 v4, v12;
	v12 =	vld [tilespmem:s5+$0x170A0]  }
0x427: {  	v2 =	vadd.f32 v13, v21;
	v13 =	vld [tilespmem:s5+$0x190B0]  }
0x428: {  	v14 =	vmov v60;
	v4 =	vadd.f32 v5, v17;
	v5 =	vor.u32 s2, v60;
	v60 =	vld [tilespmem:s21+$0x19070]  }
0x429: {  	[tilespmem:s2+$0x19090] =	vst v0;
	v0 =	vmul.f32 v2, v7;
	v7 =	vld [tilespmem:s5+$0x19080]  }
0x42a: {  	v15 =	vmov v57;
	v2 =	vor.u32 s2, v57;
	[tilespmem:s2+$0x190A0] =	vst v3;
	v57 =	vld [tilespmem:s21+$0x17050]  }
0x42b: {  	v3 =	vmul.f32 v4, v6;
	v4 =	vor.u32 s2, v55;
	v6 =	vld [tilespmem:s5+$0x17070];
	[tilespmem:s2+$0x190B0] =	vst v0  }
0x42c: {  	v0 =	vor.u32 s2, v58;
	[tilespmem:$0x1FD70] =	vst v1;
	v1 =	vmov v58;
	v58 =	vld [tilespmem:s21+$0x19060]  }
0x42d: {  	v51 =	vmov v56;
	[tilespmem:s2+$0x190C0] =	vst v3;
	v3 =	vor.u32 s2, v56;
	v56 =	vld [tilespmem:s21+$0x19050]  }
0x42e: {  	v43 =	vld.idx.msk [tilespmem:v5+s10+$0x0], $0xffff  }
0x42f: {  	v45 =	vld.idx.msk [tilespmem:v2+s10+$0x0], $0xffff  }
0x430: {  	v16 =	vmov v55;
	v5 =	vor.u32 s2, v59;
	v55 =	vld.idx.msk [tilespmem:v4+s10+$0x0], $0xffff  }
0x431: {  	v52 =	vld.idx.msk [tilespmem:v0+s10+$0x0], $0xffff  }
0x432: {  	v2 =	vor.u32 s2, v62;
	v0 =	vld [tilespmem:s5+$0x19050]  }
0x433: {  	v44 =	vld.idx.msk [tilespmem:v3+s10+$0x0], $0xffff  }
0x434: {  	v4 =	vor.u32 s2, v63;
	v3 =	vld [tilespmem:s5+$0x19060]  }
0x435: {  	v49 =	vld.idx.msk [tilespmem:v5+s10+$0x0], $0xffff  }
0x436: {  	v5 =	vld [tilespmem:s5+$0x19070]  }
0x437: {  	v46 =	vld.idx.msk [tilespmem:v2+s10+$0x0], $0xffff  }
0x438: {  	v2 =	vld [tilespmem:s5+$0x17050]  }
0x439: {  	v48 =	vld.idx.msk [tilespmem:v4+s10+$0x0], $0xffff  }
0x43a: {  	v4 =	vld [tilespmem:s5+$0x17060]  }
0x43b: {  	v59 =	vld [tilespmem:s21+$0x17060]  }
0x43c: {  	v62 =	vld [tilespmem:s21+$0x19080];
	v0 =	vadd.f32 v0, v40  }
0x43d: {  	v63 =	vld [tilespmem:s21+$0x17080];
	v3 =	vadd.f32 v3, v39  }
0x43e: {  	v0 =	vmul.f32 v0, v2;
	v2 =	vadd.f32 v5, v35;
	v5 =	vld [tilespmem:s21+$0x19090]  }
0x43f: {  	v56 =	vadd.f32 v56, v24;
	v3 =	vmul.f32 v3, v4;
	v4 =	vadd.f32 v7, v36;
	v7 =	vld [tilespmem:s21+$0x17090]  }
0x440: {  	[tilespmem:s5+$0x19050] =	vst v0;
	v0 =	vmul.f32 v2, v6;
	v6 =	vld [tilespmem:s21+$0x190A0]  }
0x441: {  	v2 =	vadd.f32 v9, v34;
	v9 =	vmul.f32 v56, v57;
	v56 =	vld [tilespmem:s21+$0x170B0]  }
0x442: {  	[tilespmem:s5+$0x19060] =	vst v3;
	v3 =	vmul.f32 v4, v8;
	v8 =	vld [tilespmem:s21+$0x170A0]  }
0x443: {  	v4 =	vadd.f32 v11, v30;
	[tilespmem:s5+$0x19070] =	vst v0;
	v0 =	vmul.f32 v2, v10;
	v10 =	vld [tilespmem:s21+$0x190B0]  }
0x444: {  	v2 =	vadd.f32 v13, v29;
	v13 =	vld [tilespmem:s21+$0x190C0]  }
0x445: {  	[tilespmem:s5+$0x19080] =	vst v3;
	v3 =	vmul.f32 v4, v12;
	v4 =	vadd.f32 v28, v27;
	v28 =	vld [tilespmem:s21+$0x1C4B0]  }
0x446: {  	[tilespmem:s21+$0x19050] =	vst v9;
	v12 =	vadd.f32 v60, v20;
	v60 =	vadd.f32 v62, v18;
	v62 =	vld [tilespmem:$0x1FF50]  }
0x447: {  	v58 =	vadd.f32 v58, v22;
	[tilespmem:s5+$0x19090] =	vst v0;
	v0 =	vmul.f32 v2, v32;
	v32 =	vld [tilespmem:s21+$0x1C4C0]  }
0x448: {  	v57 =	vor.u32 s5, v51;
	[tilespmem:s5+$0x190A0] =	vst v3;
	v3 =	vmul.f32 v4, v47;
	v9 =	vmul.f32 v12, v61;
	v12 =	vld [tilespmem:s21+$0x170C0]  }
0x449: {  	s3 =	sor.u32 $0x3, s0;
	v11 =	vmul.f32 v58, v59;
	v59 =	vmul.f32 v60, v63;
	v63 =	vld [tilespmem:$0x1FF80];
	[tilespmem:s5+$0x190B0] =	vst v0  }
0x44a: {  	s12 =	sshll.u32 s3, $0x7;
	v60 =	vld [tilespmem:$0x1FF70];
	[tilespmem:s5+$0x190C0] =	vst v3  }
0x44b: {  	v5 =	vadd.f32 v5, v19;
	[tilespmem:s21+$0x19070] =	vst v9;
	v9 =	vld [tilespmem:s12+$0x19050]  }
0x44c: {  	v2 =	vor.u32 s5, v14;
	[tilespmem:s21+$0x19080] =	vst v59;
	v59 =	vld [tilespmem:s12+$0x17080]  }
0x44d: {  	v5 =	vmul.f32 v5, v7;
	v7 =	vadd.f32 v10, v28;
	v10 =	vld.idx.msk [tilespmem:v57+s10+$0x0], $0xffff  }
0x44e: {  	v4 =	vor.u32 s5, v15;
	v58 =	vor.u32 s5, v62;
	v62 =	vadd.f32 v45, v43;
	v45 =	vld [tilespmem:s12+$0x1C460]  }
0x44f: {  	v43 =	vld [tilespmem:s12+$0x1C470]  }
0x450: {  	v6 =	vadd.f32 v6, v23;
	v57 =	vld [tilespmem:s12+$0x17070]  }
0x451: {  	v2 =	vld.idx.msk [tilespmem:v2+s10+$0x0], $0xffff  }
0x452: {  	v6 =	vmul.f32 v6, v8;
	v8 =	vadd.f32 v13, v32;
	v13 =	vld [tilespmem:s12+$0x19060]  }
0x453: {  	v0 =	vor.u32 s5, v16;
	v4 =	vld.idx.msk [tilespmem:v4+s10+$0x0], $0xffff  }
0x454: {  	[tilespmem:s21+$0x19060] =	vst v11;
	v11 =	vadd.f32 v55, v62;
	v55 =	vld [tilespmem:s12+$0x17060]  }
0x455: {  	v3 =	vor.u32 s5, v1;
	[tilespmem:s21+$0x19090] =	vst v5;
	v5 =	vmul.f32 v7, v56;
	v56 =	vld [tilespmem:s12+$0x19070]  }
0x456: {  	v47 =	vor.u32 s5, v60;
	v60 =	vld [tilespmem:s12+$0x19090]  }
0x457: {  	v62 =	vld [tilespmem:s12+$0x190B0]  }
0x458: {  	v0 =	vld.idx.msk [tilespmem:v0+s10+$0x0], $0xffff  }
0x459: {  	v61 =	vor.u32 s21, v14;
	[tilespmem:s21+$0x190A0] =	vst v6;
	v6 =	vmul.f32 v8, v12;
	v12 =	vld [tilespmem:s12+$0x17050]  }
0x45a: {  	v3 =	vld.idx.msk [tilespmem:v3+s10+$0x0], $0xffff  }
0x45b: {  	v11 =	vadd.f32 v52, v11;
	v52 =	vld [tilespmem:s12+$0x1C4C0]  }
0x45c: {  	[tilespmem:s21+$0x190B0] =	vst v5;
	v8 =	vld.idx.msk [tilespmem:v58+s10+$0x0], $0xffff  }
0x45d: {  	v7 =	vor.u32 s21, v15;
	[tilespmem:s21+$0x190C0] =	vst v6;
	v58 =	vld [tilespmem:s12+$0x19080];
	v11 =	vadd.f32 v44, v11  }
0x45e: {  	v6 =	vld.idx.msk [tilespmem:v61+s10+$0x0], $0xffff  }
0x45f: {  	v44 =	vld [tilespmem:s12+$0x1C480];
	v11 =	vadd.f32 v49, v11  }
0x460: {  	v61 =	vld [tilespmem:s12+$0x17090]  }
0x461: {  	v5 =	vld.idx.msk [tilespmem:v47+s10+$0x0], $0xffff;
	v11 =	vadd.f32 v46, v11  }
0x462: {  	v7 =	vld.idx.msk [tilespmem:v7+s10+$0x0], $0xffff  }
0x463: {  	v47 =	vld [tilespmem:s12+$0x1C450];
	v2 =	vadd.f32 v4, v2;
	v11 =	vadd.f32 v48, v11  }
0x464: {  	v49 =	vld [tilespmem:s12+$0x1C4B0]  }
0x465: {  	v13 =	vadd.f32 v13, v45;
	v0 =	vadd.f32 v0, v2;
	v2 =	vld [tilespmem:s12+$0x170A0];
	v4 =	vmul.f32 $3.535533850e-01, v11  }
0x466: {  	v46 =	vld [tilespmem:s12+$0x1C490]  }
0x467: {  	v13 =	vmul.f32 v13, v55;
	v55 =	vadd.f32 v58, v44;
	v58 =	vld [tilespmem:s12+$0x170B0];
	v4 =	vmul.f32 $1.442695020e+00, v4  }
0x468: {  	v0 =	vadd.f32 v3, v0;
	v48 =	vld [tilespmem:s12+$0x1C4A0];
	v9 =	vadd.f32 v9, v47  }
0x469: {  	[tilespmem:s12+$0x19060] =	vst v13;
	v13 =	vmul.f32 v55, v59;
	v59 =	vld [tilespmem:$0x1FF50];
	(erf) = vpow2.f32 v4;
	v4 =	vor.u32 s21, v16  }
0x46a: {  	v3 =	vor.u32 s5, v63;
	v0 =	vadd.f32 v10, v0;
	v10 =	vadd.f32 v56, v43;
	v11 =	vld [tilespmem:s12+$0x190A0]  }
0x46b: {  	v56 =	vor.u32 s21, v1;
	v9 =	vmul.f32 v9, v12;
	v12 =	vld [tilespmem:s12+$0x190C0]  }
0x46c: {  	v0 =	vadd.f32 v8, v0;
	v8 =	vmul.f32 v10, v57;
	v10 =	vld [tilespmem:s12+$0x170C0]  }
0x46d: {  	v57 =	vadd.f32 v62, v49;
	v62 =	vld [tilespmem:$0x1FF70]  }
0x46e: {  	v4 =	vld.idx.msk [tilespmem:v4+s10+$0x0], $0xffff  }
0x46f: {  	v37 =	vadd.f32 v54, v37;
	[tilespmem:s12+$0x19050] =	vst v9;
	v9 =	vadd.f32 v60, v46;
	v3 =	vld.idx.msk [tilespmem:v3+s10+$0x0], $0xffff  }
0x470: {  	v0 =	vadd.f32 v5, v0;
	v5 =	vld.idx.msk [tilespmem:v56+s10+$0x0], $0xffff;
	v11 =	vadd.f32 v11, v48  }
0x471: {  	v53 =	vld [tilespmem:s2+$0x1B050];
	v6 =	vadd.f32 v7, v6;
	v55 =	vor.u32 s21, v51;
	[tilespmem:s12+$0x19070] =	vst v8;
	v8 =	vmul.f32 v9, v61  }
0x472: {  	v33 =	vadd.f32 v50, v33;
	v50 =	vld [tilespmem:$0x1FD50];
	v2 =	vmul.f32 v11, v2;
	v11 =	vadd.f32 v12, v52  }
0x473: {  	v61 =	vld [tilespmem:$0x1FF60];
	v9 =	vor.u32 s21, v59;
	[tilespmem:s12+$0x19090] =	vst v8;
	v8 =	vmul.f32 v57, v58;
	v4 =	vadd.f32 v4, v6  }
0x474: {  	[tilespmem:s12+$0x19080] =	vst v13;
	v13 =	vld [tilespmem:s2+$0x1B0B0];
	v12 =	vor.u32 s12, v14;
	v0 =	vadd.f32 v3, v0;
	v7 =	vmul.f32 v11, v10;
	v3 =	vpop (erf)  }
0x475: {  	[tilespmem:s12+$0x190A0] =	vst v2;
	v2 =	vld [tilespmem:s2+$0x1B0C0];
	v10 =	vor.u32 s21, v62;
	v4 =	vadd.f32 v5, v4;
	v5 =	vperm.xlane v3, v41  }
0x476: {  	v56 =	vor.u32 s12, v15;
	v11 =	vld.idx.msk [tilespmem:v55+s10+$0x0], $0xffff  }
0x477: {  	[tilespmem:s12+$0x190B0] =	vst v8;
	v5 =	vmul.f32 v5, v37;
	v37 =	vld [tilespmem:$0x1FFA0]  }
0x478: {  	v38 =	vadd.f32 v53, v38;
	v8 =	vor.u32 s12, v16;
	v9 =	vld.idx.msk [tilespmem:v9+s10+$0x0], $0xffff;
	[tilespmem:s12+$0x190C0] =	vst v7;
	v6 =	vperm.xlane v3, v61  }
0x479: {  	v7 =	vor.u32 s21, v63;
	v12 =	vld.idx.msk [tilespmem:v12+s10+$0x0], $0xffff  }
0x47a: {  	v0 =	vmul.f32 $3.535533850e-01, v0;
	v10 =	vld.idx.msk [tilespmem:v10+s10+$0x0], $0xffff;
	v6 =	vmul.f32 v6, v38;
	v38 =	vor.u32 s12, v51  }
0x47b: {  	v54 =	vld.idx.msk [tilespmem:v56+s10+$0x0], $0xffff;
	v4 =	vadd.f32 v11, v4  }
0x47c: {  	v53 =	vor.u32 s12, v1;
	v0 =	vmul.f32 $1.442695020e+00, v0;
	v11 =	vperm.xlane v3, v37;
	v37 =	vld [tilespmem:$0x1FFB0]  }
0x47d: {  	v8 =	vld.idx.msk [tilespmem:v8+s10+$0x0], $0xffff;
	v4 =	vadd.f32 v9, v4  }
0x47e: {  	(erf) = vpow2.f32 v0;
	v0 =	vld.idx.msk [tilespmem:v7+s10+$0x0], $0xffff  }
0x47f: {  	v4 =	vadd.f32 v10, v4;
	v10 =	vld.idx.msk [tilespmem:v38+s10+$0x0], $0xffff  }
0x480: {  	v38 =	vld [tilespmem:$0x1FD70]  }
0x481: {  	v7 =	vor.u32 s12, v59;
	v9 =	vperm.xlane v3, v37;
	v37 =	vld.idx.msk [tilespmem:v53+s10+$0x0], $0xffff  }
0x482: {  	s4 =	sshll.u32 s0, $0x4;
	v31 =	vadd.f32 v50, v31;
	v53 =	vld [tilespmem:$0x1FFC0]  }
0x483: {  	s4 =	sand.u32 $0x3FFFFFF0, s4;
	v13 =	vadd.f32 v13, v21;
	v21 =	vperm.xlane v3, v42;
	v12 =	vadd.f32 v54, v12;
	v54 =	vld [tilespmem:$0x1FFD0]  }
0x484: {  	[tilespmem:s4+$0x1C250] =	vst v3;
	v9 =	vmul.f32 v9, v31;
	v31 =	vld [tilespmem:$0x1FD60]  }
0x485: {  	v8 =	vadd.f32 v8, v12;
	v12 =	vor.u32 s12, v63;
	[tilespmem:s2+$0x19060] =	vst v5;
	v5 =	vmul.f32 v21, v13;
	v21 =	vld [tilespmem:$0x1FFF0]  }
0x486: {  	v50 =	vor.u32 s12, v62;
	v7 =	vld.idx.msk [tilespmem:v7+s10+$0x0], $0xffff  }
0x487: {  	v11 =	vmul.f32 v11, v33;
	v33 =	vld [tilespmem:s5+$0x1B050];
	v25 =	vadd.f32 v38, v25;
	v38 =	vperm.xlane v3, v53  }
0x488: {  	v8 =	vadd.f32 v37, v8  }
0x489: {  	v2 =	vadd.f32 v2, v17;
	v17 =	vld [tilespmem:$0x1FFB0];
	v26 =	vadd.f32 v31, v26  }
0x48a: {  	v0 =	vadd.f32 v0, v4;
	v4 =	vperm.xlane v3, v54;
	v12 =	vld.idx.msk [tilespmem:v12+s10+$0x0], $0xffff;
	v8 =	vadd.f32 v10, v8  }
0x48b: {  	[tilespmem:s2+$0x19050] =	vst v6;
	v3 =	vperm.xlane v3, v21;
	v31 =	vld [tilespmem:s5+$0x1B060];
	v6 =	vmul.f32 v38, v26;
	v38 =	vpop (erf)  }
0x48c: {  	v26 =	vld.idx.msk [tilespmem:v50+s10+$0x0], $0xffff;
	v50 =	vadd.f32 v33, v40;
	v7 =	vadd.f32 v7, v8;
	v8 =	vperm.xlane v38, v61  }
0x48d: {  	v0 =	vmul.f32 $3.535533850e-01, v0;
	v37 =	vld [tilespmem:s5+$0x1B070]  }
0x48e: {  	v2 =	vmul.f32 v3, v2;
	v3 =	vmul.f32 v8, v50;
	v8 =	vld [tilespmem:$0x1FFA0]  }
0x48f: {  	v0 =	vmul.f32 $1.442695020e+00, v0;
	v4 =	vmul.f32 v4, v25;
	v25 =	vld [tilespmem:s5+$0x1B080]  }
0x490: {  	v13 =	vld [tilespmem:s5+$0x1B090];
	[tilespmem:s2+$0x190B0] =	vst v5  }
0x491: {  	v5 =	vld [tilespmem:s5+$0x1B0B0];
	(erf) = vpow2.f32 v0;
	v0 =	vperm.xlane v38, v41;
	[tilespmem:s2+$0x19090] =	vst v6;
	v6 =	vadd.f32 v31, v39  }
0x492: {  	[tilespmem:s2+$0x190A0] =	vst v4;
	v4 =	vadd.f32 v26, v7;
	v7 =	vld [tilespmem:s5+$0x1B0A0]  }
0x493: {  	s31 =	sshll.u32 s13, $0x4;
	v0 =	vmul.f32 v0, v6;
	v6 =	vadd.f32 v37, v35;
	v8 =	vperm.xlane v38, v8  }
0x494: {  	s13 =	sand.u32 $0x3FFFFFF0, s31;
	[tilespmem:s2+$0x190C0] =	vst v2;
	v2 =	vadd.f32 v25, v36;
	v25 =	vld [tilespmem:s5+$0x1B0C0];
	v26 =	vperm.xlane v38, v17;
	v4 =	vadd.f32 v12, v4  }
0x495: {  	[tilespmem:s13+$0x1C250] =	vst v38;
	v12 =	vperm.xlane v38, v53;
	v6 =	vmul.f32 v8, v6;
	v8 =	vadd.f32 v13, v34  }
0x496: {  	v5 =	vadd.f32 v5, v29;
	[tilespmem:s5+$0x19050] =	vst v3;
	v3 =	vld [tilespmem:s21+$0x1B050];
	v2 =	vmul.f32 v26, v2;
	v4 =	vmul.f32 $3.535533850e-01, v4  }
0x497: {  	[tilespmem:s5+$0x19060] =	vst v0;
	v13 =	vld [tilespmem:$0x1FFA0];
	v7 =	vadd.f32 v7, v30;
	v0 =	vmul.f32 v12, v8;
	v8 =	vperm.xlane v38, v54  }
0x498: {  	v4 =	vmul.f32 $1.442695020e+00, v4;
	[tilespmem:s5+$0x19070] =	vst v6;
	v6 =	vperm.xlane v38, v42;
	v12 =	vld [tilespmem:s21+$0x1B070]  }
0x499: {  	[tilespmem:s5+$0x19080] =	vst v2;
	v30 =	vld [tilespmem:s21+$0x1B060];
	v2 =	vmul.f32 v8, v7;
	v7 =	vperm.xlane v38, v21;
	v8 =	vadd.f32 v25, v27  }
0x49a: {  	[tilespmem:s5+$0x19090] =	vst v0;
	v0 =	vmul.f32 v6, v5;
	v5 =	vpop (erf);
	(erf) = vpow2.f32 v4;
	v4 =	vld [tilespmem:s21+$0x1B090]  }
0x49b: {  	v31 =	vld [tilespmem:s21+$0x1B080];
	v3 =	vadd.f32 v3, v24;
	[tilespmem:s5+$0x190A0] =	vst v2;
	v2 =	vmul.f32 v7, v8;
	v7 =	vperm.xlane v5, v61  }
0x49c: {  	s1 =	sshll.u32 s1, $0x4;
	v6 =	vld [tilespmem:s21+$0x1B0A0];
	[tilespmem:s5+$0x190B0] =	vst v0  }
0x49d: {  	s1 =	sand.u32 $0x3FFFFFF0, s1;
	v34 =	vperm.xlane v5, v13;
	v0 =	vld [tilespmem:s21+$0x1B0B0];
	[tilespmem:s5+$0x190C0] =	vst v2;
	v2 =	vmul.f32 v7, v3;
	v7 =	vadd.f32 v12, v20  }
0x49e: {  	v33 =	vperm.xlane v5, v41;
	v35 =	vperm.xlane v5, v17;
	v8 =	vadd.f32 v30, v22;
	v3 =	vld [tilespmem:s21+$0x1B0C0];
	[tilespmem:s1+$0x1C250] =	vst v5  }
0x49f: {  	v4 =	vadd.f32 v4, v19;
	[tilespmem:s21+$0x19050] =	vst v2;
	v2 =	vmul.f32 v34, v7;
	v7 =	vperm.xlane v5, v53  }
0x4a0: {  	[tilespmem:s2+$0x19080] =	vst v9;
	v9 =	vadd.f32 v31, v18;
	v37 =	vperm.xlane v5, v54;
	v8 =	vmul.f32 v33, v8  }
0x4a1: {  	v36 =	vld [tilespmem:s12+$0x1B050];
	v6 =	vadd.f32 v6, v23;
	[tilespmem:s21+$0x19070] =	vst v2;
	v2 =	vmul.f32 v7, v4;
	v4 =	vperm.xlane v5, v42  }
0x4a2: {  	v38 =	vld [tilespmem:s12+$0x1B060];
	[tilespmem:s21+$0x19060] =	vst v8;
	v8 =	vmul.f32 v35, v9;
	v0 =	vadd.f32 v0, v28  }
0x4a3: {  	[tilespmem:s2+$0x19070] =	vst v11;
	v6 =	vmul.f32 v37, v6;
	v7 =	vld [tilespmem:s12+$0x1B070];
	v5 =	vperm.xlane v5, v21;
	v3 =	vadd.f32 v3, v32  }
0x4a4: {  	[tilespmem:s21+$0x19080] =	vst v8;
	v8 =	vld [tilespmem:s12+$0x1B080]  }
0x4a5: {  	[tilespmem:s21+$0x190A0] =	vst v6;
	v0 =	vmul.f32 v4, v0;
	v3 =	vmul.f32 v5, v3;
	v5 =	vld [tilespmem:s12+$0x1B0A0];
	v4 =	vpop (erf)  }
0x4a6: {  	v39 =	vadd.f32 v36, v47;
	[tilespmem:s21+$0x19090] =	vst v2;
	v2 =	vld [tilespmem:s12+$0x1B090];
	v6 =	vperm.xlane v4, v61  }
0x4a7: {  	s24 =	sshll.u32 s3, $0x4;
	v10 =	vadd.f32 v38, v45;
	[tilespmem:s21+$0x190B0] =	vst v0;
	v0 =	vld [tilespmem:s12+$0x1B0B0];
	v40 =	vperm.xlane v4, v41  }
0x4a8: {  	s1 =	sand.u32 $0x3FFFFFF0, s24;
	[tilespmem:s21+$0x190C0] =	vst v3;
	v3 =	vld [tilespmem:s12+$0x1B0C0];
	v47 =	vperm.xlane v4, v13;
	v7 =	vadd.f32 v7, v43;
	v6 =	vmul.f32 v6, v39  }
0x4a9: {  	[tilespmem:s1+$0x1C250] =	vst v4;
	v50 =	vperm.xlane v4, v17;
	v8 =	vadd.f32 v8, v44;
	v10 =	vmul.f32 v40, v10  }
0x4aa: {  	v61 =	vperm.xlane v4, v54;
	v5 =	vadd.f32 v5, v48;
	[tilespmem:s12+$0x19050] =	vst v6;
	v6 =	vmul.f32 v47, v7  }
0x4ab: {  	v2 =	vadd.f32 v2, v46;
	v8 =	vmul.f32 v50, v8;
	v7 =	vperm.xlane v4, v53;
	[tilespmem:s12+$0x19060] =	vst v10  }
0x4ac: {  	p0 =	slt.u32 s0, $0x1C;
	v0 =	vadd.f32 v0, v49;
	v5 =	vmul.f32 v61, v5;
	[tilespmem:s12+$0x19070] =	vst v6;
	v6 =	vperm.xlane v4, v42  }
.Ltmp5:
0x4ad: {  	[tilespmem:s12+$0x19080] =	vst v8;
	v3 =	vadd.f32 v3, v52;
	v2 =	vmul.f32 v7, v2;
	v4 =	vperm.xlane v4, v21;
	(pc) =	sbr.rel @p0 .LBB2_12-.Ltmp5, $4  }
0x4ae: {  	[tilespmem:s12+$0x190A0] =	vst v5;
	v0 =	vmul.f32 v6, v0  }
0x4af: {  	[tilespmem:s12+$0x19090] =	vst v2;
	v2 =	vmul.f32 v4, v3  }
0x4b0: {  	s31 =	sadd.s32 $0x4, s0;
	v60 =	vmov v14;
	v58 =	vmov v1;
	[tilespmem:s12+$0x190B0] =	vst v0  }
0x4b1: {  	s0 =	smov.u32 s31;
	v57 =	vmovc v15;
	v55 =	vmovc v16;
	v56 =	vmov v51;
	v12 =	vmov v41;
	v7 =	vmov v42;
	[tilespmem:s12+$0x190C0] =	vst v2  }
0x4b2: {  	s0 =	rddreg [dreg:$0x2]  }
0x4b3: {  	[spmem:s0] =	stream.indirect.scatter.add.f32 [tilespmem:s10], [sflag:$0x6], $0x80, s20, s25, $0xb8;
	[tilespmem:$0x1D450] =	vst v63  }
0x4b4: {  	s3 =	simm.s32 $0x1C250  }
0x4b5: {  	[spmem:s26] =	stream.indirect.scatter.add.f32 [tilespmem:s3], [sflag:$0x6], $0x10, s20, s25, $0xb8;
	[tilespmem:$0x1D450] =	vst v63  }
0x4b6: {  	_ =	swait.ge [sflag:s30], $0x1000  }
0x4b7: {  	[sflag:s30] =	ssyncset.done $0x0  }
0x4b8: {  	[sflag:s30] =	ssyncadd.s32 $0xFFFFF000  }
0x4b9: {  	_ =	swait.ge [sflag:s30], $0x200  }
0x4ba: {  	[sflag:s30] =	ssyncset.done $0x0  }
0x4bb: {  	[sflag:s30] =	ssyncadd.s32 $0xFFFFFE00  }
0x4bc: {  	_ =	swait.ge [sflag:s11], $0x1000  }
0x4bd: {  	[sflag:s11] =	ssyncset.done $0x0  }
0x4be: {  	[sflag:s11] =	ssyncadd.s32 $0xFFFFF000  }
0x4bf: {  	_ =	swait.ge [sflag:s11], $0x200  }
0x4c0: {  	s4 =	sld [smem:$0x7F5]  }
0x4c1: {  	[sflag:s11] =	ssyncset.done $0x0  }
0x4c2: {  	s1 =	simm.s32 $0x4E200;
	[sflag:s11] =	ssyncadd.s32 $0xFFFFFE00  }
0x4c3: {  	[tilespmem:s28], [sflag:$0x7] =	stream.strided.gather [hbm4b:s4+s25], $0x40, s1, s25, $0x38;
	[tilespmem:$0x1D450] =	vst v63  }
0x4c4: {  	_ =	swait.ge [sflag:s23], $0x40  }
0x4c5: {  	s5 =	sld [smem:$0x7FD]  }
0x4c6: {  	[sflag:s23] =	ssyncset.done $0x0  }
0x4c7: {  	s21 =	simm.s32 $0x0;
	[sflag:s23] =	ssyncadd.s32 $0xFFFFFFC0  }
0x4c8: {  	[tilespmem:s29], [sflag:$0x7] =	stream.linear.gather [hbm4b:s5+s21], $0x20, $0x38;
	[tilespmem:$0x1D450] =	vst v63  }
0x4c9: {  	_ =	swait.ge [sflag:s23], $0x20  }
0x4ca: {  	[sflag:s23] =	ssyncset.done $0x0  }
0x4cb: {  	[sflag:s23] =	ssyncadd.s32 $0xFFFFFFE0  }
0x4cc: {  	s13 =	simm.s32 $0x15FB0;
	s2 =	simm.s32 $0x16050;
	s12 =	rddreg [dreg:$0x1]  }
0x4cd: {  	[tilespmem:s2], [sflag:$0x1] =	stream.indirect.gather [hbm4b:s12+s25], $0x80, s13, s25, $0xb8;
	[tilespmem:$0x1D450] =	vst v63  }
0x4ce: {  	_ = 	snop  }
0x4cf: {  	[tilespmem:s22], [sflag:$0x2] =	stream.indirect.gather [hbm4b:s7+s25], $0x80, s28, s25, $0xb8;
	[tilespmem:$0x1D450] =	vst v63  }
0x4d0: {  	s24 =	simm.s32 $0x1A050;
	s31 =	sld [smem:$0x7F6]  }
0x4d1: {  	[tilespmem:s24], [sflag:$0x3] =	stream.indirect.gather [hbm4b:s8+s25], $0x80, s28, s25, $0xb8;
	[tilespmem:$0x1D450] =	vst v63  }
0x4d2: {  	_ = 	snop  }
0x4d3: {  	[tilespmem:s14], [sflag:$0x4] =	stream.linear.gather [hbm4b:s31+s21], $0x1000, $0x38;
	[tilespmem:$0x1D450] =	vst v63  }
0x4d4: {  	_ =	swait.ge [sflag:s15], $0x1000  }
0x4d5: {  	[sflag:s15] =	ssyncset.done $0x0  }
0x4d6: {  	[sflag:s15] =	ssyncadd.s32 $0xFFFFF000  }
0x4d7: {  	_ =	swait.ge [sflag:s16], $0x1000  }
0x4d8: {  	[sflag:s16] =	ssyncset.done $0x0  }
0x4d9: {  	[sflag:s16] =	ssyncadd.s32 $0xFFFFF000  }
0x4da: {  	_ =	swait.ge [sflag:s17], $0x1000  }
0x4db: {  	[sflag:s17] =	ssyncset.done $0x0  }
0x4dc: {  	[sflag:s17] =	ssyncadd.s32 $0xFFFFF000  }
0x4dd: {  	_ =	swait.ge [sflag:s18], $0x1000  }
0x4de: {  	[sflag:s18] =	ssyncset.done $0x0  }
0x4df: {  	s0 =	simm.s32 $0x0;
	[sflag:s18] =	ssyncadd.s32 $0xFFFFF000  }
.LBB2_14:
0x4e0: {  	s2 =	sshll.u32 s0, $0x7  }
0x4e1: {  	v38 =	vld [tilespmem:s2+$0x1C450]  }
0x4e2: {  	v0 =	vld [tilespmem:s2+$0x18050]  }
0x4e3: {  	v2 =	vld [tilespmem:s2+$0x16050]  }
0x4e4: {  	v37 =	vld [tilespmem:s2+$0x1C460]  }
0x4e5: {  	v3 =	vld [tilespmem:s2+$0x18060]  }
0x4e6: {  	v4 =	vld [tilespmem:s2+$0x16060]  }
0x4e7: {  	v33 =	vld [tilespmem:s2+$0x1C470]  }
0x4e8: {  	v5 =	vld [tilespmem:s2+$0x18070]  }
0x4e9: {  	v6 =	vld [tilespmem:s2+$0x16070]  }
0x4ea: {  	v31 =	vld [tilespmem:s2+$0x1C480]  }
0x4eb: {  	v7 =	vld [tilespmem:s2+$0x18080]  }
0x4ec: {  	v8 =	vld [tilespmem:s2+$0x16080]  }
0x4ed: {  	v26 =	vld [tilespmem:s2+$0x1C490]  }
0x4ee: {  	v9 =	vld [tilespmem:s2+$0x18090]  }
0x4ef: {  	v10 =	vld [tilespmem:s2+$0x16090]  }
0x4f0: {  	v25 =	vld [tilespmem:s2+$0x1C4A0]  }
0x4f1: {  	v11 =	vld [tilespmem:s2+$0x180A0]  }
0x4f2: {  	v12 =	vld [tilespmem:s2+$0x160A0]  }
0x4f3: {  	v21 =	vld [tilespmem:s2+$0x1C4B0]  }
0x4f4: {  	v13 =	vld [tilespmem:s2+$0x180B0]  }
0x4f5: {  	v17 =	vld [tilespmem:s2+$0x1C4C0]  }
0x4f6: {  	v22 =	vld [tilespmem:s2+$0x180C0]  }
0x4f7: {  	v24 =	vld [tilespmem:s2+$0x160B0]  }
0x4f8: {  	v27 =	vld [tilespmem:s2+$0x160C0]  }
0x4f9: {  	v53 =	vld [tilespmem:s2+$0x1A050]  }
0x4fa: {  	v54 =	vld [tilespmem:s2+$0x1A060]  }
0x4fb: {  	v50 =	vld [tilespmem:s2+$0x1A070]  }
0x4fc: {  	v32 =	vld [tilespmem:s2+$0x1A080]  }
0x4fd: {  	s13 =	sor.u32 $0x1, s0;
	v35 =	vld [tilespmem:s2+$0x1A090]  }
0x4fe: {  	s1 =	sor.u32 $0x2, s0;
	v36 =	vld [tilespmem:s2+$0x1A0A0];
	s5 =	sshll.u32 s13, $0x7  }
0x4ff: {  	s24 =	sshll.u32 s1, $0x7;
	v47 =	vld [tilespmem:s5+$0x160C0]  }
0x500: {  	v39 =	vor.u32 s2, v59;
	v59 =	vld [tilespmem:s24+$0x16060]  }
0x501: {  	v20 =	vld [tilespmem:s24+$0x1C470]  }
0x502: {  	v30 =	vor.u32 s2, v60;
	v60 =	vld [tilespmem:s24+$0x18070]  }
0x503: {  	v61 =	vld [tilespmem:s24+$0x16070]  }
0x504: {  	v18 =	vld [tilespmem:s24+$0x1C480]  }
0x505: {  	v40 =	vor.u32 s2, v63;
	v63 =	vld [tilespmem:s24+$0x16080]  }
0x506: {  	v19 =	vld [tilespmem:s24+$0x1C490]  }
0x507: {  	[tilespmem:$0x1FD30] =	vst v35;
	v35 =	vld [tilespmem:s5+$0x1C470]  }
0x508: {  	[tilespmem:$0x1FD40] =	vst v36;
	v36 =	vld [tilespmem:s5+$0x1C480]  }
0x509: {  	v23 =	vadd.f32 v7, v31;
	v7 =	vld [tilespmem:s5+$0x18080]  }
0x50a: {  	v28 =	vadd.f32 v11, v25;
	v11 =	vld [tilespmem:s5+$0x180A0]  }
0x50b: {  	v3 =	vadd.f32 v3, v37;
	[tilespmem:$0x1FD20] =	vst v32;
	v32 =	vld [tilespmem:s5+$0x160B0]  }
0x50c: {  	v0 =	vadd.f32 v0, v38;
	v29 =	vadd.f32 v22, v17;
	v22 =	vld [tilespmem:s24+$0x1C460]  }
0x50d: {  	v3 =	vmul.f32 v3, v4;
	v4 =	vld [tilespmem:s5+$0x16060]  }
0x50e: {  	v0 =	vmul.f32 v0, v2;
	v2 =	vadd.f32 v5, v33;
	v5 =	vld [tilespmem:s5+$0x18070]  }
0x50f: {  	v33 =	vadd.f32 v50, v33;
	v50 =	vld [tilespmem:$0x1FD20]  }
0x510: {  	[tilespmem:s2+$0x18050] =	vst v0;
	v0 =	vmul.f32 v2, v6;
	v6 =	vld [tilespmem:s5+$0x16070]  }
0x511: {  	[tilespmem:s2+$0x18060] =	vst v3;
	v3 =	vmul.f32 v23, v8;
	v8 =	vld [tilespmem:s5+$0x16080]  }
0x512: {  	v2 =	vadd.f32 v9, v26;
	v9 =	vld [tilespmem:s5+$0x18090]  }
0x513: {  	v23 =	vld [tilespmem:s24+$0x1C4A0]  }
0x514: {  	[tilespmem:s2+$0x18070] =	vst v0;
	v0 =	vmul.f32 v2, v10;
	v10 =	vld [tilespmem:s5+$0x16090]  }
0x515: {  	[tilespmem:s2+$0x18080] =	vst v3;
	v3 =	vmul.f32 v28, v12;
	v12 =	vld [tilespmem:s5+$0x160A0]  }
0x516: {  	v2 =	vadd.f32 v13, v21;
	v13 =	vld [tilespmem:s5+$0x180B0]  }
0x517: {  	v28 =	vld [tilespmem:s5+$0x180C0]  }
0x518: {  	[tilespmem:s2+$0x180A0] =	vst v3;
	v3 =	vmul.f32 v29, v27;
	v29 =	vld [tilespmem:s5+$0x1C4B0]  }
0x519: {  	v27 =	vld [tilespmem:s5+$0x1C4C0]  }
0x51a: {  	v34 =	vor.u32 s2, v55;
	[tilespmem:s2+$0x18090] =	vst v0;
	v0 =	vmul.f32 v2, v24;
	v24 =	vld [tilespmem:s24+$0x1C450]  }
0x51b: {  	v2 =	vor.u32 s2, v57;
	v57 =	vld [tilespmem:s24+$0x16050]  }
0x51c: {  	[tilespmem:s2+$0x180C0] =	vst v3;
	v3 =	vor.u32 s2, v56;
	v56 =	vld [tilespmem:s24+$0x18050]  }
0x51d: {  	[tilespmem:s2+$0x180B0] =	vst v0;
	v0 =	vor.u32 s2, v58;
	v58 =	vld [tilespmem:s24+$0x18060]  }
0x51e: {  	v43 =	vld.idx.msk [tilespmem:v30+s22+$0x0], $0xffff  }
0x51f: {  	v55 =	vld.idx.msk [tilespmem:v34+s22+$0x0], $0xffff  }
0x520: {  	v49 =	vld.idx.msk [tilespmem:v39+s22+$0x0], $0xffff  }
0x521: {  	v48 =	vld.idx.msk [tilespmem:v40+s22+$0x0], $0xffff  }
0x522: {  	v40 =	vld [tilespmem:s5+$0x1C450]  }
0x523: {  	v39 =	vld [tilespmem:s5+$0x1C460]  }
0x524: {  	v45 =	vld.idx.msk [tilespmem:v2+s22+$0x0], $0xffff;
	v2 =	vor.u32 s2, v62  }
0x525: {  	v52 =	vld.idx.msk [tilespmem:v0+s22+$0x0], $0xffff  }
0x526: {  	v44 =	vld.idx.msk [tilespmem:v3+s22+$0x0], $0xffff  }
0x527: {  	v3 =	vld [tilespmem:s5+$0x18060]  }
0x528: {  	v0 =	vld [tilespmem:s5+$0x18050]  }
0x529: {  	v46 =	vld.idx.msk [tilespmem:v2+s22+$0x0], $0xffff  }
0x52a: {  	v2 =	vld [tilespmem:s5+$0x16050]  }
0x52b: {  	v34 =	vld [tilespmem:s5+$0x1C490]  }
0x52c: {  	v30 =	vld [tilespmem:s5+$0x1C4A0];
	v3 =	vadd.f32 v3, v39  }
0x52d: {  	v62 =	vld [tilespmem:s24+$0x18080];
	v0 =	vadd.f32 v0, v40  }
0x52e: {  	v3 =	vmul.f32 v3, v4;
	v4 =	vadd.f32 v7, v36;
	v7 =	vld [tilespmem:s24+$0x16090]  }
0x52f: {  	v58 =	vadd.f32 v58, v22;
	v0 =	vmul.f32 v0, v2;
	v2 =	vadd.f32 v5, v35;
	v5 =	vld [tilespmem:s24+$0x18090]  }
0x530: {  	[tilespmem:s5+$0x18060] =	vst v3;
	v3 =	vmul.f32 v4, v8;
	v8 =	vld [tilespmem:s24+$0x160A0]  }
0x531: {  	v56 =	vadd.f32 v56, v24;
	v4 =	vadd.f32 v11, v30;
	v11 =	vmul.f32 v58, v59;
	v59 =	vld [tilespmem:$0x1FF70]  }
0x532: {  	[tilespmem:s5+$0x18050] =	vst v0;
	v0 =	vmul.f32 v2, v6;
	v6 =	vld [tilespmem:s24+$0x180A0]  }
0x533: {  	v2 =	vadd.f32 v9, v34;
	v9 =	vmul.f32 v56, v57;
	v56 =	vld [tilespmem:s24+$0x160B0];
	[tilespmem:s5+$0x18080] =	vst v3  }
0x534: {  	v3 =	vmul.f32 v4, v12;
	v4 =	vadd.f32 v28, v27;
	v28 =	vld [tilespmem:s24+$0x1C4B0];
	[tilespmem:s24+$0x18060] =	vst v11  }
0x535: {  	v12 =	vadd.f32 v60, v20;
	v60 =	vadd.f32 v62, v18;
	v62 =	vld [tilespmem:$0x1FF50];
	[tilespmem:s5+$0x18070] =	vst v0  }
0x536: {  	v0 =	vmul.f32 v2, v10;
	v10 =	vld [tilespmem:s24+$0x180B0];
	[tilespmem:s24+$0x18050] =	vst v9  }
0x537: {  	v57 =	vor.u32 s5, v51;
	v2 =	vadd.f32 v13, v29;
	v13 =	vld [tilespmem:s24+$0x180C0];
	[tilespmem:s5+$0x180A0] =	vst v3;
	v3 =	vmul.f32 v4, v47  }
0x538: {  	v9 =	vmul.f32 v12, v61;
	v12 =	vld [tilespmem:s24+$0x160C0];
	[tilespmem:s5+$0x18090] =	vst v0  }
0x539: {  	s3 =	sor.u32 $0x3, s0;
	v4 =	vor.u32 s5, v15;
	v11 =	vmul.f32 v60, v63;
	v63 =	vld [tilespmem:$0x1FF80];
	v0 =	vmul.f32 v2, v32;
	[tilespmem:s5+$0x180C0] =	vst v3  }
0x53a: {  	s12 =	sshll.u32 s3, $0x7;
	v2 =	vor.u32 s5, v14;
	v32 =	vld [tilespmem:s24+$0x1C4C0];
	[tilespmem:s24+$0x18070] =	vst v9  }
0x53b: {  	v47 =	vor.u32 s5, v59;
	v9 =	vld [tilespmem:s12+$0x18050];
	[tilespmem:s5+$0x180B0] =	vst v0  }
0x53c: {  	v5 =	vadd.f32 v5, v19;
	v60 =	vadd.f32 v10, v28;
	v10 =	vld.idx.msk [tilespmem:v57+s22+$0x0], $0xffff  }
0x53d: {  	v57 =	vld [tilespmem:s12+$0x16070]  }
0x53e: {  	v3 =	vor.u32 s5, v1;
	v5 =	vmul.f32 v5, v7;
	v4 =	vld.idx.msk [tilespmem:v4+s22+$0x0], $0xffff  }
0x53f: {  	v0 =	vor.u32 s5, v16;
	v2 =	vld.idx.msk [tilespmem:v2+s22+$0x0], $0xffff  }
0x540: {  	v58 =	vor.u32 s5, v62;
	[tilespmem:s24+$0x18090] =	vst v5;
	v5 =	vld.idx.msk [tilespmem:v47+s22+$0x0], $0xffff  }
0x541: {  	v47 =	vld [tilespmem:s12+$0x1C450]  }
0x542: {  	v61 =	vadd.f32 v13, v32;
	v13 =	vld [tilespmem:s12+$0x18060]  }
0x543: {  	v6 =	vadd.f32 v6, v23;
	v3 =	vld.idx.msk [tilespmem:v3+s22+$0x0], $0xffff  }
0x544: {  	v0 =	vld.idx.msk [tilespmem:v0+s22+$0x0], $0xffff  }
0x545: {  	v6 =	vmul.f32 v6, v8;
	v8 =	vld.idx.msk [tilespmem:v58+s22+$0x0], $0xffff  }
0x546: {  	v56 =	vmul.f32 v60, v56;
	v60 =	vmul.f32 v61, v12;
	v12 =	vld [tilespmem:s12+$0x16050]  }
0x547: {  	v61 =	vadd.f32 v45, v43;
	v45 =	vld [tilespmem:s12+$0x1C460]  }
0x548: {  	[tilespmem:s24+$0x18080] =	vst v11;
	v43 =	vld [tilespmem:s12+$0x1C470]  }
0x549: {  	v62 =	vor.u32 s24, v14;
	[tilespmem:s24+$0x180B0] =	vst v56;
	v56 =	vld [tilespmem:s12+$0x18070];
	v11 =	vadd.f32 v55, v61  }
0x54a: {  	v59 =	vor.u32 s24, v15;
	v58 =	vld [tilespmem:s12+$0x18080]  }
0x54b: {  	v55 =	vld [tilespmem:s12+$0x16060];
	v11 =	vadd.f32 v52, v11  }
0x54c: {  	[tilespmem:s24+$0x180C0] =	vst v60;
	v60 =	vld [tilespmem:s12+$0x18090]  }
0x54d: {  	[tilespmem:s24+$0x180A0] =	vst v6;
	v61 =	vld [tilespmem:s12+$0x16090];
	v11 =	vadd.f32 v44, v11  }
0x54e: {  	v6 =	vld.idx.msk [tilespmem:v62+s22+$0x0], $0xffff  }
0x54f: {  	v7 =	vld.idx.msk [tilespmem:v59+s22+$0x0], $0xffff;
	v11 =	vadd.f32 v49, v11  }
0x550: {  	v59 =	vld [tilespmem:s12+$0x16080]  }
0x551: {  	v2 =	vadd.f32 v4, v2;
	v52 =	vld [tilespmem:s12+$0x1C4C0];
	v11 =	vadd.f32 v46, v11  }
0x552: {  	v9 =	vadd.f32 v9, v47;
	v44 =	vld [tilespmem:s12+$0x1C480]  }
0x553: {  	v0 =	vadd.f32 v0, v2;
	v2 =	vld [tilespmem:s12+$0x160A0];
	v11 =	vadd.f32 v48, v11  }
0x554: {  	v9 =	vmul.f32 v9, v12;
	v12 =	vld [tilespmem:s12+$0x180C0]  }
0x555: {  	v13 =	vadd.f32 v13, v45;
	v49 =	vld [tilespmem:s12+$0x1C4B0];
	v62 =	vmul.f32 $3.535533850e-01, v11  }
0x556: {  	v46 =	vld [tilespmem:s12+$0x1C490]  }
0x557: {  	v13 =	vmul.f32 v13, v55;
	v55 =	vadd.f32 v58, v44;
	v58 =	vld [tilespmem:s12+$0x160B0];
	v4 =	vmul.f32 $1.442695020e+00, v62  }
0x558: {  	v0 =	vadd.f32 v3, v0;
	v3 =	vor.u32 s5, v63;
	v48 =	vld [tilespmem:s12+$0x1C4A0]  }
0x559: {  	v11 =	vld [tilespmem:s12+$0x180A0];
	(erf) = vpow2.f32 v4;
	v4 =	vor.u32 s24, v16  }
0x55a: {  	v0 =	vadd.f32 v10, v0;
	v10 =	vadd.f32 v56, v43;
	v62 =	vld [tilespmem:s12+$0x180B0]  }
0x55b: {  	v56 =	vor.u32 s24, v1;
	[tilespmem:s12+$0x18060] =	vst v13;
	v13 =	vmul.f32 v55, v59;
	v59 =	vld [tilespmem:$0x1FF50]  }
0x55c: {  	v0 =	vadd.f32 v8, v0;
	v8 =	vmul.f32 v10, v57;
	v10 =	vld [tilespmem:s12+$0x160C0]  }
0x55d: {  	v3 =	vld.idx.msk [tilespmem:v3+s22+$0x0], $0xffff  }
0x55e: {  	[tilespmem:s12+$0x18050] =	vst v9;
	v6 =	vadd.f32 v7, v6;
	v9 =	vadd.f32 v60, v46;
	v4 =	vld.idx.msk [tilespmem:v4+s22+$0x0], $0xffff  }
0x55f: {  	v55 =	vor.u32 s24, v51;
	v11 =	vadd.f32 v11, v48;
	v57 =	vadd.f32 v62, v49;
	v62 =	vld [tilespmem:$0x1FF70]  }
0x560: {  	[tilespmem:s12+$0x18070] =	vst v8;
	v0 =	vadd.f32 v5, v0;
	v5 =	vld.idx.msk [tilespmem:v56+s22+$0x0], $0xffff;
	v8 =	vmul.f32 v9, v61;
	v9 =	vor.u32 s24, v59  }
0x561: {  	[tilespmem:s12+$0x18080] =	vst v13;
	v13 =	vld [tilespmem:s2+$0x1A0B0];
	v2 =	vmul.f32 v11, v2;
	v11 =	vadd.f32 v12, v52;
	v12 =	vor.u32 s12, v14  }
0x562: {  	v61 =	vld [tilespmem:$0x1FF60];
	[tilespmem:s12+$0x18090] =	vst v8;
	v8 =	vmul.f32 v57, v58  }
0x563: {  	v56 =	vor.u32 s12, v15;
	[tilespmem:s12+$0x180A0] =	vst v2;
	v2 =	vld [tilespmem:s2+$0x1A0C0];
	v7 =	vmul.f32 v11, v10;
	v4 =	vadd.f32 v4, v6  }
0x564: {  	v37 =	vadd.f32 v54, v37;
	v0 =	vadd.f32 v3, v0;
	v11 =	vld.idx.msk [tilespmem:v55+s22+$0x0], $0xffff;
	[tilespmem:s12+$0x180B0] =	vst v8;
	v10 =	vor.u32 s24, v62;
	v3 =	vpop (erf)  }
0x565: {  	v9 =	vld.idx.msk [tilespmem:v9+s22+$0x0], $0xffff;
	[tilespmem:s12+$0x180C0] =	vst v7;
	v4 =	vadd.f32 v5, v4;
	v5 =	vperm.xlane v3, v41  }
0x566: {  	v8 =	vor.u32 s12, v16;
	v12 =	vld.idx.msk [tilespmem:v12+s22+$0x0], $0xffff  }
0x567: {  	v38 =	vadd.f32 v53, v38;
	v6 =	vperm.xlane v3, v61;
	v5 =	vmul.f32 v5, v37;
	v37 =	vld [tilespmem:$0x1FFA0]  }
0x568: {  	v7 =	vor.u32 s24, v63;
	v54 =	vld.idx.msk [tilespmem:v56+s22+$0x0], $0xffff  }
0x569: {  	v0 =	vmul.f32 $3.535533850e-01, v0;
	v6 =	vmul.f32 v6, v38;
	v38 =	vor.u32 s12, v51;
	v10 =	vld.idx.msk [tilespmem:v10+s22+$0x0], $0xffff  }
0x56a: {  	v2 =	vadd.f32 v2, v17;
	v17 =	vld [tilespmem:$0x1FFB0];
	v4 =	vadd.f32 v11, v4  }
0x56b: {  	v0 =	vmul.f32 $1.442695020e+00, v0;
	v8 =	vld.idx.msk [tilespmem:v8+s22+$0x0], $0xffff  }
0x56c: {  	v53 =	vor.u32 s12, v1;
	v4 =	vadd.f32 v9, v4;
	v11 =	vperm.xlane v3, v37;
	v37 =	vld [tilespmem:$0x1FFB0]  }
0x56d: {  	(erf) = vpow2.f32 v0;
	v0 =	vld.idx.msk [tilespmem:v7+s22+$0x0], $0xffff  }
0x56e: {  	v4 =	vadd.f32 v10, v4;
	v10 =	vld.idx.msk [tilespmem:v38+s22+$0x0], $0xffff  }
0x56f: {  	v12 =	vadd.f32 v54, v12;
	v38 =	vld [tilespmem:$0x1FD40]  }
0x570: {  	v31 =	vadd.f32 v50, v31;
	v7 =	vor.u32 s12, v59;
	v11 =	vmul.f32 v11, v33;
	v33 =	vld [tilespmem:s5+$0x1A050]  }
0x571: {  	v8 =	vadd.f32 v8, v12;
	v12 =	vor.u32 s12, v63;
	v9 =	vperm.xlane v3, v37;
	v37 =	vld.idx.msk [tilespmem:v53+s22+$0x0], $0xffff  }
0x572: {  	v53 =	vld [tilespmem:$0x1FFC0]  }
0x573: {  	v9 =	vmul.f32 v9, v31;
	v31 =	vld [tilespmem:$0x1FD30]  }
0x574: {  	v54 =	vld [tilespmem:$0x1FFD0]  }
0x575: {  	v7 =	vld.idx.msk [tilespmem:v7+s22+$0x0], $0xffff  }
0x576: {  	v13 =	vadd.f32 v13, v21;
	v50 =	vor.u32 s12, v62;
	v0 =	vadd.f32 v0, v4;
	v12 =	vld.idx.msk [tilespmem:v12+s22+$0x0], $0xffff  }
0x577: {  	s4 =	sshll.u32 s0, $0x4;
	v21 =	vperm.xlane v3, v42;
	v25 =	vadd.f32 v38, v25;
	v40 =	vadd.f32 v33, v40;
	v33 =	vld [tilespmem:s5+$0x1A0B0]  }
0x578: {  	s4 =	sand.u32 $0x3FFFFFF0, s4;
	v38 =	vperm.xlane v3, v53;
	v8 =	vadd.f32 v37, v8;
	v37 =	vld [tilespmem:s5+$0x1A070];
	v26 =	vadd.f32 v31, v26  }
0x579: {  	[tilespmem:s4+$0x1C050] =	vst v3;
	v0 =	vmul.f32 $3.535533850e-01, v0;
	v31 =	vld [tilespmem:s5+$0x1A060]  }
0x57a: {  	[tilespmem:s2+$0x18050] =	vst v6;
	v6 =	vmul.f32 v38, v26;
	v38 =	vmul.f32 v21, v13;
	v21 =	vld [tilespmem:$0x1FFF0]  }
0x57b: {  	v4 =	vperm.xlane v3, v54;
	v0 =	vmul.f32 $1.442695020e+00, v0;
	v26 =	vld.idx.msk [tilespmem:v50+s22+$0x0], $0xffff  }
0x57c: {  	v8 =	vadd.f32 v10, v8;
	v10 =	vld [tilespmem:s5+$0x1A080]  }
0x57d: {  	[tilespmem:s2+$0x18070] =	vst v11;
	v4 =	vmul.f32 v4, v25;
	v11 =	vpop (erf);
	(erf) = vpow2.f32 v0;
	v13 =	vld [tilespmem:s5+$0x1A090]  }
0x57e: {  	[tilespmem:s2+$0x18060] =	vst v5;
	v0 =	vperm.xlane v11, v41;
	v7 =	vadd.f32 v7, v8;
	v25 =	vadd.f32 v31, v39;
	v39 =	vld [tilespmem:$0x1FFA0]  }
0x57f: {  	[tilespmem:s2+$0x180A0] =	vst v4;
	v5 =	vadd.f32 v33, v29;
	v50 =	vperm.xlane v11, v61;
	v31 =	vld [tilespmem:s5+$0x1A0A0];
	v3 =	vperm.xlane v3, v21  }
0x580: {  	s31 =	sshll.u32 s13, $0x4;
	[tilespmem:s2+$0x18080] =	vst v9;
	v26 =	vadd.f32 v26, v7;
	v0 =	vmul.f32 v0, v25;
	v33 =	vperm.xlane v11, v21  }
0x581: {  	s4 =	sand.u32 $0x3FFFFFF0, s31;
	[tilespmem:s2+$0x180B0] =	vst v38;
	v38 =	vadd.f32 v37, v35;
	v2 =	vmul.f32 v3, v2;
	v3 =	vmul.f32 v50, v40  }
0x582: {  	v40 =	vld [tilespmem:s5+$0x1A0C0];
	v4 =	vadd.f32 v12, v26;
	v50 =	vperm.xlane v11, v17;
	[tilespmem:s4+$0x1C050] =	vst v11;
	v12 =	vperm.xlane v11, v53  }
0x583: {  	v25 =	vadd.f32 v13, v34;
	v26 =	vperm.xlane v11, v54;
	v8 =	vperm.xlane v11, v39;
	[tilespmem:s5+$0x18060] =	vst v0  }
0x584: {  	v7 =	vadd.f32 v31, v30;
	v30 =	vld [tilespmem:s24+$0x1A060];
	v31 =	vperm.xlane v11, v42;
	[tilespmem:s2+$0x180C0] =	vst v2;
	v2 =	vadd.f32 v10, v36  }
0x585: {  	[tilespmem:s5+$0x18050] =	vst v3;
	v3 =	vld [tilespmem:s24+$0x1A050];
	v4 =	vmul.f32 $3.535533850e-01, v4;
	v0 =	vmul.f32 v12, v25  }
0x586: {  	[tilespmem:s2+$0x18090] =	vst v6;
	v35 =	vld [tilespmem:s24+$0x1A080];
	v36 =	vpop (erf);
	v6 =	vmul.f32 v8, v38;
	v2 =	vmul.f32 v50, v2  }
0x587: {  	v13 =	vld [tilespmem:$0x1FFA0];
	v39 =	vperm.xlane v36, v61;
	v4 =	vmul.f32 $1.442695020e+00, v4;
	[tilespmem:s5+$0x18090] =	vst v0  }
0x588: {  	v12 =	vld [tilespmem:s24+$0x1A070];
	v0 =	vmul.f32 v31, v5;
	v34 =	vadd.f32 v40, v27;
	[tilespmem:s5+$0x18080] =	vst v2;
	v2 =	vmul.f32 v26, v7  }
0x589: {  	v38 =	vld [tilespmem:s24+$0x1A0A0];
	v50 =	vperm.xlane v36, v41;
	[tilespmem:s5+$0x18070] =	vst v6;
	(erf) = vpow2.f32 v4  }
0x58a: {  	v37 =	vld [tilespmem:s24+$0x1A090];
	v40 =	vadd.f32 v30, v22;
	v3 =	vadd.f32 v3, v24;
	[tilespmem:s5+$0x180A0] =	vst v2;
	v2 =	vmul.f32 v33, v34  }
0x58b: {  	s1 =	sshll.u32 s1, $0x4;
	v25 =	vperm.xlane v36, v17;
	[tilespmem:s5+$0x180B0] =	vst v0;
	v0 =	vld [tilespmem:s24+$0x1A0B0]  }
0x58c: {  	s1 =	sand.u32 $0x3FFFFFF0, s1;
	v9 =	vadd.f32 v35, v18;
	v8 =	vmul.f32 v50, v40;
	[tilespmem:s5+$0x180C0] =	vst v2;
	v2 =	vmul.f32 v39, v3;
	v3 =	vld [tilespmem:s24+$0x1A0C0]  }
0x58d: {  	v22 =	vadd.f32 v12, v20;
	v24 =	vperm.xlane v36, v13;
	[tilespmem:s1+$0x1C050] =	vst v36  }
0x58e: {  	v27 =	vld [tilespmem:s12+$0x1A050];
	v29 =	vmul.f32 v25, v9;
	v30 =	vperm.xlane v36, v54;
	v6 =	vadd.f32 v38, v23;
	[tilespmem:s24+$0x18060] =	vst v8  }
0x58f: {  	v31 =	vld [tilespmem:s12+$0x1A060];
	v26 =	vperm.xlane v36, v53;
	v4 =	vadd.f32 v37, v19;
	[tilespmem:s24+$0x18050] =	vst v2;
	v2 =	vmul.f32 v24, v22  }
0x590: {  	v33 =	vperm.xlane v36, v42;
	v34 =	vld [tilespmem:s12+$0x1A070];
	v6 =	vmul.f32 v30, v6;
	v0 =	vadd.f32 v0, v28;
	[tilespmem:s24+$0x18080] =	vst v29  }
0x591: {  	v35 =	vld [tilespmem:s12+$0x1A080];
	v5 =	vperm.xlane v36, v21;
	[tilespmem:s24+$0x18070] =	vst v2;
	v2 =	vmul.f32 v26, v4;
	v3 =	vadd.f32 v3, v32  }
0x592: {  	v37 =	vld [tilespmem:s12+$0x1A0A0];
	[tilespmem:s24+$0x180A0] =	vst v6;
	v0 =	vmul.f32 v33, v0;
	v36 =	vpop (erf)  }
0x593: {  	v39 =	vadd.f32 v27, v47;
	[tilespmem:s24+$0x18090] =	vst v2;
	v2 =	vld [tilespmem:s12+$0x1A090];
	v38 =	vperm.xlane v36, v61;
	v3 =	vmul.f32 v5, v3  }
0x594: {  	s13 =	sshll.u32 s3, $0x4;
	v10 =	vadd.f32 v31, v45;
	[tilespmem:s24+$0x180B0] =	vst v0;
	v0 =	vld [tilespmem:s12+$0x1A0B0];
	v40 =	vperm.xlane v36, v41  }
0x595: {  	s1 =	sand.u32 $0x3FFFFFF0, s13;
	v7 =	vadd.f32 v34, v43;
	v45 =	vperm.xlane v36, v13;
	v6 =	vmul.f32 v38, v39;
	[tilespmem:s24+$0x180C0] =	vst v3;
	v3 =	vld [tilespmem:s12+$0x1A0C0]  }
0x596: {  	v8 =	vadd.f32 v35, v44;
	v47 =	vperm.xlane v36, v17;
	v10 =	vmul.f32 v40, v10;
	[tilespmem:s1+$0x1C050] =	vst v36  }
0x597: {  	v54 =	vperm.xlane v36, v54;
	v5 =	vadd.f32 v37, v48;
	v50 =	vmul.f32 v45, v7;
	[tilespmem:s12+$0x18050] =	vst v6  }
0x598: {  	v53 =	vperm.xlane v36, v53;
	v8 =	vmul.f32 v47, v8;
	[tilespmem:s12+$0x18060] =	vst v10;
	v2 =	vadd.f32 v2, v46  }
0x599: {  	p0 =	slt.u32 s0, $0x1C;
	v61 =	vperm.xlane v36, v42;
	v5 =	vmul.f32 v54, v5;
	[tilespmem:s12+$0x18070] =	vst v50;
	v0 =	vadd.f32 v0, v49  }
.Ltmp6:
0x59a: {  	v4 =	vperm.xlane v36, v21;
	[tilespmem:s12+$0x18080] =	vst v8;
	v2 =	vmul.f32 v53, v2;
	v3 =	vadd.f32 v3, v52;
	(pc) =	sbr.rel @p0 .LBB2_14-.Ltmp6, $4  }
0x59b: {  	[tilespmem:s12+$0x180A0] =	vst v5;
	v0 =	vmul.f32 v61, v0  }
0x59c: {  	[tilespmem:s12+$0x18090] =	vst v2;
	v2 =	vmul.f32 v4, v3  }
0x59d: {  	s31 =	sadd.s32 $0x4, s0;
	[tilespmem:s12+$0x180B0] =	vst v0  }
0x59e: {  	v60 =	vmovc v14;
	v58 =	vmovc v1;
	v55 =	vmov v16;
	v57 =	vmov v15;
	v56 =	vmov v51;
	s0 =	smov.u32 s31;
	s1 =	simm.s32 $0x18090;
	[tilespmem:s12+$0x180C0] =	vst v2  }
0x59f: {  	v4 =	vimm.f32 $0.0e+00  }
0x5a0: {  	[tilespmem:s1+$0xFFFFFFD0] =	vst v4  }
0x5a1: {  	[tilespmem:s1+$0xFFFFFFE0] =	vst v4  }
0x5a2: {  	[tilespmem:s1+$0xFFFFFFF0] =	vst v4  }
0x5a3: {  	[tilespmem:s1+$0x0] =	vst v4  }
0x5a4: {  	[tilespmem:s1+$0x10] =	vst v4  }
0x5a5: {  	[tilespmem:s1+$0x20] =	vst v4  }
0x5a6: {  	[tilespmem:s1+$0x30] =	vst v4  }
0x5a7: {  	s2 =	sshra.s32 s21, $0x2;
	s0 =	sadd.s32 $0x40, s21;
	[tilespmem:s1+$0xFFFFFFC0] =	vst v4  }
.LBB2_16:
0x5a8: {  	p0 =	sne.s32 s0, $0x3C0;
	[tilespmem:s2+$0x1C050] =	vst v4;
	s1 =	sadd.s32 $0x80, s1  }
0x5a9: {  	[tilespmem:s1+$0xFFFFFFD0] =	vst v4  }
0x5aa: {  	[tilespmem:s1+$0xFFFFFFE0] =	vst v4  }
0x5ab: {  	[tilespmem:s1+$0xFFFFFFF0] =	vst v4  }
.Ltmp7:
0x5ac: {  	[tilespmem:s1+$0x0] =	vst v4;
	(pc) =	sbr.rel @p0 .LBB2_16-.Ltmp7, $4  }
0x5ad: {  	[tilespmem:s1+$0x10] =	vst v4  }
0x5ae: {  	[tilespmem:s1+$0x20] =	vst v4  }
0x5af: {  	[tilespmem:s1+$0x30] =	vst v4  }
0x5b0: {  	s2 =	sshra.s32 s0, $0x2;
	s0 =	sadd.s32 $0x40, s0;
	[tilespmem:s1+$0xFFFFFFC0] =	vst v4  }
0x5b1: {  	[tilespmem:s2+$0x1C050] =	vst v4;
	s0 =	rddreg [dreg:$0x2]  }
0x5b2: {  	[spmem:s0] =	stream.indirect.scatter.add.f32 [tilespmem:s22], [sflag:$0x7], $0x80, s29, s25, $0xb8;
	[tilespmem:$0x1D450] =	vst v63  }
0x5b3: {  	_ =	swait.ge [sflag:s23], $0x1000  }
0x5b4: {  	[sflag:s23] =	ssyncset.done $0x0  }
0x5b5: {  	s3 =	simm.s32 $0x1C050;
	[sflag:s23] =	ssyncadd.s32 $0xFFFFF000  }
0x5b6: {  	[spmem:s26] =	stream.indirect.scatter.add.f32 [tilespmem:s3], [sflag:$0x7], $0x10, s29, s25, $0xb8;
	[tilespmem:$0x1D450] =	vst v63  }
0x5b7: {  	_ =	swait.ge [sflag:s23], $0x200  }
0x5b8: {  	[sflag:s23] =	ssyncset.done $0x0  }
0x5b9: {  	[sflag:s23] =	ssyncadd.s32 $0xFFFFFE00  }
0x5ba: {  	[bflag:$0x0] =	sbarrier.arrive $0xFFFF  }
0x5bb: {  	s4 =	stileid.u32;
	s5 =	sld [smem:$0x7F7]  }
0x5bc: {  	s0 =	sshll.u32 s4, $0x6;
	s4 =	rddreg [dreg:$0x5]  }
0x5bd: {  	s0 =	sor.u32 $0x1C07, s0;
	s1 =	sshrl.u32 s4, $0x3  }
0x5be: {  	[hbm:s5], [sflag:s0] =	dma.local [spmem:s1], $0x2710  }
0x5bf: {  	_ =	swait.ge [sflag:s23], $0x2710  }
0x5c0: {  	s21 =	sld [smem:$0x7F8]  }
0x5c1: {  	[sflag:s23] =	ssyncset.done $0x0;
	s13 =	rddreg [dreg:$0x6]  }
0x5c2: {  	[sflag:s23] =	ssyncadd.s32 $0xFFFFD8F0;
	s12 =	sshrl.u32 s13, $0x3  }
0x5c3: {  	[hbm:s21], [sflag:s0] =	dma.local [spmem:s12], $0x4E2  }
0x5c4: {  	_ =	swait.ge [sflag:s23], $0x4E2  }
0x5c5: {  	v60 =	vld [tilespmem:$0x1FF40]  }
0x5c6: {  	v58 =	vld [tilespmem:$0x1FF00]  }
0x5c7: {  	v2 =	vld [tilespmem:$0x1FF10]  }
0x5c8: {  	v62 =	vld [tilespmem:$0x1FF20]  }
0x5c9: {  	v14 =	vld [tilespmem:$0x1FF30]  }
0x5ca: {  	v15 =	vld [tilespmem:$0x1FF50]  }
0x5cb: {  	s24 =	sld [smem:$0x7E2];
	v6 =	vld [tilespmem:$0x1FF60]  }
0x5cc: {  	s31 =	sld [smem:$0x7F9];
	v7 =	vld [tilespmem:$0x1FF70]  }
0x5cd: {  	v16 =	vld [tilespmem:$0x1FF80]  }
0x5ce: {  	v50 =	vld [tilespmem:$0x1FF90];
	s1 =	sadd.s32 $0x1, s24  }
0x5cf: {  	v41 =	vld [tilespmem:$0x1FFA0];
	p0 =	sne.s32 s1, s31  }
.Ltmp8:
0x5d0: {  	v9 =	vld [tilespmem:$0x1FFB0];
	(pc) =	sbr.rel @p0 .LBB2_1-.Ltmp8, $4  }
0x5d1: {  	v10 =	vld [tilespmem:$0x1FFC0]  }
0x5d2: {  	v61 =	vld [tilespmem:$0x1FFD0]  }
0x5d3: {  	[sflag:s23] =	ssyncset.done $0x0;
	v36 =	vld [tilespmem:$0x1FFE0]  }
0x5d4: {  	v13 =	vld [tilespmem:$0x1FFF0];
	[sflag:s23] =	ssyncadd.s32 $0xFFFFFB1E  }
0x5d5: {  	_ =	sfence.sel $0x180000  }
0x5d6: {  	[bflag:$0x0] =	sbarrier.arrive $0xFFFF  }
0x5d7: {  	_ =	strace $0x90000047  }
0x5d8: {  	s0 =	stileid.u32;
	[bflag:$0x2] =	sbarrier.arrive $0xFFFF  }
0x5d9: {  	p0 =	sne.s32 s0, $0x0;
	s0 =	rddreg [dreg:$0x4]  }
0x5da: {  	s0 =	sadd.s32 @!p0 $0x100000, s0  }
0x5db: {  	[sflag:s0] =	ssyncadd.tile.s32 @!p0 $0x1;
	_ =	shalt  }
.Lfunc_end2:
_tile_overlayer_lowered:
.L_overlay_start_2:
0x5dc: {  	(tag) =	ssettag $0x2  }
0x5dd: {  	s0 =	rddreg [dreg:$0x0];
	s2 =	stileid.u32  }
0x5de: {  	s1 =	rddreg [dreg:$0x1];
	p0 =	sne.s32 s2, $0x0  }
0x5df: {  	s3 =	rddreg [dreg:$0x2];
	[bflag:$0x3] =	sbarrier.arrive $0xFFFF;
	s2 =	simm.s32 @!p0 $0x1C07  }
0x5e0: {  	[timem:s3], [sflag:s2] =	dma.local @!p0 [hbm:s0], s1  }
0x5e1: {  	s0 =	simm.s32 @!p0 $0x7  }
0x5e2: {  	_ =	swait.ge @!p0 [sflag:s0], s1  }
0x5e3: {  	s1 =	ssub.s32 @!p0 $0x0, s1;
	[sflag:s0] =	ssyncset.done @!p0 $0x0  }
0x5e4: {  	[sflag:s0] =	ssyncadd.s32 @!p0 s1  }
0x5e5: {  	[bflag:$0x3] =	sbarrier.arrive $0xFFFF  }
0x5e6: {  	_ =	shalt  }

</sc_bundles>
